<compile_context>
chip_gen: v7x
topology: tpu7x:2x2x1
jax: 0.10.2.dev20260603
libtpu: 0.0.44.dev20260713+nightly
codegen_flags: <defaults>
</compile_context>

<pallas_src>
import functools

import numpy as np
import jax
import jax.numpy as jnp
from jax import lax
from jax.experimental import pallas as pl
from jax.experimental.pallas import tpu as pltpu
from jax.experimental.pallas import tpu_sc as plsc

N = 10000
E = 320000
D = 128
H = 8
F = 16
HF = H * F
HH = HF // 2
PW = HH + 16

NW = 32
EPT = E // NW
K = 80
NCH = EPT // K
PAIRS = (NCH - 1) // 2
STRIPE = 624
ZCH = 208
TAIL = N - 16 * STRIPE
BN = 400

_RA = np.equal.outer(np.arange(HF) // F, np.arange(16)).astype(np.float32)
_RB = np.equal.outer(np.arange(16), np.arange(HF) // F).astype(np.float32)


def _dense_body(x_ref, wp0_ref, wp1_ref, ws_ref, asrc_ref, atrg_ref,
                wtp_ref, atp_ref, ra_ref, ptab0_ref, ptab1_ref, skip_ref,
                trgtab_ref, c_ref):
    xb = x_ref[...]
    dn = (((1,), (1,)), ((), ()))
    p0 = lax.dot_general(xb, wp0_ref[...], dn,
                         preferred_element_type=jnp.float32)
    p1 = lax.dot_general(xb, wp1_ref[...], dn,
                         preferred_element_type=jnp.float32)
    skip_ref[...] = lax.dot_general(xb, ws_ref[...], dn,
                                    preferred_element_type=jnp.float32)
    asrc = asrc_ref[...]
    atrg = atrg_ref[...]
    ra = ra_ref[...]
    stab = (
        jnp.dot(p0 * asrc[:, :HH], ra[:HH], preferred_element_type=jnp.float32)
        + jnp.dot(p1 * asrc[:, HH:], ra[HH:], preferred_element_type=jnp.float32))
    ptab0_ref[...] = jnp.concatenate([p0, stab], axis=-1)
    ptab1_ref[...] = jnp.concatenate([p1, stab], axis=-1)
    trgtab_ref[...] = (
        jnp.dot(p0 * atrg[:, :HH], ra[:HH], preferred_element_type=jnp.float32)
        + jnp.dot(p1 * atrg[:, HH:], ra[HH:], preferred_element_type=jnp.float32))
    c_ref[...] = jnp.dot(wtp_ref[...] * atp_ref[...], ra,
                         preferred_element_type=jnp.float32)


def _dense_stage(x, W_proj, W_skip, asrc, atrg, wtp, atp, ra):
    grid = (N // BN,)
    return pl.pallas_call(
        _dense_body,
        grid=grid,
        in_specs=[
            pl.BlockSpec((BN, D), lambda i: (i, 0)),
            pl.BlockSpec((HH, D), lambda i: (0, 0)),
            pl.BlockSpec((HH, D), lambda i: (1, 0)),
            pl.BlockSpec((HF, D), lambda i: (0, 0)),
            pl.BlockSpec((1, HF), lambda i: (0, 0)),
            pl.BlockSpec((1, HF), lambda i: (0, 0)),
            pl.BlockSpec((1, HF), lambda i: (0, 0)),
            pl.BlockSpec((1, HF), lambda i: (0, 0)),
            pl.BlockSpec((HF, 16), lambda i: (0, 0)),
        ],
        out_specs=[
            pl.BlockSpec((BN, PW), lambda i: (i, 0)),
            pl.BlockSpec((BN, PW), lambda i: (i, 0)),
            pl.BlockSpec((BN, HF), lambda i: (i, 0)),
            pl.BlockSpec((BN, 16), lambda i: (i, 0)),
            pl.BlockSpec((1, 16), lambda i: (0, 0)),
        ],
        out_shape=[
            jax.ShapeDtypeStruct((N, PW), jnp.float32),
            jax.ShapeDtypeStruct((N, PW), jnp.float32),
            jax.ShapeDtypeStruct((N, HF), jnp.float32),
            jax.ShapeDtypeStruct((N, 16), jnp.float32),
            jax.ShapeDtypeStruct((1, 16), jnp.float32),
        ],
    )(x, W_proj, W_proj, W_skip, asrc, atrg, wtp, atp, ra)


def _sc_edge_body(ptab0_hbm, ptab1_hbm, trgtab_hbm, ei_hbm, prob_hbm, c_hbm,
                  numa_hbm, numb_hbm,
                  src_v, trg_v, prob_v, b_v, p_v, w_v, c_v, z80_v,
                  acc_sh, gsem0, gsem1, ssem0, ssem1):
    cid = lax.axis_index("c")
    sid = lax.axis_index("s")
    wid = sid * 2 + cid
    base = wid * EPT

    pltpu.sync_copy(ei_hbm.at[0, pl.ds(base, EPT)], src_v)
    pltpu.sync_copy(ei_hbm.at[1, pl.ds(base, EPT)], trg_v)
    pltpu.sync_copy(prob_hbm.at[pl.ds(base, EPT)], prob_v.at[pl.ds(0, EPT)])
    pltpu.sync_copy(c_hbm, c_v)
    c_vec = c_v[0, :]

    zv = jnp.zeros((16,), jnp.float32)

    def zfill(r, _):
        for h in range(5):
            z80_v[r, pl.ds(h * 16, 16)] = zv
        return 0

    lax.fori_loop(0, ZCH, zfill, 0)

    def zero_stripes():
        for kk in range(STRIPE // ZCH):
            r0 = sid * STRIPE + kk * ZCH
            pltpu.sync_copy(z80_v, acc_sh.at[pl.ds(r0, ZCH)])

        @pl.when(sid == 15)
        def _zero_tail():
            pltpu.sync_copy(z80_v.at[pl.ds(0, TAIL)],
                            acc_sh.at[pl.ds(16 * STRIPE, TAIL)])

    zero_stripes()
    plsc.subcore_barrier()

    def run_pass(ptab_hbm, h0):
        gsems = (gsem0, gsem1)
        ssems = (ssem0, ssem1)

        def fire(j, par):
            po = par * K
            pltpu.async_copy(ptab_hbm.at[src_v.at[pl.ds(j * K, K)]],
                             p_v.at[pl.ds(po, K)], gsems[par])
            pltpu.async_copy(trgtab_hbm.at[trg_v.at[pl.ds(j * K, K)]],
                             b_v.at[pl.ds(po, K)], gsems[par])

        def wait_gathers(j, par):
            po = par * K
            pltpu.make_async_copy(ptab_hbm.at[src_v.at[pl.ds(j * K, K)]],
                                  p_v.at[pl.ds(po, K)], gsems[par]).wait()
            pltpu.make_async_copy(trgtab_hbm.at[src_v.at[pl.ds(j * K, K)]],
                                  b_v.at[pl.ds(po, K)], gsems[par]).wait()

        def wait_scatters(j, par):
            po = par * K
            pltpu.make_async_copy(
                w_v.at[pl.ds(po, K)],
                acc_sh.at[trg_v.at[pl.ds(j * K, K)]], ssems[par]).wait()

        def compute_scatter(j, par):
            po = par * K

            @plsc.parallel_loop(0, K, unroll=8)
            def edge(i):
                a = p_v[po + i, pl.ds(HH, 16)]
                bb = b_v[po + i, :]
                pv = prob_v[pl.ds(j * K + i, 16)]
                s = a + bb + pv[0] * c_vec
                s = jnp.where(s > 0.0, s, 0.2 * s)
                e = jnp.exp(s)
                w_v[po + i, pl.ds(HH, 16)] = e
                for h in range(4):
                    w_v[po + i, pl.ds(h * 16, 16)] = (
                        p_v[po + i, pl.ds(h * 16, 16)] * e[h0 + h])

            pltpu.async_copy(w_v.at[pl.ds(po, K)],
                             acc_sh.at[trg_v.at[pl.ds(j * K, K)]],
                             ssems[par], add=True)

        fire(0, 0)

        def pair(jj, _):
            for b in range(2):
                j = jj * 2 + b
                if b == 0:
                    fire(j + 1, 1)
                else:
                    @pl.when(jj < PAIRS - 1)
                    def _fire_next():
                        fire(j + 1, 0)

                wait_gathers(j, b)

                @pl.when(jj >= 1)
                def _reuse_wait():
                    wait_scatters(j, b)

                compute_scatter(j, b)
            return 0

        lax.fori_loop(0, PAIRS, pair, 0)
        fire(NCH - 1, 0)
        wait_scatters(NCH - 1, 0)
        wait_gathers(NCH - 1, 0)
        compute_scatter(NCH - 1, 0)
        wait_scatters(0, 1)
        wait_scatters(0, 0)

    def writeback(dst_hbm):
        out_base = cid * N + sid * STRIPE
        pltpu.sync_copy(acc_sh.at[pl.ds(sid * STRIPE, STRIPE)],
                        dst_hbm.at[pl.ds(out_base, STRIPE), pl.ds(0, PW)])

        @pl.when(sid == 15)
        def _tail():
            pltpu.sync_copy(
                acc_sh.at[pl.ds(16 * STRIPE, TAIL)],
                dst_hbm.at[pl.ds(cid * N + 16 * STRIPE, TAIL), pl.ds(0, PW)])

    run_pass(ptab0_hbm, 0)
    plsc.subcore_barrier()
    writeback(numa_hbm)
    zero_stripes()
    plsc.subcore_barrier()

    run_pass(ptab1_hbm, 4)
    plsc.subcore_barrier()
    writeback(numb_hbm)


def _sc_edge_stage(ptab0, ptab1, trgtab, edge_index, prob, cvec):
    mesh = plsc.VectorSubcoreMesh(core_axis_name="c", subcore_axis_name="s")
    fn = pl.kernel(
        _sc_edge_body,
        compiler_params=pltpu.CompilerParams(use_tc_tiling_on_sc=False),
        out_type=[
            jax.ShapeDtypeStruct((2 * N, D), jnp.float32),
            jax.ShapeDtypeStruct((2 * N, D), jnp.float32),
        ],
        mesh=mesh,
        scratch_types=[
            pltpu.VMEM((EPT,), jnp.int32),
            pltpu.VMEM((EPT,), jnp.int32),
            pltpu.VMEM((EPT + 16,), jnp.float32),
            pltpu.VMEM((2 * K, 16), jnp.float32),
            pltpu.VMEM((2 * K, PW), jnp.float32),
            pltpu.VMEM((2 * K, PW), jnp.float32),
            pltpu.VMEM((1, 16), jnp.float32),
            pltpu.VMEM((ZCH, PW), jnp.float32),
            pltpu.VMEM_SHARED((N, PW), jnp.float32),
            pltpu.SemaphoreType.DMA,
            pltpu.SemaphoreType.DMA,
            pltpu.SemaphoreType.DMA,
            pltpu.SemaphoreType.DMA,
        ],
    )
    return fn(ptab0, ptab1, trgtab, edge_index, prob, cvec)


def _combine_body(na0_ref, na1_ref, nb0_ref, nb1_ref,
                  skip_ref, bias_ref, r_ref, out_ref):
    na = na0_ref[...] + na1_ref[...]
    nb = nb0_ref[...] + nb1_ref[...]
    d = jnp.dot(na[:, HH:PW], r_ref[...],
                preferred_element_type=jnp.float32) + 1e-16
    num = jnp.concatenate([na[:, :HH], nb[:, :HH]], axis=-1)
    y = num / d + skip_ref[...] + bias_ref[...]
    out_ref[...] = jnp.where(y > 0.0, y, jnp.exp(jnp.minimum(y, 0.0)) - 1.0)


def _combine_stage(numa, numb, skip, bias, r):
    grid = (N // BN,)
    half = N // BN
    return pl.pallas_call(
        _combine_body,
        grid=grid,
        in_specs=[
            pl.BlockSpec((BN, D), lambda i: (i, 0)),
            pl.BlockSpec((BN, D), lambda i: (i + half, 0)),
            pl.BlockSpec((BN, D), lambda i: (i, 0)),
            pl.BlockSpec((BN, D), lambda i: (i + half, 0)),
            pl.BlockSpec((BN, HF), lambda i: (i, 0)),
            pl.BlockSpec((1, HF), lambda i: (0, 0)),
            pl.BlockSpec((16, HF), lambda i: (0, 0)),
        ],
        out_specs=pl.BlockSpec((BN, HF), lambda i: (i, 0)),
        out_shape=jax.ShapeDtypeStruct((N, HF), jnp.float32),
    )(numa, numa, numb, numb, skip, bias, r)


def kernel(x, edge_index, edge_prob, W_proj, W_tp, a_src, a_trg, a_tp,
           W_skip, bias):
    asrc = a_src.reshape(1, HF)
    atrg = a_trg.reshape(1, HF)
    wtp = W_tp.reshape(1, HF)
    atp = a_tp.reshape(1, HF)
    ra = jnp.asarray(_RA)
    r = jnp.asarray(_RB)

    ptab0, ptab1, skip, trgtab, c2 = _dense_stage(
        x, W_proj, W_skip, asrc, atrg, wtp, atp, ra)

    prob = lax.squeeze(edge_prob, dimensions=(1,))
    numa, numb = _sc_edge_stage(ptab0, ptab1, trgtab, edge_index, prob, c2)

    out = _combine_stage(numa, numb, skip, bias.reshape(1, HF), r)
    return (out, edge_index, edge_prob)

# --- scband reference (transcript-rebuilt; emitter-appended) ---
"""Pipeline reference for scband-gat2-6631429505167 (READ-ONLY COPY).

The authoritative reference and input builder live on the scoring server;
editing this copy changes nothing except your own understanding.
"""

import jax, jax.numpy as jnp
import numpy as np

N = 10000
E = 320000
D = 128
H = 8
F = 16


def setup_inputs(seed: int = 0) -> dict:
    key = jax.random.key(seed)
    ks = jax.random.split(key, 9)
    x = jax.random.normal(ks[0], (N, D), dtype=jnp.float32)
    edge_index = jax.random.randint(ks[1], (2, E), 0, N, dtype=jnp.int32)
    edge_prob = jax.random.uniform(ks[2], (E, 1), dtype=jnp.float32)
    s = float(1.0 / np.sqrt(D))
    W_proj = jax.random.uniform(ks[3], (H * F, D), minval=-s, maxval=s, dtype=jnp.float32)
    W_tp = jax.random.uniform(ks[4], (H * F, 1), minval=-1.0, maxval=1.0, dtype=jnp.float32)
    a_src = jax.random.uniform(ks[5], (1, H, F), minval=-s, maxval=s, dtype=jnp.float32)
    a_trg = jax.random.uniform(ks[6], (1, H, F), minval=-s, maxval=s, dtype=jnp.float32)
    a_tp = jax.random.uniform(ks[7], (1, H, F), minval=-s, maxval=s, dtype=jnp.float32)
    W_skip = jax.random.uniform(ks[8], (H * F, D), minval=-s, maxval=s, dtype=jnp.float32)
    bias = jnp.zeros((H * F,), dtype=jnp.float32)
    return {"x": x, "edge_index": edge_index, "edge_prob": edge_prob,
            "W_proj": W_proj, "W_tp": W_tp, "a_src": a_src, "a_trg": a_trg,
            "a_tp": a_tp, "W_skip": W_skip, "bias": bias}


def reference(x, edge_index, edge_prob, W_proj, W_tp, a_src, a_trg, a_tp, W_skip, bias):
    # linear_proj (dropout_prob=0.0 -> identity dropouts)
    proj = (x @ W_proj.T).reshape(-1, H, F)                      # [N,H,F]
    tp = (edge_prob @ W_tp.T).reshape(-1, H, F)                  # [E,H,F]
    scores_source = (proj * a_src).sum(-1)                       # [N,H]
    scores_target = (proj * a_trg).sum(-1)                       # [N,H]
    src = edge_index[0]
    trg = edge_index[1]
    # lift (gather by edge endpoints)
    ss_lift = jnp.take(scores_source, src, axis=0)               # [E,H]
    st_lift = jnp.take(scores_target, trg, axis=0)               # [E,H]
    proj_lift = jnp.take(proj, src, axis=0)                      # [E,H,F]
    scores_tp = (tp * a_tp).sum(-1)                              # [E,H]
    scores = ss_lift + st_lift + scores_tp
    scores = jnp.where(scores > 0, scores, 0.2 * scores)         # LeakyReLU(0.2)
    # neighborhood-aware softmax (global max subtraction, as in torch code)
    scores = scores - scores.max()
    exp_scores = jnp.exp(scores)
    denom = jax.ops.segment_sum(exp_scores, trg, num_segments=N) # scatter-add [N,H]
    attn = exp_scores / (jnp.take(denom, trg, axis=0) + 1e-16)   # [E,H]
    weighted = proj_lift * attn[..., None]                       # [E,H,F]
    out = jax.ops.segment_sum(weighted, trg, num_segments=N)     # [N,H,F]
    # skip connection: out last dim F=16 != in dim 128 -> skip_proj path
    out = out + (x @ W_skip.T).reshape(-1, H, F)
    # concat heads + bias + ELU activation
    out = out.reshape(-1, H * F) + bias
    out = jax.nn.elu(out)
    return (out, edge_index, edge_prob)

if __name__ == "__main__":
    import jax
    _d = setup_inputs()
    print(jax.jit(kernel)(*tuple(_d.values())))

</pallas_src>

<mosaic_0001>
#map = affine_map<(d0, d1) -> (0, 0)>
#map1 = affine_map<(d0, d1) -> (0)>
module attributes {stable_mosaic.version = 14 : i64} {
  func.func @_sc_edge_body(%arg0: i32, %arg1: i32, %arg2: memref<10000x80xf32, #tpu.memory_space<hbm>>, %arg3: memref<10000x80xf32, #tpu.memory_space<hbm>>, %arg4: memref<10000x16xf32, #tpu.memory_space<hbm>>, %arg5: memref<2x320000xi32, #tpu.memory_space<hbm>>, %arg6: memref<320000xf32, #tpu.memory_space<hbm>>, %arg7: memref<1x16xf32, #tpu.memory_space<hbm>>, %arg8: memref<20000x128xf32, #tpu.memory_space<hbm>>, %arg9: memref<20000x128xf32, #tpu.memory_space<hbm>>, %arg10: memref<10000xi32, #tpu.memory_space<vmem>>, %arg11: memref<10000xi32, #tpu.memory_space<vmem>>, %arg12: memref<10016xf32, #tpu.memory_space<vmem>>, %arg13: memref<160x16xf32, #tpu.memory_space<vmem>>, %arg14: memref<160x80xf32, #tpu.memory_space<vmem>>, %arg15: memref<160x80xf32, #tpu.memory_space<vmem>>, %arg16: memref<1x16xf32, #tpu.memory_space<vmem>>, %arg17: memref<208x80xf32, #tpu.memory_space<vmem>>, %arg18: memref<10000x80xf32, #tpu.memory_space<vmem_shared>>, %arg19: memref<!tpu.dma_semaphore, #tpu.memory_space<semaphore_mem>>, %arg20: memref<!tpu.dma_semaphore, #tpu.memory_space<semaphore_mem>>, %arg21: memref<!tpu.dma_semaphore, #tpu.memory_space<semaphore_mem>>, %arg22: memref<!tpu.dma_semaphore, #tpu.memory_space<semaphore_mem>>) attributes {dimension_semantics = [#tpu.dimension_semantics<core_parallel>, #tpu.dimension_semantics<subcore_parallel>], iteration_bounds = array<i64: 2, 16>, scalar_prefetch = 0 : i64, scratch_operands = 13 : i64, tpu.core_type = #tpu.core_type<sc_vector_subcore>, window_params = [{transform_indices = #map}, {transform_indices = #map}, {transform_indices = #map}, {transform_indices = #map}, {transform_indices = #map1}, {transform_indices = #map}, {transform_indices = #map}, {transform_indices = #map}]} {
    %mul3A = arith.constant 2 : i32
    %mul3A_0 = arith.muli %arg1, %mul3A : i32
    %add3A = arith.addi %mul3A_0, %arg0 : i32
    %mul3A_1 = arith.constant 10000 : i32
    %mul3A_2 = arith.muli %add3A, %mul3A_1 : i32
    %run_scoped3A = arith.constant 0 : i32
    "tpu.region"() ({
      %run_scoped3A_250 = tpu.sem_alloc : memref<!tpu.dma_semaphore, #tpu.memory_space<semaphore_mem>>
      %dma_start3A_251 = tpu.memref_slice %arg5[%run_scoped3A, %mul3A_2] : memref<2x320000xi32, #tpu.memory_space<hbm>> -> memref<1x10000xi32, #tpu.memory_space<hbm>>
      %dma_start3A_252 = tpu.memref_squeeze %dma_start3A_251 : memref<1x10000xi32, #tpu.memory_space<hbm>> -> memref<10000xi32, #tpu.memory_space<hbm>>
      %dma_start3A_253 = tpu.memref_slice %arg5[%run_scoped3A, %mul3A_2] : memref<2x320000xi32, #tpu.memory_space<hbm>> -> memref<1x10000xi32, #tpu.memory_space<hbm>>
      %dma_start3A_254 = tpu.memref_squeeze %dma_start3A_253 : memref<1x10000xi32, #tpu.memory_space<hbm>> -> memref<10000xi32, #tpu.memory_space<hbm>>
      tpu.enqueue_dma source(%dma_start3A_254 : memref<10000xi32, #tpu.memory_space<hbm>>) target(%arg10 : memref<10000xi32, #tpu.memory_space<vmem>>) target_semaphore(%run_scoped3A_250 : memref<!tpu.dma_semaphore, #tpu.memory_space<semaphore_mem>>)
      %dma_wait3A_255 = tpu.memref_slice %arg5[%run_scoped3A, %mul3A_2] : memref<2x320000xi32, #tpu.memory_space<hbm>> -> memref<1x10000xi32, #tpu.memory_space<hbm>>
      %dma_wait3A_256 = tpu.memref_squeeze %dma_wait3A_255 : memref<1x10000xi32, #tpu.memory_space<hbm>> -> memref<10000xi32, #tpu.memory_space<hbm>>
      %dma_wait3A_257 = tpu.memref_slice %arg5[%run_scoped3A, %mul3A_2] : memref<2x320000xi32, #tpu.memory_space<hbm>> -> memref<1x10000xi32, #tpu.memory_space<hbm>>
      %dma_wait3A_258 = tpu.memref_squeeze %dma_wait3A_257 : memref<1x10000xi32, #tpu.memory_space<hbm>> -> memref<10000xi32, #tpu.memory_space<hbm>>
      tpu.wait_dma2 semaphore(%run_scoped3A_250 : memref<!tpu.dma_semaphore, #tpu.memory_space<semaphore_mem>>) src(%dma_wait3A_258 : memref<10000xi32, #tpu.memory_space<hbm>>) dst(%arg10 : memref<10000xi32, #tpu.memory_space<vmem>>)
      tpu.yield
    }) : () -> ()
    %run_scoped3A_3 = arith.constant 1 : i32
    "tpu.region"() ({
      %run_scoped3A_250 = tpu.sem_alloc : memref<!tpu.dma_semaphore, #tpu.memory_space<semaphore_mem>>
      %dma_start3A_251 = tpu.memref_slice %arg5[%run_scoped3A_3, %mul3A_2] : memref<2x320000xi32, #tpu.memory_space<hbm>> -> memref<1x10000xi32, #tpu.memory_space<hbm>>
      %dma_start3A_252 = tpu.memref_squeeze %dma_start3A_251 : memref<1x10000xi32, #tpu.memory_space<hbm>> -> memref<10000xi32, #tpu.memory_space<hbm>>
      %dma_start3A_253 = tpu.memref_slice %arg5[%run_scoped3A_3, %mul3A_2] : memref<2x320000xi32, #tpu.memory_space<hbm>> -> memref<1x10000xi32, #tpu.memory_space<hbm>>
      %dma_start3A_254 = tpu.memref_squeeze %dma_start3A_253 : memref<1x10000xi32, #tpu.memory_space<hbm>> -> memref<10000xi32, #tpu.memory_space<hbm>>
      tpu.enqueue_dma source(%dma_start3A_254 : memref<10000xi32, #tpu.memory_space<hbm>>) target(%arg11 : memref<10000xi32, #tpu.memory_space<vmem>>) target_semaphore(%run_scoped3A_250 : memref<!tpu.dma_semaphore, #tpu.memory_space<semaphore_mem>>)
      %dma_wait3A_255 = tpu.memref_slice %arg5[%run_scoped3A_3, %mul3A_2] : memref<2x320000xi32, #tpu.memory_space<hbm>> -> memref<1x10000xi32, #tpu.memory_space<hbm>>
      %dma_wait3A_256 = tpu.memref_squeeze %dma_wait3A_255 : memref<1x10000xi32, #tpu.memory_space<hbm>> -> memref<10000xi32, #tpu.memory_space<hbm>>
      %dma_wait3A_257 = tpu.memref_slice %arg5[%run_scoped3A_3, %mul3A_2] : memref<2x320000xi32, #tpu.memory_space<hbm>> -> memref<1x10000xi32, #tpu.memory_space<hbm>>
      %dma_wait3A_258 = tpu.memref_squeeze %dma_wait3A_257 : memref<1x10000xi32, #tpu.memory_space<hbm>> -> memref<10000xi32, #tpu.memory_space<hbm>>
      tpu.wait_dma2 semaphore(%run_scoped3A_250 : memref<!tpu.dma_semaphore, #tpu.memory_space<semaphore_mem>>) src(%dma_wait3A_258 : memref<10000xi32, #tpu.memory_space<hbm>>) dst(%arg11 : memref<10000xi32, #tpu.memory_space<vmem>>)
      tpu.yield
    }) : () -> ()
    "tpu.region"() ({
      %run_scoped3A_250 = tpu.sem_alloc : memref<!tpu.dma_semaphore, #tpu.memory_space<semaphore_mem>>
      %dma_start3A_251 = arith.constant 0 : i32
      %dma_start3A_252 = tpu.memref_slice %arg12[%dma_start3A_251] : memref<10016xf32, #tpu.memory_space<vmem>> -> memref<10000xf32, #tpu.memory_space<vmem>>
      %dma_start3A_253 = tpu.memref_slice %arg6[%mul3A_2] : memref<320000xf32, #tpu.memory_space<hbm>> -> memref<10000xf32, #tpu.memory_space<hbm>>
      %dma_start3A_254 = arith.constant 0 : i32
      %dma_start3A_255 = tpu.memref_slice %arg12[%dma_start3A_254] : memref<10016xf32, #tpu.memory_space<vmem>> -> memref<10000xf32, #tpu.memory_space<vmem>>
      %dma_start3A_256 = tpu.memref_slice %arg6[%mul3A_2] : memref<320000xf32, #tpu.memory_space<hbm>> -> memref<10000xf32, #tpu.memory_space<hbm>>
      tpu.enqueue_dma source(%dma_start3A_256 : memref<10000xf32, #tpu.memory_space<hbm>>) target(%dma_start3A_255 : memref<10000xf32, #tpu.memory_space<vmem>>) target_semaphore(%run_scoped3A_250 : memref<!tpu.dma_semaphore, #tpu.memory_space<semaphore_mem>>)
      %dma_wait3A_257 = arith.constant 0 : i32
      %dma_wait3A_258 = tpu.memref_slice %arg12[%dma_wait3A_257] : memref<10016xf32, #tpu.memory_space<vmem>> -> memref<10000xf32, #tpu.memory_space<vmem>>
      %dma_wait3A_259 = tpu.memref_slice %arg6[%mul3A_2] : memref<320000xf32, #tpu.memory_space<hbm>> -> memref<10000xf32, #tpu.memory_space<hbm>>
      %dma_wait3A_260 = arith.constant 0 : i32
      %dma_wait3A_261 = tpu.memref_slice %arg12[%dma_wait3A_260] : memref<10016xf32, #tpu.memory_space<vmem>> -> memref<10000xf32, #tpu.memory_space<vmem>>
      %dma_wait3A_262 = tpu.memref_slice %arg6[%mul3A_2] : memref<320000xf32, #tpu.memory_space<hbm>> -> memref<10000xf32, #tpu.memory_space<hbm>>
      tpu.wait_dma2 semaphore(%run_scoped3A_250 : memref<!tpu.dma_semaphore, #tpu.memory_space<semaphore_mem>>) src(%dma_wait3A_262 : memref<10000xf32, #tpu.memory_space<hbm>>) dst(%dma_wait3A_261 : memref<10000xf32, #tpu.memory_space<vmem>>)
      tpu.yield
    }) : () -> ()
    "tpu.region"() ({
      %run_scoped3A_250 = tpu.sem_alloc : memref<!tpu.dma_semaphore, #tpu.memory_space<semaphore_mem>>
      tpu.enqueue_dma source(%arg7 : memref<1x16xf32, #tpu.memory_space<hbm>>) target(%arg16 : memref<1x16xf32, #tpu.memory_space<vmem>>) target_semaphore(%run_scoped3A_250 : memref<!tpu.dma_semaphore, #tpu.memory_space<semaphore_mem>>)
      tpu.wait_dma2 semaphore(%run_scoped3A_250 : memref<!tpu.dma_semaphore, #tpu.memory_space<semaphore_mem>>) src(%arg7 : memref<1x16xf32, #tpu.memory_space<hbm>>) dst(%arg16 : memref<1x16xf32, #tpu.memory_space<vmem>>)
      tpu.yield
    }) : () -> ()
    %get3A = arith.constant 0 : i32
    %get3A_4 = arith.index_cast %get3A : i32 to index
    %get3A_5 = arith.constant 0 : index
    %get3A_6 = tpu.vector_load %arg16[%get3A_4, %get3A_5] {strides = array<i32>} : memref<1x16xf32, #tpu.memory_space<vmem>>, vector<1x16xf32>,
    %get3A_7 = vector.shape_cast %get3A_6 : vector<1x16xf32> to vector<16xf32>
    %broadcast_in_dim3A = arith.constant 0.000000e+00 : f32
    %broadcast_in_dim3A_8 = vector.broadcast %broadcast_in_dim3A : f32 to vector<16xf32>
    %scan3A = arith.constant 0 : i32
    %scan3A_9 = arith.constant 0 : i32
    %scan3A_10 = arith.constant 208 : i32
    %scan3A_11 = arith.addi %scan3A_9, %scan3A_10 : i32
    %scan3A_12 = arith.constant 1 : i32
    %scan3A_13 = scf.for %scan3A_250 = %scan3A_9 to %scan3A_11 step %scan3A_12 iter_args(%scan3A_251 = %scan3A) -> (i32)  : i32 {
      %swap3A = arith.index_cast %scan3A_250 : i32 to index
      %swap3A_252 = arith.constant 0 : index
      %swap3A_253 = tpu.vector_load %arg17[%swap3A, %swap3A_252] {strides = array<i32>} : memref<208x80xf32, #tpu.memory_space<vmem>>, vector<1x16xf32>,
      %swap3A_254 = vector.shape_cast %swap3A_253 : vector<1x16xf32> to vector<16xf32>
      %swap3A_255 = vector.shape_cast %broadcast_in_dim3A_8 : vector<16xf32> to vector<1x16xf32>
      tpu.vector_store %arg17[%swap3A, %swap3A_252], %swap3A_255 {strides = array<i32>} : memref<208x80xf32, #tpu.memory_space<vmem>>, vector<1x16xf32>,
      %swap3A_256 = arith.index_cast %scan3A_250 : i32 to index
      %swap3A_257 = arith.constant 16 : index
      %swap3A_258 = tpu.vector_load %arg17[%swap3A_256, %swap3A_257] {strides = array<i32>} : memref<208x80xf32, #tpu.memory_space<vmem>>, vector<1x16xf32>,
      %swap3A_259 = vector.shape_cast %swap3A_258 : vector<1x16xf32> to vector<16xf32>
      %swap3A_260 = vector.shape_cast %broadcast_in_dim3A_8 : vector<16xf32> to vector<1x16xf32>
      tpu.vector_store %arg17[%swap3A_256, %swap3A_257], %swap3A_260 {strides = array<i32>} : memref<208x80xf32, #tpu.memory_space<vmem>>, vector<1x16xf32>,
      %swap3A_261 = arith.index_cast %scan3A_250 : i32 to index
      %swap3A_262 = arith.constant 32 : index
      %swap3A_263 = tpu.vector_load %arg17[%swap3A_261, %swap3A_262] {strides = array<i32>} : memref<208x80xf32, #tpu.memory_space<vmem>>, vector<1x16xf32>,
      %swap3A_264 = vector.shape_cast %swap3A_263 : vector<1x16xf32> to vector<16xf32>
      %swap3A_265 = vector.shape_cast %broadcast_in_dim3A_8 : vector<16xf32> to vector<1x16xf32>
      tpu.vector_store %arg17[%swap3A_261, %swap3A_262], %swap3A_265 {strides = array<i32>} : memref<208x80xf32, #tpu.memory_space<vmem>>, vector<1x16xf32>,
      %swap3A_266 = arith.index_cast %scan3A_250 : i32 to index
      %swap3A_267 = arith.constant 48 : index
      %swap3A_268 = tpu.vector_load %arg17[%swap3A_266, %swap3A_267] {strides = array<i32>} : memref<208x80xf32, #tpu.memory_space<vmem>>, vector<1x16xf32>,
      %swap3A_269 = vector.shape_cast %swap3A_268 : vector<1x16xf32> to vector<16xf32>
      %swap3A_270 = vector.shape_cast %broadcast_in_dim3A_8 : vector<16xf32> to vector<1x16xf32>
      tpu.vector_store %arg17[%swap3A_266, %swap3A_267], %swap3A_270 {strides = array<i32>} : memref<208x80xf32, #tpu.memory_space<vmem>>, vector<1x16xf32>,
      %swap3A_271 = arith.index_cast %scan3A_250 : i32 to index
      %swap3A_272 = arith.constant 64 : index
      %swap3A_273 = tpu.vector_load %arg17[%swap3A_271, %swap3A_272] {strides = array<i32>} : memref<208x80xf32, #tpu.memory_space<vmem>>, vector<1x16xf32>,
      %swap3A_274 = vector.shape_cast %swap3A_273 : vector<1x16xf32> to vector<16xf32>
      %swap3A_275 = vector.shape_cast %broadcast_in_dim3A_8 : vector<16xf32> to vector<1x16xf32>
      tpu.vector_store %arg17[%swap3A_271, %swap3A_272], %swap3A_275 {strides = array<i32>} : memref<208x80xf32, #tpu.memory_space<vmem>>, vector<1x16xf32>,
      %scan3A_276 = arith.constant 0 : i32
      scf.yield %scan3A_276 : i32
    }
    %scan3A_14 = arith.constant 208 : i32
    %mul3A_15 = arith.constant 624 : i32
    %mul3A_16 = arith.muli %arg1, %mul3A_15 : i32
    %add3A_17 = arith.constant 0 : i32
    %add3A_18 = arith.addi %mul3A_16, %add3A_17 : i32
    "tpu.region"() ({
      %run_scoped3A_250 = tpu.sem_alloc : memref<!tpu.dma_semaphore, #tpu.memory_space<semaphore_mem>>
      %dma_start3A_251 = arith.constant 0 : i32
      %dma_start3A_252 = tpu.memref_slice %arg18[%add3A_18, %dma_start3A_251] : memref<10000x80xf32, #tpu.memory_space<vmem_shared>> -> memref<208x80xf32, #tpu.memory_space<vmem_shared>>
      %dma_start3A_253 = arith.constant 0 : i32
      %dma_start3A_254 = tpu.memref_slice %arg18[%add3A_18, %dma_start3A_253] : memref<10000x80xf32, #tpu.memory_space<vmem_shared>> -> memref<208x80xf32, #tpu.memory_space<vmem_shared>>
      tpu.enqueue_dma source(%arg17 : memref<208x80xf32, #tpu.memory_space<vmem>>) target(%dma_start3A_254 : memref<208x80xf32, #tpu.memory_space<vmem_shared>>) target_semaphore(%run_scoped3A_250 : memref<!tpu.dma_semaphore, #tpu.memory_space<semaphore_mem>>)
      %dma_wait3A_255 = arith.constant 0 : i32
      %dma_wait3A_256 = tpu.memref_slice %arg18[%add3A_18, %dma_wait3A_255] : memref<10000x80xf32, #tpu.memory_space<vmem_shared>> -> memref<208x80xf32, #tpu.memory_space<vmem_shared>>
      %dma_wait3A_257 = arith.constant 0 : i32
      %dma_wait3A_258 = tpu.memref_slice %arg18[%add3A_18, %dma_wait3A_257] : memref<10000x80xf32, #tpu.memory_space<vmem_shared>> -> memref<208x80xf32, #tpu.memory_space<vmem_shared>>
      tpu.wait_dma2 semaphore(%run_scoped3A_250 : memref<!tpu.dma_semaphore, #tpu.memory_space<semaphore_mem>>) src(%arg17 : memref<208x80xf32, #tpu.memory_space<vmem>>) dst(%dma_wait3A_258 : memref<208x80xf32, #tpu.memory_space<vmem_shared>>)
      tpu.yield
    }) : () -> ()
    %mul3A_19 = arith.constant 624 : i32
    %mul3A_20 = arith.muli %arg1, %mul3A_19 : i32
    %add3A_21 = arith.constant 208 : i32
    %add3A_22 = arith.addi %mul3A_20, %add3A_21 : i32
    "tpu.region"() ({
      %run_scoped3A_250 = tpu.sem_alloc : memref<!tpu.dma_semaphore, #tpu.memory_space<semaphore_mem>>
      %dma_start3A_251 = arith.constant 0 : i32
      %dma_start3A_252 = tpu.memref_slice %arg18[%add3A_22, %dma_start3A_251] : memref<10000x80xf32, #tpu.memory_space<vmem_shared>> -> memref<208x80xf32, #tpu.memory_space<vmem_shared>>
      %dma_start3A_253 = arith.constant 0 : i32
      %dma_start3A_254 = tpu.memref_slice %arg18[%add3A_22, %dma_start3A_253] : memref<10000x80xf32, #tpu.memory_space<vmem_shared>> -> memref<208x80xf32, #tpu.memory_space<vmem_shared>>
      tpu.enqueue_dma source(%arg17 : memref<208x80xf32, #tpu.memory_space<vmem>>) target(%dma_start3A_254 : memref<208x80xf32, #tpu.memory_space<vmem_shared>>) target_semaphore(%run_scoped3A_250 : memref<!tpu.dma_semaphore, #tpu.memory_space<semaphore_mem>>)
      %dma_wait3A_255 = arith.constant 0 : i32
      %dma_wait3A_256 = tpu.memref_slice %arg18[%add3A_22, %dma_wait3A_255] : memref<10000x80xf32, #tpu.memory_space<vmem_shared>> -> memref<208x80xf32, #tpu.memory_space<vmem_shared>>
      %dma_wait3A_257 = arith.constant 0 : i32
      %dma_wait3A_258 = tpu.memref_slice %arg18[%add3A_22, %dma_wait3A_257] : memref<10000x80xf32, #tpu.memory_space<vmem_shared>> -> memref<208x80xf32, #tpu.memory_space<vmem_shared>>
      tpu.wait_dma2 semaphore(%run_scoped3A_250 : memref<!tpu.dma_semaphore, #tpu.memory_space<semaphore_mem>>) src(%arg17 : memref<208x80xf32, #tpu.memory_space<vmem>>) dst(%dma_wait3A_258 : memref<208x80xf32, #tpu.memory_space<vmem_shared>>)
      tpu.yield
    }) : () -> ()
    %mul3A_23 = arith.constant 624 : i32
    %mul3A_24 = arith.muli %arg1, %mul3A_23 : i32
    %add3A_25 = arith.constant 416 : i32
    %add3A_26 = arith.addi %mul3A_24, %add3A_25 : i32
    "tpu.region"() ({
      %run_scoped3A_250 = tpu.sem_alloc : memref<!tpu.dma_semaphore, #tpu.memory_space<semaphore_mem>>
      %dma_start3A_251 = arith.constant 0 : i32
      %dma_start3A_252 = tpu.memref_slice %arg18[%add3A_26, %dma_start3A_251] : memref<10000x80xf32, #tpu.memory_space<vmem_shared>> -> memref<208x80xf32, #tpu.memory_space<vmem_shared>>
      %dma_start3A_253 = arith.constant 0 : i32
      %dma_start3A_254 = tpu.memref_slice %arg18[%add3A_26, %dma_start3A_253] : memref<10000x80xf32, #tpu.memory_space<vmem_shared>> -> memref<208x80xf32, #tpu.memory_space<vmem_shared>>
      tpu.enqueue_dma source(%arg17 : memref<208x80xf32, #tpu.memory_space<vmem>>) target(%dma_start3A_254 : memref<208x80xf32, #tpu.memory_space<vmem_shared>>) target_semaphore(%run_scoped3A_250 : memref<!tpu.dma_semaphore, #tpu.memory_space<semaphore_mem>>)
      %dma_wait3A_255 = arith.constant 0 : i32
      %dma_wait3A_256 = tpu.memref_slice %arg18[%add3A_26, %dma_wait3A_255] : memref<10000x80xf32, #tpu.memory_space<vmem_shared>> -> memref<208x80xf32, #tpu.memory_space<vmem_shared>>
      %dma_wait3A_257 = arith.constant 0 : i32
      %dma_wait3A_258 = tpu.memref_slice %arg18[%add3A_26, %dma_wait3A_257] : memref<10000x80xf32, #tpu.memory_space<vmem_shared>> -> memref<208x80xf32, #tpu.memory_space<vmem_shared>>
      tpu.wait_dma2 semaphore(%run_scoped3A_250 : memref<!tpu.dma_semaphore, #tpu.memory_space<semaphore_mem>>) src(%arg17 : memref<208x80xf32, #tpu.memory_space<vmem>>) dst(%dma_wait3A_258 : memref<208x80xf32, #tpu.memory_space<vmem_shared>>)
      tpu.yield
    }) : () -> ()
    %eq3A = arith.constant 15 : i32
    %eq3A_27 = arith.cmpi eq, %arg1, %eq3A : i32
    %convert_element_type3A = arith.extui %eq3A_27 : i1 to i32
    %cond3A = arith.constant 0 : i32
    %cond3A_28 = arith.cmpi ne, %convert_element_type3A, %cond3A : i32
    scf.if %cond3A_28 {
      "tpu.region"() ({
        %run_scoped3A_250 = tpu.sem_alloc : memref<!tpu.dma_semaphore, #tpu.memory_space<semaphore_mem>>
        %dma_start3A_251 = arith.constant 0 : i32
        %dma_start3A_252 = arith.constant 0 : i32
        %dma_start3A_253 = tpu.memref_slice %arg17[%dma_start3A_251, %dma_start3A_252] : memref<208x80xf32, #tpu.memory_space<vmem>> -> memref<16x80xf32, #tpu.memory_space<vmem>>
        %dma_start3A_254 = arith.constant 9984 : i32
        %dma_start3A_255 = arith.constant 0 : i32
        %dma_start3A_256 = tpu.memref_slice %arg18[%dma_start3A_254, %dma_start3A_255] : memref<10000x80xf32, #tpu.memory_space<vmem_shared>> -> memref<16x80xf32, #tpu.memory_space<vmem_shared>>
        %dma_start3A_257 = arith.constant 9984 : i32
        %dma_start3A_258 = arith.constant 0 : i32
        %dma_start3A_259 = tpu.memref_slice %arg18[%dma_start3A_257, %dma_start3A_258] : memref<10000x80xf32, #tpu.memory_space<vmem_shared>> -> memref<16x80xf32, #tpu.memory_space<vmem_shared>>
        %dma_start3A_260 = arith.constant 0 : i32
        %dma_start3A_261 = arith.constant 0 : i32
        %dma_start3A_262 = tpu.memref_slice %arg17[%dma_start3A_260, %dma_start3A_261] : memref<208x80xf32, #tpu.memory_space<vmem>> -> memref<16x80xf32, #tpu.memory_space<vmem>>
        tpu.enqueue_dma source(%dma_start3A_262 : memref<16x80xf32, #tpu.memory_space<vmem>>) target(%dma_start3A_259 : memref<16x80xf32, #tpu.memory_space<vmem_shared>>) target_semaphore(%run_scoped3A_250 : memref<!tpu.dma_semaphore, #tpu.memory_space<semaphore_mem>>)
        %dma_wait3A_263 = arith.constant 0 : i32
        %dma_wait3A_264 = arith.constant 0 : i32
        %dma_wait3A_265 = tpu.memref_slice %arg17[%dma_wait3A_263, %dma_wait3A_264] : memref<208x80xf32, #tpu.memory_space<vmem>> -> memref<16x80xf32, #tpu.memory_space<vmem>>
        %dma_wait3A_266 = arith.constant 9984 : i32
        %dma_wait3A_267 = arith.constant 0 : i32
        %dma_wait3A_268 = tpu.memref_slice %arg18[%dma_wait3A_266, %dma_wait3A_267] : memref<10000x80xf32, #tpu.memory_space<vmem_shared>> -> memref<16x80xf32, #tpu.memory_space<vmem_shared>>
        %dma_wait3A_269 = arith.constant 9984 : i32
        %dma_wait3A_270 = arith.constant 0 : i32
        %dma_wait3A_271 = tpu.memref_slice %arg18[%dma_wait3A_269, %dma_wait3A_270] : memref<10000x80xf32, #tpu.memory_space<vmem_shared>> -> memref<16x80xf32, #tpu.memory_space<vmem_shared>>
        %dma_wait3A_272 = arith.constant 0 : i32
        %dma_wait3A_273 = arith.constant 0 : i32
        %dma_wait3A_274 = tpu.memref_slice %arg17[%dma_wait3A_272, %dma_wait3A_273] : memref<208x80xf32, #tpu.memory_space<vmem>> -> memref<16x80xf32, #tpu.memory_space<vmem>>
        tpu.wait_dma2 semaphore(%run_scoped3A_250 : memref<!tpu.dma_semaphore, #tpu.memory_space<semaphore_mem>>) src(%dma_wait3A_274 : memref<16x80xf32, #tpu.memory_space<vmem>>) dst(%dma_wait3A_271 : memref<16x80xf32, #tpu.memory_space<vmem_shared>>)
        tpu.yield
      }) : () -> ()
    } else {
    }
    %barrier3A = arith.constant 0 : index
    tpu.barrier barrier_id(%barrier3A)
    %dma_start3A = arith.constant 0 : i32
    %dma_start3A_29 = arith.constant 0 : i32
    %dma_start3A_30 = tpu.memref_slice %arg14[%dma_start3A, %dma_start3A_29] : memref<160x80xf32, #tpu.memory_space<vmem>> -> memref<80x80xf32, #tpu.memory_space<vmem>>
    %dma_start3A_31 = arith.constant 0 : i32
    %dma_start3A_32 = tpu.memref_slice %arg10[%dma_start3A_31] : memref<10000xi32, #tpu.memory_space<vmem>> -> memref<80xi32, #tpu.memory_space<vmem>>
    %dma_start3A_33 = arith.constant 0 : i32
    %dma_start3A_34 = arith.constant 0 : i32
    %dma_start3A_35 = tpu.memref_slice %arg2[%dma_start3A_33, %dma_start3A_34] : memref<10000x80xf32, #tpu.memory_space<hbm>> -> memref<10000x80xf32, #tpu.memory_space<hbm>>
    tpu.enqueue_indirect_dma source(%dma_start3A_35 : memref<10000x80xf32, #tpu.memory_space<hbm>>) target(%dma_start3A_30 : memref<80x80xf32, #tpu.memory_space<vmem>>) offsets(%dma_start3A_32 : memref<80xi32, #tpu.memory_space<vmem>>) semaphore(%arg19 : memref<!tpu.dma_semaphore, #tpu.memory_space<semaphore_mem>>)
    %dma_start3A_36 = arith.constant 0 : i32
    %dma_start3A_37 = arith.constant 0 : i32
    %dma_start3A_38 = tpu.memref_slice %arg13[%dma_start3A_36, %dma_start3A_37] : memref<160x16xf32, #tpu.memory_space<vmem>> -> memref<80x16xf32, #tpu.memory_space<vmem>>
    %dma_start3A_39 = arith.constant 0 : i32
    %dma_start3A_40 = tpu.memref_slice %arg11[%dma_start3A_39] : memref<10000xi32, #tpu.memory_space<vmem>> -> memref<80xi32, #tpu.memory_space<vmem>>
    %dma_start3A_41 = arith.constant 0 : i32
    %dma_start3A_42 = arith.constant 0 : i32
    %dma_start3A_43 = tpu.memref_slice %arg4[%dma_start3A_41, %dma_start3A_42] : memref<10000x16xf32, #tpu.memory_space<hbm>> -> memref<10000x16xf32, #tpu.memory_space<hbm>>
    tpu.enqueue_indirect_dma source(%dma_start3A_43 : memref<10000x16xf32, #tpu.memory_space<hbm>>) target(%dma_start3A_38 : memref<80x16xf32, #tpu.memory_space<vmem>>) offsets(%dma_start3A_40 : memref<80xi32, #tpu.memory_space<vmem>>) semaphore(%arg19 : memref<!tpu.dma_semaphore, #tpu.memory_space<semaphore_mem>>)
    %scan3A_44 = arith.constant 0 : i32
    %scan3A_45 = arith.constant 0 : i32
    %scan3A_46 = arith.constant 62 : i32
    %scan3A_47 = arith.addi %scan3A_45, %scan3A_46 : i32
    %scan3A_48 = arith.constant 1 : i32
    %scan3A_49 = scf.for %scan3A_250 = %scan3A_45 to %scan3A_47 step %scan3A_48 iter_args(%scan3A_251 = %scan3A_44) -> (i32)  : i32 {
      %mul3A_252 = arith.constant 2 : i32
      %mul3A_253 = arith.muli %scan3A_250, %mul3A_252 : i32
      %add3A_254 = arith.constant 0 : i32
      %add3A_255 = arith.addi %mul3A_253, %add3A_254 : i32
      %add3A_256 = arith.constant 1 : i32
      %add3A_257 = arith.addi %add3A_255, %add3A_256 : i32
      %mul3A_258 = arith.constant 80 : i32
      %mul3A_259 = arith.muli %add3A_257, %mul3A_258 : i32
      %dma_start3A_260 = arith.constant 80 : i32
      %dma_start3A_261 = arith.constant 0 : i32
      %dma_start3A_262 = tpu.memref_slice %arg14[%dma_start3A_260, %dma_start3A_261] : memref<160x80xf32, #tpu.memory_space<vmem>> -> memref<80x80xf32, #tpu.memory_space<vmem>>
      %dma_start3A_263 = tpu.memref_slice %arg10[%mul3A_259] : memref<10000xi32, #tpu.memory_space<vmem>> -> memref<80xi32, #tpu.memory_space<vmem>>
      %dma_start3A_264 = arith.constant 0 : i32
      %dma_start3A_265 = arith.constant 0 : i32
      %dma_start3A_266 = tpu.memref_slice %arg2[%dma_start3A_264, %dma_start3A_265] : memref<10000x80xf32, #tpu.memory_space<hbm>> -> memref<10000x80xf32, #tpu.memory_space<hbm>>
      tpu.enqueue_indirect_dma source(%dma_start3A_266 : memref<10000x80xf32, #tpu.memory_space<hbm>>) target(%dma_start3A_262 : memref<80x80xf32, #tpu.memory_space<vmem>>) offsets(%dma_start3A_263 : memref<80xi32, #tpu.memory_space<vmem>>) semaphore(%arg20 : memref<!tpu.dma_semaphore, #tpu.memory_space<semaphore_mem>>)
      %mul3A_267 = arith.constant 80 : i32
      %mul3A_268 = arith.muli %add3A_257, %mul3A_267 : i32
      %dma_start3A_269 = arith.constant 80 : i32
      %dma_start3A_270 = arith.constant 0 : i32
      %dma_start3A_271 = tpu.memref_slice %arg13[%dma_start3A_269, %dma_start3A_270] : memref<160x16xf32, #tpu.memory_space<vmem>> -> memref<80x16xf32, #tpu.memory_space<vmem>>
      %dma_start3A_272 = tpu.memref_slice %arg11[%mul3A_268] : memref<10000xi32, #tpu.memory_space<vmem>> -> memref<80xi32, #tpu.memory_space<vmem>>
      %dma_start3A_273 = arith.constant 0 : i32
      %dma_start3A_274 = arith.constant 0 : i32
      %dma_start3A_275 = tpu.memref_slice %arg4[%dma_start3A_273, %dma_start3A_274] : memref<10000x16xf32, #tpu.memory_space<hbm>> -> memref<10000x16xf32, #tpu.memory_space<hbm>>
      tpu.enqueue_indirect_dma source(%dma_start3A_275 : memref<10000x16xf32, #tpu.memory_space<hbm>>) target(%dma_start3A_271 : memref<80x16xf32, #tpu.memory_space<vmem>>) offsets(%dma_start3A_272 : memref<80xi32, #tpu.memory_space<vmem>>) semaphore(%arg20 : memref<!tpu.dma_semaphore, #tpu.memory_space<semaphore_mem>>)
      %mul3A_276 = arith.constant 80 : i32
      %mul3A_277 = arith.muli %add3A_255, %mul3A_276 : i32
      %dma_wait3A_278 = arith.constant 0 : i32
      %dma_wait3A_279 = arith.constant 0 : i32
      %dma_wait3A_280 = tpu.memref_slice %arg14[%dma_wait3A_278, %dma_wait3A_279] : memref<160x80xf32, #tpu.memory_space<vmem>> -> memref<80x80xf32, #tpu.memory_space<vmem>>
      %dma_wait3A_281 = tpu.memref_slice %arg10[%mul3A_277] : memref<10000xi32, #tpu.memory_space<vmem>> -> memref<80xi32, #tpu.memory_space<vmem>>
      %dma_wait3A_282 = arith.constant 0 : i32
      %dma_wait3A_283 = arith.constant 0 : i32
      %dma_wait3A_284 = tpu.memref_slice %arg2[%dma_wait3A_282, %dma_wait3A_283] : memref<10000x80xf32, #tpu.memory_space<hbm>> -> memref<10000x80xf32, #tpu.memory_space<hbm>>
      tpu.wait_indirect_dma semaphore(%arg19 : memref<!tpu.dma_semaphore, #tpu.memory_space<semaphore_mem>>) src(%dma_wait3A_284 : memref<10000x80xf32, #tpu.memory_space<hbm>>) dst(%dma_wait3A_280 : memref<80x80xf32, #tpu.memory_space<vmem>>)
      %mul3A_285 = arith.constant 80 : i32
      %mul3A_286 = arith.muli %add3A_255, %mul3A_285 : i32
      %dma_wait3A_287 = arith.constant 0 : i32
      %dma_wait3A_288 = arith.constant 0 : i32
      %dma_wait3A_289 = tpu.memref_slice %arg13[%dma_wait3A_287, %dma_wait3A_288] : memref<160x16xf32, #tpu.memory_space<vmem>> -> memref<80x16xf32, #tpu.memory_space<vmem>>
      %dma_wait3A_290 = tpu.memref_slice %arg10[%mul3A_286] : memref<10000xi32, #tpu.memory_space<vmem>> -> memref<80xi32, #tpu.memory_space<vmem>>
      %dma_wait3A_291 = arith.constant 0 : i32
      %dma_wait3A_292 = arith.constant 0 : i32
      %dma_wait3A_293 = tpu.memref_slice %arg4[%dma_wait3A_291, %dma_wait3A_292] : memref<10000x16xf32, #tpu.memory_space<hbm>> -> memref<10000x16xf32, #tpu.memory_space<hbm>>
      tpu.wait_indirect_dma semaphore(%arg19 : memref<!tpu.dma_semaphore, #tpu.memory_space<semaphore_mem>>) src(%dma_wait3A_293 : memref<10000x16xf32, #tpu.memory_space<hbm>>) dst(%dma_wait3A_289 : memref<80x16xf32, #tpu.memory_space<vmem>>)
      %ge3A = arith.constant 1 : i32
      %ge3A_294 = arith.cmpi sge, %scan3A_250, %ge3A : i32
      %convert_element_type3A_295 = arith.extui %ge3A_294 : i1 to i32
      %cond3A_296 = arith.constant 0 : i32
      %cond3A_297 = arith.cmpi ne, %convert_element_type3A_295, %cond3A_296 : i32
      scf.if %cond3A_297 {
        %mul3A_354 = arith.constant 80 : i32
        %mul3A_355 = arith.muli %add3A_255, %mul3A_354 : i32
        %dma_wait3A_356 = arith.constant 0 : i32
        %dma_wait3A_357 = arith.constant 0 : i32
        %dma_wait3A_358 = tpu.memref_slice %arg15[%dma_wait3A_356, %dma_wait3A_357] : memref<160x80xf32, #tpu.memory_space<vmem>> -> memref<80x80xf32, #tpu.memory_space<vmem>>
        %dma_wait3A_359 = tpu.memref_slice %arg11[%mul3A_355] : memref<10000xi32, #tpu.memory_space<vmem>> -> memref<80xi32, #tpu.memory_space<vmem>>
        %dma_wait3A_360 = arith.constant 0 : i32
        %dma_wait3A_361 = arith.constant 0 : i32
        %dma_wait3A_362 = tpu.memref_slice %arg18[%dma_wait3A_360, %dma_wait3A_361] : memref<10000x80xf32, #tpu.memory_space<vmem_shared>> -> memref<10000x80xf32, #tpu.memory_space<vmem_shared>>
        tpu.wait_indirect_dma semaphore(%arg21 : memref<!tpu.dma_semaphore, #tpu.memory_space<semaphore_mem>>) src(%dma_wait3A_358 : memref<80x80xf32, #tpu.memory_space<vmem>>) dst(%dma_wait3A_362 : memref<10000x80xf32, #tpu.memory_space<vmem_shared>>)
      } else {
      }
      %parallel_loop3A_298 = arith.constant 0 : i32
      %parallel_loop3A_299 = arith.constant 80 : i32
      %parallel_loop3A_300 = arith.constant 1 : i32
      scf.for %parallel_loop3A_354 = %parallel_loop3A_298 to %parallel_loop3A_299 step %parallel_loop3A_300  : i32 {
        %parallel_loop3A_355 = arith.constant 0 : i32
        %parallel_loop3A_356 = arith.addi %parallel_loop3A_355, %parallel_loop3A_354 : i32
        %parallel_loop3A_357 = arith.index_cast %parallel_loop3A_356 : i32 to index
        %parallel_loop3A_358 = arith.constant 64 : index
        %parallel_loop3A_359 = tpu.vector_load %arg14[%parallel_loop3A_357, %parallel_loop3A_358] {strides = array<i32>} : memref<160x80xf32, #tpu.memory_space<vmem>>, vector<1x16xf32>,
        %parallel_loop3A_360 = vector.shape_cast %parallel_loop3A_359 : vector<1x16xf32> to vector<16xf32>
        %parallel_loop3A_361 = arith.constant 0 : i32
        %parallel_loop3A_362 = arith.addi %parallel_loop3A_361, %parallel_loop3A_354 : i32
        %parallel_loop3A_363 = arith.index_cast %parallel_loop3A_362 : i32 to index
        %parallel_loop3A_364 = arith.constant 0 : index
        %parallel_loop3A_365 = tpu.vector_load %arg13[%parallel_loop3A_363, %parallel_loop3A_364] {strides = array<i32>} : memref<160x16xf32, #tpu.memory_space<vmem>>, vector<1x16xf32>,
        %parallel_loop3A_366 = vector.shape_cast %parallel_loop3A_365 : vector<1x16xf32> to vector<16xf32>
        %parallel_loop3A_367 = arith.constant 80 : i32
        %parallel_loop3A_368 = arith.muli %add3A_255, %parallel_loop3A_367 : i32
        %parallel_loop3A_369 = arith.addi %parallel_loop3A_368, %parallel_loop3A_354 : i32
        %parallel_loop3A_370 = arith.index_cast %parallel_loop3A_369 : i32 to index
        %parallel_loop3A_371 = tpu.vector_load %arg12[%parallel_loop3A_370] {strides = array<i32>} : memref<10016xf32, #tpu.memory_space<vmem>>, vector<16xf32>,
        %parallel_loop3A_372 = vector.shape_cast %parallel_loop3A_371 : vector<16xf32> to vector<16xf32>
        %parallel_loop3A_373 = arith.addf %parallel_loop3A_360, %parallel_loop3A_366 : vector<16xf32>
        %parallel_loop3A_374 = vector.extract_strided_slice %parallel_loop3A_372 {offsets = [0], sizes = [1], strides = [1]} : vector<16xf32> to vector<1xf32>
        %parallel_loop3A_375 = vector.extract %parallel_loop3A_374[0] : f32 from vector<1xf32>
        %parallel_loop3A_376 = vector.broadcast %parallel_loop3A_375 : f32 to vector<16xf32>
        %parallel_loop3A_377 = arith.mulf %parallel_loop3A_376, %get3A_7 : vector<16xf32>
        %parallel_loop3A_378 = arith.addf %parallel_loop3A_373, %parallel_loop3A_377 : vector<16xf32>
        %parallel_loop3A_379 = arith.constant 0.000000e+00 : f32
        %parallel_loop3A_380 = vector.broadcast %parallel_loop3A_379 : f32 to vector<16xf32>
        %parallel_loop3A_381 = arith.cmpf ogt, %parallel_loop3A_378, %parallel_loop3A_380 : vector<16xf32>
        %parallel_loop3A_382 = arith.constant 2.000000e-01 : f32
        %parallel_loop3A_383 = vector.broadcast %parallel_loop3A_382 : f32 to vector<16xf32>
        %parallel_loop3A_384 = arith.mulf %parallel_loop3A_383, %parallel_loop3A_378 : vector<16xf32>
        %parallel_loop3A_385 = arith.select %parallel_loop3A_381, %parallel_loop3A_378, %parallel_loop3A_384 : vector<16xi1>, vector<16xf32>
        %parallel_loop3A_386 = math.exp %parallel_loop3A_385 : vector<16xf32>
        %parallel_loop3A_387 = arith.constant 0 : i32
        %parallel_loop3A_388 = arith.addi %parallel_loop3A_387, %parallel_loop3A_354 : i32
        %parallel_loop3A_389 = arith.index_cast %parallel_loop3A_388 : i32 to index
        %parallel_loop3A_390 = arith.constant 64 : index
        %parallel_loop3A_391 = tpu.vector_load %arg15[%parallel_loop3A_389, %parallel_loop3A_390] {strides = array<i32>} : memref<160x80xf32, #tpu.memory_space<vmem>>, vector<1x16xf32>,
        %parallel_loop3A_392 = vector.shape_cast %parallel_loop3A_391 : vector<1x16xf32> to vector<16xf32>
        %parallel_loop3A_393 = vector.shape_cast %parallel_loop3A_386 : vector<16xf32> to vector<1x16xf32>
        tpu.vector_store %arg15[%parallel_loop3A_389, %parallel_loop3A_390], %parallel_loop3A_393 {strides = array<i32>} : memref<160x80xf32, #tpu.memory_space<vmem>>, vector<1x16xf32>,
        %parallel_loop3A_394 = arith.constant 0 : i32
        %parallel_loop3A_395 = arith.addi %parallel_loop3A_394, %parallel_loop3A_354 : i32
        %parallel_loop3A_396 = arith.index_cast %parallel_loop3A_395 : i32 to index
        %parallel_loop3A_397 = arith.constant 0 : index
        %parallel_loop3A_398 = tpu.vector_load %arg14[%parallel_loop3A_396, %parallel_loop3A_397] {strides = array<i32>} : memref<160x80xf32, #tpu.memory_space<vmem>>, vector<1x16xf32>,
        %parallel_loop3A_399 = vector.shape_cast %parallel_loop3A_398 : vector<1x16xf32> to vector<16xf32>
        %parallel_loop3A_400 = vector.extract_strided_slice %parallel_loop3A_386 {offsets = [0], sizes = [1], strides = [1]} : vector<16xf32> to vector<1xf32>
        %parallel_loop3A_401 = vector.extract %parallel_loop3A_400[0] : f32 from vector<1xf32>
        %parallel_loop3A_402 = vector.broadcast %parallel_loop3A_401 : f32 to vector<16xf32>
        %parallel_loop3A_403 = arith.mulf %parallel_loop3A_399, %parallel_loop3A_402 : vector<16xf32>
        %parallel_loop3A_404 = arith.constant 0 : i32
        %parallel_loop3A_405 = arith.addi %parallel_loop3A_404, %parallel_loop3A_354 : i32
        %parallel_loop3A_406 = arith.index_cast %parallel_loop3A_405 : i32 to index
        %parallel_loop3A_407 = arith.constant 0 : index
        %parallel_loop3A_408 = tpu.vector_load %arg15[%parallel_loop3A_406, %parallel_loop3A_407] {strides = array<i32>} : memref<160x80xf32, #tpu.memory_space<vmem>>, vector<1x16xf32>,
        %parallel_loop3A_409 = vector.shape_cast %parallel_loop3A_408 : vector<1x16xf32> to vector<16xf32>
        %parallel_loop3A_410 = vector.shape_cast %parallel_loop3A_403 : vector<16xf32> to vector<1x16xf32>
        tpu.vector_store %arg15[%parallel_loop3A_406, %parallel_loop3A_407], %parallel_loop3A_410 {strides = array<i32>} : memref<160x80xf32, #tpu.memory_space<vmem>>, vector<1x16xf32>,
        %parallel_loop3A_411 = arith.constant 0 : i32
        %parallel_loop3A_412 = arith.addi %parallel_loop3A_411, %parallel_loop3A_354 : i32
        %parallel_loop3A_413 = arith.index_cast %parallel_loop3A_412 : i32 to index
        %parallel_loop3A_414 = arith.constant 16 : index
        %parallel_loop3A_415 = tpu.vector_load %arg14[%parallel_loop3A_413, %parallel_loop3A_414] {strides = array<i32>} : memref<160x80xf32, #tpu.memory_space<vmem>>, vector<1x16xf32>,
        %parallel_loop3A_416 = vector.shape_cast %parallel_loop3A_415 : vector<1x16xf32> to vector<16xf32>
        %parallel_loop3A_417 = vector.extract_strided_slice %parallel_loop3A_386 {offsets = [1], sizes = [1], strides = [1]} : vector<16xf32> to vector<1xf32>
        %parallel_loop3A_418 = vector.extract %parallel_loop3A_417[0] : f32 from vector<1xf32>
        %parallel_loop3A_419 = vector.broadcast %parallel_loop3A_418 : f32 to vector<16xf32>
        %parallel_loop3A_420 = arith.mulf %parallel_loop3A_416, %parallel_loop3A_419 : vector<16xf32>
        %parallel_loop3A_421 = arith.constant 0 : i32
        %parallel_loop3A_422 = arith.addi %parallel_loop3A_421, %parallel_loop3A_354 : i32
        %parallel_loop3A_423 = arith.index_cast %parallel_loop3A_422 : i32 to index
        %parallel_loop3A_424 = arith.constant 16 : index
        %parallel_loop3A_425 = tpu.vector_load %arg15[%parallel_loop3A_423, %parallel_loop3A_424] {strides = array<i32>} : memref<160x80xf32, #tpu.memory_space<vmem>>, vector<1x16xf32>,
        %parallel_loop3A_426 = vector.shape_cast %parallel_loop3A_425 : vector<1x16xf32> to vector<16xf32>
        %parallel_loop3A_427 = vector.shape_cast %parallel_loop3A_420 : vector<16xf32> to vector<1x16xf32>
        tpu.vector_store %arg15[%parallel_loop3A_423, %parallel_loop3A_424], %parallel_loop3A_427 {strides = array<i32>} : memref<160x80xf32, #tpu.memory_space<vmem>>, vector<1x16xf32>,
        %parallel_loop3A_428 = arith.constant 0 : i32
        %parallel_loop3A_429 = arith.addi %parallel_loop3A_428, %parallel_loop3A_354 : i32
        %parallel_loop3A_430 = arith.index_cast %parallel_loop3A_429 : i32 to index
        %parallel_loop3A_431 = arith.constant 32 : index
        %parallel_loop3A_432 = tpu.vector_load %arg14[%parallel_loop3A_430, %parallel_loop3A_431] {strides = array<i32>} : memref<160x80xf32, #tpu.memory_space<vmem>>, vector<1x16xf32>,
        %parallel_loop3A_433 = vector.shape_cast %parallel_loop3A_432 : vector<1x16xf32> to vector<16xf32>
        %parallel_loop3A_434 = vector.extract_strided_slice %parallel_loop3A_386 {offsets = [2], sizes = [1], strides = [1]} : vector<16xf32> to vector<1xf32>
        %parallel_loop3A_435 = vector.extract %parallel_loop3A_434[0] : f32 from vector<1xf32>
        %parallel_loop3A_436 = vector.broadcast %parallel_loop3A_435 : f32 to vector<16xf32>
        %parallel_loop3A_437 = arith.mulf %parallel_loop3A_433, %parallel_loop3A_436 : vector<16xf32>
        %parallel_loop3A_438 = arith.constant 0 : i32
        %parallel_loop3A_439 = arith.addi %parallel_loop3A_438, %parallel_loop3A_354 : i32
        %parallel_loop3A_440 = arith.index_cast %parallel_loop3A_439 : i32 to index
        %parallel_loop3A_441 = arith.constant 32 : index
        %parallel_loop3A_442 = tpu.vector_load %arg15[%parallel_loop3A_440, %parallel_loop3A_441] {strides = array<i32>} : memref<160x80xf32, #tpu.memory_space<vmem>>, vector<1x16xf32>,
        %parallel_loop3A_443 = vector.shape_cast %parallel_loop3A_442 : vector<1x16xf32> to vector<16xf32>
        %parallel_loop3A_444 = vector.shape_cast %parallel_loop3A_437 : vector<16xf32> to vector<1x16xf32>
        tpu.vector_store %arg15[%parallel_loop3A_440, %parallel_loop3A_441], %parallel_loop3A_444 {strides = array<i32>} : memref<160x80xf32, #tpu.memory_space<vmem>>, vector<1x16xf32>,
        %parallel_loop3A_445 = arith.constant 0 : i32
        %parallel_loop3A_446 = arith.addi %parallel_loop3A_445, %parallel_loop3A_354 : i32
        %parallel_loop3A_447 = arith.index_cast %parallel_loop3A_446 : i32 to index
        %parallel_loop3A_448 = arith.constant 48 : index
        %parallel_loop3A_449 = tpu.vector_load %arg14[%parallel_loop3A_447, %parallel_loop3A_448] {strides = array<i32>} : memref<160x80xf32, #tpu.memory_space<vmem>>, vector<1x16xf32>,
        %parallel_loop3A_450 = vector.shape_cast %parallel_loop3A_449 : vector<1x16xf32> to vector<16xf32>
        %parallel_loop3A_451 = vector.extract_strided_slice %parallel_loop3A_386 {offsets = [3], sizes = [1], strides = [1]} : vector<16xf32> to vector<1xf32>
        %parallel_loop3A_452 = vector.extract %parallel_loop3A_451[0] : f32 from vector<1xf32>
        %parallel_loop3A_453 = vector.broadcast %parallel_loop3A_452 : f32 to vector<16xf32>
        %parallel_loop3A_454 = arith.mulf %parallel_loop3A_450, %parallel_loop3A_453 : vector<16xf32>
        %parallel_loop3A_455 = arith.constant 0 : i32
        %parallel_loop3A_456 = arith.addi %parallel_loop3A_455, %parallel_loop3A_354 : i32
        %parallel_loop3A_457 = arith.index_cast %parallel_loop3A_456 : i32 to index
        %parallel_loop3A_458 = arith.constant 48 : index
        %parallel_loop3A_459 = tpu.vector_load %arg15[%parallel_loop3A_457, %parallel_loop3A_458] {strides = array<i32>} : memref<160x80xf32, #tpu.memory_space<vmem>>, vector<1x16xf32>,
        %parallel_loop3A_460 = vector.shape_cast %parallel_loop3A_459 : vector<1x16xf32> to vector<16xf32>
        %parallel_loop3A_461 = vector.shape_cast %parallel_loop3A_454 : vector<16xf32> to vector<1x16xf32>
        tpu.vector_store %arg15[%parallel_loop3A_457, %parallel_loop3A_458], %parallel_loop3A_461 {strides = array<i32>} : memref<160x80xf32, #tpu.memory_space<vmem>>, vector<1x16xf32>,
      } {sc.loop_unroll_factor = 8 : i64, sc.parallel_access}
      %mul3A_301 = arith.constant 80 : i32
      %mul3A_302 = arith.muli %add3A_255, %mul3A_301 : i32
      %dma_start3A_303 = arith.constant 0 : i32
      %dma_start3A_304 = arith.constant 0 : i32
      %dma_start3A_305 = tpu.memref_slice %arg15[%dma_start3A_303, %dma_start3A_304] : memref<160x80xf32, #tpu.memory_space<vmem>> -> memref<80x80xf32, #tpu.memory_space<vmem>>
      %dma_start3A_306 = tpu.memref_slice %arg11[%mul3A_302] : memref<10000xi32, #tpu.memory_space<vmem>> -> memref<80xi32, #tpu.memory_space<vmem>>
      %dma_start3A_307 = arith.constant 0 : i32
      %dma_start3A_308 = arith.constant 0 : i32
      %dma_start3A_309 = tpu.memref_slice %arg18[%dma_start3A_307, %dma_start3A_308] : memref<10000x80xf32, #tpu.memory_space<vmem_shared>> -> memref<10000x80xf32, #tpu.memory_space<vmem_shared>>
      tpu.enqueue_indirect_dma source(%dma_start3A_305 : memref<80x80xf32, #tpu.memory_space<vmem>>) target(%dma_start3A_309 : memref<10000x80xf32, #tpu.memory_space<vmem_shared>>) offsets(%dma_start3A_306 : memref<80xi32, #tpu.memory_space<vmem>>) semaphore(%arg21 : memref<!tpu.dma_semaphore, #tpu.memory_space<semaphore_mem>>) {add = true}
      %mul3A_310 = arith.constant 2 : i32
      %mul3A_311 = arith.muli %scan3A_250, %mul3A_310 : i32
      %add3A_312 = arith.constant 1 : i32
      %add3A_313 = arith.addi %mul3A_311, %add3A_312 : i32
      %lt3A = arith.constant 61 : i32
      %lt3A_314 = arith.cmpi slt, %scan3A_250, %lt3A : i32
      %convert_element_type3A_315 = arith.extui %lt3A_314 : i1 to i32
      %cond3A_316 = arith.constant 0 : i32
      %cond3A_317 = arith.cmpi ne, %convert_element_type3A_315, %cond3A_316 : i32
      scf.if %cond3A_317 {
        %add3A_354 = arith.constant 1 : i32
        %add3A_355 = arith.addi %add3A_313, %add3A_354 : i32
        %mul3A_356 = arith.constant 80 : i32
        %mul3A_357 = arith.muli %add3A_355, %mul3A_356 : i32
        %dma_start3A_358 = arith.constant 0 : i32
        %dma_start3A_359 = arith.constant 0 : i32
        %dma_start3A_360 = tpu.memref_slice %arg14[%dma_start3A_358, %dma_start3A_359] : memref<160x80xf32, #tpu.memory_space<vmem>> -> memref<80x80xf32, #tpu.memory_space<vmem>>
        %dma_start3A_361 = tpu.memref_slice %arg10[%mul3A_357] : memref<10000xi32, #tpu.memory_space<vmem>> -> memref<80xi32, #tpu.memory_space<vmem>>
        %dma_start3A_362 = arith.constant 0 : i32
        %dma_start3A_363 = arith.constant 0 : i32
        %dma_start3A_364 = tpu.memref_slice %arg2[%dma_start3A_362, %dma_start3A_363] : memref<10000x80xf32, #tpu.memory_space<hbm>> -> memref<10000x80xf32, #tpu.memory_space<hbm>>
        tpu.enqueue_indirect_dma source(%dma_start3A_364 : memref<10000x80xf32, #tpu.memory_space<hbm>>) target(%dma_start3A_360 : memref<80x80xf32, #tpu.memory_space<vmem>>) offsets(%dma_start3A_361 : memref<80xi32, #tpu.memory_space<vmem>>) semaphore(%arg19 : memref<!tpu.dma_semaphore, #tpu.memory_space<semaphore_mem>>)
        %mul3A_365 = arith.constant 80 : i32
        %mul3A_366 = arith.muli %add3A_355, %mul3A_365 : i32
        %dma_start3A_367 = arith.constant 0 : i32
        %dma_start3A_368 = arith.constant 0 : i32
        %dma_start3A_369 = tpu.memref_slice %arg13[%dma_start3A_367, %dma_start3A_368] : memref<160x16xf32, #tpu.memory_space<vmem>> -> memref<80x16xf32, #tpu.memory_space<vmem>>
        %dma_start3A_370 = tpu.memref_slice %arg11[%mul3A_366] : memref<10000xi32, #tpu.memory_space<vmem>> -> memref<80xi32, #tpu.memory_space<vmem>>
        %dma_start3A_371 = arith.constant 0 : i32
        %dma_start3A_372 = arith.constant 0 : i32
        %dma_start3A_373 = tpu.memref_slice %arg4[%dma_start3A_371, %dma_start3A_372] : memref<10000x16xf32, #tpu.memory_space<hbm>> -> memref<10000x16xf32, #tpu.memory_space<hbm>>
        tpu.enqueue_indirect_dma source(%dma_start3A_373 : memref<10000x16xf32, #tpu.memory_space<hbm>>) target(%dma_start3A_369 : memref<80x16xf32, #tpu.memory_space<vmem>>) offsets(%dma_start3A_370 : memref<80xi32, #tpu.memory_space<vmem>>) semaphore(%arg19 : memref<!tpu.dma_semaphore, #tpu.memory_space<semaphore_mem>>)
      } else {
      }
      %mul3A_318 = arith.constant 80 : i32
      %mul3A_319 = arith.muli %add3A_313, %mul3A_318 : i32
      %dma_wait3A_320 = arith.constant 80 : i32
      %dma_wait3A_321 = arith.constant 0 : i32
      %dma_wait3A_322 = tpu.memref_slice %arg14[%dma_wait3A_320, %dma_wait3A_321] : memref<160x80xf32, #tpu.memory_space<vmem>> -> memref<80x80xf32, #tpu.memory_space<vmem>>
      %dma_wait3A_323 = tpu.memref_slice %arg10[%mul3A_319] : memref<10000xi32, #tpu.memory_space<vmem>> -> memref<80xi32, #tpu.memory_space<vmem>>
      %dma_wait3A_324 = arith.constant 0 : i32
      %dma_wait3A_325 = arith.constant 0 : i32
      %dma_wait3A_326 = tpu.memref_slice %arg2[%dma_wait3A_324, %dma_wait3A_325] : memref<10000x80xf32, #tpu.memory_space<hbm>> -> memref<10000x80xf32, #tpu.memory_space<hbm>>
      tpu.wait_indirect_dma semaphore(%arg20 : memref<!tpu.dma_semaphore, #tpu.memory_space<semaphore_mem>>) src(%dma_wait3A_326 : memref<10000x80xf32, #tpu.memory_space<hbm>>) dst(%dma_wait3A_322 : memref<80x80xf32, #tpu.memory_space<vmem>>)
      %mul3A_327 = arith.constant 80 : i32
      %mul3A_328 = arith.muli %add3A_313, %mul3A_327 : i32
      %dma_wait3A_329 = arith.constant 80 : i32
      %dma_wait3A_330 = arith.constant 0 : i32
      %dma_wait3A_331 = tpu.memref_slice %arg13[%dma_wait3A_329, %dma_wait3A_330] : memref<160x16xf32, #tpu.memory_space<vmem>> -> memref<80x16xf32, #tpu.memory_space<vmem>>
      %dma_wait3A_332 = tpu.memref_slice %arg10[%mul3A_328] : memref<10000xi32, #tpu.memory_space<vmem>> -> memref<80xi32, #tpu.memory_space<vmem>>
      %dma_wait3A_333 = arith.constant 0 : i32
      %dma_wait3A_334 = arith.constant 0 : i32
      %dma_wait3A_335 = tpu.memref_slice %arg4[%dma_wait3A_333, %dma_wait3A_334] : memref<10000x16xf32, #tpu.memory_space<hbm>> -> memref<10000x16xf32, #tpu.memory_space<hbm>>
      tpu.wait_indirect_dma semaphore(%arg20 : memref<!tpu.dma_semaphore, #tpu.memory_space<semaphore_mem>>) src(%dma_wait3A_335 : memref<10000x16xf32, #tpu.memory_space<hbm>>) dst(%dma_wait3A_331 : memref<80x16xf32, #tpu.memory_space<vmem>>)
      %ge3A_336 = arith.constant 1 : i32
      %ge3A_337 = arith.cmpi sge, %scan3A_250, %ge3A_336 : i32
      %convert_element_type3A_338 = arith.extui %ge3A_337 : i1 to i32
      %cond3A_339 = arith.constant 0 : i32
      %cond3A_340 = arith.cmpi ne, %convert_element_type3A_338, %cond3A_339 : i32
      scf.if %cond3A_340 {
        %mul3A_354 = arith.constant 80 : i32
        %mul3A_355 = arith.muli %add3A_313, %mul3A_354 : i32
        %dma_wait3A_356 = arith.constant 80 : i32
        %dma_wait3A_357 = arith.constant 0 : i32
        %dma_wait3A_358 = tpu.memref_slice %arg15[%dma_wait3A_356, %dma_wait3A_357] : memref<160x80xf32, #tpu.memory_space<vmem>> -> memref<80x80xf32, #tpu.memory_space<vmem>>
        %dma_wait3A_359 = tpu.memref_slice %arg11[%mul3A_355] : memref<10000xi32, #tpu.memory_space<vmem>> -> memref<80xi32, #tpu.memory_space<vmem>>
        %dma_wait3A_360 = arith.constant 0 : i32
        %dma_wait3A_361 = arith.constant 0 : i32
        %dma_wait3A_362 = tpu.memref_slice %arg18[%dma_wait3A_360, %dma_wait3A_361] : memref<10000x80xf32, #tpu.memory_space<vmem_shared>> -> memref<10000x80xf32, #tpu.memory_space<vmem_shared>>
        tpu.wait_indirect_dma semaphore(%arg22 : memref<!tpu.dma_semaphore, #tpu.memory_space<semaphore_mem>>) src(%dma_wait3A_358 : memref<80x80xf32, #tpu.memory_space<vmem>>) dst(%dma_wait3A_362 : memref<10000x80xf32, #tpu.memory_space<vmem_shared>>)
      } else {
      }
      %parallel_loop3A_341 = arith.constant 0 : i32
      %parallel_loop3A_342 = arith.constant 80 : i32
      %parallel_loop3A_343 = arith.constant 1 : i32
      scf.for %parallel_loop3A_354 = %parallel_loop3A_341 to %parallel_loop3A_342 step %parallel_loop3A_343  : i32 {
        %parallel_loop3A_355 = arith.constant 80 : i32
        %parallel_loop3A_356 = arith.addi %parallel_loop3A_355, %parallel_loop3A_354 : i32
        %parallel_loop3A_357 = arith.index_cast %parallel_loop3A_356 : i32 to index
        %parallel_loop3A_358 = arith.constant 64 : index
        %parallel_loop3A_359 = tpu.vector_load %arg14[%parallel_loop3A_357, %parallel_loop3A_358] {strides = array<i32>} : memref<160x80xf32, #tpu.memory_space<vmem>>, vector<1x16xf32>,
        %parallel_loop3A_360 = vector.shape_cast %parallel_loop3A_359 : vector<1x16xf32> to vector<16xf32>
        %parallel_loop3A_361 = arith.constant 80 : i32
        %parallel_loop3A_362 = arith.addi %parallel_loop3A_361, %parallel_loop3A_354 : i32
        %parallel_loop3A_363 = arith.index_cast %parallel_loop3A_362 : i32 to index
        %parallel_loop3A_364 = arith.constant 0 : index
        %parallel_loop3A_365 = tpu.vector_load %arg13[%parallel_loop3A_363, %parallel_loop3A_364] {strides = array<i32>} : memref<160x16xf32, #tpu.memory_space<vmem>>, vector<1x16xf32>,
        %parallel_loop3A_366 = vector.shape_cast %parallel_loop3A_365 : vector<1x16xf32> to vector<16xf32>
        %parallel_loop3A_367 = arith.constant 80 : i32
        %parallel_loop3A_368 = arith.muli %add3A_313, %parallel_loop3A_367 : i32
        %parallel_loop3A_369 = arith.addi %parallel_loop3A_368, %parallel_loop3A_354 : i32
        %parallel_loop3A_370 = arith.index_cast %parallel_loop3A_369 : i32 to index
        %parallel_loop3A_371 = tpu.vector_load %arg12[%parallel_loop3A_370] {strides = array<i32>} : memref<10016xf32, #tpu.memory_space<vmem>>, vector<16xf32>,
        %parallel_loop3A_372 = vector.shape_cast %parallel_loop3A_371 : vector<16xf32> to vector<16xf32>
        %parallel_loop3A_373 = arith.addf %parallel_loop3A_360, %parallel_loop3A_366 : vector<16xf32>
        %parallel_loop3A_374 = vector.extract_strided_slice %parallel_loop3A_372 {offsets = [0], sizes = [1], strides = [1]} : vector<16xf32> to vector<1xf32>
        %parallel_loop3A_375 = vector.extract %parallel_loop3A_374[0] : f32 from vector<1xf32>
        %parallel_loop3A_376 = vector.broadcast %parallel_loop3A_375 : f32 to vector<16xf32>
        %parallel_loop3A_377 = arith.mulf %parallel_loop3A_376, %get3A_7 : vector<16xf32>
        %parallel_loop3A_378 = arith.addf %parallel_loop3A_373, %parallel_loop3A_377 : vector<16xf32>
        %parallel_loop3A_379 = arith.constant 0.000000e+00 : f32
        %parallel_loop3A_380 = vector.broadcast %parallel_loop3A_379 : f32 to vector<16xf32>
        %parallel_loop3A_381 = arith.cmpf ogt, %parallel_loop3A_378, %parallel_loop3A_380 : vector<16xf32>
        %parallel_loop3A_382 = arith.constant 2.000000e-01 : f32
        %parallel_loop3A_383 = vector.broadcast %parallel_loop3A_382 : f32 to vector<16xf32>
        %parallel_loop3A_384 = arith.mulf %parallel_loop3A_383, %parallel_loop3A_378 : vector<16xf32>
        %parallel_loop3A_385 = arith.select %parallel_loop3A_381, %parallel_loop3A_378, %parallel_loop3A_384 : vector<16xi1>, vector<16xf32>
        %parallel_loop3A_386 = math.exp %parallel_loop3A_385 : vector<16xf32>
        %parallel_loop3A_387 = arith.constant 80 : i32
        %parallel_loop3A_388 = arith.addi %parallel_loop3A_387, %parallel_loop3A_354 : i32
        %parallel_loop3A_389 = arith.index_cast %parallel_loop3A_388 : i32 to index
        %parallel_loop3A_390 = arith.constant 64 : index
        %parallel_loop3A_391 = tpu.vector_load %arg15[%parallel_loop3A_389, %parallel_loop3A_390] {strides = array<i32>} : memref<160x80xf32, #tpu.memory_space<vmem>>, vector<1x16xf32>,
        %parallel_loop3A_392 = vector.shape_cast %parallel_loop3A_391 : vector<1x16xf32> to vector<16xf32>
        %parallel_loop3A_393 = vector.shape_cast %parallel_loop3A_386 : vector<16xf32> to vector<1x16xf32>
        tpu.vector_store %arg15[%parallel_loop3A_389, %parallel_loop3A_390], %parallel_loop3A_393 {strides = array<i32>} : memref<160x80xf32, #tpu.memory_space<vmem>>, vector<1x16xf32>,
        %parallel_loop3A_394 = arith.constant 80 : i32
        %parallel_loop3A_395 = arith.addi %parallel_loop3A_394, %parallel_loop3A_354 : i32
        %parallel_loop3A_396 = arith.index_cast %parallel_loop3A_395 : i32 to index
        %parallel_loop3A_397 = arith.constant 0 : index
        %parallel_loop3A_398 = tpu.vector_load %arg14[%parallel_loop3A_396, %parallel_loop3A_397] {strides = array<i32>} : memref<160x80xf32, #tpu.memory_space<vmem>>, vector<1x16xf32>,
        %parallel_loop3A_399 = vector.shape_cast %parallel_loop3A_398 : vector<1x16xf32> to vector<16xf32>
        %parallel_loop3A_400 = vector.extract_strided_slice %parallel_loop3A_386 {offsets = [0], sizes = [1], strides = [1]} : vector<16xf32> to vector<1xf32>
        %parallel_loop3A_401 = vector.extract %parallel_loop3A_400[0] : f32 from vector<1xf32>
        %parallel_loop3A_402 = vector.broadcast %parallel_loop3A_401 : f32 to vector<16xf32>
        %parallel_loop3A_403 = arith.mulf %parallel_loop3A_399, %parallel_loop3A_402 : vector<16xf32>
        %parallel_loop3A_404 = arith.constant 80 : i32
        %parallel_loop3A_405 = arith.addi %parallel_loop3A_404, %parallel_loop3A_354 : i32
        %parallel_loop3A_406 = arith.index_cast %parallel_loop3A_405 : i32 to index
        %parallel_loop3A_407 = arith.constant 0 : index
        %parallel_loop3A_408 = tpu.vector_load %arg15[%parallel_loop3A_406, %parallel_loop3A_407] {strides = array<i32>} : memref<160x80xf32, #tpu.memory_space<vmem>>, vector<1x16xf32>,
        %parallel_loop3A_409 = vector.shape_cast %parallel_loop3A_408 : vector<1x16xf32> to vector<16xf32>
        %parallel_loop3A_410 = vector.shape_cast %parallel_loop3A_403 : vector<16xf32> to vector<1x16xf32>
        tpu.vector_store %arg15[%parallel_loop3A_406, %parallel_loop3A_407], %parallel_loop3A_410 {strides = array<i32>} : memref<160x80xf32, #tpu.memory_space<vmem>>, vector<1x16xf32>,
        %parallel_loop3A_411 = arith.constant 80 : i32
        %parallel_loop3A_412 = arith.addi %parallel_loop3A_411, %parallel_loop3A_354 : i32
        %parallel_loop3A_413 = arith.index_cast %parallel_loop3A_412 : i32 to index
        %parallel_loop3A_414 = arith.constant 16 : index
        %parallel_loop3A_415 = tpu.vector_load %arg14[%parallel_loop3A_413, %parallel_loop3A_414] {strides = array<i32>} : memref<160x80xf32, #tpu.memory_space<vmem>>, vector<1x16xf32>,
        %parallel_loop3A_416 = vector.shape_cast %parallel_loop3A_415 : vector<1x16xf32> to vector<16xf32>
        %parallel_loop3A_417 = vector.extract_strided_slice %parallel_loop3A_386 {offsets = [1], sizes = [1], strides = [1]} : vector<16xf32> to vector<1xf32>
        %parallel_loop3A_418 = vector.extract %parallel_loop3A_417[0] : f32 from vector<1xf32>
        %parallel_loop3A_419 = vector.broadcast %parallel_loop3A_418 : f32 to vector<16xf32>
        %parallel_loop3A_420 = arith.mulf %parallel_loop3A_416, %parallel_loop3A_419 : vector<16xf32>
        %parallel_loop3A_421 = arith.constant 80 : i32
        %parallel_loop3A_422 = arith.addi %parallel_loop3A_421, %parallel_loop3A_354 : i32
        %parallel_loop3A_423 = arith.index_cast %parallel_loop3A_422 : i32 to index
        %parallel_loop3A_424 = arith.constant 16 : index
        %parallel_loop3A_425 = tpu.vector_load %arg15[%parallel_loop3A_423, %parallel_loop3A_424] {strides = array<i32>} : memref<160x80xf32, #tpu.memory_space<vmem>>, vector<1x16xf32>,
        %parallel_loop3A_426 = vector.shape_cast %parallel_loop3A_425 : vector<1x16xf32> to vector<16xf32>
        %parallel_loop3A_427 = vector.shape_cast %parallel_loop3A_420 : vector<16xf32> to vector<1x16xf32>
        tpu.vector_store %arg15[%parallel_loop3A_423, %parallel_loop3A_424], %parallel_loop3A_427 {strides = array<i32>} : memref<160x80xf32, #tpu.memory_space<vmem>>, vector<1x16xf32>,
        %parallel_loop3A_428 = arith.constant 80 : i32
        %parallel_loop3A_429 = arith.addi %parallel_loop3A_428, %parallel_loop3A_354 : i32
        %parallel_loop3A_430 = arith.index_cast %parallel_loop3A_429 : i32 to index
        %parallel_loop3A_431 = arith.constant 32 : index
        %parallel_loop3A_432 = tpu.vector_load %arg14[%parallel_loop3A_430, %parallel_loop3A_431] {strides = array<i32>} : memref<160x80xf32, #tpu.memory_space<vmem>>, vector<1x16xf32>,
        %parallel_loop3A_433 = vector.shape_cast %parallel_loop3A_432 : vector<1x16xf32> to vector<16xf32>
        %parallel_loop3A_434 = vector.extract_strided_slice %parallel_loop3A_386 {offsets = [2], sizes = [1], strides = [1]} : vector<16xf32> to vector<1xf32>
        %parallel_loop3A_435 = vector.extract %parallel_loop3A_434[0] : f32 from vector<1xf32>
        %parallel_loop3A_436 = vector.broadcast %parallel_loop3A_435 : f32 to vector<16xf32>
        %parallel_loop3A_437 = arith.mulf %parallel_loop3A_433, %parallel_loop3A_436 : vector<16xf32>
        %parallel_loop3A_438 = arith.constant 80 : i32
        %parallel_loop3A_439 = arith.addi %parallel_loop3A_438, %parallel_loop3A_354 : i32
        %parallel_loop3A_440 = arith.index_cast %parallel_loop3A_439 : i32 to index
        %parallel_loop3A_441 = arith.constant 32 : index
        %parallel_loop3A_442 = tpu.vector_load %arg15[%parallel_loop3A_440, %parallel_loop3A_441] {strides = array<i32>} : memref<160x80xf32, #tpu.memory_space<vmem>>, vector<1x16xf32>,
        %parallel_loop3A_443 = vector.shape_cast %parallel_loop3A_442 : vector<1x16xf32> to vector<16xf32>
        %parallel_loop3A_444 = vector.shape_cast %parallel_loop3A_437 : vector<16xf32> to vector<1x16xf32>
        tpu.vector_store %arg15[%parallel_loop3A_440, %parallel_loop3A_441], %parallel_loop3A_444 {strides = array<i32>} : memref<160x80xf32, #tpu.memory_space<vmem>>, vector<1x16xf32>,
        %parallel_loop3A_445 = arith.constant 80 : i32
        %parallel_loop3A_446 = arith.addi %parallel_loop3A_445, %parallel_loop3A_354 : i32
        %parallel_loop3A_447 = arith.index_cast %parallel_loop3A_446 : i32 to index
        %parallel_loop3A_448 = arith.constant 48 : index
        %parallel_loop3A_449 = tpu.vector_load %arg14[%parallel_loop3A_447, %parallel_loop3A_448] {strides = array<i32>} : memref<160x80xf32, #tpu.memory_space<vmem>>, vector<1x16xf32>,
        %parallel_loop3A_450 = vector.shape_cast %parallel_loop3A_449 : vector<1x16xf32> to vector<16xf32>
        %parallel_loop3A_451 = vector.extract_strided_slice %parallel_loop3A_386 {offsets = [3], sizes = [1], strides = [1]} : vector<16xf32> to vector<1xf32>
        %parallel_loop3A_452 = vector.extract %parallel_loop3A_451[0] : f32 from vector<1xf32>
        %parallel_loop3A_453 = vector.broadcast %parallel_loop3A_452 : f32 to vector<16xf32>
        %parallel_loop3A_454 = arith.mulf %parallel_loop3A_450, %parallel_loop3A_453 : vector<16xf32>
        %parallel_loop3A_455 = arith.constant 80 : i32
        %parallel_loop3A_456 = arith.addi %parallel_loop3A_455, %parallel_loop3A_354 : i32
        %parallel_loop3A_457 = arith.index_cast %parallel_loop3A_456 : i32 to index
        %parallel_loop3A_458 = arith.constant 48 : index
        %parallel_loop3A_459 = tpu.vector_load %arg15[%parallel_loop3A_457, %parallel_loop3A_458] {strides = array<i32>} : memref<160x80xf32, #tpu.memory_space<vmem>>, vector<1x16xf32>,
        %parallel_loop3A_460 = vector.shape_cast %parallel_loop3A_459 : vector<1x16xf32> to vector<16xf32>
        %parallel_loop3A_461 = vector.shape_cast %parallel_loop3A_454 : vector<16xf32> to vector<1x16xf32>
        tpu.vector_store %arg15[%parallel_loop3A_457, %parallel_loop3A_458], %parallel_loop3A_461 {strides = array<i32>} : memref<160x80xf32, #tpu.memory_space<vmem>>, vector<1x16xf32>,
      } {sc.loop_unroll_factor = 8 : i64, sc.parallel_access}
      %mul3A_344 = arith.constant 80 : i32
      %mul3A_345 = arith.muli %add3A_313, %mul3A_344 : i32
      %dma_start3A_346 = arith.constant 80 : i32
      %dma_start3A_347 = arith.constant 0 : i32
      %dma_start3A_348 = tpu.memref_slice %arg15[%dma_start3A_346, %dma_start3A_347] : memref<160x80xf32, #tpu.memory_space<vmem>> -> memref<80x80xf32, #tpu.memory_space<vmem>>
      %dma_start3A_349 = tpu.memref_slice %arg11[%mul3A_345] : memref<10000xi32, #tpu.memory_space<vmem>> -> memref<80xi32, #tpu.memory_space<vmem>>
      %dma_start3A_350 = arith.constant 0 : i32
      %dma_start3A_351 = arith.constant 0 : i32
      %dma_start3A_352 = tpu.memref_slice %arg18[%dma_start3A_350, %dma_start3A_351] : memref<10000x80xf32, #tpu.memory_space<vmem_shared>> -> memref<10000x80xf32, #tpu.memory_space<vmem_shared>>
      tpu.enqueue_indirect_dma source(%dma_start3A_348 : memref<80x80xf32, #tpu.memory_space<vmem>>) target(%dma_start3A_352 : memref<10000x80xf32, #tpu.memory_space<vmem_shared>>) offsets(%dma_start3A_349 : memref<80xi32, #tpu.memory_space<vmem>>) semaphore(%arg22 : memref<!tpu.dma_semaphore, #tpu.memory_space<semaphore_mem>>) {add = true}
      %scan3A_353 = arith.constant 0 : i32
      scf.yield %scan3A_353 : i32
    }
    %scan3A_50 = arith.constant 62 : i32
    %dma_start3A_51 = arith.constant 0 : i32
    %dma_start3A_52 = arith.constant 0 : i32
    %dma_start3A_53 = tpu.memref_slice %arg14[%dma_start3A_51, %dma_start3A_52] : memref<160x80xf32, #tpu.memory_space<vmem>> -> memref<80x80xf32, #tpu.memory_space<vmem>>
    %dma_start3A_54 = arith.constant 9920 : i32
    %dma_start3A_55 = tpu.memref_slice %arg10[%dma_start3A_54] : memref<10000xi32, #tpu.memory_space<vmem>> -> memref<80xi32, #tpu.memory_space<vmem>>
    %dma_start3A_56 = arith.constant 0 : i32
    %dma_start3A_57 = arith.constant 0 : i32
    %dma_start3A_58 = tpu.memref_slice %arg2[%dma_start3A_56, %dma_start3A_57] : memref<10000x80xf32, #tpu.memory_space<hbm>> -> memref<10000x80xf32, #tpu.memory_space<hbm>>
    tpu.enqueue_indirect_dma source(%dma_start3A_58 : memref<10000x80xf32, #tpu.memory_space<hbm>>) target(%dma_start3A_53 : memref<80x80xf32, #tpu.memory_space<vmem>>) offsets(%dma_start3A_55 : memref<80xi32, #tpu.memory_space<vmem>>) semaphore(%arg19 : memref<!tpu.dma_semaphore, #tpu.memory_space<semaphore_mem>>)
    %dma_start3A_59 = arith.constant 0 : i32
    %dma_start3A_60 = arith.constant 0 : i32
    %dma_start3A_61 = tpu.memref_slice %arg13[%dma_start3A_59, %dma_start3A_60] : memref<160x16xf32, #tpu.memory_space<vmem>> -> memref<80x16xf32, #tpu.memory_space<vmem>>
    %dma_start3A_62 = arith.constant 9920 : i32
    %dma_start3A_63 = tpu.memref_slice %arg11[%dma_start3A_62] : memref<10000xi32, #tpu.memory_space<vmem>> -> memref<80xi32, #tpu.memory_space<vmem>>
    %dma_start3A_64 = arith.constant 0 : i32
    %dma_start3A_65 = arith.constant 0 : i32
    %dma_start3A_66 = tpu.memref_slice %arg4[%dma_start3A_64, %dma_start3A_65] : memref<10000x16xf32, #tpu.memory_space<hbm>> -> memref<10000x16xf32, #tpu.memory_space<hbm>>
    tpu.enqueue_indirect_dma source(%dma_start3A_66 : memref<10000x16xf32, #tpu.memory_space<hbm>>) target(%dma_start3A_61 : memref<80x16xf32, #tpu.memory_space<vmem>>) offsets(%dma_start3A_63 : memref<80xi32, #tpu.memory_space<vmem>>) semaphore(%arg19 : memref<!tpu.dma_semaphore, #tpu.memory_space<semaphore_mem>>)
    %dma_wait3A = arith.constant 0 : i32
    %dma_wait3A_67 = arith.constant 0 : i32
    %dma_wait3A_68 = tpu.memref_slice %arg15[%dma_wait3A, %dma_wait3A_67] : memref<160x80xf32, #tpu.memory_space<vmem>> -> memref<80x80xf32, #tpu.memory_space<vmem>>
    %dma_wait3A_69 = arith.constant 9920 : i32
    %dma_wait3A_70 = tpu.memref_slice %arg11[%dma_wait3A_69] : memref<10000xi32, #tpu.memory_space<vmem>> -> memref<80xi32, #tpu.memory_space<vmem>>
    %dma_wait3A_71 = arith.constant 0 : i32
    %dma_wait3A_72 = arith.constant 0 : i32
    %dma_wait3A_73 = tpu.memref_slice %arg18[%dma_wait3A_71, %dma_wait3A_72] : memref<10000x80xf32, #tpu.memory_space<vmem_shared>> -> memref<10000x80xf32, #tpu.memory_space<vmem_shared>>
    tpu.wait_indirect_dma semaphore(%arg21 : memref<!tpu.dma_semaphore, #tpu.memory_space<semaphore_mem>>) src(%dma_wait3A_68 : memref<80x80xf32, #tpu.memory_space<vmem>>) dst(%dma_wait3A_73 : memref<10000x80xf32, #tpu.memory_space<vmem_shared>>)
    %dma_wait3A_74 = arith.constant 0 : i32
    %dma_wait3A_75 = arith.constant 0 : i32
    %dma_wait3A_76 = tpu.memref_slice %arg14[%dma_wait3A_74, %dma_wait3A_75] : memref<160x80xf32, #tpu.memory_space<vmem>> -> memref<80x80xf32, #tpu.memory_space<vmem>>
    %dma_wait3A_77 = arith.constant 9920 : i32
    %dma_wait3A_78 = tpu.memref_slice %arg10[%dma_wait3A_77] : memref<10000xi32, #tpu.memory_space<vmem>> -> memref<80xi32, #tpu.memory_space<vmem>>
    %dma_wait3A_79 = arith.constant 0 : i32
    %dma_wait3A_80 = arith.constant 0 : i32
    %dma_wait3A_81 = tpu.memref_slice %arg2[%dma_wait3A_79, %dma_wait3A_80] : memref<10000x80xf32, #tpu.memory_space<hbm>> -> memref<10000x80xf32, #tpu.memory_space<hbm>>
    tpu.wait_indirect_dma semaphore(%arg19 : memref<!tpu.dma_semaphore, #tpu.memory_space<semaphore_mem>>) src(%dma_wait3A_81 : memref<10000x80xf32, #tpu.memory_space<hbm>>) dst(%dma_wait3A_76 : memref<80x80xf32, #tpu.memory_space<vmem>>)
    %dma_wait3A_82 = arith.constant 0 : i32
    %dma_wait3A_83 = arith.constant 0 : i32
    %dma_wait3A_84 = tpu.memref_slice %arg13[%dma_wait3A_82, %dma_wait3A_83] : memref<160x16xf32, #tpu.memory_space<vmem>> -> memref<80x16xf32, #tpu.memory_space<vmem>>
    %dma_wait3A_85 = arith.constant 9920 : i32
    %dma_wait3A_86 = tpu.memref_slice %arg10[%dma_wait3A_85] : memref<10000xi32, #tpu.memory_space<vmem>> -> memref<80xi32, #tpu.memory_space<vmem>>
    %dma_wait3A_87 = arith.constant 0 : i32
    %dma_wait3A_88 = arith.constant 0 : i32
    %dma_wait3A_89 = tpu.memref_slice %arg4[%dma_wait3A_87, %dma_wait3A_88] : memref<10000x16xf32, #tpu.memory_space<hbm>> -> memref<10000x16xf32, #tpu.memory_space<hbm>>
    tpu.wait_indirect_dma semaphore(%arg19 : memref<!tpu.dma_semaphore, #tpu.memory_space<semaphore_mem>>) src(%dma_wait3A_89 : memref<10000x16xf32, #tpu.memory_space<hbm>>) dst(%dma_wait3A_84 : memref<80x16xf32, #tpu.memory_space<vmem>>)
    %parallel_loop3A = arith.constant 0 : i32
    %parallel_loop3A_90 = arith.constant 80 : i32
    %parallel_loop3A_91 = arith.constant 1 : i32
    scf.for %parallel_loop3A_250 = %parallel_loop3A to %parallel_loop3A_90 step %parallel_loop3A_91  : i32 {
      %parallel_loop3A_251 = arith.constant 0 : i32
      %parallel_loop3A_252 = arith.addi %parallel_loop3A_251, %parallel_loop3A_250 : i32
      %parallel_loop3A_253 = arith.index_cast %parallel_loop3A_252 : i32 to index
      %parallel_loop3A_254 = arith.constant 64 : index
      %parallel_loop3A_255 = tpu.vector_load %arg14[%parallel_loop3A_253, %parallel_loop3A_254] {strides = array<i32>} : memref<160x80xf32, #tpu.memory_space<vmem>>, vector<1x16xf32>,
      %parallel_loop3A_256 = vector.shape_cast %parallel_loop3A_255 : vector<1x16xf32> to vector<16xf32>
      %parallel_loop3A_257 = arith.constant 0 : i32
      %parallel_loop3A_258 = arith.addi %parallel_loop3A_257, %parallel_loop3A_250 : i32
      %parallel_loop3A_259 = arith.index_cast %parallel_loop3A_258 : i32 to index
      %parallel_loop3A_260 = arith.constant 0 : index
      %parallel_loop3A_261 = tpu.vector_load %arg13[%parallel_loop3A_259, %parallel_loop3A_260] {strides = array<i32>} : memref<160x16xf32, #tpu.memory_space<vmem>>, vector<1x16xf32>,
      %parallel_loop3A_262 = vector.shape_cast %parallel_loop3A_261 : vector<1x16xf32> to vector<16xf32>
      %parallel_loop3A_263 = arith.constant 9920 : i32
      %parallel_loop3A_264 = arith.addi %parallel_loop3A_263, %parallel_loop3A_250 : i32
      %parallel_loop3A_265 = arith.index_cast %parallel_loop3A_264 : i32 to index
      %parallel_loop3A_266 = tpu.vector_load %arg12[%parallel_loop3A_265] {strides = array<i32>} : memref<10016xf32, #tpu.memory_space<vmem>>, vector<16xf32>,
      %parallel_loop3A_267 = vector.shape_cast %parallel_loop3A_266 : vector<16xf32> to vector<16xf32>
      %parallel_loop3A_268 = arith.addf %parallel_loop3A_256, %parallel_loop3A_262 : vector<16xf32>
      %parallel_loop3A_269 = vector.extract_strided_slice %parallel_loop3A_267 {offsets = [0], sizes = [1], strides = [1]} : vector<16xf32> to vector<1xf32>
      %parallel_loop3A_270 = vector.extract %parallel_loop3A_269[0] : f32 from vector<1xf32>
      %parallel_loop3A_271 = vector.broadcast %parallel_loop3A_270 : f32 to vector<16xf32>
      %parallel_loop3A_272 = arith.mulf %parallel_loop3A_271, %get3A_7 : vector<16xf32>
      %parallel_loop3A_273 = arith.addf %parallel_loop3A_268, %parallel_loop3A_272 : vector<16xf32>
      %parallel_loop3A_274 = arith.constant 0.000000e+00 : f32
      %parallel_loop3A_275 = vector.broadcast %parallel_loop3A_274 : f32 to vector<16xf32>
      %parallel_loop3A_276 = arith.cmpf ogt, %parallel_loop3A_273, %parallel_loop3A_275 : vector<16xf32>
      %parallel_loop3A_277 = arith.constant 2.000000e-01 : f32
      %parallel_loop3A_278 = vector.broadcast %parallel_loop3A_277 : f32 to vector<16xf32>
      %parallel_loop3A_279 = arith.mulf %parallel_loop3A_278, %parallel_loop3A_273 : vector<16xf32>
      %parallel_loop3A_280 = arith.select %parallel_loop3A_276, %parallel_loop3A_273, %parallel_loop3A_279 : vector<16xi1>, vector<16xf32>
      %parallel_loop3A_281 = math.exp %parallel_loop3A_280 : vector<16xf32>
      %parallel_loop3A_282 = arith.constant 0 : i32
      %parallel_loop3A_283 = arith.addi %parallel_loop3A_282, %parallel_loop3A_250 : i32
      %parallel_loop3A_284 = arith.index_cast %parallel_loop3A_283 : i32 to index
      %parallel_loop3A_285 = arith.constant 64 : index
      %parallel_loop3A_286 = tpu.vector_load %arg15[%parallel_loop3A_284, %parallel_loop3A_285] {strides = array<i32>} : memref<160x80xf32, #tpu.memory_space<vmem>>, vector<1x16xf32>,
      %parallel_loop3A_287 = vector.shape_cast %parallel_loop3A_286 : vector<1x16xf32> to vector<16xf32>
      %parallel_loop3A_288 = vector.shape_cast %parallel_loop3A_281 : vector<16xf32> to vector<1x16xf32>
      tpu.vector_store %arg15[%parallel_loop3A_284, %parallel_loop3A_285], %parallel_loop3A_288 {strides = array<i32>} : memref<160x80xf32, #tpu.memory_space<vmem>>, vector<1x16xf32>,
      %parallel_loop3A_289 = arith.constant 0 : i32
      %parallel_loop3A_290 = arith.addi %parallel_loop3A_289, %parallel_loop3A_250 : i32
      %parallel_loop3A_291 = arith.index_cast %parallel_loop3A_290 : i32 to index
      %parallel_loop3A_292 = arith.constant 0 : index
      %parallel_loop3A_293 = tpu.vector_load %arg14[%parallel_loop3A_291, %parallel_loop3A_292] {strides = array<i32>} : memref<160x80xf32, #tpu.memory_space<vmem>>, vector<1x16xf32>,
      %parallel_loop3A_294 = vector.shape_cast %parallel_loop3A_293 : vector<1x16xf32> to vector<16xf32>
      %parallel_loop3A_295 = vector.extract_strided_slice %parallel_loop3A_281 {offsets = [0], sizes = [1], strides = [1]} : vector<16xf32> to vector<1xf32>
      %parallel_loop3A_296 = vector.extract %parallel_loop3A_295[0] : f32 from vector<1xf32>
      %parallel_loop3A_297 = vector.broadcast %parallel_loop3A_296 : f32 to vector<16xf32>
      %parallel_loop3A_298 = arith.mulf %parallel_loop3A_294, %parallel_loop3A_297 : vector<16xf32>
      %parallel_loop3A_299 = arith.constant 0 : i32
      %parallel_loop3A_300 = arith.addi %parallel_loop3A_299, %parallel_loop3A_250 : i32
      %parallel_loop3A_301 = arith.index_cast %parallel_loop3A_300 : i32 to index
      %parallel_loop3A_302 = arith.constant 0 : index
      %parallel_loop3A_303 = tpu.vector_load %arg15[%parallel_loop3A_301, %parallel_loop3A_302] {strides = array<i32>} : memref<160x80xf32, #tpu.memory_space<vmem>>, vector<1x16xf32>,
      %parallel_loop3A_304 = vector.shape_cast %parallel_loop3A_303 : vector<1x16xf32> to vector<16xf32>
      %parallel_loop3A_305 = vector.shape_cast %parallel_loop3A_298 : vector<16xf32> to vector<1x16xf32>
      tpu.vector_store %arg15[%parallel_loop3A_301, %parallel_loop3A_302], %parallel_loop3A_305 {strides = array<i32>} : memref<160x80xf32, #tpu.memory_space<vmem>>, vector<1x16xf32>,
      %parallel_loop3A_306 = arith.constant 0 : i32
      %parallel_loop3A_307 = arith.addi %parallel_loop3A_306, %parallel_loop3A_250 : i32
      %parallel_loop3A_308 = arith.index_cast %parallel_loop3A_307 : i32 to index
      %parallel_loop3A_309 = arith.constant 16 : index
      %parallel_loop3A_310 = tpu.vector_load %arg14[%parallel_loop3A_308, %parallel_loop3A_309] {strides = array<i32>} : memref<160x80xf32, #tpu.memory_space<vmem>>, vector<1x16xf32>,
      %parallel_loop3A_311 = vector.shape_cast %parallel_loop3A_310 : vector<1x16xf32> to vector<16xf32>
      %parallel_loop3A_312 = vector.extract_strided_slice %parallel_loop3A_281 {offsets = [1], sizes = [1], strides = [1]} : vector<16xf32> to vector<1xf32>
      %parallel_loop3A_313 = vector.extract %parallel_loop3A_312[0] : f32 from vector<1xf32>
      %parallel_loop3A_314 = vector.broadcast %parallel_loop3A_313 : f32 to vector<16xf32>
      %parallel_loop3A_315 = arith.mulf %parallel_loop3A_311, %parallel_loop3A_314 : vector<16xf32>
      %parallel_loop3A_316 = arith.constant 0 : i32
      %parallel_loop3A_317 = arith.addi %parallel_loop3A_316, %parallel_loop3A_250 : i32
      %parallel_loop3A_318 = arith.index_cast %parallel_loop3A_317 : i32 to index
      %parallel_loop3A_319 = arith.constant 16 : index
      %parallel_loop3A_320 = tpu.vector_load %arg15[%parallel_loop3A_318, %parallel_loop3A_319] {strides = array<i32>} : memref<160x80xf32, #tpu.memory_space<vmem>>, vector<1x16xf32>,
      %parallel_loop3A_321 = vector.shape_cast %parallel_loop3A_320 : vector<1x16xf32> to vector<16xf32>
      %parallel_loop3A_322 = vector.shape_cast %parallel_loop3A_315 : vector<16xf32> to vector<1x16xf32>
      tpu.vector_store %arg15[%parallel_loop3A_318, %parallel_loop3A_319], %parallel_loop3A_322 {strides = array<i32>} : memref<160x80xf32, #tpu.memory_space<vmem>>, vector<1x16xf32>,
      %parallel_loop3A_323 = arith.constant 0 : i32
      %parallel_loop3A_324 = arith.addi %parallel_loop3A_323, %parallel_loop3A_250 : i32
      %parallel_loop3A_325 = arith.index_cast %parallel_loop3A_324 : i32 to index
      %parallel_loop3A_326 = arith.constant 32 : index
      %parallel_loop3A_327 = tpu.vector_load %arg14[%parallel_loop3A_325, %parallel_loop3A_326] {strides = array<i32>} : memref<160x80xf32, #tpu.memory_space<vmem>>, vector<1x16xf32>,
      %parallel_loop3A_328 = vector.shape_cast %parallel_loop3A_327 : vector<1x16xf32> to vector<16xf32>
      %parallel_loop3A_329 = vector.extract_strided_slice %parallel_loop3A_281 {offsets = [2], sizes = [1], strides = [1]} : vector<16xf32> to vector<1xf32>
      %parallel_loop3A_330 = vector.extract %parallel_loop3A_329[0] : f32 from vector<1xf32>
      %parallel_loop3A_331 = vector.broadcast %parallel_loop3A_330 : f32 to vector<16xf32>
      %parallel_loop3A_332 = arith.mulf %parallel_loop3A_328, %parallel_loop3A_331 : vector<16xf32>
      %parallel_loop3A_333 = arith.constant 0 : i32
      %parallel_loop3A_334 = arith.addi %parallel_loop3A_333, %parallel_loop3A_250 : i32
      %parallel_loop3A_335 = arith.index_cast %parallel_loop3A_334 : i32 to index
      %parallel_loop3A_336 = arith.constant 32 : index
      %parallel_loop3A_337 = tpu.vector_load %arg15[%parallel_loop3A_335, %parallel_loop3A_336] {strides = array<i32>} : memref<160x80xf32, #tpu.memory_space<vmem>>, vector<1x16xf32>,
      %parallel_loop3A_338 = vector.shape_cast %parallel_loop3A_337 : vector<1x16xf32> to vector<16xf32>
      %parallel_loop3A_339 = vector.shape_cast %parallel_loop3A_332 : vector<16xf32> to vector<1x16xf32>
      tpu.vector_store %arg15[%parallel_loop3A_335, %parallel_loop3A_336], %parallel_loop3A_339 {strides = array<i32>} : memref<160x80xf32, #tpu.memory_space<vmem>>, vector<1x16xf32>,
      %parallel_loop3A_340 = arith.constant 0 : i32
      %parallel_loop3A_341 = arith.addi %parallel_loop3A_340, %parallel_loop3A_250 : i32
      %parallel_loop3A_342 = arith.index_cast %parallel_loop3A_341 : i32 to index
      %parallel_loop3A_343 = arith.constant 48 : index
      %parallel_loop3A_344 = tpu.vector_load %arg14[%parallel_loop3A_342, %parallel_loop3A_343] {strides = array<i32>} : memref<160x80xf32, #tpu.memory_space<vmem>>, vector<1x16xf32>,
      %parallel_loop3A_345 = vector.shape_cast %parallel_loop3A_344 : vector<1x16xf32> to vector<16xf32>
      %parallel_loop3A_346 = vector.extract_strided_slice %parallel_loop3A_281 {offsets = [3], sizes = [1], strides = [1]} : vector<16xf32> to vector<1xf32>
      %parallel_loop3A_347 = vector.extract %parallel_loop3A_346[0] : f32 from vector<1xf32>
      %parallel_loop3A_348 = vector.broadcast %parallel_loop3A_347 : f32 to vector<16xf32>
      %parallel_loop3A_349 = arith.mulf %parallel_loop3A_345, %parallel_loop3A_348 : vector<16xf32>
      %parallel_loop3A_350 = arith.constant 0 : i32
      %parallel_loop3A_351 = arith.addi %parallel_loop3A_350, %parallel_loop3A_250 : i32
      %parallel_loop3A_352 = arith.index_cast %parallel_loop3A_351 : i32 to index
      %parallel_loop3A_353 = arith.constant 48 : index
      %parallel_loop3A_354 = tpu.vector_load %arg15[%parallel_loop3A_352, %parallel_loop3A_353] {strides = array<i32>} : memref<160x80xf32, #tpu.memory_space<vmem>>, vector<1x16xf32>,
      %parallel_loop3A_355 = vector.shape_cast %parallel_loop3A_354 : vector<1x16xf32> to vector<16xf32>
      %parallel_loop3A_356 = vector.shape_cast %parallel_loop3A_349 : vector<16xf32> to vector<1x16xf32>
      tpu.vector_store %arg15[%parallel_loop3A_352, %parallel_loop3A_353], %parallel_loop3A_356 {strides = array<i32>} : memref<160x80xf32, #tpu.memory_space<vmem>>, vector<1x16xf32>,
    } {sc.loop_unroll_factor = 8 : i64, sc.parallel_access}
    %dma_start3A_92 = arith.constant 0 : i32
    %dma_start3A_93 = arith.constant 0 : i32
    %dma_start3A_94 = tpu.memref_slice %arg15[%dma_start3A_92, %dma_start3A_93] : memref<160x80xf32, #tpu.memory_space<vmem>> -> memref<80x80xf32, #tpu.memory_space<vmem>>
    %dma_start3A_95 = arith.constant 9920 : i32
    %dma_start3A_96 = tpu.memref_slice %arg11[%dma_start3A_95] : memref<10000xi32, #tpu.memory_space<vmem>> -> memref<80xi32, #tpu.memory_space<vmem>>
    %dma_start3A_97 = arith.constant 0 : i32
    %dma_start3A_98 = arith.constant 0 : i32
    %dma_start3A_99 = tpu.memref_slice %arg18[%dma_start3A_97, %dma_start3A_98] : memref<10000x80xf32, #tpu.memory_space<vmem_shared>> -> memref<10000x80xf32, #tpu.memory_space<vmem_shared>>
    tpu.enqueue_indirect_dma source(%dma_start3A_94 : memref<80x80xf32, #tpu.memory_space<vmem>>) target(%dma_start3A_99 : memref<10000x80xf32, #tpu.memory_space<vmem_shared>>) offsets(%dma_start3A_96 : memref<80xi32, #tpu.memory_space<vmem>>) semaphore(%arg21 : memref<!tpu.dma_semaphore, #tpu.memory_space<semaphore_mem>>) {add = true}
    %dma_wait3A_100 = arith.constant 80 : i32
    %dma_wait3A_101 = arith.constant 0 : i32
    %dma_wait3A_102 = tpu.memref_slice %arg15[%dma_wait3A_100, %dma_wait3A_101] : memref<160x80xf32, #tpu.memory_space<vmem>> -> memref<80x80xf32, #tpu.memory_space<vmem>>
    %dma_wait3A_103 = arith.constant 0 : i32
    %dma_wait3A_104 = tpu.memref_slice %arg11[%dma_wait3A_103] : memref<10000xi32, #tpu.memory_space<vmem>> -> memref<80xi32, #tpu.memory_space<vmem>>
    %dma_wait3A_105 = arith.constant 0 : i32
    %dma_wait3A_106 = arith.constant 0 : i32
    %dma_wait3A_107 = tpu.memref_slice %arg18[%dma_wait3A_105, %dma_wait3A_106] : memref<10000x80xf32, #tpu.memory_space<vmem_shared>> -> memref<10000x80xf32, #tpu.memory_space<vmem_shared>>
    tpu.wait_indirect_dma semaphore(%arg22 : memref<!tpu.dma_semaphore, #tpu.memory_space<semaphore_mem>>) src(%dma_wait3A_102 : memref<80x80xf32, #tpu.memory_space<vmem>>) dst(%dma_wait3A_107 : memref<10000x80xf32, #tpu.memory_space<vmem_shared>>)
    %dma_wait3A_108 = arith.constant 0 : i32
    %dma_wait3A_109 = arith.constant 0 : i32
    %dma_wait3A_110 = tpu.memref_slice %arg15[%dma_wait3A_108, %dma_wait3A_109] : memref<160x80xf32, #tpu.memory_space<vmem>> -> memref<80x80xf32, #tpu.memory_space<vmem>>
    %dma_wait3A_111 = arith.constant 0 : i32
    %dma_wait3A_112 = tpu.memref_slice %arg11[%dma_wait3A_111] : memref<10000xi32, #tpu.memory_space<vmem>> -> memref<80xi32, #tpu.memory_space<vmem>>
    %dma_wait3A_113 = arith.constant 0 : i32
    %dma_wait3A_114 = arith.constant 0 : i32
    %dma_wait3A_115 = tpu.memref_slice %arg18[%dma_wait3A_113, %dma_wait3A_114] : memref<10000x80xf32, #tpu.memory_space<vmem_shared>> -> memref<10000x80xf32, #tpu.memory_space<vmem_shared>>
    tpu.wait_indirect_dma semaphore(%arg21 : memref<!tpu.dma_semaphore, #tpu.memory_space<semaphore_mem>>) src(%dma_wait3A_110 : memref<80x80xf32, #tpu.memory_space<vmem>>) dst(%dma_wait3A_115 : memref<10000x80xf32, #tpu.memory_space<vmem_shared>>)
    %barrier3A_116 = arith.constant 0 : index
    tpu.barrier barrier_id(%barrier3A_116)
    %mul3A_117 = arith.constant 10000 : i32
    %mul3A_118 = arith.muli %arg0, %mul3A_117 : i32
    %mul3A_119 = arith.constant 624 : i32
    %mul3A_120 = arith.muli %arg1, %mul3A_119 : i32
    %add3A_121 = arith.addi %mul3A_118, %mul3A_120 : i32
    %mul3A_122 = arith.constant 624 : i32
    %mul3A_123 = arith.muli %arg1, %mul3A_122 : i32
    "tpu.region"() ({
      %run_scoped3A_250 = tpu.sem_alloc : memref<!tpu.dma_semaphore, #tpu.memory_space<semaphore_mem>>
      %dma_start3A_251 = arith.constant 0 : i32
      %dma_start3A_252 = tpu.memref_slice %arg8[%add3A_121, %dma_start3A_251] : memref<20000x128xf32, #tpu.memory_space<hbm>> -> memref<624x80xf32, #tpu.memory_space<hbm>>
      %dma_start3A_253 = arith.constant 0 : i32
      %dma_start3A_254 = tpu.memref_slice %arg18[%mul3A_123, %dma_start3A_253] : memref<10000x80xf32, #tpu.memory_space<vmem_shared>> -> memref<624x80xf32, #tpu.memory_space<vmem_shared>>
      tpu.enqueue_dma source(%dma_start3A_254 : memref<624x80xf32, #tpu.memory_space<vmem_shared>>) target(%dma_start3A_252 : memref<624x80xf32, #tpu.memory_space<hbm>>) target_semaphore(%run_scoped3A_250 : memref<!tpu.dma_semaphore, #tpu.memory_space<semaphore_mem>>)
      %dma_wait3A_255 = arith.constant 0 : i32
      %dma_wait3A_256 = tpu.memref_slice %arg8[%add3A_121, %dma_wait3A_255] : memref<20000x128xf32, #tpu.memory_space<hbm>> -> memref<624x80xf32, #tpu.memory_space<hbm>>
      %dma_wait3A_257 = arith.constant 0 : i32
      %dma_wait3A_258 = tpu.memref_slice %arg18[%mul3A_123, %dma_wait3A_257] : memref<10000x80xf32, #tpu.memory_space<vmem_shared>> -> memref<624x80xf32, #tpu.memory_space<vmem_shared>>
      tpu.wait_dma2 semaphore(%run_scoped3A_250 : memref<!tpu.dma_semaphore, #tpu.memory_space<semaphore_mem>>) src(%dma_wait3A_258 : memref<624x80xf32, #tpu.memory_space<vmem_shared>>) dst(%dma_wait3A_256 : memref<624x80xf32, #tpu.memory_space<hbm>>)
      tpu.yield
    }) : () -> ()
    %eq3A_124 = arith.constant 15 : i32
    %eq3A_125 = arith.cmpi eq, %arg1, %eq3A_124 : i32
    %convert_element_type3A_126 = arith.extui %eq3A_125 : i1 to i32
    %cond3A_127 = arith.constant 0 : i32
    %cond3A_128 = arith.cmpi ne, %convert_element_type3A_126, %cond3A_127 : i32
    scf.if %cond3A_128 {
      %mul3A_250 = arith.constant 10000 : i32
      %mul3A_251 = arith.muli %arg0, %mul3A_250 : i32
      %add3A_252 = arith.constant 9984 : i32
      %add3A_253 = arith.addi %mul3A_251, %add3A_252 : i32
      "tpu.region"() ({
        %run_scoped3A_254 = tpu.sem_alloc : memref<!tpu.dma_semaphore, #tpu.memory_space<semaphore_mem>>
        %dma_start3A_255 = arith.constant 0 : i32
        %dma_start3A_256 = tpu.memref_slice %arg8[%add3A_253, %dma_start3A_255] : memref<20000x128xf32, #tpu.memory_space<hbm>> -> memref<16x80xf32, #tpu.memory_space<hbm>>
        %dma_start3A_257 = arith.constant 9984 : i32
        %dma_start3A_258 = arith.constant 0 : i32
        %dma_start3A_259 = tpu.memref_slice %arg18[%dma_start3A_257, %dma_start3A_258] : memref<10000x80xf32, #tpu.memory_space<vmem_shared>> -> memref<16x80xf32, #tpu.memory_space<vmem_shared>>
        tpu.enqueue_dma source(%dma_start3A_259 : memref<16x80xf32, #tpu.memory_space<vmem_shared>>) target(%dma_start3A_256 : memref<16x80xf32, #tpu.memory_space<hbm>>) target_semaphore(%run_scoped3A_254 : memref<!tpu.dma_semaphore, #tpu.memory_space<semaphore_mem>>)
        %dma_wait3A_260 = arith.constant 0 : i32
        %dma_wait3A_261 = tpu.memref_slice %arg8[%add3A_253, %dma_wait3A_260] : memref<20000x128xf32, #tpu.memory_space<hbm>> -> memref<16x80xf32, #tpu.memory_space<hbm>>
        %dma_wait3A_262 = arith.constant 9984 : i32
        %dma_wait3A_263 = arith.constant 0 : i32
        %dma_wait3A_264 = tpu.memref_slice %arg18[%dma_wait3A_262, %dma_wait3A_263] : memref<10000x80xf32, #tpu.memory_space<vmem_shared>> -> memref<16x80xf32, #tpu.memory_space<vmem_shared>>
        tpu.wait_dma2 semaphore(%run_scoped3A_254 : memref<!tpu.dma_semaphore, #tpu.memory_space<semaphore_mem>>) src(%dma_wait3A_264 : memref<16x80xf32, #tpu.memory_space<vmem_shared>>) dst(%dma_wait3A_261 : memref<16x80xf32, #tpu.memory_space<hbm>>)
        tpu.yield
      }) : () -> ()
    } else {
    }
    %mul3A_129 = arith.constant 624 : i32
    %mul3A_130 = arith.muli %arg1, %mul3A_129 : i32
    %add3A_131 = arith.constant 0 : i32
    %add3A_132 = arith.addi %mul3A_130, %add3A_131 : i32
    "tpu.region"() ({
      %run_scoped3A_250 = tpu.sem_alloc : memref<!tpu.dma_semaphore, #tpu.memory_space<semaphore_mem>>
      %dma_start3A_251 = arith.constant 0 : i32
      %dma_start3A_252 = tpu.memref_slice %arg18[%add3A_132, %dma_start3A_251] : memref<10000x80xf32, #tpu.memory_space<vmem_shared>> -> memref<208x80xf32, #tpu.memory_space<vmem_shared>>
      %dma_start3A_253 = arith.constant 0 : i32
      %dma_start3A_254 = tpu.memref_slice %arg18[%add3A_132, %dma_start3A_253] : memref<10000x80xf32, #tpu.memory_space<vmem_shared>> -> memref<208x80xf32, #tpu.memory_space<vmem_shared>>
      tpu.enqueue_dma source(%arg17 : memref<208x80xf32, #tpu.memory_space<vmem>>) target(%dma_start3A_254 : memref<208x80xf32, #tpu.memory_space<vmem_shared>>) target_semaphore(%run_scoped3A_250 : memref<!tpu.dma_semaphore, #tpu.memory_space<semaphore_mem>>)
      %dma_wait3A_255 = arith.constant 0 : i32
      %dma_wait3A_256 = tpu.memref_slice %arg18[%add3A_132, %dma_wait3A_255] : memref<10000x80xf32, #tpu.memory_space<vmem_shared>> -> memref<208x80xf32, #tpu.memory_space<vmem_shared>>
      %dma_wait3A_257 = arith.constant 0 : i32
      %dma_wait3A_258 = tpu.memref_slice %arg18[%add3A_132, %dma_wait3A_257] : memref<10000x80xf32, #tpu.memory_space<vmem_shared>> -> memref<208x80xf32, #tpu.memory_space<vmem_shared>>
      tpu.wait_dma2 semaphore(%run_scoped3A_250 : memref<!tpu.dma_semaphore, #tpu.memory_space<semaphore_mem>>) src(%arg17 : memref<208x80xf32, #tpu.memory_space<vmem>>) dst(%dma_wait3A_258 : memref<208x80xf32, #tpu.memory_space<vmem_shared>>)
      tpu.yield
    }) : () -> ()
    %mul3A_133 = arith.constant 624 : i32
    %mul3A_134 = arith.muli %arg1, %mul3A_133 : i32
    %add3A_135 = arith.constant 208 : i32
    %add3A_136 = arith.addi %mul3A_134, %add3A_135 : i32
    "tpu.region"() ({
      %run_scoped3A_250 = tpu.sem_alloc : memref<!tpu.dma_semaphore, #tpu.memory_space<semaphore_mem>>
      %dma_start3A_251 = arith.constant 0 : i32
      %dma_start3A_252 = tpu.memref_slice %arg18[%add3A_136, %dma_start3A_251] : memref<10000x80xf32, #tpu.memory_space<vmem_shared>> -> memref<208x80xf32, #tpu.memory_space<vmem_shared>>
      %dma_start3A_253 = arith.constant 0 : i32
      %dma_start3A_254 = tpu.memref_slice %arg18[%add3A_136, %dma_start3A_253] : memref<10000x80xf32, #tpu.memory_space<vmem_shared>> -> memref<208x80xf32, #tpu.memory_space<vmem_shared>>
      tpu.enqueue_dma source(%arg17 : memref<208x80xf32, #tpu.memory_space<vmem>>) target(%dma_start3A_254 : memref<208x80xf32, #tpu.memory_space<vmem_shared>>) target_semaphore(%run_scoped3A_250 : memref<!tpu.dma_semaphore, #tpu.memory_space<semaphore_mem>>)
      %dma_wait3A_255 = arith.constant 0 : i32
      %dma_wait3A_256 = tpu.memref_slice %arg18[%add3A_136, %dma_wait3A_255] : memref<10000x80xf32, #tpu.memory_space<vmem_shared>> -> memref<208x80xf32, #tpu.memory_space<vmem_shared>>
      %dma_wait3A_257 = arith.constant 0 : i32
      %dma_wait3A_258 = tpu.memref_slice %arg18[%add3A_136, %dma_wait3A_257] : memref<10000x80xf32, #tpu.memory_space<vmem_shared>> -> memref<208x80xf32, #tpu.memory_space<vmem_shared>>
      tpu.wait_dma2 semaphore(%run_scoped3A_250 : memref<!tpu.dma_semaphore, #tpu.memory_space<semaphore_mem>>) src(%arg17 : memref<208x80xf32, #tpu.memory_space<vmem>>) dst(%dma_wait3A_258 : memref<208x80xf32, #tpu.memory_space<vmem_shared>>)
      tpu.yield
    }) : () -> ()
    %mul3A_137 = arith.constant 624 : i32
    %mul3A_138 = arith.muli %arg1, %mul3A_137 : i32
    %add3A_139 = arith.constant 416 : i32
    %add3A_140 = arith.addi %mul3A_138, %add3A_139 : i32
    "tpu.region"() ({
      %run_scoped3A_250 = tpu.sem_alloc : memref<!tpu.dma_semaphore, #tpu.memory_space<semaphore_mem>>
      %dma_start3A_251 = arith.constant 0 : i32
      %dma_start3A_252 = tpu.memref_slice %arg18[%add3A_140, %dma_start3A_251] : memref<10000x80xf32, #tpu.memory_space<vmem_shared>> -> memref<208x80xf32, #tpu.memory_space<vmem_shared>>
      %dma_start3A_253 = arith.constant 0 : i32
      %dma_start3A_254 = tpu.memref_slice %arg18[%add3A_140, %dma_start3A_253] : memref<10000x80xf32, #tpu.memory_space<vmem_shared>> -> memref<208x80xf32, #tpu.memory_space<vmem_shared>>
      tpu.enqueue_dma source(%arg17 : memref<208x80xf32, #tpu.memory_space<vmem>>) target(%dma_start3A_254 : memref<208x80xf32, #tpu.memory_space<vmem_shared>>) target_semaphore(%run_scoped3A_250 : memref<!tpu.dma_semaphore, #tpu.memory_space<semaphore_mem>>)
      %dma_wait3A_255 = arith.constant 0 : i32
      %dma_wait3A_256 = tpu.memref_slice %arg18[%add3A_140, %dma_wait3A_255] : memref<10000x80xf32, #tpu.memory_space<vmem_shared>> -> memref<208x80xf32, #tpu.memory_space<vmem_shared>>
      %dma_wait3A_257 = arith.constant 0 : i32
      %dma_wait3A_258 = tpu.memref_slice %arg18[%add3A_140, %dma_wait3A_257] : memref<10000x80xf32, #tpu.memory_space<vmem_shared>> -> memref<208x80xf32, #tpu.memory_space<vmem_shared>>
      tpu.wait_dma2 semaphore(%run_scoped3A_250 : memref<!tpu.dma_semaphore, #tpu.memory_space<semaphore_mem>>) src(%arg17 : memref<208x80xf32, #tpu.memory_space<vmem>>) dst(%dma_wait3A_258 : memref<208x80xf32, #tpu.memory_space<vmem_shared>>)
      tpu.yield
    }) : () -> ()
    %eq3A_141 = arith.constant 15 : i32
    %eq3A_142 = arith.cmpi eq, %arg1, %eq3A_141 : i32
    %convert_element_type3A_143 = arith.extui %eq3A_142 : i1 to i32
    %cond3A_144 = arith.constant 0 : i32
    %cond3A_145 = arith.cmpi ne, %convert_element_type3A_143, %cond3A_144 : i32
    scf.if %cond3A_145 {
      "tpu.region"() ({
        %run_scoped3A_250 = tpu.sem_alloc : memref<!tpu.dma_semaphore, #tpu.memory_space<semaphore_mem>>
        %dma_start3A_251 = arith.constant 0 : i32
        %dma_start3A_252 = arith.constant 0 : i32
        %dma_start3A_253 = tpu.memref_slice %arg17[%dma_start3A_251, %dma_start3A_252] : memref<208x80xf32, #tpu.memory_space<vmem>> -> memref<16x80xf32, #tpu.memory_space<vmem>>
        %dma_start3A_254 = arith.constant 9984 : i32
        %dma_start3A_255 = arith.constant 0 : i32
        %dma_start3A_256 = tpu.memref_slice %arg18[%dma_start3A_254, %dma_start3A_255] : memref<10000x80xf32, #tpu.memory_space<vmem_shared>> -> memref<16x80xf32, #tpu.memory_space<vmem_shared>>
        %dma_start3A_257 = arith.constant 9984 : i32
        %dma_start3A_258 = arith.constant 0 : i32
        %dma_start3A_259 = tpu.memref_slice %arg18[%dma_start3A_257, %dma_start3A_258] : memref<10000x80xf32, #tpu.memory_space<vmem_shared>> -> memref<16x80xf32, #tpu.memory_space<vmem_shared>>
        %dma_start3A_260 = arith.constant 0 : i32
        %dma_start3A_261 = arith.constant 0 : i32
        %dma_start3A_262 = tpu.memref_slice %arg17[%dma_start3A_260, %dma_start3A_261] : memref<208x80xf32, #tpu.memory_space<vmem>> -> memref<16x80xf32, #tpu.memory_space<vmem>>
        tpu.enqueue_dma source(%dma_start3A_262 : memref<16x80xf32, #tpu.memory_space<vmem>>) target(%dma_start3A_259 : memref<16x80xf32, #tpu.memory_space<vmem_shared>>) target_semaphore(%run_scoped3A_250 : memref<!tpu.dma_semaphore, #tpu.memory_space<semaphore_mem>>)
        %dma_wait3A_263 = arith.constant 0 : i32
        %dma_wait3A_264 = arith.constant 0 : i32
        %dma_wait3A_265 = tpu.memref_slice %arg17[%dma_wait3A_263, %dma_wait3A_264] : memref<208x80xf32, #tpu.memory_space<vmem>> -> memref<16x80xf32, #tpu.memory_space<vmem>>
        %dma_wait3A_266 = arith.constant 9984 : i32
        %dma_wait3A_267 = arith.constant 0 : i32
        %dma_wait3A_268 = tpu.memref_slice %arg18[%dma_wait3A_266, %dma_wait3A_267] : memref<10000x80xf32, #tpu.memory_space<vmem_shared>> -> memref<16x80xf32, #tpu.memory_space<vmem_shared>>
        %dma_wait3A_269 = arith.constant 9984 : i32
        %dma_wait3A_270 = arith.constant 0 : i32
        %dma_wait3A_271 = tpu.memref_slice %arg18[%dma_wait3A_269, %dma_wait3A_270] : memref<10000x80xf32, #tpu.memory_space<vmem_shared>> -> memref<16x80xf32, #tpu.memory_space<vmem_shared>>
        %dma_wait3A_272 = arith.constant 0 : i32
        %dma_wait3A_273 = arith.constant 0 : i32
        %dma_wait3A_274 = tpu.memref_slice %arg17[%dma_wait3A_272, %dma_wait3A_273] : memref<208x80xf32, #tpu.memory_space<vmem>> -> memref<16x80xf32, #tpu.memory_space<vmem>>
        tpu.wait_dma2 semaphore(%run_scoped3A_250 : memref<!tpu.dma_semaphore, #tpu.memory_space<semaphore_mem>>) src(%dma_wait3A_274 : memref<16x80xf32, #tpu.memory_space<vmem>>) dst(%dma_wait3A_271 : memref<16x80xf32, #tpu.memory_space<vmem_shared>>)
        tpu.yield
      }) : () -> ()
    } else {
    }
    %barrier3A_146 = arith.constant 0 : index
    tpu.barrier barrier_id(%barrier3A_146)
    %dma_start3A_147 = arith.constant 0 : i32
    %dma_start3A_148 = arith.constant 0 : i32
    %dma_start3A_149 = tpu.memref_slice %arg14[%dma_start3A_147, %dma_start3A_148] : memref<160x80xf32, #tpu.memory_space<vmem>> -> memref<80x80xf32, #tpu.memory_space<vmem>>
    %dma_start3A_150 = arith.constant 0 : i32
    %dma_start3A_151 = tpu.memref_slice %arg10[%dma_start3A_150] : memref<10000xi32, #tpu.memory_space<vmem>> -> memref<80xi32, #tpu.memory_space<vmem>>
    %dma_start3A_152 = arith.constant 0 : i32
    %dma_start3A_153 = arith.constant 0 : i32
    %dma_start3A_154 = tpu.memref_slice %arg3[%dma_start3A_152, %dma_start3A_153] : memref<10000x80xf32, #tpu.memory_space<hbm>> -> memref<10000x80xf32, #tpu.memory_space<hbm>>
    tpu.enqueue_indirect_dma source(%dma_start3A_154 : memref<10000x80xf32, #tpu.memory_space<hbm>>) target(%dma_start3A_149 : memref<80x80xf32, #tpu.memory_space<vmem>>) offsets(%dma_start3A_151 : memref<80xi32, #tpu.memory_space<vmem>>) semaphore(%arg19 : memref<!tpu.dma_semaphore, #tpu.memory_space<semaphore_mem>>)
    %dma_start3A_155 = arith.constant 0 : i32
    %dma_start3A_156 = arith.constant 0 : i32
    %dma_start3A_157 = tpu.memref_slice %arg13[%dma_start3A_155, %dma_start3A_156] : memref<160x16xf32, #tpu.memory_space<vmem>> -> memref<80x16xf32, #tpu.memory_space<vmem>>
    %dma_start3A_158 = arith.constant 0 : i32
    %dma_start3A_159 = tpu.memref_slice %arg11[%dma_start3A_158] : memref<10000xi32, #tpu.memory_space<vmem>> -> memref<80xi32, #tpu.memory_space<vmem>>
    %dma_start3A_160 = arith.constant 0 : i32
    %dma_start3A_161 = arith.constant 0 : i32
    %dma_start3A_162 = tpu.memref_slice %arg4[%dma_start3A_160, %dma_start3A_161] : memref<10000x16xf32, #tpu.memory_space<hbm>> -> memref<10000x16xf32, #tpu.memory_space<hbm>>
    tpu.enqueue_indirect_dma source(%dma_start3A_162 : memref<10000x16xf32, #tpu.memory_space<hbm>>) target(%dma_start3A_157 : memref<80x16xf32, #tpu.memory_space<vmem>>) offsets(%dma_start3A_159 : memref<80xi32, #tpu.memory_space<vmem>>) semaphore(%arg19 : memref<!tpu.dma_semaphore, #tpu.memory_space<semaphore_mem>>)
    %scan3A_163 = arith.constant 0 : i32
    %scan3A_164 = arith.constant 0 : i32
    %scan3A_165 = arith.constant 62 : i32
    %scan3A_166 = arith.addi %scan3A_164, %scan3A_165 : i32
    %scan3A_167 = arith.constant 1 : i32
    %scan3A_168 = scf.for %scan3A_250 = %scan3A_164 to %scan3A_166 step %scan3A_167 iter_args(%scan3A_251 = %scan3A_163) -> (i32)  : i32 {
      %mul3A_252 = arith.constant 2 : i32
      %mul3A_253 = arith.muli %scan3A_250, %mul3A_252 : i32
      %add3A_254 = arith.constant 0 : i32
      %add3A_255 = arith.addi %mul3A_253, %add3A_254 : i32
      %add3A_256 = arith.constant 1 : i32
      %add3A_257 = arith.addi %add3A_255, %add3A_256 : i32
      %mul3A_258 = arith.constant 80 : i32
      %mul3A_259 = arith.muli %add3A_257, %mul3A_258 : i32
      %dma_start3A_260 = arith.constant 80 : i32
      %dma_start3A_261 = arith.constant 0 : i32
      %dma_start3A_262 = tpu.memref_slice %arg14[%dma_start3A_260, %dma_start3A_261] : memref<160x80xf32, #tpu.memory_space<vmem>> -> memref<80x80xf32, #tpu.memory_space<vmem>>
      %dma_start3A_263 = tpu.memref_slice %arg10[%mul3A_259] : memref<10000xi32, #tpu.memory_space<vmem>> -> memref<80xi32, #tpu.memory_space<vmem>>
      %dma_start3A_264 = arith.constant 0 : i32
      %dma_start3A_265 = arith.constant 0 : i32
      %dma_start3A_266 = tpu.memref_slice %arg3[%dma_start3A_264, %dma_start3A_265] : memref<10000x80xf32, #tpu.memory_space<hbm>> -> memref<10000x80xf32, #tpu.memory_space<hbm>>
      tpu.enqueue_indirect_dma source(%dma_start3A_266 : memref<10000x80xf32, #tpu.memory_space<hbm>>) target(%dma_start3A_262 : memref<80x80xf32, #tpu.memory_space<vmem>>) offsets(%dma_start3A_263 : memref<80xi32, #tpu.memory_space<vmem>>) semaphore(%arg20 : memref<!tpu.dma_semaphore, #tpu.memory_space<semaphore_mem>>)
      %mul3A_267 = arith.constant 80 : i32
      %mul3A_268 = arith.muli %add3A_257, %mul3A_267 : i32
      %dma_start3A_269 = arith.constant 80 : i32
      %dma_start3A_270 = arith.constant 0 : i32
      %dma_start3A_271 = tpu.memref_slice %arg13[%dma_start3A_269, %dma_start3A_270] : memref<160x16xf32, #tpu.memory_space<vmem>> -> memref<80x16xf32, #tpu.memory_space<vmem>>
      %dma_start3A_272 = tpu.memref_slice %arg11[%mul3A_268] : memref<10000xi32, #tpu.memory_space<vmem>> -> memref<80xi32, #tpu.memory_space<vmem>>
      %dma_start3A_273 = arith.constant 0 : i32
      %dma_start3A_274 = arith.constant 0 : i32
      %dma_start3A_275 = tpu.memref_slice %arg4[%dma_start3A_273, %dma_start3A_274] : memref<10000x16xf32, #tpu.memory_space<hbm>> -> memref<10000x16xf32, #tpu.memory_space<hbm>>
      tpu.enqueue_indirect_dma source(%dma_start3A_275 : memref<10000x16xf32, #tpu.memory_space<hbm>>) target(%dma_start3A_271 : memref<80x16xf32, #tpu.memory_space<vmem>>) offsets(%dma_start3A_272 : memref<80xi32, #tpu.memory_space<vmem>>) semaphore(%arg20 : memref<!tpu.dma_semaphore, #tpu.memory_space<semaphore_mem>>)
      %mul3A_276 = arith.constant 80 : i32
      %mul3A_277 = arith.muli %add3A_255, %mul3A_276 : i32
      %dma_wait3A_278 = arith.constant 0 : i32
      %dma_wait3A_279 = arith.constant 0 : i32
      %dma_wait3A_280 = tpu.memref_slice %arg14[%dma_wait3A_278, %dma_wait3A_279] : memref<160x80xf32, #tpu.memory_space<vmem>> -> memref<80x80xf32, #tpu.memory_space<vmem>>
      %dma_wait3A_281 = tpu.memref_slice %arg10[%mul3A_277] : memref<10000xi32, #tpu.memory_space<vmem>> -> memref<80xi32, #tpu.memory_space<vmem>>
      %dma_wait3A_282 = arith.constant 0 : i32
      %dma_wait3A_283 = arith.constant 0 : i32
      %dma_wait3A_284 = tpu.memref_slice %arg3[%dma_wait3A_282, %dma_wait3A_283] : memref<10000x80xf32, #tpu.memory_space<hbm>> -> memref<10000x80xf32, #tpu.memory_space<hbm>>
      tpu.wait_indirect_dma semaphore(%arg19 : memref<!tpu.dma_semaphore, #tpu.memory_space<semaphore_mem>>) src(%dma_wait3A_284 : memref<10000x80xf32, #tpu.memory_space<hbm>>) dst(%dma_wait3A_280 : memref<80x80xf32, #tpu.memory_space<vmem>>)
      %mul3A_285 = arith.constant 80 : i32
      %mul3A_286 = arith.muli %add3A_255, %mul3A_285 : i32
      %dma_wait3A_287 = arith.constant 0 : i32
      %dma_wait3A_288 = arith.constant 0 : i32
      %dma_wait3A_289 = tpu.memref_slice %arg13[%dma_wait3A_287, %dma_wait3A_288] : memref<160x16xf32, #tpu.memory_space<vmem>> -> memref<80x16xf32, #tpu.memory_space<vmem>>
      %dma_wait3A_290 = tpu.memref_slice %arg10[%mul3A_286] : memref<10000xi32, #tpu.memory_space<vmem>> -> memref<80xi32, #tpu.memory_space<vmem>>
      %dma_wait3A_291 = arith.constant 0 : i32
      %dma_wait3A_292 = arith.constant 0 : i32
      %dma_wait3A_293 = tpu.memref_slice %arg4[%dma_wait3A_291, %dma_wait3A_292] : memref<10000x16xf32, #tpu.memory_space<hbm>> -> memref<10000x16xf32, #tpu.memory_space<hbm>>
      tpu.wait_indirect_dma semaphore(%arg19 : memref<!tpu.dma_semaphore, #tpu.memory_space<semaphore_mem>>) src(%dma_wait3A_293 : memref<10000x16xf32, #tpu.memory_space<hbm>>) dst(%dma_wait3A_289 : memref<80x16xf32, #tpu.memory_space<vmem>>)
      %ge3A = arith.constant 1 : i32
      %ge3A_294 = arith.cmpi sge, %scan3A_250, %ge3A : i32
      %convert_element_type3A_295 = arith.extui %ge3A_294 : i1 to i32
      %cond3A_296 = arith.constant 0 : i32
      %cond3A_297 = arith.cmpi ne, %convert_element_type3A_295, %cond3A_296 : i32
      scf.if %cond3A_297 {
        %mul3A_354 = arith.constant 80 : i32
        %mul3A_355 = arith.muli %add3A_255, %mul3A_354 : i32
        %dma_wait3A_356 = arith.constant 0 : i32
        %dma_wait3A_357 = arith.constant 0 : i32
        %dma_wait3A_358 = tpu.memref_slice %arg15[%dma_wait3A_356, %dma_wait3A_357] : memref<160x80xf32, #tpu.memory_space<vmem>> -> memref<80x80xf32, #tpu.memory_space<vmem>>
        %dma_wait3A_359 = tpu.memref_slice %arg11[%mul3A_355] : memref<10000xi32, #tpu.memory_space<vmem>> -> memref<80xi32, #tpu.memory_space<vmem>>
        %dma_wait3A_360 = arith.constant 0 : i32
        %dma_wait3A_361 = arith.constant 0 : i32
        %dma_wait3A_362 = tpu.memref_slice %arg18[%dma_wait3A_360, %dma_wait3A_361] : memref<10000x80xf32, #tpu.memory_space<vmem_shared>> -> memref<10000x80xf32, #tpu.memory_space<vmem_shared>>
        tpu.wait_indirect_dma semaphore(%arg21 : memref<!tpu.dma_semaphore, #tpu.memory_space<semaphore_mem>>) src(%dma_wait3A_358 : memref<80x80xf32, #tpu.memory_space<vmem>>) dst(%dma_wait3A_362 : memref<10000x80xf32, #tpu.memory_space<vmem_shared>>)
      } else {
      }
      %parallel_loop3A_298 = arith.constant 0 : i32
      %parallel_loop3A_299 = arith.constant 80 : i32
      %parallel_loop3A_300 = arith.constant 1 : i32
      scf.for %parallel_loop3A_354 = %parallel_loop3A_298 to %parallel_loop3A_299 step %parallel_loop3A_300  : i32 {
        %parallel_loop3A_355 = arith.constant 0 : i32
        %parallel_loop3A_356 = arith.addi %parallel_loop3A_355, %parallel_loop3A_354 : i32
        %parallel_loop3A_357 = arith.index_cast %parallel_loop3A_356 : i32 to index
        %parallel_loop3A_358 = arith.constant 64 : index
        %parallel_loop3A_359 = tpu.vector_load %arg14[%parallel_loop3A_357, %parallel_loop3A_358] {strides = array<i32>} : memref<160x80xf32, #tpu.memory_space<vmem>>, vector<1x16xf32>,
        %parallel_loop3A_360 = vector.shape_cast %parallel_loop3A_359 : vector<1x16xf32> to vector<16xf32>
        %parallel_loop3A_361 = arith.constant 0 : i32
        %parallel_loop3A_362 = arith.addi %parallel_loop3A_361, %parallel_loop3A_354 : i32
        %parallel_loop3A_363 = arith.index_cast %parallel_loop3A_362 : i32 to index
        %parallel_loop3A_364 = arith.constant 0 : index
        %parallel_loop3A_365 = tpu.vector_load %arg13[%parallel_loop3A_363, %parallel_loop3A_364] {strides = array<i32>} : memref<160x16xf32, #tpu.memory_space<vmem>>, vector<1x16xf32>,
        %parallel_loop3A_366 = vector.shape_cast %parallel_loop3A_365 : vector<1x16xf32> to vector<16xf32>
        %parallel_loop3A_367 = arith.constant 80 : i32
        %parallel_loop3A_368 = arith.muli %add3A_255, %parallel_loop3A_367 : i32
        %parallel_loop3A_369 = arith.addi %parallel_loop3A_368, %parallel_loop3A_354 : i32
        %parallel_loop3A_370 = arith.index_cast %parallel_loop3A_369 : i32 to index
        %parallel_loop3A_371 = tpu.vector_load %arg12[%parallel_loop3A_370] {strides = array<i32>} : memref<10016xf32, #tpu.memory_space<vmem>>, vector<16xf32>,
        %parallel_loop3A_372 = vector.shape_cast %parallel_loop3A_371 : vector<16xf32> to vector<16xf32>
        %parallel_loop3A_373 = arith.addf %parallel_loop3A_360, %parallel_loop3A_366 : vector<16xf32>
        %parallel_loop3A_374 = vector.extract_strided_slice %parallel_loop3A_372 {offsets = [0], sizes = [1], strides = [1]} : vector<16xf32> to vector<1xf32>
        %parallel_loop3A_375 = vector.extract %parallel_loop3A_374[0] : f32 from vector<1xf32>
        %parallel_loop3A_376 = vector.broadcast %parallel_loop3A_375 : f32 to vector<16xf32>
        %parallel_loop3A_377 = arith.mulf %parallel_loop3A_376, %get3A_7 : vector<16xf32>
        %parallel_loop3A_378 = arith.addf %parallel_loop3A_373, %parallel_loop3A_377 : vector<16xf32>
        %parallel_loop3A_379 = arith.constant 0.000000e+00 : f32
        %parallel_loop3A_380 = vector.broadcast %parallel_loop3A_379 : f32 to vector<16xf32>
        %parallel_loop3A_381 = arith.cmpf ogt, %parallel_loop3A_378, %parallel_loop3A_380 : vector<16xf32>
        %parallel_loop3A_382 = arith.constant 2.000000e-01 : f32
        %parallel_loop3A_383 = vector.broadcast %parallel_loop3A_382 : f32 to vector<16xf32>
        %parallel_loop3A_384 = arith.mulf %parallel_loop3A_383, %parallel_loop3A_378 : vector<16xf32>
        %parallel_loop3A_385 = arith.select %parallel_loop3A_381, %parallel_loop3A_378, %parallel_loop3A_384 : vector<16xi1>, vector<16xf32>
        %parallel_loop3A_386 = math.exp %parallel_loop3A_385 : vector<16xf32>
        %parallel_loop3A_387 = arith.constant 0 : i32
        %parallel_loop3A_388 = arith.addi %parallel_loop3A_387, %parallel_loop3A_354 : i32
        %parallel_loop3A_389 = arith.index_cast %parallel_loop3A_388 : i32 to index
        %parallel_loop3A_390 = arith.constant 64 : index
        %parallel_loop3A_391 = tpu.vector_load %arg15[%parallel_loop3A_389, %parallel_loop3A_390] {strides = array<i32>} : memref<160x80xf32, #tpu.memory_space<vmem>>, vector<1x16xf32>,
        %parallel_loop3A_392 = vector.shape_cast %parallel_loop3A_391 : vector<1x16xf32> to vector<16xf32>
        %parallel_loop3A_393 = vector.shape_cast %parallel_loop3A_386 : vector<16xf32> to vector<1x16xf32>
        tpu.vector_store %arg15[%parallel_loop3A_389, %parallel_loop3A_390], %parallel_loop3A_393 {strides = array<i32>} : memref<160x80xf32, #tpu.memory_space<vmem>>, vector<1x16xf32>,
        %parallel_loop3A_394 = arith.constant 0 : i32
        %parallel_loop3A_395 = arith.addi %parallel_loop3A_394, %parallel_loop3A_354 : i32
        %parallel_loop3A_396 = arith.index_cast %parallel_loop3A_395 : i32 to index
        %parallel_loop3A_397 = arith.constant 0 : index
        %parallel_loop3A_398 = tpu.vector_load %arg14[%parallel_loop3A_396, %parallel_loop3A_397] {strides = array<i32>} : memref<160x80xf32, #tpu.memory_space<vmem>>, vector<1x16xf32>,
        %parallel_loop3A_399 = vector.shape_cast %parallel_loop3A_398 : vector<1x16xf32> to vector<16xf32>
        %parallel_loop3A_400 = vector.extract_strided_slice %parallel_loop3A_386 {offsets = [4], sizes = [1], strides = [1]} : vector<16xf32> to vector<1xf32>
        %parallel_loop3A_401 = vector.extract %parallel_loop3A_400[0] : f32 from vector<1xf32>
        %parallel_loop3A_402 = vector.broadcast %parallel_loop3A_401 : f32 to vector<16xf32>
        %parallel_loop3A_403 = arith.mulf %parallel_loop3A_399, %parallel_loop3A_402 : vector<16xf32>
        %parallel_loop3A_404 = arith.constant 0 : i32
        %parallel_loop3A_405 = arith.addi %parallel_loop3A_404, %parallel_loop3A_354 : i32
        %parallel_loop3A_406 = arith.index_cast %parallel_loop3A_405 : i32 to index
        %parallel_loop3A_407 = arith.constant 0 : index
        %parallel_loop3A_408 = tpu.vector_load %arg15[%parallel_loop3A_406, %parallel_loop3A_407] {strides = array<i32>} : memref<160x80xf32, #tpu.memory_space<vmem>>, vector<1x16xf32>,
        %parallel_loop3A_409 = vector.shape_cast %parallel_loop3A_408 : vector<1x16xf32> to vector<16xf32>
        %parallel_loop3A_410 = vector.shape_cast %parallel_loop3A_403 : vector<16xf32> to vector<1x16xf32>
        tpu.vector_store %arg15[%parallel_loop3A_406, %parallel_loop3A_407], %parallel_loop3A_410 {strides = array<i32>} : memref<160x80xf32, #tpu.memory_space<vmem>>, vector<1x16xf32>,
        %parallel_loop3A_411 = arith.constant 0 : i32
        %parallel_loop3A_412 = arith.addi %parallel_loop3A_411, %parallel_loop3A_354 : i32
        %parallel_loop3A_413 = arith.index_cast %parallel_loop3A_412 : i32 to index
        %parallel_loop3A_414 = arith.constant 16 : index
        %parallel_loop3A_415 = tpu.vector_load %arg14[%parallel_loop3A_413, %parallel_loop3A_414] {strides = array<i32>} : memref<160x80xf32, #tpu.memory_space<vmem>>, vector<1x16xf32>,
        %parallel_loop3A_416 = vector.shape_cast %parallel_loop3A_415 : vector<1x16xf32> to vector<16xf32>
        %parallel_loop3A_417 = vector.extract_strided_slice %parallel_loop3A_386 {offsets = [5], sizes = [1], strides = [1]} : vector<16xf32> to vector<1xf32>
        %parallel_loop3A_418 = vector.extract %parallel_loop3A_417[0] : f32 from vector<1xf32>
        %parallel_loop3A_419 = vector.broadcast %parallel_loop3A_418 : f32 to vector<16xf32>
        %parallel_loop3A_420 = arith.mulf %parallel_loop3A_416, %parallel_loop3A_419 : vector<16xf32>
        %parallel_loop3A_421 = arith.constant 0 : i32
        %parallel_loop3A_422 = arith.addi %parallel_loop3A_421, %parallel_loop3A_354 : i32
        %parallel_loop3A_423 = arith.index_cast %parallel_loop3A_422 : i32 to index
        %parallel_loop3A_424 = arith.constant 16 : index
        %parallel_loop3A_425 = tpu.vector_load %arg15[%parallel_loop3A_423, %parallel_loop3A_424] {strides = array<i32>} : memref<160x80xf32, #tpu.memory_space<vmem>>, vector<1x16xf32>,
        %parallel_loop3A_426 = vector.shape_cast %parallel_loop3A_425 : vector<1x16xf32> to vector<16xf32>
        %parallel_loop3A_427 = vector.shape_cast %parallel_loop3A_420 : vector<16xf32> to vector<1x16xf32>
        tpu.vector_store %arg15[%parallel_loop3A_423, %parallel_loop3A_424], %parallel_loop3A_427 {strides = array<i32>} : memref<160x80xf32, #tpu.memory_space<vmem>>, vector<1x16xf32>,
        %parallel_loop3A_428 = arith.constant 0 : i32
        %parallel_loop3A_429 = arith.addi %parallel_loop3A_428, %parallel_loop3A_354 : i32
        %parallel_loop3A_430 = arith.index_cast %parallel_loop3A_429 : i32 to index
        %parallel_loop3A_431 = arith.constant 32 : index
        %parallel_loop3A_432 = tpu.vector_load %arg14[%parallel_loop3A_430, %parallel_loop3A_431] {strides = array<i32>} : memref<160x80xf32, #tpu.memory_space<vmem>>, vector<1x16xf32>,
        %parallel_loop3A_433 = vector.shape_cast %parallel_loop3A_432 : vector<1x16xf32> to vector<16xf32>
        %parallel_loop3A_434 = vector.extract_strided_slice %parallel_loop3A_386 {offsets = [6], sizes = [1], strides = [1]} : vector<16xf32> to vector<1xf32>
        %parallel_loop3A_435 = vector.extract %parallel_loop3A_434[0] : f32 from vector<1xf32>
        %parallel_loop3A_436 = vector.broadcast %parallel_loop3A_435 : f32 to vector<16xf32>
        %parallel_loop3A_437 = arith.mulf %parallel_loop3A_433, %parallel_loop3A_436 : vector<16xf32>
        %parallel_loop3A_438 = arith.constant 0 : i32
        %parallel_loop3A_439 = arith.addi %parallel_loop3A_438, %parallel_loop3A_354 : i32
        %parallel_loop3A_440 = arith.index_cast %parallel_loop3A_439 : i32 to index
        %parallel_loop3A_441 = arith.constant 32 : index
        %parallel_loop3A_442 = tpu.vector_load %arg15[%parallel_loop3A_440, %parallel_loop3A_441] {strides = array<i32>} : memref<160x80xf32, #tpu.memory_space<vmem>>, vector<1x16xf32>,
        %parallel_loop3A_443 = vector.shape_cast %parallel_loop3A_442 : vector<1x16xf32> to vector<16xf32>
        %parallel_loop3A_444 = vector.shape_cast %parallel_loop3A_437 : vector<16xf32> to vector<1x16xf32>
        tpu.vector_store %arg15[%parallel_loop3A_440, %parallel_loop3A_441], %parallel_loop3A_444 {strides = array<i32>} : memref<160x80xf32, #tpu.memory_space<vmem>>, vector<1x16xf32>,
        %parallel_loop3A_445 = arith.constant 0 : i32
        %parallel_loop3A_446 = arith.addi %parallel_loop3A_445, %parallel_loop3A_354 : i32
        %parallel_loop3A_447 = arith.index_cast %parallel_loop3A_446 : i32 to index
        %parallel_loop3A_448 = arith.constant 48 : index
        %parallel_loop3A_449 = tpu.vector_load %arg14[%parallel_loop3A_447, %parallel_loop3A_448] {strides = array<i32>} : memref<160x80xf32, #tpu.memory_space<vmem>>, vector<1x16xf32>,
        %parallel_loop3A_450 = vector.shape_cast %parallel_loop3A_449 : vector<1x16xf32> to vector<16xf32>
        %parallel_loop3A_451 = vector.extract_strided_slice %parallel_loop3A_386 {offsets = [7], sizes = [1], strides = [1]} : vector<16xf32> to vector<1xf32>
        %parallel_loop3A_452 = vector.extract %parallel_loop3A_451[0] : f32 from vector<1xf32>
        %parallel_loop3A_453 = vector.broadcast %parallel_loop3A_452 : f32 to vector<16xf32>
        %parallel_loop3A_454 = arith.mulf %parallel_loop3A_450, %parallel_loop3A_453 : vector<16xf32>
        %parallel_loop3A_455 = arith.constant 0 : i32
        %parallel_loop3A_456 = arith.addi %parallel_loop3A_455, %parallel_loop3A_354 : i32
        %parallel_loop3A_457 = arith.index_cast %parallel_loop3A_456 : i32 to index
        %parallel_loop3A_458 = arith.constant 48 : index
        %parallel_loop3A_459 = tpu.vector_load %arg15[%parallel_loop3A_457, %parallel_loop3A_458] {strides = array<i32>} : memref<160x80xf32, #tpu.memory_space<vmem>>, vector<1x16xf32>,
        %parallel_loop3A_460 = vector.shape_cast %parallel_loop3A_459 : vector<1x16xf32> to vector<16xf32>
        %parallel_loop3A_461 = vector.shape_cast %parallel_loop3A_454 : vector<16xf32> to vector<1x16xf32>
        tpu.vector_store %arg15[%parallel_loop3A_457, %parallel_loop3A_458], %parallel_loop3A_461 {strides = array<i32>} : memref<160x80xf32, #tpu.memory_space<vmem>>, vector<1x16xf32>,
      } {sc.loop_unroll_factor = 8 : i64, sc.parallel_access}
      %mul3A_301 = arith.constant 80 : i32
      %mul3A_302 = arith.muli %add3A_255, %mul3A_301 : i32
      %dma_start3A_303 = arith.constant 0 : i32
      %dma_start3A_304 = arith.constant 0 : i32
      %dma_start3A_305 = tpu.memref_slice %arg15[%dma_start3A_303, %dma_start3A_304] : memref<160x80xf32, #tpu.memory_space<vmem>> -> memref<80x80xf32, #tpu.memory_space<vmem>>
      %dma_start3A_306 = tpu.memref_slice %arg11[%mul3A_302] : memref<10000xi32, #tpu.memory_space<vmem>> -> memref<80xi32, #tpu.memory_space<vmem>>
      %dma_start3A_307 = arith.constant 0 : i32
      %dma_start3A_308 = arith.constant 0 : i32
      %dma_start3A_309 = tpu.memref_slice %arg18[%dma_start3A_307, %dma_start3A_308] : memref<10000x80xf32, #tpu.memory_space<vmem_shared>> -> memref<10000x80xf32, #tpu.memory_space<vmem_shared>>
      tpu.enqueue_indirect_dma source(%dma_start3A_305 : memref<80x80xf32, #tpu.memory_space<vmem>>) target(%dma_start3A_309 : memref<10000x80xf32, #tpu.memory_space<vmem_shared>>) offsets(%dma_start3A_306 : memref<80xi32, #tpu.memory_space<vmem>>) semaphore(%arg21 : memref<!tpu.dma_semaphore, #tpu.memory_space<semaphore_mem>>) {add = true}
      %mul3A_310 = arith.constant 2 : i32
      %mul3A_311 = arith.muli %scan3A_250, %mul3A_310 : i32
      %add3A_312 = arith.constant 1 : i32
      %add3A_313 = arith.addi %mul3A_311, %add3A_312 : i32
      %lt3A = arith.constant 61 : i32
      %lt3A_314 = arith.cmpi slt, %scan3A_250, %lt3A : i32
      %convert_element_type3A_315 = arith.extui %lt3A_314 : i1 to i32
      %cond3A_316 = arith.constant 0 : i32
      %cond3A_317 = arith.cmpi ne, %convert_element_type3A_315, %cond3A_316 : i32
      scf.if %cond3A_317 {
        %add3A_354 = arith.constant 1 : i32
        %add3A_355 = arith.addi %add3A_313, %add3A_354 : i32
        %mul3A_356 = arith.constant 80 : i32
        %mul3A_357 = arith.muli %add3A_355, %mul3A_356 : i32
        %dma_start3A_358 = arith.constant 0 : i32
        %dma_start3A_359 = arith.constant 0 : i32
        %dma_start3A_360 = tpu.memref_slice %arg14[%dma_start3A_358, %dma_start3A_359] : memref<160x80xf32, #tpu.memory_space<vmem>> -> memref<80x80xf32, #tpu.memory_space<vmem>>
        %dma_start3A_361 = tpu.memref_slice %arg10[%mul3A_357] : memref<10000xi32, #tpu.memory_space<vmem>> -> memref<80xi32, #tpu.memory_space<vmem>>
        %dma_start3A_362 = arith.constant 0 : i32
        %dma_start3A_363 = arith.constant 0 : i32
        %dma_start3A_364 = tpu.memref_slice %arg3[%dma_start3A_362, %dma_start3A_363] : memref<10000x80xf32, #tpu.memory_space<hbm>> -> memref<10000x80xf32, #tpu.memory_space<hbm>>
        tpu.enqueue_indirect_dma source(%dma_start3A_364 : memref<10000x80xf32, #tpu.memory_space<hbm>>) target(%dma_start3A_360 : memref<80x80xf32, #tpu.memory_space<vmem>>) offsets(%dma_start3A_361 : memref<80xi32, #tpu.memory_space<vmem>>) semaphore(%arg19 : memref<!tpu.dma_semaphore, #tpu.memory_space<semaphore_mem>>)
        %mul3A_365 = arith.constant 80 : i32
        %mul3A_366 = arith.muli %add3A_355, %mul3A_365 : i32
        %dma_start3A_367 = arith.constant 0 : i32
        %dma_start3A_368 = arith.constant 0 : i32
        %dma_start3A_369 = tpu.memref_slice %arg13[%dma_start3A_367, %dma_start3A_368] : memref<160x16xf32, #tpu.memory_space<vmem>> -> memref<80x16xf32, #tpu.memory_space<vmem>>
        %dma_start3A_370 = tpu.memref_slice %arg11[%mul3A_366] : memref<10000xi32, #tpu.memory_space<vmem>> -> memref<80xi32, #tpu.memory_space<vmem>>
        %dma_start3A_371 = arith.constant 0 : i32
        %dma_start3A_372 = arith.constant 0 : i32
        %dma_start3A_373 = tpu.memref_slice %arg4[%dma_start3A_371, %dma_start3A_372] : memref<10000x16xf32, #tpu.memory_space<hbm>> -> memref<10000x16xf32, #tpu.memory_space<hbm>>
        tpu.enqueue_indirect_dma source(%dma_start3A_373 : memref<10000x16xf32, #tpu.memory_space<hbm>>) target(%dma_start3A_369 : memref<80x16xf32, #tpu.memory_space<vmem>>) offsets(%dma_start3A_370 : memref<80xi32, #tpu.memory_space<vmem>>) semaphore(%arg19 : memref<!tpu.dma_semaphore, #tpu.memory_space<semaphore_mem>>)
      } else {
      }
      %mul3A_318 = arith.constant 80 : i32
      %mul3A_319 = arith.muli %add3A_313, %mul3A_318 : i32
      %dma_wait3A_320 = arith.constant 80 : i32
      %dma_wait3A_321 = arith.constant 0 : i32
      %dma_wait3A_322 = tpu.memref_slice %arg14[%dma_wait3A_320, %dma_wait3A_321] : memref<160x80xf32, #tpu.memory_space<vmem>> -> memref<80x80xf32, #tpu.memory_space<vmem>>
      %dma_wait3A_323 = tpu.memref_slice %arg10[%mul3A_319] : memref<10000xi32, #tpu.memory_space<vmem>> -> memref<80xi32, #tpu.memory_space<vmem>>
      %dma_wait3A_324 = arith.constant 0 : i32
      %dma_wait3A_325 = arith.constant 0 : i32
      %dma_wait3A_326 = tpu.memref_slice %arg3[%dma_wait3A_324, %dma_wait3A_325] : memref<10000x80xf32, #tpu.memory_space<hbm>> -> memref<10000x80xf32, #tpu.memory_space<hbm>>
      tpu.wait_indirect_dma semaphore(%arg20 : memref<!tpu.dma_semaphore, #tpu.memory_space<semaphore_mem>>) src(%dma_wait3A_326 : memref<10000x80xf32, #tpu.memory_space<hbm>>) dst(%dma_wait3A_322 : memref<80x80xf32, #tpu.memory_space<vmem>>)
      %mul3A_327 = arith.constant 80 : i32
      %mul3A_328 = arith.muli %add3A_313, %mul3A_327 : i32
      %dma_wait3A_329 = arith.constant 80 : i32
      %dma_wait3A_330 = arith.constant 0 : i32
      %dma_wait3A_331 = tpu.memref_slice %arg13[%dma_wait3A_329, %dma_wait3A_330] : memref<160x16xf32, #tpu.memory_space<vmem>> -> memref<80x16xf32, #tpu.memory_space<vmem>>
      %dma_wait3A_332 = tpu.memref_slice %arg10[%mul3A_328] : memref<10000xi32, #tpu.memory_space<vmem>> -> memref<80xi32, #tpu.memory_space<vmem>>
      %dma_wait3A_333 = arith.constant 0 : i32
      %dma_wait3A_334 = arith.constant 0 : i32
      %dma_wait3A_335 = tpu.memref_slice %arg4[%dma_wait3A_333, %dma_wait3A_334] : memref<10000x16xf32, #tpu.memory_space<hbm>> -> memref<10000x16xf32, #tpu.memory_space<hbm>>
      tpu.wait_indirect_dma semaphore(%arg20 : memref<!tpu.dma_semaphore, #tpu.memory_space<semaphore_mem>>) src(%dma_wait3A_335 : memref<10000x16xf32, #tpu.memory_space<hbm>>) dst(%dma_wait3A_331 : memref<80x16xf32, #tpu.memory_space<vmem>>)
      %ge3A_336 = arith.constant 1 : i32
      %ge3A_337 = arith.cmpi sge, %scan3A_250, %ge3A_336 : i32
      %convert_element_type3A_338 = arith.extui %ge3A_337 : i1 to i32
      %cond3A_339 = arith.constant 0 : i32
      %cond3A_340 = arith.cmpi ne, %convert_element_type3A_338, %cond3A_339 : i32
      scf.if %cond3A_340 {
        %mul3A_354 = arith.constant 80 : i32
        %mul3A_355 = arith.muli %add3A_313, %mul3A_354 : i32
        %dma_wait3A_356 = arith.constant 80 : i32
        %dma_wait3A_357 = arith.constant 0 : i32
        %dma_wait3A_358 = tpu.memref_slice %arg15[%dma_wait3A_356, %dma_wait3A_357] : memref<160x80xf32, #tpu.memory_space<vmem>> -> memref<80x80xf32, #tpu.memory_space<vmem>>
        %dma_wait3A_359 = tpu.memref_slice %arg11[%mul3A_355] : memref<10000xi32, #tpu.memory_space<vmem>> -> memref<80xi32, #tpu.memory_space<vmem>>
        %dma_wait3A_360 = arith.constant 0 : i32
        %dma_wait3A_361 = arith.constant 0 : i32
        %dma_wait3A_362 = tpu.memref_slice %arg18[%dma_wait3A_360, %dma_wait3A_361] : memref<10000x80xf32, #tpu.memory_space<vmem_shared>> -> memref<10000x80xf32, #tpu.memory_space<vmem_shared>>
        tpu.wait_indirect_dma semaphore(%arg22 : memref<!tpu.dma_semaphore, #tpu.memory_space<semaphore_mem>>) src(%dma_wait3A_358 : memref<80x80xf32, #tpu.memory_space<vmem>>) dst(%dma_wait3A_362 : memref<10000x80xf32, #tpu.memory_space<vmem_shared>>)
      } else {
      }
      %parallel_loop3A_341 = arith.constant 0 : i32
      %parallel_loop3A_342 = arith.constant 80 : i32
      %parallel_loop3A_343 = arith.constant 1 : i32
      scf.for %parallel_loop3A_354 = %parallel_loop3A_341 to %parallel_loop3A_342 step %parallel_loop3A_343  : i32 {
        %parallel_loop3A_355 = arith.constant 80 : i32
        %parallel_loop3A_356 = arith.addi %parallel_loop3A_355, %parallel_loop3A_354 : i32
        %parallel_loop3A_357 = arith.index_cast %parallel_loop3A_356 : i32 to index
        %parallel_loop3A_358 = arith.constant 64 : index
        %parallel_loop3A_359 = tpu.vector_load %arg14[%parallel_loop3A_357, %parallel_loop3A_358] {strides = array<i32>} : memref<160x80xf32, #tpu.memory_space<vmem>>, vector<1x16xf32>,
        %parallel_loop3A_360 = vector.shape_cast %parallel_loop3A_359 : vector<1x16xf32> to vector<16xf32>
        %parallel_loop3A_361 = arith.constant 80 : i32
        %parallel_loop3A_362 = arith.addi %parallel_loop3A_361, %parallel_loop3A_354 : i32
        %parallel_loop3A_363 = arith.index_cast %parallel_loop3A_362 : i32 to index
        %parallel_loop3A_364 = arith.constant 0 : index
        %parallel_loop3A_365 = tpu.vector_load %arg13[%parallel_loop3A_363, %parallel_loop3A_364] {strides = array<i32>} : memref<160x16xf32, #tpu.memory_space<vmem>>, vector<1x16xf32>,
        %parallel_loop3A_366 = vector.shape_cast %parallel_loop3A_365 : vector<1x16xf32> to vector<16xf32>
        %parallel_loop3A_367 = arith.constant 80 : i32
        %parallel_loop3A_368 = arith.muli %add3A_313, %parallel_loop3A_367 : i32
        %parallel_loop3A_369 = arith.addi %parallel_loop3A_368, %parallel_loop3A_354 : i32
        %parallel_loop3A_370 = arith.index_cast %parallel_loop3A_369 : i32 to index
        %parallel_loop3A_371 = tpu.vector_load %arg12[%parallel_loop3A_370] {strides = array<i32>} : memref<10016xf32, #tpu.memory_space<vmem>>, vector<16xf32>,
        %parallel_loop3A_372 = vector.shape_cast %parallel_loop3A_371 : vector<16xf32> to vector<16xf32>
        %parallel_loop3A_373 = arith.addf %parallel_loop3A_360, %parallel_loop3A_366 : vector<16xf32>
        %parallel_loop3A_374 = vector.extract_strided_slice %parallel_loop3A_372 {offsets = [0], sizes = [1], strides = [1]} : vector<16xf32> to vector<1xf32>
        %parallel_loop3A_375 = vector.extract %parallel_loop3A_374[0] : f32 from vector<1xf32>
        %parallel_loop3A_376 = vector.broadcast %parallel_loop3A_375 : f32 to vector<16xf32>
        %parallel_loop3A_377 = arith.mulf %parallel_loop3A_376, %get3A_7 : vector<16xf32>
        %parallel_loop3A_378 = arith.addf %parallel_loop3A_373, %parallel_loop3A_377 : vector<16xf32>
        %parallel_loop3A_379 = arith.constant 0.000000e+00 : f32
        %parallel_loop3A_380 = vector.broadcast %parallel_loop3A_379 : f32 to vector<16xf32>
        %parallel_loop3A_381 = arith.cmpf ogt, %parallel_loop3A_378, %parallel_loop3A_380 : vector<16xf32>
        %parallel_loop3A_382 = arith.constant 2.000000e-01 : f32
        %parallel_loop3A_383 = vector.broadcast %parallel_loop3A_382 : f32 to vector<16xf32>
        %parallel_loop3A_384 = arith.mulf %parallel_loop3A_383, %parallel_loop3A_378 : vector<16xf32>
        %parallel_loop3A_385 = arith.select %parallel_loop3A_381, %parallel_loop3A_378, %parallel_loop3A_384 : vector<16xi1>, vector<16xf32>
        %parallel_loop3A_386 = math.exp %parallel_loop3A_385 : vector<16xf32>
        %parallel_loop3A_387 = arith.constant 80 : i32
        %parallel_loop3A_388 = arith.addi %parallel_loop3A_387, %parallel_loop3A_354 : i32
        %parallel_loop3A_389 = arith.index_cast %parallel_loop3A_388 : i32 to index
        %parallel_loop3A_390 = arith.constant 64 : index
        %parallel_loop3A_391 = tpu.vector_load %arg15[%parallel_loop3A_389, %parallel_loop3A_390] {strides = array<i32>} : memref<160x80xf32, #tpu.memory_space<vmem>>, vector<1x16xf32>,
        %parallel_loop3A_392 = vector.shape_cast %parallel_loop3A_391 : vector<1x16xf32> to vector<16xf32>
        %parallel_loop3A_393 = vector.shape_cast %parallel_loop3A_386 : vector<16xf32> to vector<1x16xf32>
        tpu.vector_store %arg15[%parallel_loop3A_389, %parallel_loop3A_390], %parallel_loop3A_393 {strides = array<i32>} : memref<160x80xf32, #tpu.memory_space<vmem>>, vector<1x16xf32>,
        %parallel_loop3A_394 = arith.constant 80 : i32
        %parallel_loop3A_395 = arith.addi %parallel_loop3A_394, %parallel_loop3A_354 : i32
        %parallel_loop3A_396 = arith.index_cast %parallel_loop3A_395 : i32 to index
        %parallel_loop3A_397 = arith.constant 0 : index
        %parallel_loop3A_398 = tpu.vector_load %arg14[%parallel_loop3A_396, %parallel_loop3A_397] {strides = array<i32>} : memref<160x80xf32, #tpu.memory_space<vmem>>, vector<1x16xf32>,
        %parallel_loop3A_399 = vector.shape_cast %parallel_loop3A_398 : vector<1x16xf32> to vector<16xf32>
        %parallel_loop3A_400 = vector.extract_strided_slice %parallel_loop3A_386 {offsets = [4], sizes = [1], strides = [1]} : vector<16xf32> to vector<1xf32>
        %parallel_loop3A_401 = vector.extract %parallel_loop3A_400[0] : f32 from vector<1xf32>
        %parallel_loop3A_402 = vector.broadcast %parallel_loop3A_401 : f32 to vector<16xf32>
        %parallel_loop3A_403 = arith.mulf %parallel_loop3A_399, %parallel_loop3A_402 : vector<16xf32>
        %parallel_loop3A_404 = arith.constant 80 : i32
        %parallel_loop3A_405 = arith.addi %parallel_loop3A_404, %parallel_loop3A_354 : i32
        %parallel_loop3A_406 = arith.index_cast %parallel_loop3A_405 : i32 to index
        %parallel_loop3A_407 = arith.constant 0 : index
        %parallel_loop3A_408 = tpu.vector_load %arg15[%parallel_loop3A_406, %parallel_loop3A_407] {strides = array<i32>} : memref<160x80xf32, #tpu.memory_space<vmem>>, vector<1x16xf32>,
        %parallel_loop3A_409 = vector.shape_cast %parallel_loop3A_408 : vector<1x16xf32> to vector<16xf32>
        %parallel_loop3A_410 = vector.shape_cast %parallel_loop3A_403 : vector<16xf32> to vector<1x16xf32>
        tpu.vector_store %arg15[%parallel_loop3A_406, %parallel_loop3A_407], %parallel_loop3A_410 {strides = array<i32>} : memref<160x80xf32, #tpu.memory_space<vmem>>, vector<1x16xf32>,
        %parallel_loop3A_411 = arith.constant 80 : i32
        %parallel_loop3A_412 = arith.addi %parallel_loop3A_411, %parallel_loop3A_354 : i32
        %parallel_loop3A_413 = arith.index_cast %parallel_loop3A_412 : i32 to index
        %parallel_loop3A_414 = arith.constant 16 : index
        %parallel_loop3A_415 = tpu.vector_load %arg14[%parallel_loop3A_413, %parallel_loop3A_414] {strides = array<i32>} : memref<160x80xf32, #tpu.memory_space<vmem>>, vector<1x16xf32>,
        %parallel_loop3A_416 = vector.shape_cast %parallel_loop3A_415 : vector<1x16xf32> to vector<16xf32>
        %parallel_loop3A_417 = vector.extract_strided_slice %parallel_loop3A_386 {offsets = [5], sizes = [1], strides = [1]} : vector<16xf32> to vector<1xf32>
        %parallel_loop3A_418 = vector.extract %parallel_loop3A_417[0] : f32 from vector<1xf32>
        %parallel_loop3A_419 = vector.broadcast %parallel_loop3A_418 : f32 to vector<16xf32>
        %parallel_loop3A_420 = arith.mulf %parallel_loop3A_416, %parallel_loop3A_419 : vector<16xf32>
        %parallel_loop3A_421 = arith.constant 80 : i32
        %parallel_loop3A_422 = arith.addi %parallel_loop3A_421, %parallel_loop3A_354 : i32
        %parallel_loop3A_423 = arith.index_cast %parallel_loop3A_422 : i32 to index
        %parallel_loop3A_424 = arith.constant 16 : index
        %parallel_loop3A_425 = tpu.vector_load %arg15[%parallel_loop3A_423, %parallel_loop3A_424] {strides = array<i32>} : memref<160x80xf32, #tpu.memory_space<vmem>>, vector<1x16xf32>,
        %parallel_loop3A_426 = vector.shape_cast %parallel_loop3A_425 : vector<1x16xf32> to vector<16xf32>
        %parallel_loop3A_427 = vector.shape_cast %parallel_loop3A_420 : vector<16xf32> to vector<1x16xf32>
        tpu.vector_store %arg15[%parallel_loop3A_423, %parallel_loop3A_424], %parallel_loop3A_427 {strides = array<i32>} : memref<160x80xf32, #tpu.memory_space<vmem>>, vector<1x16xf32>,
        %parallel_loop3A_428 = arith.constant 80 : i32
        %parallel_loop3A_429 = arith.addi %parallel_loop3A_428, %parallel_loop3A_354 : i32
        %parallel_loop3A_430 = arith.index_cast %parallel_loop3A_429 : i32 to index
        %parallel_loop3A_431 = arith.constant 32 : index
        %parallel_loop3A_432 = tpu.vector_load %arg14[%parallel_loop3A_430, %parallel_loop3A_431] {strides = array<i32>} : memref<160x80xf32, #tpu.memory_space<vmem>>, vector<1x16xf32>,
        %parallel_loop3A_433 = vector.shape_cast %parallel_loop3A_432 : vector<1x16xf32> to vector<16xf32>
        %parallel_loop3A_434 = vector.extract_strided_slice %parallel_loop3A_386 {offsets = [6], sizes = [1], strides = [1]} : vector<16xf32> to vector<1xf32>
        %parallel_loop3A_435 = vector.extract %parallel_loop3A_434[0] : f32 from vector<1xf32>
        %parallel_loop3A_436 = vector.broadcast %parallel_loop3A_435 : f32 to vector<16xf32>
        %parallel_loop3A_437 = arith.mulf %parallel_loop3A_433, %parallel_loop3A_436 : vector<16xf32>
        %parallel_loop3A_438 = arith.constant 80 : i32
        %parallel_loop3A_439 = arith.addi %parallel_loop3A_438, %parallel_loop3A_354 : i32
        %parallel_loop3A_440 = arith.index_cast %parallel_loop3A_439 : i32 to index
        %parallel_loop3A_441 = arith.constant 32 : index
        %parallel_loop3A_442 = tpu.vector_load %arg15[%parallel_loop3A_440, %parallel_loop3A_441] {strides = array<i32>} : memref<160x80xf32, #tpu.memory_space<vmem>>, vector<1x16xf32>,
        %parallel_loop3A_443 = vector.shape_cast %parallel_loop3A_442 : vector<1x16xf32> to vector<16xf32>
        %parallel_loop3A_444 = vector.shape_cast %parallel_loop3A_437 : vector<16xf32> to vector<1x16xf32>
        tpu.vector_store %arg15[%parallel_loop3A_440, %parallel_loop3A_441], %parallel_loop3A_444 {strides = array<i32>} : memref<160x80xf32, #tpu.memory_space<vmem>>, vector<1x16xf32>,
        %parallel_loop3A_445 = arith.constant 80 : i32
        %parallel_loop3A_446 = arith.addi %parallel_loop3A_445, %parallel_loop3A_354 : i32
        %parallel_loop3A_447 = arith.index_cast %parallel_loop3A_446 : i32 to index
        %parallel_loop3A_448 = arith.constant 48 : index
        %parallel_loop3A_449 = tpu.vector_load %arg14[%parallel_loop3A_447, %parallel_loop3A_448] {strides = array<i32>} : memref<160x80xf32, #tpu.memory_space<vmem>>, vector<1x16xf32>,
        %parallel_loop3A_450 = vector.shape_cast %parallel_loop3A_449 : vector<1x16xf32> to vector<16xf32>
        %parallel_loop3A_451 = vector.extract_strided_slice %parallel_loop3A_386 {offsets = [7], sizes = [1], strides = [1]} : vector<16xf32> to vector<1xf32>
        %parallel_loop3A_452 = vector.extract %parallel_loop3A_451[0] : f32 from vector<1xf32>
        %parallel_loop3A_453 = vector.broadcast %parallel_loop3A_452 : f32 to vector<16xf32>
        %parallel_loop3A_454 = arith.mulf %parallel_loop3A_450, %parallel_loop3A_453 : vector<16xf32>
        %parallel_loop3A_455 = arith.constant 80 : i32
        %parallel_loop3A_456 = arith.addi %parallel_loop3A_455, %parallel_loop3A_354 : i32
        %parallel_loop3A_457 = arith.index_cast %parallel_loop3A_456 : i32 to index
        %parallel_loop3A_458 = arith.constant 48 : index
        %parallel_loop3A_459 = tpu.vector_load %arg15[%parallel_loop3A_457, %parallel_loop3A_458] {strides = array<i32>} : memref<160x80xf32, #tpu.memory_space<vmem>>, vector<1x16xf32>,
        %parallel_loop3A_460 = vector.shape_cast %parallel_loop3A_459 : vector<1x16xf32> to vector<16xf32>
        %parallel_loop3A_461 = vector.shape_cast %parallel_loop3A_454 : vector<16xf32> to vector<1x16xf32>
        tpu.vector_store %arg15[%parallel_loop3A_457, %parallel_loop3A_458], %parallel_loop3A_461 {strides = array<i32>} : memref<160x80xf32, #tpu.memory_space<vmem>>, vector<1x16xf32>,
      } {sc.loop_unroll_factor = 8 : i64, sc.parallel_access}
      %mul3A_344 = arith.constant 80 : i32
      %mul3A_345 = arith.muli %add3A_313, %mul3A_344 : i32
      %dma_start3A_346 = arith.constant 80 : i32
      %dma_start3A_347 = arith.constant 0 : i32
      %dma_start3A_348 = tpu.memref_slice %arg15[%dma_start3A_346, %dma_start3A_347] : memref<160x80xf32, #tpu.memory_space<vmem>> -> memref<80x80xf32, #tpu.memory_space<vmem>>
      %dma_start3A_349 = tpu.memref_slice %arg11[%mul3A_345] : memref<10000xi32, #tpu.memory_space<vmem>> -> memref<80xi32, #tpu.memory_space<vmem>>
      %dma_start3A_350 = arith.constant 0 : i32
      %dma_start3A_351 = arith.constant 0 : i32
      %dma_start3A_352 = tpu.memref_slice %arg18[%dma_start3A_350, %dma_start3A_351] : memref<10000x80xf32, #tpu.memory_space<vmem_shared>> -> memref<10000x80xf32, #tpu.memory_space<vmem_shared>>
      tpu.enqueue_indirect_dma source(%dma_start3A_348 : memref<80x80xf32, #tpu.memory_space<vmem>>) target(%dma_start3A_352 : memref<10000x80xf32, #tpu.memory_space<vmem_shared>>) offsets(%dma_start3A_349 : memref<80xi32, #tpu.memory_space<vmem>>) semaphore(%arg22 : memref<!tpu.dma_semaphore, #tpu.memory_space<semaphore_mem>>) {add = true}
      %scan3A_353 = arith.constant 0 : i32
      scf.yield %scan3A_353 : i32
    }
    %scan3A_169 = arith.constant 62 : i32
    %dma_start3A_170 = arith.constant 0 : i32
    %dma_start3A_171 = arith.constant 0 : i32
    %dma_start3A_172 = tpu.memref_slice %arg14[%dma_start3A_170, %dma_start3A_171] : memref<160x80xf32, #tpu.memory_space<vmem>> -> memref<80x80xf32, #tpu.memory_space<vmem>>
    %dma_start3A_173 = arith.constant 9920 : i32
    %dma_start3A_174 = tpu.memref_slice %arg10[%dma_start3A_173] : memref<10000xi32, #tpu.memory_space<vmem>> -> memref<80xi32, #tpu.memory_space<vmem>>
    %dma_start3A_175 = arith.constant 0 : i32
    %dma_start3A_176 = arith.constant 0 : i32
    %dma_start3A_177 = tpu.memref_slice %arg3[%dma_start3A_175, %dma_start3A_176] : memref<10000x80xf32, #tpu.memory_space<hbm>> -> memref<10000x80xf32, #tpu.memory_space<hbm>>
    tpu.enqueue_indirect_dma source(%dma_start3A_177 : memref<10000x80xf32, #tpu.memory_space<hbm>>) target(%dma_start3A_172 : memref<80x80xf32, #tpu.memory_space<vmem>>) offsets(%dma_start3A_174 : memref<80xi32, #tpu.memory_space<vmem>>) semaphore(%arg19 : memref<!tpu.dma_semaphore, #tpu.memory_space<semaphore_mem>>)
    %dma_start3A_178 = arith.constant 0 : i32
    %dma_start3A_179 = arith.constant 0 : i32
    %dma_start3A_180 = tpu.memref_slice %arg13[%dma_start3A_178, %dma_start3A_179] : memref<160x16xf32, #tpu.memory_space<vmem>> -> memref<80x16xf32, #tpu.memory_space<vmem>>
    %dma_start3A_181 = arith.constant 9920 : i32
    %dma_start3A_182 = tpu.memref_slice %arg11[%dma_start3A_181] : memref<10000xi32, #tpu.memory_space<vmem>> -> memref<80xi32, #tpu.memory_space<vmem>>
    %dma_start3A_183 = arith.constant 0 : i32
    %dma_start3A_184 = arith.constant 0 : i32
    %dma_start3A_185 = tpu.memref_slice %arg4[%dma_start3A_183, %dma_start3A_184] : memref<10000x16xf32, #tpu.memory_space<hbm>> -> memref<10000x16xf32, #tpu.memory_space<hbm>>
    tpu.enqueue_indirect_dma source(%dma_start3A_185 : memref<10000x16xf32, #tpu.memory_space<hbm>>) target(%dma_start3A_180 : memref<80x16xf32, #tpu.memory_space<vmem>>) offsets(%dma_start3A_182 : memref<80xi32, #tpu.memory_space<vmem>>) semaphore(%arg19 : memref<!tpu.dma_semaphore, #tpu.memory_space<semaphore_mem>>)
    %dma_wait3A_186 = arith.constant 0 : i32
    %dma_wait3A_187 = arith.constant 0 : i32
    %dma_wait3A_188 = tpu.memref_slice %arg15[%dma_wait3A_186, %dma_wait3A_187] : memref<160x80xf32, #tpu.memory_space<vmem>> -> memref<80x80xf32, #tpu.memory_space<vmem>>
    %dma_wait3A_189 = arith.constant 9920 : i32
    %dma_wait3A_190 = tpu.memref_slice %arg11[%dma_wait3A_189] : memref<10000xi32, #tpu.memory_space<vmem>> -> memref<80xi32, #tpu.memory_space<vmem>>
    %dma_wait3A_191 = arith.constant 0 : i32
    %dma_wait3A_192 = arith.constant 0 : i32
    %dma_wait3A_193 = tpu.memref_slice %arg18[%dma_wait3A_191, %dma_wait3A_192] : memref<10000x80xf32, #tpu.memory_space<vmem_shared>> -> memref<10000x80xf32, #tpu.memory_space<vmem_shared>>
    tpu.wait_indirect_dma semaphore(%arg21 : memref<!tpu.dma_semaphore, #tpu.memory_space<semaphore_mem>>) src(%dma_wait3A_188 : memref<80x80xf32, #tpu.memory_space<vmem>>) dst(%dma_wait3A_193 : memref<10000x80xf32, #tpu.memory_space<vmem_shared>>)
    %dma_wait3A_194 = arith.constant 0 : i32
    %dma_wait3A_195 = arith.constant 0 : i32
    %dma_wait3A_196 = tpu.memref_slice %arg14[%dma_wait3A_194, %dma_wait3A_195] : memref<160x80xf32, #tpu.memory_space<vmem>> -> memref<80x80xf32, #tpu.memory_space<vmem>>
    %dma_wait3A_197 = arith.constant 9920 : i32
    %dma_wait3A_198 = tpu.memref_slice %arg10[%dma_wait3A_197] : memref<10000xi32, #tpu.memory_space<vmem>> -> memref<80xi32, #tpu.memory_space<vmem>>
    %dma_wait3A_199 = arith.constant 0 : i32
    %dma_wait3A_200 = arith.constant 0 : i32
    %dma_wait3A_201 = tpu.memref_slice %arg3[%dma_wait3A_199, %dma_wait3A_200] : memref<10000x80xf32, #tpu.memory_space<hbm>> -> memref<10000x80xf32, #tpu.memory_space<hbm>>
    tpu.wait_indirect_dma semaphore(%arg19 : memref<!tpu.dma_semaphore, #tpu.memory_space<semaphore_mem>>) src(%dma_wait3A_201 : memref<10000x80xf32, #tpu.memory_space<hbm>>) dst(%dma_wait3A_196 : memref<80x80xf32, #tpu.memory_space<vmem>>)
    %dma_wait3A_202 = arith.constant 0 : i32
    %dma_wait3A_203 = arith.constant 0 : i32
    %dma_wait3A_204 = tpu.memref_slice %arg13[%dma_wait3A_202, %dma_wait3A_203] : memref<160x16xf32, #tpu.memory_space<vmem>> -> memref<80x16xf32, #tpu.memory_space<vmem>>
    %dma_wait3A_205 = arith.constant 9920 : i32
    %dma_wait3A_206 = tpu.memref_slice %arg10[%dma_wait3A_205] : memref<10000xi32, #tpu.memory_space<vmem>> -> memref<80xi32, #tpu.memory_space<vmem>>
    %dma_wait3A_207 = arith.constant 0 : i32
    %dma_wait3A_208 = arith.constant 0 : i32
    %dma_wait3A_209 = tpu.memref_slice %arg4[%dma_wait3A_207, %dma_wait3A_208] : memref<10000x16xf32, #tpu.memory_space<hbm>> -> memref<10000x16xf32, #tpu.memory_space<hbm>>
    tpu.wait_indirect_dma semaphore(%arg19 : memref<!tpu.dma_semaphore, #tpu.memory_space<semaphore_mem>>) src(%dma_wait3A_209 : memref<10000x16xf32, #tpu.memory_space<hbm>>) dst(%dma_wait3A_204 : memref<80x16xf32, #tpu.memory_space<vmem>>)
    %parallel_loop3A_210 = arith.constant 0 : i32
    %parallel_loop3A_211 = arith.constant 80 : i32
    %parallel_loop3A_212 = arith.constant 1 : i32
    scf.for %parallel_loop3A_250 = %parallel_loop3A_210 to %parallel_loop3A_211 step %parallel_loop3A_212  : i32 {
      %parallel_loop3A_251 = arith.constant 0 : i32
      %parallel_loop3A_252 = arith.addi %parallel_loop3A_251, %parallel_loop3A_250 : i32
      %parallel_loop3A_253 = arith.index_cast %parallel_loop3A_252 : i32 to index
      %parallel_loop3A_254 = arith.constant 64 : index
      %parallel_loop3A_255 = tpu.vector_load %arg14[%parallel_loop3A_253, %parallel_loop3A_254] {strides = array<i32>} : memref<160x80xf32, #tpu.memory_space<vmem>>, vector<1x16xf32>,
      %parallel_loop3A_256 = vector.shape_cast %parallel_loop3A_255 : vector<1x16xf32> to vector<16xf32>
      %parallel_loop3A_257 = arith.constant 0 : i32
      %parallel_loop3A_258 = arith.addi %parallel_loop3A_257, %parallel_loop3A_250 : i32
      %parallel_loop3A_259 = arith.index_cast %parallel_loop3A_258 : i32 to index
      %parallel_loop3A_260 = arith.constant 0 : index
      %parallel_loop3A_261 = tpu.vector_load %arg13[%parallel_loop3A_259, %parallel_loop3A_260] {strides = array<i32>} : memref<160x16xf32, #tpu.memory_space<vmem>>, vector<1x16xf32>,
      %parallel_loop3A_262 = vector.shape_cast %parallel_loop3A_261 : vector<1x16xf32> to vector<16xf32>
      %parallel_loop3A_263 = arith.constant 9920 : i32
      %parallel_loop3A_264 = arith.addi %parallel_loop3A_263, %parallel_loop3A_250 : i32
      %parallel_loop3A_265 = arith.index_cast %parallel_loop3A_264 : i32 to index
      %parallel_loop3A_266 = tpu.vector_load %arg12[%parallel_loop3A_265] {strides = array<i32>} : memref<10016xf32, #tpu.memory_space<vmem>>, vector<16xf32>,
      %parallel_loop3A_267 = vector.shape_cast %parallel_loop3A_266 : vector<16xf32> to vector<16xf32>
      %parallel_loop3A_268 = arith.addf %parallel_loop3A_256, %parallel_loop3A_262 : vector<16xf32>
      %parallel_loop3A_269 = vector.extract_strided_slice %parallel_loop3A_267 {offsets = [0], sizes = [1], strides = [1]} : vector<16xf32> to vector<1xf32>
      %parallel_loop3A_270 = vector.extract %parallel_loop3A_269[0] : f32 from vector<1xf32>
      %parallel_loop3A_271 = vector.broadcast %parallel_loop3A_270 : f32 to vector<16xf32>
      %parallel_loop3A_272 = arith.mulf %parallel_loop3A_271, %get3A_7 : vector<16xf32>
      %parallel_loop3A_273 = arith.addf %parallel_loop3A_268, %parallel_loop3A_272 : vector<16xf32>
      %parallel_loop3A_274 = arith.constant 0.000000e+00 : f32
      %parallel_loop3A_275 = vector.broadcast %parallel_loop3A_274 : f32 to vector<16xf32>
      %parallel_loop3A_276 = arith.cmpf ogt, %parallel_loop3A_273, %parallel_loop3A_275 : vector<16xf32>
      %parallel_loop3A_277 = arith.constant 2.000000e-01 : f32
      %parallel_loop3A_278 = vector.broadcast %parallel_loop3A_277 : f32 to vector<16xf32>
      %parallel_loop3A_279 = arith.mulf %parallel_loop3A_278, %parallel_loop3A_273 : vector<16xf32>
      %parallel_loop3A_280 = arith.select %parallel_loop3A_276, %parallel_loop3A_273, %parallel_loop3A_279 : vector<16xi1>, vector<16xf32>
      %parallel_loop3A_281 = math.exp %parallel_loop3A_280 : vector<16xf32>
      %parallel_loop3A_282 = arith.constant 0 : i32
      %parallel_loop3A_283 = arith.addi %parallel_loop3A_282, %parallel_loop3A_250 : i32
      %parallel_loop3A_284 = arith.index_cast %parallel_loop3A_283 : i32 to index
      %parallel_loop3A_285 = arith.constant 64 : index
      %parallel_loop3A_286 = tpu.vector_load %arg15[%parallel_loop3A_284, %parallel_loop3A_285] {strides = array<i32>} : memref<160x80xf32, #tpu.memory_space<vmem>>, vector<1x16xf32>,
      %parallel_loop3A_287 = vector.shape_cast %parallel_loop3A_286 : vector<1x16xf32> to vector<16xf32>
      %parallel_loop3A_288 = vector.shape_cast %parallel_loop3A_281 : vector<16xf32> to vector<1x16xf32>
      tpu.vector_store %arg15[%parallel_loop3A_284, %parallel_loop3A_285], %parallel_loop3A_288 {strides = array<i32>} : memref<160x80xf32, #tpu.memory_space<vmem>>, vector<1x16xf32>,
      %parallel_loop3A_289 = arith.constant 0 : i32
      %parallel_loop3A_290 = arith.addi %parallel_loop3A_289, %parallel_loop3A_250 : i32
      %parallel_loop3A_291 = arith.index_cast %parallel_loop3A_290 : i32 to index
      %parallel_loop3A_292 = arith.constant 0 : index
      %parallel_loop3A_293 = tpu.vector_load %arg14[%parallel_loop3A_291, %parallel_loop3A_292] {strides = array<i32>} : memref<160x80xf32, #tpu.memory_space<vmem>>, vector<1x16xf32>,
      %parallel_loop3A_294 = vector.shape_cast %parallel_loop3A_293 : vector<1x16xf32> to vector<16xf32>
      %parallel_loop3A_295 = vector.extract_strided_slice %parallel_loop3A_281 {offsets = [4], sizes = [1], strides = [1]} : vector<16xf32> to vector<1xf32>
      %parallel_loop3A_296 = vector.extract %parallel_loop3A_295[0] : f32 from vector<1xf32>
      %parallel_loop3A_297 = vector.broadcast %parallel_loop3A_296 : f32 to vector<16xf32>
      %parallel_loop3A_298 = arith.mulf %parallel_loop3A_294, %parallel_loop3A_297 : vector<16xf32>
      %parallel_loop3A_299 = arith.constant 0 : i32
      %parallel_loop3A_300 = arith.addi %parallel_loop3A_299, %parallel_loop3A_250 : i32
      %parallel_loop3A_301 = arith.index_cast %parallel_loop3A_300 : i32 to index
      %parallel_loop3A_302 = arith.constant 0 : index
      %parallel_loop3A_303 = tpu.vector_load %arg15[%parallel_loop3A_301, %parallel_loop3A_302] {strides = array<i32>} : memref<160x80xf32, #tpu.memory_space<vmem>>, vector<1x16xf32>,
      %parallel_loop3A_304 = vector.shape_cast %parallel_loop3A_303 : vector<1x16xf32> to vector<16xf32>
      %parallel_loop3A_305 = vector.shape_cast %parallel_loop3A_298 : vector<16xf32> to vector<1x16xf32>
      tpu.vector_store %arg15[%parallel_loop3A_301, %parallel_loop3A_302], %parallel_loop3A_305 {strides = array<i32>} : memref<160x80xf32, #tpu.memory_space<vmem>>, vector<1x16xf32>,
      %parallel_loop3A_306 = arith.constant 0 : i32
      %parallel_loop3A_307 = arith.addi %parallel_loop3A_306, %parallel_loop3A_250 : i32
      %parallel_loop3A_308 = arith.index_cast %parallel_loop3A_307 : i32 to index
      %parallel_loop3A_309 = arith.constant 16 : index
      %parallel_loop3A_310 = tpu.vector_load %arg14[%parallel_loop3A_308, %parallel_loop3A_309] {strides = array<i32>} : memref<160x80xf32, #tpu.memory_space<vmem>>, vector<1x16xf32>,
      %parallel_loop3A_311 = vector.shape_cast %parallel_loop3A_310 : vector<1x16xf32> to vector<16xf32>
      %parallel_loop3A_312 = vector.extract_strided_slice %parallel_loop3A_281 {offsets = [5], sizes = [1], strides = [1]} : vector<16xf32> to vector<1xf32>
      %parallel_loop3A_313 = vector.extract %parallel_loop3A_312[0] : f32 from vector<1xf32>
      %parallel_loop3A_314 = vector.broadcast %parallel_loop3A_313 : f32 to vector<16xf32>
      %parallel_loop3A_315 = arith.mulf %parallel_loop3A_311, %parallel_loop3A_314 : vector<16xf32>
      %parallel_loop3A_316 = arith.constant 0 : i32
      %parallel_loop3A_317 = arith.addi %parallel_loop3A_316, %parallel_loop3A_250 : i32
      %parallel_loop3A_318 = arith.index_cast %parallel_loop3A_317 : i32 to index
      %parallel_loop3A_319 = arith.constant 16 : index
      %parallel_loop3A_320 = tpu.vector_load %arg15[%parallel_loop3A_318, %parallel_loop3A_319] {strides = array<i32>} : memref<160x80xf32, #tpu.memory_space<vmem>>, vector<1x16xf32>,
      %parallel_loop3A_321 = vector.shape_cast %parallel_loop3A_320 : vector<1x16xf32> to vector<16xf32>
      %parallel_loop3A_322 = vector.shape_cast %parallel_loop3A_315 : vector<16xf32> to vector<1x16xf32>
      tpu.vector_store %arg15[%parallel_loop3A_318, %parallel_loop3A_319], %parallel_loop3A_322 {strides = array<i32>} : memref<160x80xf32, #tpu.memory_space<vmem>>, vector<1x16xf32>,
      %parallel_loop3A_323 = arith.constant 0 : i32
      %parallel_loop3A_324 = arith.addi %parallel_loop3A_323, %parallel_loop3A_250 : i32
      %parallel_loop3A_325 = arith.index_cast %parallel_loop3A_324 : i32 to index
      %parallel_loop3A_326 = arith.constant 32 : index
      %parallel_loop3A_327 = tpu.vector_load %arg14[%parallel_loop3A_325, %parallel_loop3A_326] {strides = array<i32>} : memref<160x80xf32, #tpu.memory_space<vmem>>, vector<1x16xf32>,
      %parallel_loop3A_328 = vector.shape_cast %parallel_loop3A_327 : vector<1x16xf32> to vector<16xf32>
      %parallel_loop3A_329 = vector.extract_strided_slice %parallel_loop3A_281 {offsets = [6], sizes = [1], strides = [1]} : vector<16xf32> to vector<1xf32>
      %parallel_loop3A_330 = vector.extract %parallel_loop3A_329[0] : f32 from vector<1xf32>
      %parallel_loop3A_331 = vector.broadcast %parallel_loop3A_330 : f32 to vector<16xf32>
      %parallel_loop3A_332 = arith.mulf %parallel_loop3A_328, %parallel_loop3A_331 : vector<16xf32>
      %parallel_loop3A_333 = arith.constant 0 : i32
      %parallel_loop3A_334 = arith.addi %parallel_loop3A_333, %parallel_loop3A_250 : i32
      %parallel_loop3A_335 = arith.index_cast %parallel_loop3A_334 : i32 to index
      %parallel_loop3A_336 = arith.constant 32 : index
      %parallel_loop3A_337 = tpu.vector_load %arg15[%parallel_loop3A_335, %parallel_loop3A_336] {strides = array<i32>} : memref<160x80xf32, #tpu.memory_space<vmem>>, vector<1x16xf32>,
      %parallel_loop3A_338 = vector.shape_cast %parallel_loop3A_337 : vector<1x16xf32> to vector<16xf32>
      %parallel_loop3A_339 = vector.shape_cast %parallel_loop3A_332 : vector<16xf32> to vector<1x16xf32>
      tpu.vector_store %arg15[%parallel_loop3A_335, %parallel_loop3A_336], %parallel_loop3A_339 {strides = array<i32>} : memref<160x80xf32, #tpu.memory_space<vmem>>, vector<1x16xf32>,
      %parallel_loop3A_340 = arith.constant 0 : i32
      %parallel_loop3A_341 = arith.addi %parallel_loop3A_340, %parallel_loop3A_250 : i32
      %parallel_loop3A_342 = arith.index_cast %parallel_loop3A_341 : i32 to index
      %parallel_loop3A_343 = arith.constant 48 : index
      %parallel_loop3A_344 = tpu.vector_load %arg14[%parallel_loop3A_342, %parallel_loop3A_343] {strides = array<i32>} : memref<160x80xf32, #tpu.memory_space<vmem>>, vector<1x16xf32>,
      %parallel_loop3A_345 = vector.shape_cast %parallel_loop3A_344 : vector<1x16xf32> to vector<16xf32>
      %parallel_loop3A_346 = vector.extract_strided_slice %parallel_loop3A_281 {offsets = [7], sizes = [1], strides = [1]} : vector<16xf32> to vector<1xf32>
      %parallel_loop3A_347 = vector.extract %parallel_loop3A_346[0] : f32 from vector<1xf32>
      %parallel_loop3A_348 = vector.broadcast %parallel_loop3A_347 : f32 to vector<16xf32>
      %parallel_loop3A_349 = arith.mulf %parallel_loop3A_345, %parallel_loop3A_348 : vector<16xf32>
      %parallel_loop3A_350 = arith.constant 0 : i32
      %parallel_loop3A_351 = arith.addi %parallel_loop3A_350, %parallel_loop3A_250 : i32
      %parallel_loop3A_352 = arith.index_cast %parallel_loop3A_351 : i32 to index
      %parallel_loop3A_353 = arith.constant 48 : index
      %parallel_loop3A_354 = tpu.vector_load %arg15[%parallel_loop3A_352, %parallel_loop3A_353] {strides = array<i32>} : memref<160x80xf32, #tpu.memory_space<vmem>>, vector<1x16xf32>,
      %parallel_loop3A_355 = vector.shape_cast %parallel_loop3A_354 : vector<1x16xf32> to vector<16xf32>
      %parallel_loop3A_356 = vector.shape_cast %parallel_loop3A_349 : vector<16xf32> to vector<1x16xf32>
      tpu.vector_store %arg15[%parallel_loop3A_352, %parallel_loop3A_353], %parallel_loop3A_356 {strides = array<i32>} : memref<160x80xf32, #tpu.memory_space<vmem>>, vector<1x16xf32>,
    } {sc.loop_unroll_factor = 8 : i64, sc.parallel_access}
    %dma_start3A_213 = arith.constant 0 : i32
    %dma_start3A_214 = arith.constant 0 : i32
    %dma_start3A_215 = tpu.memref_slice %arg15[%dma_start3A_213, %dma_start3A_214] : memref<160x80xf32, #tpu.memory_space<vmem>> -> memref<80x80xf32, #tpu.memory_space<vmem>>
    %dma_start3A_216 = arith.constant 9920 : i32
    %dma_start3A_217 = tpu.memref_slice %arg11[%dma_start3A_216] : memref<10000xi32, #tpu.memory_space<vmem>> -> memref<80xi32, #tpu.memory_space<vmem>>
    %dma_start3A_218 = arith.constant 0 : i32
    %dma_start3A_219 = arith.constant 0 : i32
    %dma_start3A_220 = tpu.memref_slice %arg18[%dma_start3A_218, %dma_start3A_219] : memref<10000x80xf32, #tpu.memory_space<vmem_shared>> -> memref<10000x80xf32, #tpu.memory_space<vmem_shared>>
    tpu.enqueue_indirect_dma source(%dma_start3A_215 : memref<80x80xf32, #tpu.memory_space<vmem>>) target(%dma_start3A_220 : memref<10000x80xf32, #tpu.memory_space<vmem_shared>>) offsets(%dma_start3A_217 : memref<80xi32, #tpu.memory_space<vmem>>) semaphore(%arg21 : memref<!tpu.dma_semaphore, #tpu.memory_space<semaphore_mem>>) {add = true}
    %dma_wait3A_221 = arith.constant 80 : i32
    %dma_wait3A_222 = arith.constant 0 : i32
    %dma_wait3A_223 = tpu.memref_slice %arg15[%dma_wait3A_221, %dma_wait3A_222] : memref<160x80xf32, #tpu.memory_space<vmem>> -> memref<80x80xf32, #tpu.memory_space<vmem>>
    %dma_wait3A_224 = arith.constant 0 : i32
    %dma_wait3A_225 = tpu.memref_slice %arg11[%dma_wait3A_224] : memref<10000xi32, #tpu.memory_space<vmem>> -> memref<80xi32, #tpu.memory_space<vmem>>
    %dma_wait3A_226 = arith.constant 0 : i32
    %dma_wait3A_227 = arith.constant 0 : i32
    %dma_wait3A_228 = tpu.memref_slice %arg18[%dma_wait3A_226, %dma_wait3A_227] : memref<10000x80xf32, #tpu.memory_space<vmem_shared>> -> memref<10000x80xf32, #tpu.memory_space<vmem_shared>>
    tpu.wait_indirect_dma semaphore(%arg22 : memref<!tpu.dma_semaphore, #tpu.memory_space<semaphore_mem>>) src(%dma_wait3A_223 : memref<80x80xf32, #tpu.memory_space<vmem>>) dst(%dma_wait3A_228 : memref<10000x80xf32, #tpu.memory_space<vmem_shared>>)
    %dma_wait3A_229 = arith.constant 0 : i32
    %dma_wait3A_230 = arith.constant 0 : i32
    %dma_wait3A_231 = tpu.memref_slice %arg15[%dma_wait3A_229, %dma_wait3A_230] : memref<160x80xf32, #tpu.memory_space<vmem>> -> memref<80x80xf32, #tpu.memory_space<vmem>>
    %dma_wait3A_232 = arith.constant 0 : i32
    %dma_wait3A_233 = tpu.memref_slice %arg11[%dma_wait3A_232] : memref<10000xi32, #tpu.memory_space<vmem>> -> memref<80xi32, #tpu.memory_space<vmem>>
    %dma_wait3A_234 = arith.constant 0 : i32
    %dma_wait3A_235 = arith.constant 0 : i32
    %dma_wait3A_236 = tpu.memref_slice %arg18[%dma_wait3A_234, %dma_wait3A_235] : memref<10000x80xf32, #tpu.memory_space<vmem_shared>> -> memref<10000x80xf32, #tpu.memory_space<vmem_shared>>
    tpu.wait_indirect_dma semaphore(%arg21 : memref<!tpu.dma_semaphore, #tpu.memory_space<semaphore_mem>>) src(%dma_wait3A_231 : memref<80x80xf32, #tpu.memory_space<vmem>>) dst(%dma_wait3A_236 : memref<10000x80xf32, #tpu.memory_space<vmem_shared>>)
    %barrier3A_237 = arith.constant 0 : index
    tpu.barrier barrier_id(%barrier3A_237)
    %mul3A_238 = arith.constant 10000 : i32
    %mul3A_239 = arith.muli %arg0, %mul3A_238 : i32
    %mul3A_240 = arith.constant 624 : i32
    %mul3A_241 = arith.muli %arg1, %mul3A_240 : i32
    %add3A_242 = arith.addi %mul3A_239, %mul3A_241 : i32
    %mul3A_243 = arith.constant 624 : i32
    %mul3A_244 = arith.muli %arg1, %mul3A_243 : i32
    "tpu.region"() ({
      %run_scoped3A_250 = tpu.sem_alloc : memref<!tpu.dma_semaphore, #tpu.memory_space<semaphore_mem>>
      %dma_start3A_251 = arith.constant 0 : i32
      %dma_start3A_252 = tpu.memref_slice %arg9[%add3A_242, %dma_start3A_251] : memref<20000x128xf32, #tpu.memory_space<hbm>> -> memref<624x80xf32, #tpu.memory_space<hbm>>
      %dma_start3A_253 = arith.constant 0 : i32
      %dma_start3A_254 = tpu.memref_slice %arg18[%mul3A_244, %dma_start3A_253] : memref<10000x80xf32, #tpu.memory_space<vmem_shared>> -> memref<624x80xf32, #tpu.memory_space<vmem_shared>>
      tpu.enqueue_dma source(%dma_start3A_254 : memref<624x80xf32, #tpu.memory_space<vmem_shared>>) target(%dma_start3A_252 : memref<624x80xf32, #tpu.memory_space<hbm>>) target_semaphore(%run_scoped3A_250 : memref<!tpu.dma_semaphore, #tpu.memory_space<semaphore_mem>>)
      %dma_wait3A_255 = arith.constant 0 : i32
      %dma_wait3A_256 = tpu.memref_slice %arg9[%add3A_242, %dma_wait3A_255] : memref<20000x128xf32, #tpu.memory_space<hbm>> -> memref<624x80xf32, #tpu.memory_space<hbm>>
      %dma_wait3A_257 = arith.constant 0 : i32
      %dma_wait3A_258 = tpu.memref_slice %arg18[%mul3A_244, %dma_wait3A_257] : memref<10000x80xf32, #tpu.memory_space<vmem_shared>> -> memref<624x80xf32, #tpu.memory_space<vmem_shared>>
      tpu.wait_dma2 semaphore(%run_scoped3A_250 : memref<!tpu.dma_semaphore, #tpu.memory_space<semaphore_mem>>) src(%dma_wait3A_258 : memref<624x80xf32, #tpu.memory_space<vmem_shared>>) dst(%dma_wait3A_256 : memref<624x80xf32, #tpu.memory_space<hbm>>)
      tpu.yield
    }) : () -> ()
    %eq3A_245 = arith.constant 15 : i32
    %eq3A_246 = arith.cmpi eq, %arg1, %eq3A_245 : i32
    %convert_element_type3A_247 = arith.extui %eq3A_246 : i1 to i32
    %cond3A_248 = arith.constant 0 : i32
    %cond3A_249 = arith.cmpi ne, %convert_element_type3A_247, %cond3A_248 : i32
    scf.if %cond3A_249 {
      %mul3A_250 = arith.constant 10000 : i32
      %mul3A_251 = arith.muli %arg0, %mul3A_250 : i32
      %add3A_252 = arith.constant 9984 : i32
      %add3A_253 = arith.addi %mul3A_251, %add3A_252 : i32
      "tpu.region"() ({
        %run_scoped3A_254 = tpu.sem_alloc : memref<!tpu.dma_semaphore, #tpu.memory_space<semaphore_mem>>
        %dma_start3A_255 = arith.constant 0 : i32
        %dma_start3A_256 = tpu.memref_slice %arg9[%add3A_253, %dma_start3A_255] : memref<20000x128xf32, #tpu.memory_space<hbm>> -> memref<16x80xf32, #tpu.memory_space<hbm>>
        %dma_start3A_257 = arith.constant 9984 : i32
        %dma_start3A_258 = arith.constant 0 : i32
        %dma_start3A_259 = tpu.memref_slice %arg18[%dma_start3A_257, %dma_start3A_258] : memref<10000x80xf32, #tpu.memory_space<vmem_shared>> -> memref<16x80xf32, #tpu.memory_space<vmem_shared>>
        tpu.enqueue_dma source(%dma_start3A_259 : memref<16x80xf32, #tpu.memory_space<vmem_shared>>) target(%dma_start3A_256 : memref<16x80xf32, #tpu.memory_space<hbm>>) target_semaphore(%run_scoped3A_254 : memref<!tpu.dma_semaphore, #tpu.memory_space<semaphore_mem>>)
        %dma_wait3A_260 = arith.constant 0 : i32
        %dma_wait3A_261 = tpu.memref_slice %arg9[%add3A_253, %dma_wait3A_260] : memref<20000x128xf32, #tpu.memory_space<hbm>> -> memref<16x80xf32, #tpu.memory_space<hbm>>
        %dma_wait3A_262 = arith.constant 9984 : i32
        %dma_wait3A_263 = arith.constant 0 : i32
        %dma_wait3A_264 = tpu.memref_slice %arg18[%dma_wait3A_262, %dma_wait3A_263] : memref<10000x80xf32, #tpu.memory_space<vmem_shared>> -> memref<16x80xf32, #tpu.memory_space<vmem_shared>>
        tpu.wait_dma2 semaphore(%run_scoped3A_254 : memref<!tpu.dma_semaphore, #tpu.memory_space<semaphore_mem>>) src(%dma_wait3A_264 : memref<16x80xf32, #tpu.memory_space<vmem_shared>>) dst(%dma_wait3A_261 : memref<16x80xf32, #tpu.memory_space<hbm>>)
        tpu.yield
      }) : () -> ()
    } else {
    }
    return
  }
}

module attributes {stable_mosaic.version = 14 : i64} {
  func.func @_dense_body(%arg0: i32, %arg1: memref<400x128xf32, #tpu.memory_space<vmem>>, %arg2: memref<64x128xf32, #tpu.memory_space<vmem>>, %arg3: memref<64x128xf32, #tpu.memory_space<vmem>>, %arg4: memref<128x128xf32, #tpu.memory_space<vmem>>, %arg5: memref<1x128xf32, #tpu.memory_space<vmem>>, %arg6: memref<1x128xf32, #tpu.memory_space<vmem>>, %arg7: memref<1x128xf32, #tpu.memory_space<vmem>>, %arg8: memref<1x128xf32, #tpu.memory_space<vmem>>, %arg9: memref<128x16xf32, #tpu.memory_space<vmem>>, %arg10: memref<400x80xf32, #tpu.memory_space<vmem>>, %arg11: memref<400x80xf32, #tpu.memory_space<vmem>>, %arg12: memref<400x128xf32, #tpu.memory_space<vmem>>, %arg13: memref<400x16xf32, #tpu.memory_space<vmem>>, %arg14: memref<1x16xf32, #tpu.memory_space<vmem>>) attributes {dimension_semantics = [#tpu.dimension_semantics<arbitrary>], iteration_bounds = array<i64: 25>, scalar_prefetch = 0 : i64, scratch_operands = 0 : i64, tpu.core_type = #tpu.core_type<tc>, window_params = [{transform_indices = @transform_0, window_bounds = array<i64: 400, 128>}, {transform_indices = @transform_1, window_bounds = array<i64: 64, 128>}, {transform_indices = @transform_2, window_bounds = array<i64: 64, 128>}, {pipeline_mode = #tpu.pipeline_mode<synchronous>, transform_indices = @transform_3, window_bounds = array<i64: 128, 128>}, {pipeline_mode = #tpu.pipeline_mode<synchronous>, transform_indices = @transform_4, window_bounds = array<i64: 1, 128>}, {pipeline_mode = #tpu.pipeline_mode<synchronous>, transform_indices = @transform_5, window_bounds = array<i64: 1, 128>}, {pipeline_mode = #tpu.pipeline_mode<synchronous>, transform_indices = @transform_6, window_bounds = array<i64: 1, 128>}, {pipeline_mode = #tpu.pipeline_mode<synchronous>, transform_indices = @transform_7, window_bounds = array<i64: 1, 128>}, {pipeline_mode = #tpu.pipeline_mode<synchronous>, transform_indices = @transform_8, window_bounds = array<i64: 128, 16>}, {transform_indices = @transform_9, window_bounds = array<i64: 400, 80>}, {transform_indices = @transform_10, window_bounds = array<i64: 400, 80>}, {transform_indices = @transform_11, window_bounds = array<i64: 400, 128>}, {transform_indices = @transform_12, window_bounds = array<i64: 400, 16>}, {pipeline_mode = #tpu.pipeline_mode<synchronous>, transform_indices = @transform_13, window_bounds = array<i64: 1, 16>}]} {
    %get3A = arith.constant 0 : index
    %get3A_0 = arith.constant 0 : index
    %get3A_1 = vector.load %arg1[%get3A, %get3A_0] : memref<400x128xf32, #tpu.memory_space<vmem>>, vector<400x128xf32>
    %get3A_2 = arith.constant 0 : index
    %get3A_3 = arith.constant 0 : index
    %get3A_4 = vector.load %arg2[%get3A_2, %get3A_3] : memref<64x128xf32, #tpu.memory_space<vmem>>, vector<64x128xf32>
    %dot_general3A = arith.constant dense<0.000000e+00> : vector<400x64xf32>
    %dot_general3A_5 = tpu.matmul %get3A_1, %get3A_4, %dot_general3A {dimension_numbers = #tpu.dot_dimension_numbers<[1], [1], [0], [0], [0, 0, 1, 0], [], []>, transpose_lhs_hint = false} : vector<400x128xf32>, vector<64x128xf32>, vector<400x64xf32> -> vector<400x64xf32>
    %get3A_6 = arith.constant 0 : index
    %get3A_7 = arith.constant 0 : index
    %get3A_8 = vector.load %arg3[%get3A_6, %get3A_7] : memref<64x128xf32, #tpu.memory_space<vmem>>, vector<64x128xf32>
    %dot_general3A_9 = arith.constant dense<0.000000e+00> : vector<400x64xf32>
    %dot_general3A_10 = tpu.matmul %get3A_1, %get3A_8, %dot_general3A_9 {dimension_numbers = #tpu.dot_dimension_numbers<[1], [1], [0], [0], [0, 0, 1, 0], [], []>, transpose_lhs_hint = false} : vector<400x128xf32>, vector<64x128xf32>, vector<400x64xf32> -> vector<400x64xf32>
    %get3A_11 = arith.constant 0 : index
    %get3A_12 = arith.constant 0 : index
    %get3A_13 = vector.load %arg4[%get3A_11, %get3A_12] : memref<128x128xf32, #tpu.memory_space<vmem>>, vector<128x128xf32>
    %dot_general3A_14 = arith.constant dense<0.000000e+00> : vector<400x128xf32>
    %dot_general3A_15 = tpu.matmul %get3A_1, %get3A_13, %dot_general3A_14 {dimension_numbers = #tpu.dot_dimension_numbers<[1], [1], [0], [0], [0, 0, 1, 0], [], []>, transpose_lhs_hint = false} : vector<400x128xf32>, vector<128x128xf32>, vector<400x128xf32> -> vector<400x128xf32>
    %swap3A = arith.constant 0 : index
    %swap3A_16 = arith.constant 0 : index
    %swap3A_17 = vector.load %arg12[%swap3A, %swap3A_16] : memref<400x128xf32, #tpu.memory_space<vmem>>, vector<400x128xf32>
    tpu.vector_store %arg12[%swap3A, %swap3A_16], %dot_general3A_15 {strides = array<i32>} : memref<400x128xf32, #tpu.memory_space<vmem>>, vector<400x128xf32>,
    %get3A_18 = arith.constant 0 : index
    %get3A_19 = arith.constant 0 : index
    %get3A_20 = vector.load %arg5[%get3A_18, %get3A_19] : memref<1x128xf32, #tpu.memory_space<vmem>>, vector<1x128xf32>
    %get3A_21 = arith.constant 0 : index
    %get3A_22 = arith.constant 0 : index
    %get3A_23 = vector.load %arg6[%get3A_21, %get3A_22] : memref<1x128xf32, #tpu.memory_space<vmem>>, vector<1x128xf32>
    %get3A_24 = arith.constant 0 : index
    %get3A_25 = arith.constant 0 : index
    %get3A_26 = vector.load %arg9[%get3A_24, %get3A_25] : memref<128x16xf32, #tpu.memory_space<vmem>>, vector<128x16xf32>
    %slice3A = vector.extract_strided_slice %get3A_20 {offsets = [0, 0], sizes = [1, 64], strides = [1, 1]} : vector<1x128xf32> to vector<1x64xf32>
    %mul3A = vector.broadcast %slice3A : vector<1x64xf32> to vector<400x64xf32>
    %mul3A_27 = arith.mulf %dot_general3A_5, %mul3A : vector<400x64xf32>
    %slice3A_28 = vector.extract_strided_slice %get3A_26 {offsets = [0, 0], sizes = [64, 16], strides = [1, 1]} : vector<128x16xf32> to vector<64x16xf32>
    %dot_general3A_29 = arith.constant dense<0.000000e+00> : vector<400x16xf32>
    %dot_general3A_30 = tpu.matmul %mul3A_27, %slice3A_28, %dot_general3A_29 {dimension_numbers = #tpu.dot_dimension_numbers<[1], [0], [0], [1], [0, 0, 1, 1], [], []>, transpose_lhs_hint = false} : vector<400x64xf32>, vector<64x16xf32>, vector<400x16xf32> -> vector<400x16xf32>
    %slice3A_31 = vector.extract_strided_slice %get3A_20 {offsets = [0, 64], sizes = [1, 64], strides = [1, 1]} : vector<1x128xf32> to vector<1x64xf32>
    %mul3A_32 = vector.broadcast %slice3A_31 : vector<1x64xf32> to vector<400x64xf32>
    %mul3A_33 = arith.mulf %dot_general3A_10, %mul3A_32 : vector<400x64xf32>
    %slice3A_34 = vector.extract_strided_slice %get3A_26 {offsets = [64, 0], sizes = [64, 16], strides = [1, 1]} : vector<128x16xf32> to vector<64x16xf32>
    %dot_general3A_35 = arith.constant dense<0.000000e+00> : vector<400x16xf32>
    %dot_general3A_36 = tpu.matmul %mul3A_33, %slice3A_34, %dot_general3A_35 {dimension_numbers = #tpu.dot_dimension_numbers<[1], [0], [0], [1], [0, 0, 1, 1], [], []>, transpose_lhs_hint = false} : vector<400x64xf32>, vector<64x16xf32>, vector<400x16xf32> -> vector<400x16xf32>
    %add3A = arith.addf %dot_general3A_30, %dot_general3A_36 : vector<400x16xf32>
    %concatenate3A = tpu.concatenate %dot_general3A_5, %add3A in 1 : vector<400x64xf32>, vector<400x16xf32> -> vector<400x80xf32>
    %swap3A_37 = arith.constant 0 : index
    %swap3A_38 = arith.constant 0 : index
    %swap3A_39 = vector.load %arg10[%swap3A_37, %swap3A_38] : memref<400x80xf32, #tpu.memory_space<vmem>>, vector<400x80xf32>
    tpu.vector_store %arg10[%swap3A_37, %swap3A_38], %concatenate3A {strides = array<i32>} : memref<400x80xf32, #tpu.memory_space<vmem>>, vector<400x80xf32>,
    %concatenate3A_40 = tpu.concatenate %dot_general3A_10, %add3A in 1 : vector<400x64xf32>, vector<400x16xf32> -> vector<400x80xf32>
    %swap3A_41 = arith.constant 0 : index
    %swap3A_42 = arith.constant 0 : index
    %swap3A_43 = vector.load %arg11[%swap3A_41, %swap3A_42] : memref<400x80xf32, #tpu.memory_space<vmem>>, vector<400x80xf32>
    tpu.vector_store %arg11[%swap3A_41, %swap3A_42], %concatenate3A_40 {strides = array<i32>} : memref<400x80xf32, #tpu.memory_space<vmem>>, vector<400x80xf32>,
    %slice3A_44 = vector.extract_strided_slice %get3A_23 {offsets = [0, 0], sizes = [1, 64], strides = [1, 1]} : vector<1x128xf32> to vector<1x64xf32>
    %mul3A_45 = vector.broadcast %slice3A_44 : vector<1x64xf32> to vector<400x64xf32>
    %mul3A_46 = arith.mulf %dot_general3A_5, %mul3A_45 : vector<400x64xf32>
    %slice3A_47 = vector.extract_strided_slice %get3A_26 {offsets = [0, 0], sizes = [64, 16], strides = [1, 1]} : vector<128x16xf32> to vector<64x16xf32>
    %dot_general3A_48 = arith.constant dense<0.000000e+00> : vector<400x16xf32>
    %dot_general3A_49 = tpu.matmul %mul3A_46, %slice3A_47, %dot_general3A_48 {dimension_numbers = #tpu.dot_dimension_numbers<[1], [0], [0], [1], [0, 0, 1, 1], [], []>, transpose_lhs_hint = false} : vector<400x64xf32>, vector<64x16xf32>, vector<400x16xf32> -> vector<400x16xf32>
    %slice3A_50 = vector.extract_strided_slice %get3A_23 {offsets = [0, 64], sizes = [1, 64], strides = [1, 1]} : vector<1x128xf32> to vector<1x64xf32>
    %mul3A_51 = vector.broadcast %slice3A_50 : vector<1x64xf32> to vector<400x64xf32>
    %mul3A_52 = arith.mulf %dot_general3A_10, %mul3A_51 : vector<400x64xf32>
    %slice3A_53 = vector.extract_strided_slice %get3A_26 {offsets = [64, 0], sizes = [64, 16], strides = [1, 1]} : vector<128x16xf32> to vector<64x16xf32>
    %dot_general3A_54 = arith.constant dense<0.000000e+00> : vector<400x16xf32>
    %dot_general3A_55 = tpu.matmul %mul3A_52, %slice3A_53, %dot_general3A_54 {dimension_numbers = #tpu.dot_dimension_numbers<[1], [0], [0], [1], [0, 0, 1, 1], [], []>, transpose_lhs_hint = false} : vector<400x64xf32>, vector<64x16xf32>, vector<400x16xf32> -> vector<400x16xf32>
    %add3A_56 = arith.addf %dot_general3A_49, %dot_general3A_55 : vector<400x16xf32>
    %swap3A_57 = arith.constant 0 : index
    %swap3A_58 = arith.constant 0 : index
    %swap3A_59 = vector.load %arg13[%swap3A_57, %swap3A_58] : memref<400x16xf32, #tpu.memory_space<vmem>>, vector<400x16xf32>
    tpu.vector_store %arg13[%swap3A_57, %swap3A_58], %add3A_56 {strides = array<i32>} : memref<400x16xf32, #tpu.memory_space<vmem>>, vector<400x16xf32>,
    %get3A_60 = arith.constant 0 : index
    %get3A_61 = arith.constant 0 : index
    %get3A_62 = vector.load %arg7[%get3A_60, %get3A_61] : memref<1x128xf32, #tpu.memory_space<vmem>>, vector<1x128xf32>
    %get3A_63 = arith.constant 0 : index
    %get3A_64 = arith.constant 0 : index
    %get3A_65 = vector.load %arg8[%get3A_63, %get3A_64] : memref<1x128xf32, #tpu.memory_space<vmem>>, vector<1x128xf32>
    %mul3A_66 = arith.mulf %get3A_62, %get3A_65 : vector<1x128xf32>
    %dot_general3A_67 = arith.constant dense<0.000000e+00> : vector<1x16xf32>
    %dot_general3A_68 = tpu.matmul %mul3A_66, %get3A_26, %dot_general3A_67 {dimension_numbers = #tpu.dot_dimension_numbers<[1], [0], [0], [1], [0, 0, 1, 1], [], []>, transpose_lhs_hint = false} : vector<1x128xf32>, vector<128x16xf32>, vector<1x16xf32> -> vector<1x16xf32>
    %swap3A_69 = arith.constant 0 : index
    %swap3A_70 = arith.constant 0 : index
    %swap3A_71 = vector.load %arg14[%swap3A_69, %swap3A_70] : memref<1x16xf32, #tpu.memory_space<vmem>>, vector<1x16xf32>
    tpu.vector_store %arg14[%swap3A_69, %swap3A_70], %dot_general3A_68 {strides = array<i32>} : memref<1x16xf32, #tpu.memory_space<vmem>>, vector<1x16xf32>,
    return
  }
  func.func @transform_0(%arg0: i32) -> (i32, i32) {
    %c0_i32 = arith.constant 0 : i32
    %c0_i32_0 = arith.constant 0 : i32
    return %arg0, %c0_i32 : i32, i32
  }
  func.func @transform_1(%arg0: i32) -> (i32, i32) {
    %c0_i32 = arith.constant 0 : i32
    %c0_i32_0 = arith.constant 0 : i32
    %c0_i32_1 = arith.constant 0 : i32
    return %c0_i32, %c0_i32_0 : i32, i32
  }
  func.func @transform_2(%arg0: i32) -> (i32, i32) {
    %c1_i32 = arith.constant 1 : i32
    %c0_i32 = arith.constant 0 : i32
    %c0_i32_0 = arith.constant 0 : i32
    return %c1_i32, %c0_i32 : i32, i32
  }
  func.func @transform_3(%arg0: i32) -> (i32, i32) {
    %c0_i32 = arith.constant 0 : i32
    %c0_i32_0 = arith.constant 0 : i32
    %c0_i32_1 = arith.constant 0 : i32
    return %c0_i32, %c0_i32_0 : i32, i32
  }
  func.func @transform_4(%arg0: i32) -> (i32, i32) {
    %c0_i32 = arith.constant 0 : i32
    %c0_i32_0 = arith.constant 0 : i32
    %c0_i32_1 = arith.constant 0 : i32
    return %c0_i32, %c0_i32_0 : i32, i32
  }
  func.func @transform_5(%arg0: i32) -> (i32, i32) {
    %c0_i32 = arith.constant 0 : i32
    %c0_i32_0 = arith.constant 0 : i32
    %c0_i32_1 = arith.constant 0 : i32
    return %c0_i32, %c0_i32_0 : i32, i32
  }
  func.func @transform_6(%arg0: i32) -> (i32, i32) {
    %c0_i32 = arith.constant 0 : i32
    %c0_i32_0 = arith.constant 0 : i32
    %c0_i32_1 = arith.constant 0 : i32
    return %c0_i32, %c0_i32_0 : i32, i32
  }
  func.func @transform_7(%arg0: i32) -> (i32, i32) {
    %c0_i32 = arith.constant 0 : i32
    %c0_i32_0 = arith.constant 0 : i32
    %c0_i32_1 = arith.constant 0 : i32
    return %c0_i32, %c0_i32_0 : i32, i32
  }
  func.func @transform_8(%arg0: i32) -> (i32, i32) {
    %c0_i32 = arith.constant 0 : i32
    %c0_i32_0 = arith.constant 0 : i32
    %c0_i32_1 = arith.constant 0 : i32
    return %c0_i32, %c0_i32_0 : i32, i32
  }
  func.func @transform_9(%arg0: i32) -> (i32, i32) {
    %c0_i32 = arith.constant 0 : i32
    %c0_i32_0 = arith.constant 0 : i32
    return %arg0, %c0_i32 : i32, i32
  }
  func.func @transform_10(%arg0: i32) -> (i32, i32) {
    %c0_i32 = arith.constant 0 : i32
    %c0_i32_0 = arith.constant 0 : i32
    return %arg0, %c0_i32 : i32, i32
  }
  func.func @transform_11(%arg0: i32) -> (i32, i32) {
    %c0_i32 = arith.constant 0 : i32
    %c0_i32_0 = arith.constant 0 : i32
    return %arg0, %c0_i32 : i32, i32
  }
  func.func @transform_12(%arg0: i32) -> (i32, i32) {
    %c0_i32 = arith.constant 0 : i32
    %c0_i32_0 = arith.constant 0 : i32
    return %arg0, %c0_i32 : i32, i32
  }
  func.func @transform_13(%arg0: i32) -> (i32, i32) {
    %c0_i32 = arith.constant 0 : i32
    %c0_i32_0 = arith.constant 0 : i32
    %c0_i32_1 = arith.constant 0 : i32
    return %c0_i32, %c0_i32_0 : i32, i32
  }
}

module attributes {stable_mosaic.version = 14 : i64} {
  func.func @_combine_body(%arg0: i32, %arg1: memref<400x128xf32, #tpu.memory_space<vmem>>, %arg2: memref<400x128xf32, #tpu.memory_space<vmem>>, %arg3: memref<400x128xf32, #tpu.memory_space<vmem>>, %arg4: memref<400x128xf32, #tpu.memory_space<vmem>>, %arg5: memref<400x128xf32, #tpu.memory_space<vmem>>, %arg6: memref<1x128xf32, #tpu.memory_space<vmem>>, %arg7: memref<16x128xf32, #tpu.memory_space<vmem>>, %arg8: memref<400x128xf32, #tpu.memory_space<vmem>>) attributes {dimension_semantics = [#tpu.dimension_semantics<arbitrary>], iteration_bounds = array<i64: 25>, scalar_prefetch = 0 : i64, scratch_operands = 0 : i64, tpu.core_type = #tpu.core_type<tc>, window_params = [{transform_indices = @transform_0, window_bounds = array<i64: 400, 128>}, {transform_indices = @transform_1, window_bounds = array<i64: 400, 128>}, {transform_indices = @transform_2, window_bounds = array<i64: 400, 128>}, {transform_indices = @transform_3, window_bounds = array<i64: 400, 128>}, {transform_indices = @transform_4, window_bounds = array<i64: 400, 128>}, {pipeline_mode = #tpu.pipeline_mode<synchronous>, transform_indices = @transform_5, window_bounds = array<i64: 1, 128>}, {pipeline_mode = #tpu.pipeline_mode<synchronous>, transform_indices = @transform_6, window_bounds = array<i64: 16, 128>}, {transform_indices = @transform_7, window_bounds = array<i64: 400, 128>}]} {
    %get3A = arith.constant 0 : index
    %get3A_0 = arith.constant 0 : index
    %get3A_1 = vector.load %arg1[%get3A, %get3A_0] : memref<400x128xf32, #tpu.memory_space<vmem>>, vector<400x128xf32>
    %get3A_2 = arith.constant 0 : index
    %get3A_3 = arith.constant 0 : index
    %get3A_4 = vector.load %arg2[%get3A_2, %get3A_3] : memref<400x128xf32, #tpu.memory_space<vmem>>, vector<400x128xf32>
    %add3A = arith.addf %get3A_1, %get3A_4 : vector<400x128xf32>
    %get3A_5 = arith.constant 0 : index
    %get3A_6 = arith.constant 0 : index
    %get3A_7 = vector.load %arg3[%get3A_5, %get3A_6] : memref<400x128xf32, #tpu.memory_space<vmem>>, vector<400x128xf32>
    %get3A_8 = arith.constant 0 : index
    %get3A_9 = arith.constant 0 : index
    %get3A_10 = vector.load %arg4[%get3A_8, %get3A_9] : memref<400x128xf32, #tpu.memory_space<vmem>>, vector<400x128xf32>
    %add3A_11 = arith.addf %get3A_7, %get3A_10 : vector<400x128xf32>
    %slice3A = vector.extract_strided_slice %add3A {offsets = [0, 64], sizes = [400, 16], strides = [1, 1]} : vector<400x128xf32> to vector<400x16xf32>
    %get3A_12 = arith.constant 0 : index
    %get3A_13 = arith.constant 0 : index
    %get3A_14 = vector.load %arg7[%get3A_12, %get3A_13] : memref<16x128xf32, #tpu.memory_space<vmem>>, vector<16x128xf32>
    %dot_general3A = arith.constant dense<0.000000e+00> : vector<400x128xf32>
    %dot_general3A_15 = tpu.matmul %slice3A, %get3A_14, %dot_general3A {dimension_numbers = #tpu.dot_dimension_numbers<[1], [0], [0], [1], [0, 0, 1, 1], [], []>, transpose_lhs_hint = false} : vector<400x16xf32>, vector<16x128xf32>, vector<400x128xf32> -> vector<400x128xf32>
    %add3A_16 = arith.constant 1.000000e-16 : f32
    %add3A_17 = vector.broadcast %add3A_16 : f32 to vector<400x128xf32>
    %add3A_18 = arith.addf %dot_general3A_15, %add3A_17 : vector<400x128xf32>
    %slice3A_19 = vector.extract_strided_slice %add3A {offsets = [0, 0], sizes = [400, 64], strides = [1, 1]} : vector<400x128xf32> to vector<400x64xf32>
    %slice3A_20 = vector.extract_strided_slice %add3A_11 {offsets = [0, 0], sizes = [400, 64], strides = [1, 1]} : vector<400x128xf32> to vector<400x64xf32>
    %concatenate3A = tpu.concatenate %slice3A_19, %slice3A_20 in 1 : vector<400x64xf32>, vector<400x64xf32> -> vector<400x128xf32>
    %div3A = arith.divf %concatenate3A, %add3A_18 : vector<400x128xf32>
    %get3A_21 = arith.constant 0 : index
    %get3A_22 = arith.constant 0 : index
    %get3A_23 = vector.load %arg5[%get3A_21, %get3A_22] : memref<400x128xf32, #tpu.memory_space<vmem>>, vector<400x128xf32>
    %add3A_24 = arith.addf %div3A, %get3A_23 : vector<400x128xf32>
    %get3A_25 = arith.constant 0 : index
    %get3A_26 = arith.constant 0 : index
    %get3A_27 = vector.load %arg6[%get3A_25, %get3A_26] : memref<1x128xf32, #tpu.memory_space<vmem>>, vector<1x128xf32>
    %add3A_28 = vector.broadcast %get3A_27 : vector<1x128xf32> to vector<400x128xf32>
    %add3A_29 = arith.addf %add3A_24, %add3A_28 : vector<400x128xf32>
    %gt3A = arith.constant 0.000000e+00 : f32
    %gt3A_30 = vector.broadcast %gt3A : f32 to vector<400x128xf32>
    %gt3A_31 = arith.cmpf ogt, %add3A_29, %gt3A_30 : vector<400x128xf32>
    %min3A = arith.constant 0.000000e+00 : f32
    %min3A_32 = vector.broadcast %min3A : f32 to vector<400x128xf32>
    %min3A_33 = arith.minimumf %add3A_29, %min3A_32 : vector<400x128xf32>
    %exp3A = math.exp %min3A_33 : vector<400x128xf32>
    %sub3A = arith.constant 1.000000e+00 : f32
    %sub3A_34 = vector.broadcast %sub3A : f32 to vector<400x128xf32>
    %sub3A_35 = arith.subf %exp3A, %sub3A_34 : vector<400x128xf32>
    %select_n3A = arith.select %gt3A_31, %add3A_29, %sub3A_35 : vector<400x128xi1>, vector<400x128xf32>
    %swap3A = arith.constant 0 : index
    %swap3A_36 = arith.constant 0 : index
    %swap3A_37 = vector.load %arg8[%swap3A, %swap3A_36] : memref<400x128xf32, #tpu.memory_space<vmem>>, vector<400x128xf32>
    tpu.vector_store %arg8[%swap3A, %swap3A_36], %select_n3A {strides = array<i32>} : memref<400x128xf32, #tpu.memory_space<vmem>>, vector<400x128xf32>,
    return
  }
  func.func @transform_0(%arg0: i32) -> (i32, i32) {
    %c0_i32 = arith.constant 0 : i32
    %c0_i32_0 = arith.constant 0 : i32
    return %arg0, %c0_i32 : i32, i32
  }
  func.func @transform_1(%arg0: i32) -> (i32, i32) {
    %add3A = arith.constant 25 : i32
    %add3A_0 = arith.addi %arg0, %add3A : i32
    %c0_i32 = arith.constant 0 : i32
    %c0_i32_1 = arith.constant 0 : i32
    return %add3A_0, %c0_i32 : i32, i32
  }
  func.func @transform_2(%arg0: i32) -> (i32, i32) {
    %c0_i32 = arith.constant 0 : i32
    %c0_i32_0 = arith.constant 0 : i32
    return %arg0, %c0_i32 : i32, i32
  }
  func.func @transform_3(%arg0: i32) -> (i32, i32) {
    %add3A = arith.constant 25 : i32
    %add3A_0 = arith.addi %arg0, %add3A : i32
    %c0_i32 = arith.constant 0 : i32
    %c0_i32_1 = arith.constant 0 : i32
    return %add3A_0, %c0_i32 : i32, i32
  }
  func.func @transform_4(%arg0: i32) -> (i32, i32) {
    %c0_i32 = arith.constant 0 : i32
    %c0_i32_0 = arith.constant 0 : i32
    return %arg0, %c0_i32 : i32, i32
  }
  func.func @transform_5(%arg0: i32) -> (i32, i32) {
    %c0_i32 = arith.constant 0 : i32
    %c0_i32_0 = arith.constant 0 : i32
    %c0_i32_1 = arith.constant 0 : i32
    return %c0_i32, %c0_i32_0 : i32, i32
  }
  func.func @transform_6(%arg0: i32) -> (i32, i32) {
    %c0_i32 = arith.constant 0 : i32
    %c0_i32_0 = arith.constant 0 : i32
    %c0_i32_1 = arith.constant 0 : i32
    return %c0_i32, %c0_i32_0 : i32, i32
  }
  func.func @transform_7(%arg0: i32) -> (i32, i32) {
    %c0_i32 = arith.constant 0 : i32
    %c0_i32_0 = arith.constant 0 : i32
    return %arg0, %c0_i32 : i32, i32
  }
}

</mosaic_0001>

<sc_bundles>
// kernel: kernel.5.cloned.1.call-start
scs
__scs_entry_jumppad:
0x0: {  	(pc) =	sbr.rel $0x88, $3  }
0x1: {  	(tag) =	ssettag $0x0;
	lr =	simm.s32 $0x1  }
0x2: {  	[smem:$0x3F97] =	sst lr;
	_ =	strace $0xD0000000  }
0x3: {  	_ = 	snop  }
0x4: {  	_ = 	snop  }
0x5: {  	_ = 	snop  }
0x6: {  	_ = 	snop  }
0x7: {  	_ = 	snop  }
__scs_overlays_trampoline_lowered:
0x8: {  	[smem:$0x3FA6] =	sst s0  }
0x9: {  	[smem:$0x3FA7] =	sst s1  }
0xa: {  	[smem:$0x3FA8] =	sst s2  }
0xb: {  	[smem:$0x3FA9] =	sst s3  }
0xc: {  	[smem:$0x3FAA] =	sst s4  }
0xd: {  	[smem:$0x3FAB] =	sst s5  }
0xe: {  	[smem:$0x3FAC] =	sst s6  }
0xf: {  	[smem:$0x3FAD] =	sst s7  }
0x10: {  	[smem:$0x3FAE] =	sst s8  }
0x11: {  	[smem:$0x3FAF] =	sst s9;
	s0 =	simm.s32 @!p0 $0x0  }
0x12: {  	s1 =	sld [smem:$0x3F95];
	s0 =	simm.s32 @p0 $0x1  }
0x13: {  	[smem:$0x3FB0] =	sst s0;
	s0 =	simm.s32 @!p1 $0x0  }
0x14: {  	s2 =	sld [smem:$0x3F94];
	s0 =	simm.s32 @p1 $0x1  }
0x15: {  	[smem:$0x3FB1] =	sst s0;
	s0 =	simm.s32 @!p2 $0x0  }
0x16: {  	s3 =	sld [smem:$0x3FDB];
	s0 =	simm.s32 @p2 $0x1  }
0x17: {  	s4 =	simm.s32 $0x1BF5;
	[smem:$0x3FB3] =	sst s0  }
0x18: {  	s0 =	sld [smem:$0x3F96];
	_ =	swait.ge [sflag:s4], $0x0  }
0x19: {  	s7 =	sld [smem:$0x3F97]  }
0x1a: {  	s8 =	sadd.s32 $0xFFFFE003, lr  }
0x1b: {  	s9 =	sadd.s32 $0xFFFFFEF7, lr;
	s5 =	simm.s32 $0xFFFFFFFF;
	p2 =	slt.u32 s8, $0xFFFFF086  }
0x1c: {  	p1 =	slt.u32 s9, $0xF7A;
	s5 =	simm.s32 @!p2 $0x0  }
0x1d: {  	s5 =	simm.s32 @p1 $0x1;
	p0 =	seq.s32 s7, s2  }
0x1e: {  	s7 =	smul.u32 @!p0 $0xF7A, s2;
	p2 =	seq.s32 @!p0 s5, $0x0  }
0x1f: {  	s9 =	smul.u32 $0xF7A, s1;
	s8 =	simm.s32 @!p0 $0x1BF5;
	p2 =	por !p2, p0  }
0x20: {  	[sflag:s8] =	ssyncset.s32 @!p0 $0xFFFFF086;
	s6 =	sadd.s32 @!p0 s3, s7;
	s7 =	simm.s32 @!p0 $0x108  }
0x21: {  	s3 =	sadd.s32 s3, s9;
	s6 =	sadd.s32 @!p0 $0x88, s6;
	s7 =	simm.s32 @p2 $0x1082  }
0x22: {  	[simem:s7], [sflag:s8] =	dma.local @!p0 [hbm:s6], $0xF7A  }
0x23: {  	s9 =	sor.u32 $0xD0000000, s2;
	s6 =	simm.s32 $0x108;
	_ =	swait.ge @!p0 [sflag:s8], $0x0  }
0x24: {  	s3 =	sadd.s32 $0x88, s3;
	s6 =	simm.s32 @!p1 $0x1082;
	[sflag:s4] =	ssyncset.s32 $0xFFFFF086  }
0x25: {  	[simem:s6], [sflag:s4] =	dma.local [hbm:s3], $0xF7A  }
0x26: {  	[smem:$0x3F97] =	sst s1;
	(tag) =	ssettag s2;
	_ =	strace s9  }
0x27: {  	s1 =	sld [smem:$0x3FA7]  }
0x28: {  	s2 =	sld [smem:$0x3FA8]  }
0x29: {  	s4 =	sld [smem:$0x3FAA]  }
0x2a: {  	p0 =	seq.s32 s5, $0x0;
	s5 =	sld [smem:$0x3FAB]  }
0x2b: {  	s6 =	sld [smem:$0x3FAC]  }
0x2c: {  	s7 =	sld [smem:$0x3FAD]  }
0x2d: {  	s3 =	simm.s32 $0x108;
	s8 =	sld [smem:$0x3FAE]  }
0x2e: {  	s3 =	simm.s32 @!p0 $0x1082;
	s9 =	sld [smem:$0x3FAF]  }
0x2f: {  	lr =	sadd.s32 s0, s3;
	s0 =	sld [smem:$0x3FA6]  }
0x30: {  	s3 =	sld [smem:$0x3FA9]  }
0x31: {  	[smem:$0x3FB2] =	sst s10  }
0x32: {  	s10 =	sld [smem:$0x3FB0];
	_ =	sdelay $0x3  }
0x33: {  	p0 =	seq.s32 s10, $0x1;
	s10 =	sld [smem:$0x3FB2];
	_ =	sdelay $0x3  }
0x34: {  	[smem:$0x3FB2] =	sst s10  }
0x35: {  	s10 =	sld [smem:$0x3FB1];
	_ =	sdelay $0x3  }
0x36: {  	p1 =	seq.s32 s10, $0x1;
	s10 =	sld [smem:$0x3FB2];
	_ =	sdelay $0x3  }
0x37: {  	[smem:$0x3FB2] =	sst s10  }
0x38: {  	s10 =	sld [smem:$0x3FB3]  }
0x39: {  	_ = 	snop;
	(pc) =	sbr.ind lr, $3  }
0x3a: {  	_ = 	snop  }
0x3b: {  	_ = 	snop  }
0x3c: {  	p2 =	seq.s32 s10, $0x1;
	s10 =	sld [smem:$0x3FB2]  }
0x3d: {  	_ =	shalt  }
0x3e: {  	_ =	shalt  }
0x3f: {  	_ =	shalt  }
0x40: {  	_ =	shalt  }
0x41: {  	_ =	shalt  }
0x42: {  	_ =	shalt  }
0x43: {  	_ =	shalt  }
0x44: {  	_ =	shalt  }
0x45: {  	_ =	shalt  }
0x46: {  	_ =	shalt  }
0x47: {  	_ =	shalt  }
0x48: {  	_ =	shalt  }
0x49: {  	_ =	shalt  }
0x4a: {  	_ =	shalt  }
0x4b: {  	_ =	shalt  }
0x4c: {  	_ =	shalt  }
0x4d: {  	_ =	shalt  }
0x4e: {  	_ =	shalt  }
0x4f: {  	_ =	shalt  }
0x50: {  	_ =	shalt  }
0x51: {  	_ =	shalt  }
0x52: {  	_ =	shalt  }
0x53: {  	_ =	shalt  }
0x54: {  	_ =	shalt  }
0x55: {  	_ =	shalt  }
0x56: {  	_ =	shalt  }
0x57: {  	_ =	shalt  }
0x58: {  	_ =	shalt  }
0x59: {  	_ =	shalt  }
0x5a: {  	_ =	shalt  }
0x5b: {  	_ =	shalt  }
0x5c: {  	_ =	shalt  }
0x5d: {  	_ =	shalt  }
0x5e: {  	_ =	shalt  }
0x5f: {  	_ =	shalt  }
0x60: {  	_ =	shalt  }
0x61: {  	_ =	shalt  }
0x62: {  	_ =	shalt  }
0x63: {  	_ =	shalt  }
0x64: {  	_ =	shalt  }
0x65: {  	_ =	shalt  }
0x66: {  	_ =	shalt  }
0x67: {  	_ =	shalt  }
0x68: {  	_ =	shalt  }
0x69: {  	_ =	shalt  }
0x6a: {  	_ =	shalt  }
0x6b: {  	_ =	shalt  }
0x6c: {  	_ =	shalt  }
0x6d: {  	_ =	shalt  }
0x6e: {  	_ =	shalt  }
0x6f: {  	_ =	shalt  }
0x70: {  	_ =	shalt  }
0x71: {  	_ =	shalt  }
0x72: {  	_ =	shalt  }
0x73: {  	_ =	shalt  }
0x74: {  	_ =	shalt  }
0x75: {  	_ =	shalt  }
0x76: {  	_ =	shalt  }
0x77: {  	_ =	shalt  }
0x78: {  	_ =	shalt  }
0x79: {  	_ =	shalt  }
0x7a: {  	_ =	shalt  }
0x7b: {  	_ =	shalt  }
0x7c: {  	_ =	shalt  }
0x7d: {  	_ =	shalt  }
0x7e: {  	_ =	shalt  }
0x7f: {  	_ =	shalt  }
0x80: {  	_ =	shalt  }
0x81: {  	_ =	shalt  }
0x82: {  	_ =	shalt  }
0x83: {  	_ =	shalt  }
0x84: {  	_ =	shalt  }
0x85: {  	_ =	shalt  }
0x86: {  	_ =	shalt  }
0x87: {  	_ =	shalt  }
.Lfunc_end0:
.L_simem_size_0:
called_computation_lowered:
.L_overlay_start_0:
0x88: {  	s2 =	sld [smem:$0x3FD9]  }
0x89: {  	s3 =	sld [smem:$0x3FFE];
	_ =	sdelay $0x1  }
0x8a: {  	s1 =	srdreg.scid  }
0x8b: {  	s0 =	sand.u32 $0x1, s1  }
0x8c: {  	s14 =	sshll.u32 s0, $0xA;
	s2 =	sadd.s32 s3, s2  }
0x8d: {  	s2 =	sadd.s32 s2, s14  }
0x8e: {  	[smem:$0x3FBE] =	sst s2  }
0x8f: {  	_ = 	snop  }
0x90: {  	s2 =	sld [smem:$0x3FD0];
	_ =	sdelay $0x2  }
0x91: {  	s15 =	simm.s32 $0xA;
	s4 =	simm.s32 $0x10  }
0x92: {  	[smem:s4], [sflag:s15] =	dma.local [hbm:s2], $0x1  }
0x93: {  	_ =	swait.eq [sflag:s15], $0x1  }
0x94: {  	s16 =	sld [smem:$0x10];
	[sflag:s15] =	ssyncset.done $0x0  }
0x95: {  	s17 =	sld [smem:$0x11];
	[sflag:s15] =	ssyncadd.s32 $0xFFFFFFFF  }
0x96: {  	s18 =	sld [smem:$0x12];
	(tm) =	ssettm $0x1  }
0x97: {  	s5 =	sld [smem:$0x3FFB];
	_ =	sdelay $0x3  }
0x98: {  	_ =	strace s5  }
0x99: {  	s5 =	sld [smem:$0x3FFC];
	_ =	sdelay $0x3  }
0x9a: {  	_ =	strace s5  }
0x9b: {  	s5 =	sld [smem:$0x3FFD];
	_ =	sdelay $0x3  }
0x9c: {  	_ =	strace s5  }
0x9d: {  	_ =	strace $0x8FFFFFFF  }
0x9e: {  	s19 =	sld [smem:$0x3FDB];
	_ =	sdelay $0x1  }
0x9f: {  	s6 =	simm.s32 $_scs_section_size  }
0xa0: {  	s7 =	simm.s32 $_size__tile_overlayer_lowered;
	s8 =	simm.s32 $_tile_overlayer_lowered  }
0xa1: {  	s22 =	simm.s32 $0x1BFF;
	s21 =	sshll.u32 s8, $0x1;
	s5 =	sadd.s32 s6, s19  }
0xa2: {  	s9 =	simm.s32 $0x0;
	s20 =	sshll.u32 s7, $0x1;
	s7 =	sadd.s32 s21, s5  }
0xa3: {  	[timem:s9], [sflag:s22] =	dma.local [hbm:s7], s20  }
0xa4: {  	_ =	swait.ge [sflag:s22], s20  }
0xa5: {  	s6 =	ssub.s32 $0x0, s20;
	[sflag:s22] =	ssyncset.done $0x0  }
0xa6: {  	[sflag:s22] =	ssyncadd.s32 s6;
	_ =	sdelay $0x1  }
0xa7: {  	s23 =	simm.s32 $0x1B8B  }
0xa8: {  	_ =	swait.ge [sflag:s23], $0x1  }
0xa9: {  	[sflag:s23] =	ssyncset.done $0x0  }
0xaa: {  	s25 =	simm.s32 $0x1B8E;
	s24 =	sld [smem:$0x3FFE];
	[sflag:s23] =	ssyncadd.s32 $0xFFFFFFFF  }
0xab: {  	s26 =	simm.s32 $execute0_lowered;
	[smem:$0x3FD2] =	sst s25  }
0xac: {  	s7 =	sshll.u32 s26, $0x1;
	_ =	strace $0x80000046;
	[dreg:$0x1] =	wrdreg $0xFFFFFFFF  }
0xad: {  	s28 =	simm.s32 $_size_execute0_lowered;
	s5 =	sadd.s32 s5, s7;
	[dreg:$0x0] =	wrdreg $0x0  }
0xae: {  	s7 =	sshll.u32 s28, $0x1;
	[dreg:$0x2] =	wrdreg s5  }
0xaf: {  	[dreg:$0x3] =	wrdreg s7  }
0xb0: {  	[dreg:$0x4] =	wrdreg $0xC0  }
0xb1: {  	_ =	task [dreg:s9], $0x5FFFF  }
0xb2: {  	[dreg:$0x1] =	wrdreg $0xFFFFFFFF  }
0xb3: {  	[dreg:$0x0] =	wrdreg $0x60  }
0xb4: {  	[dreg:$0x2] =	wrdreg s16  }
0xb5: {  	[dreg:$0x3] =	wrdreg s24  }
0xb6: {  	[dreg:$0x4] =	wrdreg s18  }
0xb7: {  	[dreg:$0x5] =	wrdreg s17  }
0xb8: {  	[dreg:$0x6] =	wrdreg $0x124500  }
0xb9: {  	[dreg:$0x7] =	wrdreg $0x9  }
0xba: {  	_ =	task.clear_ibuf [dreg:s9], $0x8FFFF;
	_ =	strace $0x90000046  }
0xbb: {  	s29 =	simm.s32 $0x9;
	_ =	strace $0x80000048  }
0xbc: {  	_ =	swait.ge [sflag:s29], $0x1  }
0xbd: {  	[sflag:s29] =	ssyncadd.s32 $0xFFFFFFFF  }
0xbe: {  	_ =	strace $0x90000048  }
0xbf: {  	_ =	sfence  }
0xc0: {  	s30 =	sld [smem:$0x0];
	_ =	sdelay $0x2  }
0xc1: {  	s31 =	sshll.u32 s1, $0xD;
	s1 =	sshrl.u32 s1, $0x2  }
0xc2: {  	s3 =	sand.u32 $0x4000, s31;
	s1 =	sadd.s32 s1, s30  }
0xc3: {  	s0 =	sor.u32 s3, s0;
	s1 =	sshll.u32 s1, $0x11  }
0xc4: {  	s0 =	sor.u32 s1, s0  }
0xc5: {  	s0 =	sadd.s32 $0x8F2B, s0  }
0xc6: {  	[sflag:s0] =	ssyncadd.remote.s32 $0x1  }
0xc7: {  	_ =	sfence.sel $0xFFFF  }
0xc8: {  	[dreg:$0x0] =	wrdreg $0xFFFFFFFF;
	(pc) =	sbr.abs _section_cstart, $3  }
0xc9: {  	[dreg:$0x1] =	wrdreg $0xFFFFFFFF  }
0xca: {  	_ =	task.clear_ibuf [dreg:s9], $0x2FFFF;
	_ =	strace $0x9FFFFFFF  }
0xcb: {  	(tm) =	ssettm $0x7FFFFFFF  }
tec
execute0_lowered:
.L_overlay_start_1:
0x0: {  	(tag) =	ssettag $0x1  }
0x1: {  	s1 =	rddreg [dreg:$0x0]  }
0x2: {  	s0 =	rddreg [dreg:$0x1]  }
0x3: {  	s2 =	rddreg [dreg:$0x2]  }
0x4: {  	s3 =	srdreg.scid;
	s5 =	rddreg [dreg:$0x3]  }
0x5: {  	s14 =	stileid.u32;
	s4 =	rddreg [dreg:$0x4]  }
0x6: {  	s7 =	simm.s32 $0x0;
	s29 =	simm.s32 $0x9840;
	s30 =	simm.s32 $0x7A40  }
0x7: {  	s31 =	simm.s32 $0x1;
	s3 =	sand.u32 $0x1, s3;
	s6 =	sshll.u32 s14, $0x1  }
0x8: {  	[smem:$0x7FF] =	sst s7;
	s9 =	sadd.s32 $0x1A00, s0;
	s11 =	smul.u32 $0x30C00, s14  }
0x9: {  	s17 =	sadd.s32 $0x24200, s0;
	s13 =	smul.u32 $0x270, s14;
	s22 =	sadd.s32 $0xC3000, s4  }
0xa: {  	p0 =	sne.s32 s14, $0xF;
	s7 =	simm.s32 $0x3;
	s6 =	sor.u32 s3, s6  }
0xb: {  	_ =	strace $0x80000047;
	[dreg:$0x6] =	wrdreg s9;
	s18 =	smul.u32 $0x2710, s3  }
0xc: {  	s10 =	ssub.s32 $0x2, s3;
	s3 =	smul.u32 $0x138800, s3;
	[dreg:$0xd] =	wrdreg s22  }
0xd: {  	s22 =	simm.s32 $0x2;
	s12 =	sshrl.u32 s10, $0x1;
	s11 =	sshrl.u32 s11, $0x2  }
0xe: {  	s6 =	smul.u32 $0x2710, s6;
	s10 =	ssub.s32 s10, s12;
	s26 =	sadd.s32 s11, s4  }
0xf: {  	s21 =	sadd.s32 s13, s18;
	s3 =	sshrl.u32 s3, $0x3;
	s11 =	simm.s32 $0x0  }
0x10: {  	s16 =	sshrl.u32 s6, $0x3;
	s20 =	sadd.s32 $0x8200, s26;
	[dreg:$0x8] =	wrdreg s26  }
0x11: {  	s6 =	sadd.s32 $0x1C00, s0;
	s25 =	smax.u32 s10, $0x1;
	[dreg:$0xc] =	wrdreg s20  }
0x12: {  	s28 =	sadd.s32 $0x4100, s26;
	s3 =	sadd.s32 $0x27000, s3;
	[dreg:$0x12] =	wrdreg s25  }
0x13: {  	s8 =	sadd.s32 s16, s0;
	s5 =	sadd.s32 s5, s16;
	[dreg:$0xb] =	wrdreg s28  }
0x14: {  	s0 =	sadd.s32 $0x72400, s0;
	s24 =	sadd.s32 s17, s3;
	[dreg:$0x7] =	wrdreg s5  }
0x15: {  	s20 =	simm.s32 $0x5;
	s5 =	sadd.s32 $0x9C40, s5;
	[dreg:$0xf] =	wrdreg s24  }
0x16: {  	s19 =	sadd.s32 $0x1A400, s8;
	[dreg:$0x9] =	wrdreg s5;
	s5 =	sshll.u32 s21, $0x4  }
0x17: {  	s25 =	simm.s32 $0x50;
	[dreg:$0xa] =	wrdreg s19;
	s23 =	sadd.s32 s17, s5  }
0x18: {  	s24 =	simm.s32 $0x7540;
	s5 =	sadd.s32 s0, s5;
	[dreg:$0xe] =	wrdreg s23  }
0x19: {  	s21 =	simm.s32 $0x7F40;
	s0 =	sadd.s32 s0, s3;
	[dreg:$0x10] =	wrdreg s5  }
0x1a: {  	v0 =	vimm.f32 $0.0e+00;
	s3 =	simm.s32 $0xB140;
	[dreg:$0x11] =	wrdreg s0;
	s23 =	simm.s32 $0xCA40  }
.LBB2_1:
0x1b: {  	s0 =	simm.s32 $0x0;
	s5 =	rddreg [dreg:$0x7]  }
0x1c: {  	[tilespmem:s0], [sflag:$0x5] =	stream.linear.gather [hbm4b:s5+s0], $0x2710, $0x38;
	[tilespmem:$0x1E7A0] =	vst v63  }
0x1d: {  	_ =	swait.ge [sflag:s20], $0x2710  }
0x1e: {  	[sflag:s20] =	ssyncset.done $0x0  }
0x1f: {  	s8 =	simm.s32 $0x2710;
	s15 =	rddreg [dreg:$0x9];
	[sflag:s20] =	ssyncadd.s32 $0xFFFFD8F0  }
0x20: {  	[tilespmem:s8], [sflag:$0x5] =	stream.linear.gather [hbm4b:s15+s0], $0x2710, $0x38;
	[tilespmem:$0x1E7A0] =	vst v63  }
0x21: {  	_ =	swait.ge [sflag:s20], $0x2710  }
0x22: {  	[sflag:s20] =	ssyncset.done $0x0  }
0x23: {  	s17 =	simm.s32 $0x4E20;
	s16 =	rddreg [dreg:$0xa];
	[sflag:s20] =	ssyncadd.s32 $0xFFFFD8F0  }
0x24: {  	[tilespmem:s17], [sflag:$0x5] =	stream.linear.gather [hbm4b:s16+s0], $0x2710, $0x38;
	[tilespmem:$0x1E7A0] =	vst v63  }
0x25: {  	_ =	swait.ge [sflag:s20], $0x2710  }
0x26: {  	[sflag:s20] =	ssyncset.done $0x0  }
0x27: {  	s19 =	simm.s32 $0xE340;
	s18 =	rddreg [dreg:$0x6];
	[sflag:s20] =	ssyncadd.s32 $0xFFFFD8F0  }
0x28: {  	[tilespmem:s19], [sflag:$0x5] =	stream.linear.gather [hbm4b:s18+s0], $0x10, $0x38;
	[tilespmem:$0x1E7A0] =	vst v63  }
0x29: {  	_ =	swait.ge [sflag:s20], $0x10  }
0x2a: {  	[sflag:s20] =	ssyncset.done $0x0  }
0x2b: {  	[sflag:s20] =	ssyncadd.s32 $0xFFFFFFF0  }
0x2c: {  	s5 =	simm.s32 $0x140;
	s0 =	simm.s32 $0x0;
	v1 =	vld [tilespmem:$0xE340]  }
.LBB2_2:
0x2d: {  	p1 =	sne.s32 s5, $0x102C0;
	[tilespmem:s0+$0xE390] =	vst v0;
	s8 =	smov.u32 s5;
	s5 =	sadd.s32 $0x140, s5  }
.Ltmp0:
0x2e: {  	[tilespmem:s0+$0xE380] =	vst v0;
	(pc) =	sbr.rel @p1 .LBB2_2-.Ltmp0, $4  }
0x2f: {  	[tilespmem:s0+$0xE370] =	vst v0  }
0x30: {  	[tilespmem:s0+$0xE350] =	vst v0  }
0x31: {  	[tilespmem:s0+$0xE360] =	vst v0  }
0x32: {  	s0 =	sshra.s32 s8, $0x2  }
0x33: {  	[tilespmem:s0+$0xE390] =	vst v0  }
0x34: {  	[tilespmem:s0+$0xE380] =	vst v0  }
0x35: {  	[tilespmem:s0+$0xE370] =	vst v0  }
0x36: {  	[tilespmem:s0+$0xE350] =	vst v0  }
0x37: {  	[tilespmem:s0+$0xE360] =	vst v0;
	s5 =	simm.s32 $0xE350  }
0x38: {  	[spmem:s26] =	stream.linear.scatter [tilespmem:s5], [sflag:$0x5], $0x4100, $0x38;
	[tilespmem:$0x1E7A0] =	vst v63  }
0x39: {  	_ =	swait.ge [sflag:s20], $0x4100  }
0x3a: {  	[sflag:s20] =	ssyncset.done $0x0  }
0x3b: {  	[sflag:s20] =	ssyncadd.s32 $0xFFFFBF00  }
0x3c: {  	[spmem:s28] =	stream.linear.scatter [tilespmem:s5], [sflag:$0x5], $0x4100, $0x38;
	[tilespmem:$0x1E7A0] =	vst v63  }
0x3d: {  	_ =	swait.ge [sflag:s20], $0x4100  }
0x3e: {  	[sflag:s20] =	ssyncset.done $0x0  }
0x3f: {  	s19 =	rddreg [dreg:$0xc];
	[sflag:s20] =	ssyncadd.s32 $0xFFFFBF00  }
0x40: {  	[spmem:s19] =	stream.linear.scatter [tilespmem:s5], [sflag:$0x5], $0x4100, $0x38;
	[tilespmem:$0x1E7A0] =	vst v63  }
0x41: {  	_ =	swait.ge [sflag:s20], $0x4100  }
0x42: {  	[sflag:s20] =	ssyncset.done $0x0  }
0x43: {  	s0 =	simm.s32 @!p0 $0xE350;
	s5 =	rddreg [dreg:$0xd];
	[sflag:s20] =	ssyncadd.s32 $0xFFFFBF00  }
0x44: {  	[spmem:s5] =	stream.linear.scatter @!p0 [tilespmem:s0], [sflag:$0x5], $0x500, $0x38;
	[tilespmem:$0x1E7A0] =	vst v63  }
0x45: {  	s0 =	simm.s32 @!p0 $0x5  }
0x46: {  	_ =	swait.ge @!p0 [sflag:s0], $0x500  }
0x47: {  	[sflag:s0] =	ssyncset.done @!p0 $0x0  }
0x48: {  	[sflag:s0] =	ssyncadd.s32 @!p0 $0xFFFFFB00  }
0x49: {  	s15 =	simm.s32 $0x0;
	[bflag:$0x0] =	sbarrier.arrive $0xFFFF  }
0x4a: {  	[tilespmem:s21], [sflag:$0x1] =	stream.indirect.gather [hbm4b:s1+s25], $0x50, s15, s25, $0xb8;
	[tilespmem:$0x1E7A0] =	vst v63  }
0x4b: {  	s16 =	simm.s32 $0x4E24;
	s17 =	simm.s32 $0x4E77;
	s21 =	simm.s32 $0x2710  }
0x4c: {  	[tilespmem:s24], [sflag:$0x1] =	stream.indirect.gather [hbm4b:s2+s25], $0x10, s21, s25, $0xb8;
	[tilespmem:$0x1E7A0] =	vst v63  }
.LBB2_4:
0x4d: {  	s18 =	smul.u32 $0xA0, s15;
	_ =	sdelay $0x1  }
0x4e: {  	s0 =	sadd.s32 $0x50, s18  }
0x4f: {  	[tilespmem:s29], [sflag:$0x2] =	stream.indirect.gather [hbm4b:s1+s25], $0x50, s0, s25, $0xb8;
	[tilespmem:$0x1E7A0] =	vst v63  }
0x50: {  	s8 =	sadd.s32 $0x2760, s18  }
0x51: {  	[tilespmem:s30], [sflag:$0x2] =	stream.indirect.gather [hbm4b:s2+s25], $0x10, s8, s25, $0xb8;
	[tilespmem:$0x1E7A0] =	vst v63  }
0x52: {  	_ =	swait.ge [sflag:s31], $0x1900  }
0x53: {  	[sflag:s31] =	ssyncset.done $0x0  }
0x54: {  	[sflag:s31] =	ssyncadd.s32 $0xFFFFE700  }
0x55: {  	_ =	swait.ge [sflag:s31], $0x500  }
0x56: {  	p1 =	seq.s32 s15, $0x0;
	[sflag:s31] =	ssyncset.done $0x0  }
0x57: {  	s0 =	simm.s32 @!p1 $0x3;
	[sflag:s31] =	ssyncadd.s32 $0xFFFFFB00  }
0x58: {  	_ =	swait.ge @!p1 [sflag:s0], $0x1900  }
0x59: {  	[sflag:s0] =	ssyncset.done @!p1 $0x0  }
0x5a: {  	s10 =	simm.s32 $0x8080;
	[sflag:s0] =	ssyncadd.s32 @!p1 $0xFFFFE700  }
0x5b: {  	v2 =	vld [tilespmem:s10+$0x130]  }
0x5c: {  	s21 =	simm.s32 $0x7580;
	v3 =	vld.msk [tilespmem:s16+$0x3 ss:$0x0], $0xffff  }
0x5d: {  	v4 =	vld [tilespmem:s21+$0x30];
	_ =	sdelay $0x2  }
0x5e: {  	v5 =	vld.msk [tilespmem:s16+$0xFFFFFFFC ss:$0x0], $0xffff  }
0x5f: {  	v6 =	vld.msk [tilespmem:s16+$0xFFFFFFFD ss:$0x0], $0xffff  }
0x60: {  	v7 =	vld.msk [tilespmem:s16+$0xFFFFFFFF ss:$0x0], $0xffff;
	v2 =	vadd.f32 v4, v2;
	v3 =	vmul.f32 v3, v1  }
0x61: {  	v8 =	vld.msk [tilespmem:s16+$0x1 ss:$0x0], $0xffff  }
0x62: {  	v10 =	vld.msk [tilespmem:s16+$0x2 ss:$0x0], $0xffff;
	v2 =	vadd.f32 v3, v2  }
0x63: {  	v11 =	vld [tilespmem:s21+$0xFFFFFFC0]  }
0x64: {  	v12 =	vld [tilespmem:s21+$0xFFFFFFD0];
	v9 =	vmul.f32 $2.000000030e-01, v2  }
0x65: {  	v13 =	vld [tilespmem:s10+$0xFFFFFFA0];
	vm0 =	vgt.f32 v2, $0.0e+00  }
0x66: {  	v14 =	vld [tilespmem:s10+$0xFFFFFFF0];
	v2 =	vsel vm0, v2, v9  }
0x67: {  	v4 =	vld.msk [tilespmem:s16+$0xFFFFFFFE ss:$0x0], $0xffff;
	v2 =	vmul.f32 $1.442695020e+00, v2  }
0x68: {  	v9 =	vld [tilespmem:s10+$0xFFFFFF50]  }
0x69: {  	(erf) = vpow2.f32 v2;
	v2 =	vld [tilespmem:s21+$0xFFFFFFE0]  }
0x6a: {  	v15 =	vld [tilespmem:s21+$0xFFFFFFF0]  }
0x6b: {  	v16 =	vld [tilespmem:s10+$0x40]  }
0x6c: {  	v17 =	vld [tilespmem:s21+$0x0]  }
0x6d: {  	v6 =	vmul.f32 v6, v1;
	v3 =	vld.msk [tilespmem:s16+$0x0 ss:$0x0], $0xffff;
	v9 =	vadd.f32 v12, v9  }
0x6e: {  	v4 =	vmul.f32 v4, v1;
	v2 =	vadd.f32 v2, v13;
	v13 =	vld [tilespmem:s10+$0xFFFFFF00]  }
0x6f: {  	v12 =	vld [tilespmem:s10+$0x90];
	v6 =	vadd.f32 v6, v9  }
0x70: {  	v7 =	vmul.f32 v7, v1;
	v9 =	vld [tilespmem:s21+$0x10];
	v2 =	vadd.f32 v4, v2;
	v4 =	vadd.f32 v15, v14  }
0x71: {  	v5 =	vmul.f32 v5, v1  }
0x72: {  	v3 =	vmul.f32 v3, v1;
	v4 =	vadd.f32 v7, v4;
	v7 =	vadd.f32 v17, v16  }
0x73: {  	s19 =	simm.s32 $0xB280;
	v8 =	vmul.f32 v8, v1;
	v18 =	vmul.f32 $2.000000030e-01, v6;
	v15 =	vpop (erf);
	v11 =	vadd.f32 v11, v13  }
0x74: {  	v10 =	vmul.f32 v10, v1;
	vm6 =	vgt.f32 v6, $0.0e+00;
	[tilespmem:s19+$0x130] =	vst v15;
	v3 =	vadd.f32 v3, v7  }
0x75: {  	v6 =	vsel vm6, v6, v18;
	v16 =	vld [tilespmem:s10+$0xF0];
	v7 =	vadd.f32 v9, v12;
	v5 =	vadd.f32 v5, v11  }
0x76: {  	v19 =	vld [tilespmem:s21+$0x20];
	v20 =	vmul.f32 $2.000000030e-01, v2;
	v6 =	vmul.f32 $1.442695020e+00, v6  }
0x77: {  	v14 =	vld [tilespmem:s10+$0xE0];
	vm7 =	vgt.f32 v2, $0.0e+00;
	v7 =	vadd.f32 v8, v7;
	v8 =	vmul.f32 $2.000000030e-01, v5  }
0x78: {  	s9 =	sadd.s32 $0x8, s16;
	v9 =	vbroadcast v15, $0x0;
	(erf) = vpow2.f32 v6;
	vm1 =	vgt.f32 v5, $0.0e+00  }
0x79: {  	v21 =	vld.msk [tilespmem:s9+$0xFFFFFFFC ss:$0x0], $0xffff;
	v13 =	vmul.f32 $2.000000030e-01, v4;
	v12 =	vmul.f32 $2.000000030e-01, v3;
	v5 =	vsel vm1, v5, v8  }
0x7a: {  	v24 =	vld.msk [tilespmem:s9+$0xFFFFFFFD ss:$0x0], $0xffff;
	v2 =	vsel vm7, v2, v20;
	v9 =	vmul.f32 v9, v16;
	v5 =	vmul.f32 $1.442695020e+00, v5  }
0x7b: {  	v27 =	vld.msk [tilespmem:s9+$0xFFFFFFFE ss:$0x0], $0xffff;
	vm8 =	vgt.f32 v4, $0.0e+00;
	v2 =	vmul.f32 $1.442695020e+00, v2;
	vm9 =	vgt.f32 v3, $0.0e+00  }
0x7c: {  	v29 =	vld.msk [tilespmem:s9+$0xFFFFFFFF ss:$0x0], $0xffff;
	v11 =	vadd.f32 v19, v14;
	v3 =	vsel vm9, v3, v12;
	[tilespmem:s19+$0xF0] =	vst v9;
	(erf) = vpow2.f32 v5  }
0x7d: {  	v4 =	vsel vm8, v4, v13;
	v9 =	vld [tilespmem:s10+$0x100];
	(erf) = vpow2.f32 v2;
	v2 =	vmul.f32 $1.442695020e+00, v3  }
0x7e: {  	v31 =	vld.msk [tilespmem:s9+$0x0 ss:$0x0], $0xffff;
	v4 =	vmul.f32 $1.442695020e+00, v4  }
0x7f: {  	v34 =	vld.msk [tilespmem:s9+$0x1 ss:$0x0], $0xffff;
	v10 =	vadd.f32 v10, v11;
	v11 =	vmul.f32 $2.000000030e-01, v7  }
0x80: {  	s24 =	simm.s32 $0x7600;
	v35 =	vld.msk [tilespmem:s9+$0x2 ss:$0x0], $0xffff;
	v6 =	vbroadcast v15, $0x1;
	vm10 =	vgt.f32 v7, $0.0e+00;
	(erf) = vpow2.f32 v4  }
0x81: {  	v41 =	vld [tilespmem:s24+$0xFFFFFFE0];
	v8 =	vmul.f32 $2.000000030e-01, v10;
	v5 =	vsel vm10, v7, v11;
	(erf) = vpow2.f32 v2;
	v2 =	vpop (erf)  }
0x82: {  	v57 =	vld [tilespmem:s24+$0xFFFFFFF0];
	vm11 =	vgt.f32 v10, $0.0e+00;
	v4 =	vmul.f32 $1.442695020e+00, v5;
	v5 =	vmul.f32 v6, v9;
	[tilespmem:s19+$0xFFFFFF50] =	vst v2  }
0x83: {  	v3 =	vsel vm11, v10, v8;
	v9 =	vld [tilespmem:s10+$0xFFFFFF10]  }
0x84: {  	v58 =	vld [tilespmem:s24+$0x10];
	v3 =	vmul.f32 $1.442695020e+00, v3;
	[tilespmem:s19+$0x100] =	vst v5  }
0x85: {  	s21 =	simm.s32 $0x8300;
	(erf) = vpow2.f32 v4;
	v4 =	vld [tilespmem:s10+$0x110]  }
0x86: {  	v40 =	vld [tilespmem:s21+$0xFFFFFFA0];
	v16 =	vbroadcast v2, $0x0;
	v6 =	vpop (erf)  }
0x87: {  	v24 =	vmul.f32 v24, v1;
	v19 =	vld.msk [tilespmem:s9+$0x3 ss:$0x0], $0xffff;
	(erf) = vpow2.f32 v3;
	[tilespmem:s19+$0xFFFFFF00] =	vst v6  }
0x88: {  	v5 =	vbroadcast v15, $0x2;
	v3 =	vpop (erf);
	v10 =	vld [tilespmem:s10+$0xFFFFFEC0];
	v9 =	vmul.f32 v16, v9  }
0x89: {  	v21 =	vmul.f32 v21, v1;
	v29 =	vmul.f32 v29, v1;
	[tilespmem:s19+$0xFFFFFFA0] =	vst v3;
	v16 =	vld [tilespmem:s21+$0x130]  }
0x8a: {  	v31 =	vmul.f32 v31, v1;
	v7 =	vmul.f32 v5, v4;
	v4 =	vpop (erf);
	[tilespmem:s19+$0xFFFFFF10] =	vst v9;
	v9 =	vld [tilespmem:s24+$0x30]  }
0x8b: {  	v34 =	vmul.f32 v34, v1;
	v35 =	vmul.f32 v35, v1;
	v11 =	vld [tilespmem:s10+$0xFFFFFF60];
	[tilespmem:s19+$0xFFFFFFF0] =	vst v4  }
0x8c: {  	v26 =	vbroadcast v2, $0x1;
	v22 =	vbroadcast v6, $0x0;
	v12 =	vld [tilespmem:s10+$0xFFFFFFB0]  }
0x8d: {  	v23 =	vbroadcast v6, $0x1;
	v25 =	vbroadcast v3, $0x0;
	v5 =	vpop (erf);
	[tilespmem:s19+$0x110] =	vst v7;
	v20 =	vld [tilespmem:s10+$0xFFFFFF20]  }
0x8e: {  	v28 =	vbroadcast v4, $0x0;
	v32 =	vbroadcast v4, $0x1;
	[tilespmem:s19+$0x40] =	vst v5;
	v13 =	vld [tilespmem:s10+$0x120]  }
0x8f: {  	v30 =	vbroadcast v5, $0x0;
	v14 =	vld [tilespmem:s10+$0x0];
	v7 =	vpop (erf);
	v9 =	vadd.f32 v9, v16;
	v16 =	vmul.f32 v19, v1  }
0x90: {  	v25 =	vmul.f32 v25, v11;
	v11 =	vbroadcast v15, $0x3;
	v15 =	vld [tilespmem:s21+$0xFFFFFF50];
	v8 =	vpop (erf);
	[tilespmem:s19+$0x90] =	vst v7  }
0x91: {  	v36 =	vbroadcast v5, $0x1;
	v22 =	vmul.f32 v22, v10;
	v17 =	vld [tilespmem:s10+$0x50];
	[tilespmem:s19+$0xE0] =	vst v8;
	v9 =	vadd.f32 v16, v9  }
0x92: {  	v33 =	vbroadcast v7, $0x0;
	v38 =	vbroadcast v7, $0x1;
	v18 =	vld [tilespmem:s10+$0xA0]  }
0x93: {  	v28 =	vmul.f32 v28, v12;
	v12 =	vld [tilespmem:s24+$0xFFFFFFD0];
	v10 =	vmul.f32 $2.000000030e-01, v9  }
0x94: {  	[tilespmem:s19+$0xFFFFFEC0] =	vst v22;
	v20 =	vmul.f32 v26, v20;
	v26 =	vmul.f32 v27, v1;
	v27 =	vld [tilespmem:s21+$0x90];
	vm12 =	vgt.f32 v9, $0.0e+00  }
0x95: {  	v19 =	vbroadcast v3, $0x1;
	v39 =	vbroadcast v8, $0x1;
	[tilespmem:s19+$0xFFFFFF60] =	vst v25;
	v25 =	vld [tilespmem:s10+$0xFFFFFED0];
	v9 =	vsel vm12, v9, v10  }
0x96: {  	v14 =	vmul.f32 v30, v14;
	v30 =	vld [tilespmem:s21+$0xFFFFFFF0];
	v10 =	vmul.f32 $1.442695020e+00, v9  }
0x97: {  	v37 =	vld [tilespmem:s24+$0xFFFFFFC0];
	v62 =	vbroadcast v8, $0x2;
	v16 =	vbroadcast v8, $0x0;
	[tilespmem:s19+$0xFFFFFFB0] =	vst v28  }
0x98: {  	v11 =	vmul.f32 v11, v13;
	v28 =	vld [tilespmem:s10+$0xFFFFFFC0];
	v12 =	vadd.f32 v12, v15;
	(erf) = vpow2.f32 v10  }
0x99: {  	v17 =	vmul.f32 v33, v17;
	v16 =	vmul.f32 v16, v18;
	v18 =	vld [tilespmem:s21+$0x40];
	v27 =	vadd.f32 v58, v27  }
0x9a: {  	[tilespmem:s19+$0x0] =	vst v14;
	v23 =	vmul.f32 v23, v25;
	v15 =	vld [tilespmem:s24+$0x0];
	v12 =	vadd.f32 v24, v12;
	v24 =	vadd.f32 v41, v40  }
0x9b: {  	v13 =	vbroadcast v2, $0x2;
	v9 =	vbroadcast v6, $0x2;
	v30 =	vadd.f32 v57, v30;
	[tilespmem:s19+$0x50] =	vst v17;
	v17 =	vld [tilespmem:s10+$0x10]  }
0x9c: {  	[tilespmem:s19+$0xFFFFFED0] =	vst v23;
	v27 =	vadd.f32 v34, v27;
	v34 =	vbroadcast v5, $0x2;
	v24 =	vadd.f32 v26, v24;
	v26 =	vld [tilespmem:s21+$0xFFFFFF00]  }
0x9d: {  	[tilespmem:s19+$0xA0] =	vst v16;
	v10 =	vbroadcast v3, $0x2;
	v29 =	vadd.f32 v29, v30;
	v23 =	vmul.f32 v32, v28  }
0x9e: {  	[tilespmem:s19+$0xFFFFFF20] =	vst v20;
	v20 =	vld [tilespmem:s10+$0xB0];
	v60 =	vmul.f32 $2.000000030e-01, v12;
	vm13 =	vgt.f32 v12, $0.0e+00;
	v22 =	vmul.f32 $2.000000030e-01, v27  }
0x9f: {  	vm5 =	vgt.f32 v27, $0.0e+00;
	v15 =	vadd.f32 v15, v18;
	v61 =	vmul.f32 $2.000000030e-01, v29  }
0xa0: {  	s5 =	simm.s32 $0x8580;
	v42 =	vld [tilespmem:s24+$0x20];
	v18 =	vmul.f32 $2.000000030e-01, v24;
	v30 =	vsel vm13, v12, v60;
	vm14 =	vgt.f32 v24, $0.0e+00  }
0xa1: {  	s0 =	simm.s32 $0xB500;
	v48 =	vld [tilespmem:s5+$0x130];
	v17 =	vmul.f32 v36, v17;
	v15 =	vadd.f32 v31, v15;
	v26 =	vadd.f32 v37, v26;
	v12 =	vpop (erf)  }
0xa2: {  	v59 =	vld [tilespmem:s21+$0xE0];
	vm15 =	vgt.f32 v29, $0.0e+00;
	v22 =	vsel vm5, v27, v22;
	v18 =	vsel vm14, v24, v18;
	[tilespmem:s0+$0x130] =	vst v12  }
0xa3: {  	[tilespmem:s19+$0x10] =	vst v17;
	v17 =	vmul.f32 v39, v20;
	v31 =	vmul.f32 $2.000000030e-01, v15;
	v21 =	vadd.f32 v21, v26;
	v24 =	vld [tilespmem:s21+$0xF0]  }
0xa4: {  	v25 =	vld [tilespmem:s10+$0xFFFFFEE0];
	v36 =	vbroadcast v7, $0x2;
	v30 =	vmul.f32 $1.442695020e+00, v30;
	vm4 =	vgt.f32 v15, $0.0e+00  }
0xa5: {  	v29 =	vsel vm15, v29, v61;
	[tilespmem:s19+$0xB0] =	vst v17;
	v15 =	vsel vm4, v15, v31;
	v31 =	vld [tilespmem:s10+$0xFFFFFF70];
	v27 =	vmul.f32 $2.000000030e-01, v21  }
0xa6: {  	s13 =	sadd.s32 $0x8, s9;
	v14 =	vmul.f32 $1.442695020e+00, v22;
	v61 =	vld [tilespmem:s10+$0xC0];
	v26 =	vbroadcast v12, $0x0;
	vm6 =	vgt.f32 v21, $0.0e+00  }
0xa7: {  	v51 =	vld.msk [tilespmem:s13+$0x3 ss:$0x0], $0xffff;
	v29 =	vmul.f32 $1.442695020e+00, v29;
	(erf) = vpow2.f32 v30;
	v21 =	vsel vm6, v21, v27  }
0xa8: {  	v55 =	vld.msk [tilespmem:s13+$0xFFFFFFFD ss:$0x0], $0xffff;
	v33 =	vadd.f32 v42, v59;
	v21 =	vmul.f32 $1.442695020e+00, v21;
	v24 =	vmul.f32 v26, v24  }
0xa9: {  	v58 =	vld.msk [tilespmem:s13+$0x0 ss:$0x0], $0xffff;
	v18 =	vmul.f32 $1.442695020e+00, v18;
	v15 =	vmul.f32 $1.442695020e+00, v15  }
0xaa: {  	v33 =	vadd.f32 v35, v33;
	v16 =	vld [tilespmem:s10+$0x60];
	v19 =	vmul.f32 v19, v31;
	(erf) = vpow2.f32 v21;
	[tilespmem:s0+$0xF0] =	vst v24  }
0xab: {  	[tilespmem:s19+$0xFFFFFFC0] =	vst v23;
	v31 =	vmul.f32 v9, v25;
	v37 =	vmul.f32 v62, v61;
	v22 =	vld [tilespmem:s21+$0x100]  }
0xac: {  	v32 =	vld [tilespmem:s10+$0xFFFFFFD0];
	v26 =	vmul.f32 $2.000000030e-01, v33;
	(erf) = vpow2.f32 v18  }
0xad: {  	s24 =	simm.s32 $0x7680;
	vm7 =	vgt.f32 v33, $0.0e+00;
	v35 =	vld [tilespmem:s10+$0x20];
	v21 =	vbroadcast v12, $0x1;
	(erf) = vpow2.f32 v29  }
0xae: {  	v59 =	vld [tilespmem:s24+$0xFFFFFFD0];
	v24 =	vsel vm7, v33, v26;
	(erf) = vpow2.f32 v15;
	v33 =	vbroadcast v4, $0x2  }
0xaf: {  	[tilespmem:s19+$0xFFFFFF70] =	vst v19;
	v18 =	vld [tilespmem:s10+$0xFFFFFF30];
	v24 =	vmul.f32 $1.442695020e+00, v24;
	(erf) = vpow2.f32 v14  }
0xb0: {  	v15 =	vld [tilespmem:s10+$0xFFFFFF80];
	v14 =	vmul.f32 v38, v16;
	v38 =	vpop (erf);
	v19 =	vmul.f32 v21, v22  }
0xb1: {  	v40 =	vld [tilespmem:s24+$0xFFFFFFC0];
	[tilespmem:s0+$0xFFFFFF50] =	vst v38;
	v30 =	vbroadcast v38, $0x2;
	v32 =	vmul.f32 v33, v32  }
0xb2: {  	v39 =	vld [tilespmem:s5+$0xFFFFFFF0];
	v33 =	vmul.f32 v34, v35;
	v35 =	vmul.f32 v55, v1;
	[tilespmem:s0+$0x100] =	vst v19  }
0xb3: {  	(erf) = vpow2.f32 v24;
	[tilespmem:s19+$0x60] =	vst v14;
	v24 =	vbroadcast v2, $0x3;
	v60 =	vpop (erf);
	v16 =	vld [tilespmem:s21+$0x110]  }
0xb4: {  	v14 =	vld [tilespmem:s21+$0xFFFFFF10];
	v2 =	vbroadcast v8, $0x3;
	v8 =	vbroadcast v38, $0x0;
	[tilespmem:s0+$0xFFFFFF00] =	vst v60  }
0xb5: {  	v18 =	vmul.f32 v13, v18;
	v21 =	vmul.f32 v10, v15;
	v17 =	vld [tilespmem:s21+$0xFFFFFEC0]  }
0xb6: {  	v61 =	vld [tilespmem:s5+$0xFFFFFF00];
	v19 =	vbroadcast v6, $0x3;
	v6 =	vbroadcast v12, $0x2  }
0xb7: {  	v34 =	vld [tilespmem:s5+$0xFFFFFFA0];
	v42 =	vpop (erf);
	v13 =	vbroadcast v60, $0x0;
	v20 =	vbroadcast v60, $0x1  }
0xb8: {  	v63 =	vld [tilespmem:s10+$0x70];
	v28 =	vbroadcast v60, $0x2;
	[tilespmem:s0+$0xFFFFFFA0] =	vst v42;
	v16 =	vmul.f32 v6, v16  }
0xb9: {  	v6 =	vbroadcast v5, $0x3;
	v5 =	vbroadcast v7, $0x3;
	v7 =	vld [tilespmem:s21+$0xFFFFFF60]  }
0xba: {  	v43 =	vpop (erf);
	v8 =	vmul.f32 v8, v14;
	v52 =	vmul.f32 v13, v17;
	v13 =	vld [tilespmem:s24+$0x30];
	[tilespmem:s0+$0x110] =	vst v16  }
0xbb: {  	v15 =	vbroadcast v42, $0x0;
	v23 =	vbroadcast v42, $0x1;
	[tilespmem:s0+$0xFFFFFFF0] =	vst v43;
	v44 =	vpop (erf);
	v9 =	vld [tilespmem:s21+$0x120]  }
0xbc: {  	v25 =	vbroadcast v43, $0x0;
	v22 =	vbroadcast v43, $0x1;
	v27 =	vld [tilespmem:s21+$0xFFFFFFB0];
	v45 =	vpop (erf);
	[tilespmem:s0+$0x40] =	vst v44  }
0xbd: {  	v36 =	vmul.f32 v36, v63;
	v29 =	vbroadcast v44, $0x0;
	v10 =	vld [tilespmem:s21+$0x0];
	v46 =	vpop (erf)  }
0xbe: {  	v63 =	vld [tilespmem:s24+$0x0];
	[tilespmem:s0+$0xE0] =	vst v46;
	v53 =	vmul.f32 v15, v7;
	v7 =	vbroadcast v12, $0x3  }
0xbf: {  	[tilespmem:s0+$0xFFFFFF10] =	vst v8;
	v26 =	vbroadcast v44, $0x1;
	v49 =	vbroadcast v45, $0x0;
	v8 =	vld [tilespmem:s21+$0xA0]  }
0xc0: {  	[tilespmem:s0+$0x90] =	vst v45;
	v47 =	vld [tilespmem:s21+$0xFFFFFF20];
	v56 =	vmul.f32 v7, v9;
	v7 =	vadd.f32 v13, v48;
	v13 =	vmul.f32 v51, v1  }
0xc1: {  	[tilespmem:s19+$0x120] =	vst v11;
	v11 =	vbroadcast v45, $0x3;
	v14 =	vld [tilespmem:s21+$0x50];
	v54 =	vmul.f32 v25, v27  }
0xc2: {  	v50 =	vbroadcast v46, $0x0;
	[tilespmem:s0+$0xFFFFFEC0] =	vst v52;
	v57 =	vmul.f32 v29, v10;
	v10 =	vld.msk [tilespmem:s13+$0xFFFFFFFF ss:$0x0], $0xffff;
	v7 =	vadd.f32 v13, v7  }
0xc3: {  	v17 =	vbroadcast v46, $0x2;
	v16 =	vbroadcast v38, $0x1;
	[tilespmem:s0+$0xFFFFFFB0] =	vst v54;
	v54 =	vld [tilespmem:s21+$0xFFFFFED0]  }
0xc4: {  	v50 =	vmul.f32 v50, v8;
	v8 =	vld [tilespmem:s5+$0xFFFFFF50];
	v13 =	vmul.f32 $2.000000030e-01, v7  }
0xc5: {  	v27 =	vbroadcast v45, $0x1;
	v25 =	vbroadcast v46, $0x1;
	v12 =	vld.msk [tilespmem:s13+$0xFFFFFFFC ss:$0x0], $0xffff;
	vm8 =	vgt.f32 v7, $0.0e+00  }
0xc6: {  	v29 =	vbroadcast v42, $0x2;
	v47 =	vmul.f32 v16, v47;
	[tilespmem:s0+$0xFFFFFF60] =	vst v53;
	v53 =	vld [tilespmem:s21+$0xFFFFFFC0];
	v7 =	vsel vm8, v7, v13  }
0xc7: {  	v16 =	vbroadcast v44, $0x2;
	v9 =	vld.msk [tilespmem:s13+$0xFFFFFFFE ss:$0x0], $0xffff;
	v62 =	vmul.f32 $1.442695020e+00, v7  }
0xc8: {  	v15 =	vbroadcast v45, $0x2;
	v48 =	vmul.f32 v49, v14;
	v49 =	vld.msk [tilespmem:s13+$0x1 ss:$0x0], $0xffff  }
0xc9: {  	v51 =	vld.msk [tilespmem:s13+$0x2 ss:$0x0], $0xffff;
	v14 =	vbroadcast v43, $0x2;
	v55 =	vadd.f32 v59, v8;
	(erf) = vpow2.f32 v62  }
0xca: {  	v20 =	vmul.f32 v20, v54;
	v41 =	vmul.f32 v12, v1;
	v12 =	vld [tilespmem:s24+$0xFFFFFFF0]  }
0xcb: {  	v8 =	vbroadcast v38, $0x3;
	v35 =	vadd.f32 v35, v55;
	v55 =	vmul.f32 v58, v1;
	v13 =	vld [tilespmem:s24+$0xFFFFFFE0]  }
0xcc: {  	v40 =	vadd.f32 v40, v61;
	v59 =	vld [tilespmem:s5+$0x40];
	v22 =	vmul.f32 v22, v53;
	v38 =	vmul.f32 v9, v1  }
0xcd: {  	[tilespmem:s0+$0xA0] =	vst v50;
	v9 =	vbroadcast v42, $0x3;
	v49 =	vmul.f32 v49, v1  }
0xce: {  	[tilespmem:s0+$0xFFFFFF20] =	vst v47;
	v47 =	vld [tilespmem:s21+$0xB0];
	v40 =	vadd.f32 v41, v40;
	v51 =	vmul.f32 v51, v1;
	v58 =	vmul.f32 $2.000000030e-01, v35  }
0xcf: {  	[tilespmem:s19+$0xFFFFFEE0] =	vst v31;
	vm9 =	vgt.f32 v35, $0.0e+00;
	v7 =	vbroadcast v60, $0x3;
	v60 =	vmul.f32 v10, v1  }
0xd0: {  	[tilespmem:s19+$0xFFFFFF30] =	vst v18;
	v10 =	vbroadcast v43, $0x3;
	v43 =	vld [tilespmem:s5+$0x90];
	v12 =	vadd.f32 v12, v39;
	v34 =	vadd.f32 v13, v34  }
0xd1: {  	[tilespmem:s19+$0x70] =	vst v36;
	vm15 =	vgt.f32 v40, $0.0e+00;
	v18 =	vmul.f32 $2.000000030e-01, v40;
	v39 =	vld [tilespmem:s24+$0x10];
	v42 =	vadd.f32 v63, v59  }
0xd2: {  	s12 =	simm.s32 $0xB780;
	[tilespmem:s0+$0x0] =	vst v57;
	v45 =	vadd.f32 v60, v12;
	v60 =	vld [tilespmem:s24+$0x20];
	v34 =	vadd.f32 v38, v34;
	v38 =	vsel vm9, v35, v58;
	v35 =	vpop (erf)  }
0xd3: {  	v25 =	vmul.f32 v25, v47;
	v40 =	vsel vm15, v40, v18;
	v13 =	vbroadcast v44, $0x3;
	v44 =	vld [tilespmem:s5+$0xE0];
	[tilespmem:s12+$0x130] =	vst v35  }
0xd4: {  	[tilespmem:s0+$0x120] =	vst v56;
	v12 =	vbroadcast v46, $0x3;
	v42 =	vadd.f32 v55, v42;
	v56 =	vmul.f32 $1.442695020e+00, v40;
	v58 =	vld [tilespmem:s5+$0xF0]  }
0xd5: {  	v52 =	vld [tilespmem:s10+$0xFFFFFEF0];
	[tilespmem:s0+$0x50] =	vst v48;
	v63 =	vmul.f32 $2.000000030e-01, v45;
	vm11 =	vgt.f32 v45, $0.0e+00;
	v38 =	vmul.f32 $1.442695020e+00, v38  }
0xd6: {  	[tilespmem:s0+$0xFFFFFED0] =	vst v20;
	v20 =	vld [tilespmem:s10+$0x80];
	v57 =	vmul.f32 $2.000000030e-01, v42;
	v39 =	vadd.f32 v39, v43;
	v62 =	vmul.f32 $2.000000030e-01, v34  }
0xd7: {  	v50 =	vld [tilespmem:s21+$0x60];
	vm12 =	vgt.f32 v42, $0.0e+00;
	(erf) = vpow2.f32 v38;
	v61 =	vbroadcast v35, $0x0  }
0xd8: {  	[tilespmem:s19+$0xC0] =	vst v37;
	v46 =	vld [tilespmem:s21+$0x10];
	v39 =	vadd.f32 v49, v39;
	vm10 =	vgt.f32 v34, $0.0e+00;
	v44 =	vadd.f32 v60, v44  }
0xd9: {  	[tilespmem:s0+$0xFFFFFFC0] =	vst v22;
	v22 =	vld [tilespmem:s10+$0xD0];
	v60 =	vsel vm12, v42, v57;
	v34 =	vsel vm10, v34, v62;
	v42 =	vmul.f32 v61, v58  }
0xda: {  	v45 =	vsel vm11, v45, v63;
	v63 =	vld [tilespmem:s21+$0xFFFFFF30];
	v59 =	vmul.f32 $2.000000030e-01, v39;
	v34 =	vmul.f32 $1.442695020e+00, v34  }
0xdb: {  	v41 =	vmul.f32 $1.442695020e+00, v60;
	(erf) = vpow2.f32 v56;
	v60 =	vld [tilespmem:s21+$0xFFFFFEE0];
	[tilespmem:s12+$0xF0] =	vst v42  }
0xdc: {  	v45 =	vmul.f32 $1.442695020e+00, v45;
	vm13 =	vgt.f32 v39, $0.0e+00;
	(erf) = vpow2.f32 v34;
	v42 =	vld [tilespmem:s5+$0x100]  }
0xdd: {  	[tilespmem:s19+$0xFFFFFF80] =	vst v21;
	v43 =	vld [tilespmem:s21+$0xFFFFFF70];
	v26 =	vmul.f32 v26, v46;
	v44 =	vadd.f32 v51, v44;
	v31 =	vsel vm13, v39, v59  }
0xde: {  	[tilespmem:s0+$0xB0] =	vst v25;
	v18 =	vld [tilespmem:s10+$0xFFFFFF90];
	v31 =	vmul.f32 $1.442695020e+00, v31;
	v59 =	vbroadcast v35, $0x1  }
0xdf: {  	v47 =	vld [tilespmem:s21+$0xC0];
	v62 =	vmul.f32 $2.000000030e-01, v44;
	(erf) = vpow2.f32 v45  }
0xe0: {  	v55 =	vld [tilespmem:s10+$0xFFFFFF40];
	[tilespmem:s0+$0x10] =	vst v26;
	vm14 =	vgt.f32 v44, $0.0e+00;
	(erf) = vpow2.f32 v41;
	v46 =	vmul.f32 v28, v60;
	v28 =	vpop (erf)  }
0xe1: {  	v45 =	vld [tilespmem:s21+$0x20];
	v21 =	vsel vm14, v44, v62;
	v41 =	vmul.f32 v30, v63;
	[tilespmem:s12+$0xFFFFFF50] =	vst v28;
	v61 =	vmul.f32 v59, v42  }
0xe2: {  	[tilespmem:s19+$0xFFFFFFD0] =	vst v32;
	v57 =	vmul.f32 $1.442695020e+00, v21;
	v58 =	vmul.f32 v23, v43;
	v63 =	vld [tilespmem:s5+$0xFFFFFF10]  }
0xe3: {  	v3 =	vbroadcast v3, $0x3;
	v21 =	vld [tilespmem:s10+$0xFFFFFFE0];
	(erf) = vpow2.f32 v31;
	[tilespmem:s12+$0x100] =	vst v61  }
0xe4: {  	v4 =	vbroadcast v4, $0x3;
	(erf) = vpow2.f32 v57;
	v34 =	vpop (erf);
	[tilespmem:s0+$0xFFFFFF70] =	vst v58;
	v31 =	vld [tilespmem:s5+$0x110]  }
0xe5: {  	v37 =	vmul.f32 v19, v52;
	v26 =	vbroadcast v28, $0x0;
	[tilespmem:s12+$0xFFFFFF00] =	vst v34;
	v62 =	vld [tilespmem:s21+$0xFFFFFF80];
	v30 =	vpop (erf)  }
0xe6: {  	v27 =	vmul.f32 v27, v50;
	v39 =	vmul.f32 v24, v55;
	v48 =	vld [tilespmem:s5+$0xFFFFFEC0];
	[tilespmem:s12+$0xFFFFFFA0] =	vst v30  }
0xe7: {  	[tilespmem:s19+$0x20] =	vst v33;
	v24 =	vbroadcast v35, $0x2;
	v60 =	vld [tilespmem:s5+$0xFFFFFF60];
	v63 =	vmul.f32 v26, v63  }
0xe8: {  	[tilespmem:s0+$0x60] =	vst v27;
	v55 =	vbroadcast v35, $0x3;
	v23 =	vld [tilespmem:s10+$0x30];
	v49 =	vbroadcast v28, $0x1  }
0xe9: {  	v43 =	vld [tilespmem:s21+$0x70];
	v27 =	vbroadcast v34, $0x0;
	[tilespmem:s12+$0xFFFFFF10] =	vst v63;
	v24 =	vmul.f32 v24, v31;
	v31 =	vpop (erf)  }
0xea: {  	v19 =	vbroadcast v34, $0x1;
	v53 =	vbroadcast v30, $0x0;
	v42 =	vld [tilespmem:s21+$0xFFFFFFD0];
	[tilespmem:s12+$0xFFFFFFF0] =	vst v31  }
0xeb: {  	v25 =	vbroadcast v30, $0x1;
	v44 =	vmul.f32 v29, v62;
	v29 =	vpop (erf);
	v62 =	vld [tilespmem:s5+$0xFFFFFFB0];
	[tilespmem:s12+$0x110] =	vst v24  }
0xec: {  	v27 =	vmul.f32 v27, v48;
	v54 =	vmul.f32 v53, v60;
	v32 =	vpop (erf);
	[tilespmem:s12+$0x40] =	vst v29;
	v36 =	vld [tilespmem:s5+$0x120]  }
0xed: {  	v61 =	vbroadcast v31, $0x0;
	v38 =	vbroadcast v29, $0x0;
	v33 =	vpop (erf);
	v40 =	vld [tilespmem:s5+$0x0];
	[tilespmem:s12+$0x90] =	vst v32  }
0xee: {  	v24 =	vbroadcast v31, $0x1;
	v26 =	vbroadcast v29, $0x1;
	v52 =	vld [tilespmem:s5+$0x50];
	[tilespmem:s12+$0xE0] =	vst v33  }
0xef: {  	[tilespmem:s12+$0xFFFFFEC0] =	vst v27;
	v50 =	vbroadcast v32, $0x0;
	v27 =	vbroadcast v32, $0x1;
	v53 =	vld [tilespmem:s5+$0xA0]  }
0xf0: {  	s14 =	simm.s32 $0x8800;
	s10 =	simm.s32 $0x10;
	v48 =	vld [tilespmem:s5+$0xFFFFFF20];
	v51 =	vbroadcast v33, $0x0;
	v56 =	vmul.f32 v61, v62  }
.LBB2_5:
0xf1: {  	v57 =	vld [tilespmem:s14+$0x130];
	[tilespmem:s12+$0xFFFFFF60] =	vst v54;
	v35 =	vbroadcast v33, $0x1;
	v54 =	vmul.f32 v55, v36;
	s13 =	sadd.s32 $0x8, s13  }
0xf2: {  	s10 =	sadd.s32 $0x8, s10;
	v36 =	vbroadcast v34, $0x2;
	s24 =	sadd.s32 $0x80, s24;
	v55 =	vld.msk [tilespmem:s13+$0x3 ss:$0x0], $0xffff;
	[tilespmem:s12+$0xFFFFFFB0] =	vst v56;
	v56 =	vmul.f32 v38, v40  }
0xf3: {  	p2 =	slt.u32 s10, $0x48;
	v40 =	vbroadcast v28, $0x2;
	v58 =	vld [tilespmem:s24+$0x30];
	v50 =	vmul.f32 v50, v52;
	[tilespmem:s12+$0x120] =	vst v54  }
0xf4: {  	v38 =	vbroadcast v30, $0x2;
	v52 =	vld.msk [tilespmem:s13+$0xFFFFFFFC ss:$0x0], $0xffff;
	[tilespmem:s12+$0x0] =	vst v56;
	v51 =	vmul.f32 v51, v53  }
0xf5: {  	v53 =	vld.msk [tilespmem:s13+$0xFFFFFFFD ss:$0x0], $0xffff;
	v48 =	vmul.f32 v49, v48;
	v49 =	vbroadcast v31, $0x2;
	[tilespmem:s12+$0x50] =	vst v50  }
0xf6: {  	v54 =	vbroadcast v29, $0x2;
	v56 =	vbroadcast v32, $0x2;
	v50 =	vld.msk [tilespmem:s13+$0xFFFFFFFE ss:$0x0], $0xffff;
	[tilespmem:s12+$0xA0] =	vst v51  }
0xf7: {  	v42 =	vmul.f32 v14, v42;
	v51 =	vld.msk [tilespmem:s13+$0xFFFFFFFF ss:$0x0], $0xffff;
	[tilespmem:s12+$0xFFFFFF20] =	vst v48;
	v48 =	vbroadcast v33, $0x2;
	v14 =	vmov v49  }
0xf8: {  	v45 =	vmul.f32 v16, v45;
	v55 =	vmul.f32 v55, v1;
	v49 =	vld.msk [tilespmem:s13+$0x0 ss:$0x0], $0xffff;
	v57 =	vadd.f32 v58, v57;
	[tilespmem:s0+$0xFFFFFEE0] =	vst v46  }
0xf9: {  	v47 =	vmul.f32 v17, v47;
	v16 =	vmovc v54;
	v46 =	vld.msk [tilespmem:s13+$0x1 ss:$0x0], $0xffff;
	[tilespmem:s0+$0xFFFFFF30] =	vst v41;
	v41 =	vmul.f32 v15, v43;
	v15 =	vmov v56  }
0xfa: {  	v52 =	vmul.f32 v52, v1;
	v43 =	vbroadcast v34, $0x3;
	v17 =	vmovc v48;
	v54 =	vld.msk [tilespmem:s13+$0x2 ss:$0x0], $0xffff;
	v55 =	vadd.f32 v55, v57;
	[tilespmem:s0+$0xFFFFFF80] =	vst v44  }
0xfb: {  	v34 =	vbroadcast v28, $0x3;
	v48 =	vmul.f32 v53, v1;
	v44 =	vld [tilespmem:s24+$0xFFFFFFC0];
	[tilespmem:s0+$0xFFFFFFD0] =	vst v42  }
0xfc: {  	v42 =	vmul.f32 v50, v1;
	v28 =	vld [tilespmem:s14+$0xFFFFFF50];
	v50 =	vmul.f32 $2.000000030e-01, v55;
	[tilespmem:s0+$0x20] =	vst v45  }
0xfd: {  	v30 =	vbroadcast v30, $0x3;
	v51 =	vmul.f32 v51, v1;
	vm0 =	vgt.f32 v55, $0.0e+00;
	v45 =	vld [tilespmem:s24+$0xFFFFFFD0];
	[tilespmem:s0+$0x70] =	vst v41  }
0xfe: {  	v31 =	vbroadcast v31, $0x3;
	v49 =	vmul.f32 v49, v1;
	v41 =	vld [tilespmem:s14+$0xFFFFFFA0];
	v50 =	vsel vm0, v55, v50;
	[tilespmem:s0+$0xC0] =	vst v47  }
0xff: {  	v46 =	vmul.f32 v46, v1;
	v47 =	vld [tilespmem:s24+$0xFFFFFFE0];
	v50 =	vmul.f32 $1.442695020e+00, v50;
	[tilespmem:s19+$0xFFFFFEF0] =	vst v37  }
0x100: {  	v29 =	vbroadcast v29, $0x3;
	v53 =	vmul.f32 v54, v1;
	v37 =	vld [tilespmem:s14+$0xFFFFFFF0];
	[tilespmem:s19+$0xFFFFFF40] =	vst v39  }
0x101: {  	v32 =	vbroadcast v32, $0x3;
	v39 =	vld [tilespmem:s24+$0xFFFFFFF0];
	(erf) = vpow2.f32 v50  }
0x102: {  	v18 =	vmul.f32 v3, v18;
	v3 =	vmovc v9;
	v9 =	vmovc v30;
	v33 =	vbroadcast v33, $0x3;
	v28 =	vadd.f32 v45, v28;
	v45 =	vld [tilespmem:s14+$0x40]  }
0x103: {  	v21 =	vmul.f32 v4, v21;
	v23 =	vmul.f32 v6, v23;
	v4 =	vmovc v10;
	v6 =	vmovc v13;
	v10 =	vmov v31;
	v30 =	vld [tilespmem:s24+$0x0]  }
0x104: {  	v28 =	vadd.f32 v48, v28;
	v31 =	vadd.f32 v47, v41;
	v41 =	vld [tilespmem:s14+$0x90];
	[tilespmem:s19+$0xFFFFFF90] =	vst v18;
	v18 =	vmul.f32 v5, v20  }
0x105: {  	v13 =	vmovc v29;
	v5 =	vmovc v11;
	v11 =	vmov v32;
	v20 =	vld [tilespmem:s24+$0x10];
	[tilespmem:s19+$0xFFFFFFE0] =	vst v21;
	v21 =	vmul.f32 v2, v22;
	v2 =	vmov v12  }
0x106: {  	v12 =	vmovc v33;
	v22 =	vmul.f32 $2.000000030e-01, v28;
	v29 =	vadd.f32 v42, v31;
	v31 =	vadd.f32 v39, v37;
	v32 =	vld [tilespmem:s14+$0xE0];
	[tilespmem:s19+$0x30] =	vst v23  }
0x107: {  	vm0 =	vgt.f32 v28, $0.0e+00;
	v23 =	vld [tilespmem:s24+$0x20];
	[tilespmem:s19+$0x80] =	vst v18  }
0x108: {  	v18 =	vld [tilespmem:s14+$0xFFFFFF00];
	v33 =	vmul.f32 $2.000000030e-01, v29;
	v31 =	vadd.f32 v51, v31;
	v30 =	vadd.f32 v30, v45;
	[tilespmem:s19+$0xD0] =	vst v21;
	s19 =	smov.u32 s0;
	s0 =	smov.u32 s12  }
0x109: {  	v21 =	vsel vm0, v28, v22;
	vm0 =	vgt.f32 v29, $0.0e+00;
	v22 =	vld [tilespmem:s5+$0xFFFFFED0]  }
0x10a: {  	s12 =	sadd.s32 $0x280, s12;
	v28 =	vmul.f32 $2.000000030e-01, v31;
	v30 =	vadd.f32 v49, v30;
	v20 =	vadd.f32 v20, v41;
	v48 =	vpop (erf);
	v37 =	vld [tilespmem:s5+$0xFFFFFF70]  }
0x10b: {  	v21 =	vmul.f32 $1.442695020e+00, v21;
	v29 =	vsel vm0, v29, v33;
	vm0 =	vgt.f32 v31, $0.0e+00;
	[tilespmem:s12+$0x130] =	vst v48;
	v33 =	vld [tilespmem:s5+$0xFFFFFFC0]  }
0x10c: {  	v39 =	vmul.f32 $2.000000030e-01, v30;
	v20 =	vadd.f32 v46, v20;
	v23 =	vadd.f32 v23, v32;
	v32 =	vld [tilespmem:s14+$0xF0]  }
0x10d: {  	v28 =	vsel vm0, v31, v28;
	vm0 =	vgt.f32 v30, $0.0e+00;
	v18 =	vadd.f32 v44, v18;
	v31 =	vld [tilespmem:s5+$0x10]  }
0x10e: {  	vm1 =	vgt.f32 v20, $0.0e+00;
	v41 =	vmul.f32 $2.000000030e-01, v20;
	v23 =	vadd.f32 v53, v23;
	v44 =	vld [tilespmem:s5+$0x60]  }
0x10f: {  	v30 =	vsel vm0, v30, v39;
	v39 =	vbroadcast v48, $0x0;
	v18 =	vadd.f32 v52, v18;
	v45 =	vld [tilespmem:s5+$0xB0]  }
0x110: {  	v20 =	vsel vm1, v20, v41;
	vm0 =	vgt.f32 v23, $0.0e+00;
	v41 =	vmul.f32 $2.000000030e-01, v23;
	v46 =	vld [tilespmem:s5+$0xFFFFFF30]  }
0x111: {  	vm1 =	vgt.f32 v18, $0.0e+00;
	v42 =	vmul.f32 $2.000000030e-01, v18;
	v32 =	vmul.f32 v39, v32;
	v39 =	vld [tilespmem:s21+$0xFFFFFEF0]  }
0x112: {  	v29 =	vmul.f32 $1.442695020e+00, v29;
	v28 =	vmul.f32 $1.442695020e+00, v28;
	v23 =	vsel vm0, v23, v41;
	v47 =	vld [tilespmem:s21+$0xFFFFFF40]  }
0x113: {  	v30 =	vmul.f32 $1.442695020e+00, v30;
	v41 =	vsel vm1, v18, v42;
	v42 =	vmul.f32 $1.442695020e+00, v20;
	[tilespmem:s12+$0xF0] =	vst v32;
	v18 =	vld [tilespmem:s21+$0xFFFFFF90]  }
0x114: {  	v32 =	vmul.f32 $1.442695020e+00, v23;
	v20 =	vmul.f32 $1.442695020e+00, v41;
	v41 =	vld [tilespmem:s14+$0x100]  }
0x115: {  	v19 =	vmul.f32 v19, v22;
	(erf) = vpow2.f32 v21;
	v21 =	vld [tilespmem:s21+$0xFFFFFFE0]  }
0x116: {  	v22 =	vmul.f32 v25, v37;
	(erf) = vpow2.f32 v20;
	v23 =	vld [tilespmem:s21+$0x30]  }
0x117: {  	v25 =	vbroadcast v48, $0x1;
	(erf) = vpow2.f32 v29;
	[tilespmem:s0+$0xFFFFFED0] =	vst v19;
	v20 =	vld [tilespmem:s21+$0x80]  }
0x118: {  	(erf) = vpow2.f32 v28;
	v19 =	vld [tilespmem:s5+$0xFFFFFEE0];
	[tilespmem:s0+$0xFFFFFF70] =	vst v22;
	v22 =	vmul.f32 v24, v33  }
0x119: {  	v24 =	vmul.f32 v25, v41;
	(erf) = vpow2.f32 v30;
	v25 =	vld [tilespmem:s5+$0xFFFFFF80]  }
0x11a: {  	v26 =	vmul.f32 v26, v31;
	(erf) = vpow2.f32 v42;
	[tilespmem:s0+$0xFFFFFFC0] =	vst v22;
	v22 =	vld [tilespmem:s21+$0xD0];
	s21 =	smov.u32 s5;
	s5 =	smov.u32 s14  }
0x11b: {  	[tilespmem:s12+$0x100] =	vst v24;
	(erf) = vpow2.f32 v32;
	v42 =	vld [tilespmem:s21+$0xFFFFFFD0];
	v24 =	vmul.f32 v27, v44  }
0x11c: {  	v41 =	vmul.f32 v40, v46;
	v27 =	vld [tilespmem:s14+$0x110];
	[tilespmem:s0+$0x10] =	vst v26;
	v26 =	vmul.f32 v35, v45  }
0x11d: {  	v37 =	vmul.f32 v7, v39;
	v7 =	vmov v43;
	v46 =	vmul.f32 v36, v19;
	v45 =	vld [tilespmem:s21+$0x20];
	[tilespmem:s0+$0x60] =	vst v24  }
0x11e: {  	v39 =	vmul.f32 v8, v47;
	v8 =	vmov v34;
	v28 =	vpop (erf);
	v44 =	vmul.f32 v38, v25;
	v43 =	vld [tilespmem:s21+$0x70];
	[tilespmem:s0+$0xB0] =	vst v26  }
0x11f: {  	v24 =	vbroadcast v48, $0x2;
	[tilespmem:s12+$0xFFFFFF50] =	vst v28;
	v26 =	vbroadcast v28, $0x0;
	v34 =	vpop (erf);
	v47 =	vld [tilespmem:s21+$0xC0]  }
0x120: {  	[tilespmem:s12+$0xFFFFFF00] =	vst v34;
	v35 =	vbroadcast v34, $0x0;
	v19 =	vbroadcast v34, $0x1;
	v40 =	vld [tilespmem:s14+$0xFFFFFF10];
	v30 =	vpop (erf)  }
0x121: {  	v52 =	vld [tilespmem:s14+$0xFFFFFEC0];
	[tilespmem:s12+$0xFFFFFFA0] =	vst v30;
	v53 =	vbroadcast v30, $0x0;
	v24 =	vmul.f32 v24, v27;
	v31 =	vpop (erf)  }
0x122: {  	v49 =	vbroadcast v28, $0x1;
	v27 =	vld [tilespmem:s14+$0xFFFFFF60];
	[tilespmem:s12+$0xFFFFFFF0] =	vst v31;
	v56 =	vbroadcast v31, $0x0;
	v29 =	vpop (erf)  }
0x123: {  	v25 =	vbroadcast v30, $0x1;
	v57 =	vld [tilespmem:s14+$0xFFFFFFB0];
	v38 =	vbroadcast v29, $0x0;
	[tilespmem:s12+$0x110] =	vst v24;
	v32 =	vpop (erf)  }
.Ltmp1:
0x124: {  	v24 =	vbroadcast v31, $0x1;
	[tilespmem:s12+$0x40] =	vst v29;
	v50 =	vbroadcast v32, $0x0;
	v36 =	vld [tilespmem:s14+$0x120];
	v33 =	vpop (erf);
	(pc) =	sbr.rel @p2 .LBB2_5-.Ltmp1, $4  }
0x125: {  	v54 =	vmul.f32 v26, v40;
	v40 =	vld [tilespmem:s14+$0x0];
	[tilespmem:s12+$0x90] =	vst v32;
	v51 =	vbroadcast v33, $0x0  }
0x126: {  	v26 =	vbroadcast v29, $0x1;
	v35 =	vmul.f32 v35, v52;
	v52 =	vld [tilespmem:s14+$0x50];
	[tilespmem:s12+$0xE0] =	vst v33  }
0x127: {  	v55 =	vbroadcast v48, $0x3;
	[tilespmem:s12+$0xFFFFFF10] =	vst v54;
	v54 =	vmul.f32 v53, v27;
	v53 =	vld [tilespmem:s14+$0xA0]  }
0x128: {  	v27 =	vbroadcast v32, $0x1;
	s14 =	sadd.s32 $0x280, s14;
	[tilespmem:s12+$0xFFFFFEC0] =	vst v35;
	v48 =	vld [tilespmem:s5+$0xFFFFFF20];
	v56 =	vmul.f32 v56, v57  }
0x129: {  	[tilespmem:s12+$0xFFFFFF60] =	vst v54  }
0x12a: {  	[tilespmem:s0+$0xFFFFFEE0] =	vst v46  }
0x12b: {  	[tilespmem:s0+$0xFFFFFF30] =	vst v41  }
0x12c: {  	[tilespmem:s0+$0xFFFFFF80] =	vst v44  }
0x12d: {  	[tilespmem:s19+$0xFFFFFEF0] =	vst v37  }
0x12e: {  	v35 =	vmul.f32 v55, v36;
	[tilespmem:s19+$0xFFFFFF40] =	vst v39  }
0x12f: {  	v14 =	vmul.f32 v14, v42;
	[tilespmem:s12+$0xFFFFFFB0] =	vst v56  }
0x130: {  	v16 =	vmul.f32 v16, v45;
	[tilespmem:s12+$0x120] =	vst v35  }
0x131: {  	v15 =	vmul.f32 v15, v43;
	[tilespmem:s0+$0xFFFFFFD0] =	vst v14  }
0x132: {  	v3 =	vmul.f32 v3, v18;
	[tilespmem:s0+$0x20] =	vst v16  }
0x133: {  	v4 =	vmul.f32 v4, v21;
	[tilespmem:s0+$0x70] =	vst v15  }
0x134: {  	v6 =	vmul.f32 v6, v23;
	[tilespmem:s19+$0xFFFFFF90] =	vst v3  }
0x135: {  	v61 =	vmul.f32 v38, v40;
	[tilespmem:s19+$0xFFFFFFE0] =	vst v4  }
0x136: {  	v14 =	vmul.f32 v17, v47;
	v15 =	vld [tilespmem:s5+$0xFFFFFED0];
	[tilespmem:s19+$0x30] =	vst v6  }
0x137: {  	v62 =	vmul.f32 v50, v52;
	v16 =	vld [tilespmem:s5+$0xFFFFFFC0];
	[tilespmem:s12+$0x0] =	vst v61  }
0x138: {  	v63 =	vmul.f32 v51, v53;
	[tilespmem:s0+$0xC0] =	vst v14;
	v14 =	vld [tilespmem:s5+$0xFFFFFF70]  }
0x139: {  	v40 =	vmul.f32 v49, v48;
	[tilespmem:s12+$0x50] =	vst v62;
	v3 =	vld [tilespmem:s5+$0x10]  }
0x13a: {  	v5 =	vmul.f32 v5, v20;
	[tilespmem:s12+$0xA0] =	vst v63;
	v4 =	vld [tilespmem:s5+$0x60]  }
0x13b: {  	[tilespmem:s12+$0xFFFFFF20] =	vst v40;
	v6 =	vld [tilespmem:s5+$0xB0];
	v15 =	vmul.f32 v19, v15  }
0x13c: {  	v2 =	vmul.f32 v2, v22;
	[tilespmem:s19+$0x80] =	vst v5;
	v17 =	vld [tilespmem:s5+$0xFFFFFF30]  }
0x13d: {  	v19 =	vld [tilespmem:s21+$0xFFFFFEF0];
	v14 =	vmul.f32 v25, v14;
	[tilespmem:s12+$0xFFFFFED0] =	vst v15  }
0x13e: {  	[tilespmem:s19+$0xD0] =	vst v2;
	v15 =	vmul.f32 v24, v16;
	v5 =	vld [tilespmem:s5+$0xFFFFFEE0]  }
0x13f: {  	v16 =	vbroadcast v33, $0x1;
	v3 =	vmul.f32 v26, v3;
	[tilespmem:s12+$0xFFFFFF70] =	vst v14  }
0x140: {  	v4 =	vmul.f32 v27, v4;
	[tilespmem:s12+$0xFFFFFFC0] =	vst v15;
	v15 =	vbroadcast v34, $0x2;
	v14 =	vld [tilespmem:s5+$0xFFFFFF80]  }
0x141: {  	[tilespmem:s12+$0x10] =	vst v3;
	v3 =	vmul.f32 v16, v6;
	v6 =	vbroadcast v28, $0x2;
	v18 =	vld [tilespmem:s5+$0xFFFFFFD0]  }
0x142: {  	v16 =	vld [tilespmem:s5+$0x20];
	[tilespmem:s12+$0x60] =	vst v4;
	v4 =	vbroadcast v30, $0x2;
	v7 =	vmul.f32 v7, v19  }
0x143: {  	[tilespmem:s12+$0xB0] =	vst v3;
	v2 =	vmul.f32 v6, v17;
	v5 =	vmul.f32 v15, v5;
	v15 =	vld [tilespmem:s5+$0x70]  }
0x144: {  	v3 =	vbroadcast v31, $0x2;
	v6 =	vld [tilespmem:s5+$0xC0];
	[tilespmem:s0+$0xFFFFFEF0] =	vst v7  }
0x145: {  	v17 =	vbroadcast v29, $0x2;
	[tilespmem:s12+$0xFFFFFF30] =	vst v2;
	v4 =	vmul.f32 v4, v14;
	v14 =	vld [tilespmem:s21+$0xFFFFFF40]  }
0x146: {  	[tilespmem:s12+$0xFFFFFEE0] =	vst v5;
	v5 =	vbroadcast v32, $0x2;
	v3 =	vmul.f32 v3, v18;
	v18 =	vld [tilespmem:s21+$0xFFFFFF90]  }
0x147: {  	v2 =	vbroadcast v33, $0x2;
	v16 =	vmul.f32 v17, v16;
	[tilespmem:s12+$0xFFFFFF80] =	vst v4;
	v4 =	vld [tilespmem:s21+$0xFFFFFFE0]  }
0x148: {  	[tilespmem:s12+$0xFFFFFFD0] =	vst v3;
	v3 =	vld [tilespmem:s21+$0x30];
	v5 =	vmul.f32 v5, v15  }
0x149: {  	v2 =	vmul.f32 v2, v6;
	[tilespmem:s12+$0x20] =	vst v16;
	v6 =	vld [tilespmem:s21+$0x80]  }
0x14a: {  	[tilespmem:s12+$0x70] =	vst v5;
	v5 =	vld [tilespmem:s21+$0xD0];
	v8 =	vmul.f32 v8, v14  }
0x14b: {  	v7 =	vld [tilespmem:s5+$0xFFFFFEF0];
	[tilespmem:s12+$0xC0] =	vst v2;
	v2 =	vmul.f32 v9, v18  }
0x14c: {  	[tilespmem:s0+$0xFFFFFF40] =	vst v8;
	v4 =	vmul.f32 v10, v4;
	v8 =	vld [tilespmem:s5+$0xFFFFFF40]  }
0x14d: {  	v3 =	vmul.f32 v13, v3;
	[tilespmem:s0+$0xFFFFFF90] =	vst v2;
	v2 =	vld [tilespmem:s5+$0xFFFFFF90]  }
0x14e: {  	v9 =	vbroadcast v34, $0x3;
	v6 =	vmul.f32 v11, v6;
	[tilespmem:s0+$0xFFFFFFE0] =	vst v4;
	v4 =	vld [tilespmem:s5+$0xFFFFFFE0]  }
0x14f: {  	v10 =	vbroadcast v28, $0x3;
	[tilespmem:s0+$0x30] =	vst v3;
	v3 =	vld [tilespmem:s5+$0x30];
	v5 =	vmul.f32 v12, v5  }
0x150: {  	v11 =	vbroadcast v30, $0x3;
	v7 =	vmul.f32 v9, v7;
	[tilespmem:s0+$0x80] =	vst v6;
	v6 =	vld [tilespmem:s5+$0x80]  }
0x151: {  	v9 =	vbroadcast v31, $0x3;
	[tilespmem:s0+$0xD0] =	vst v5;
	v5 =	vld [tilespmem:s5+$0xD0];
	v8 =	vmul.f32 v10, v8  }
0x152: {  	[tilespmem:s12+$0xFFFFFEF0] =	vst v7;
	v10 =	vbroadcast v29, $0x3;
	v2 =	vmul.f32 v11, v2  }
0x153: {  	v7 =	vbroadcast v32, $0x3;
	[tilespmem:s12+$0xFFFFFF40] =	vst v8;
	v4 =	vmul.f32 v9, v4  }
0x154: {  	v8 =	vbroadcast v33, $0x3;
	v3 =	vmul.f32 v10, v3;
	[tilespmem:s12+$0xFFFFFF90] =	vst v2  }
0x155: {  	s14 =	smul.u32 $0x280, s15;
	v2 =	vmul.f32 v7, v6;
	[tilespmem:s12+$0xFFFFFFE0] =	vst v4  }
0x156: {  	[tilespmem:s12+$0x30] =	vst v3;
	v4 =	vmul.f32 v8, v5  }
0x157: {  	s0 =	sshra.s32 s14, $0x2;
	[tilespmem:s12+$0x80] =	vst v2  }
0x158: {  	p2 =	seq.s32 s15, $0x3D;
	s0 =	sadd.s32 $0x2710, s0;
	[tilespmem:s12+$0xD0] =	vst v4  }
0x159: {  	[spmem:s4] =	stream.indirect.scatter.add.f32 [tilespmem:s3], [sflag:$0x3], $0x50, s0, s25, $0xb8;
	[tilespmem:$0x1E7A0] =	vst v63  }
0x15a: {  	s9 =	simm.s32 @!p2 $0x7F40;
	s5 =	simm.s32 @!p2 $0x50;
	s0 =	sadd.s32 @!p2 $0xA0, s18  }
0x15b: {  	[tilespmem:s9], [sflag:$0x1] =	stream.indirect.gather @!p2 [hbm4b:s1+s5], $0x50, s0, s5, $0xb8;
	[tilespmem:$0x1E7A0] =	vst v63  }
0x15c: {  	s0 =	sadd.s32 @!p2 $0x27B0, s18;
	s9 =	simm.s32 @!p2 $0x7540  }
0x15d: {  	[tilespmem:s9], [sflag:$0x1] =	stream.indirect.gather @!p2 [hbm4b:s2+s5], $0x10, s0, s5, $0xb8;
	[tilespmem:$0x1E7A0] =	vst v63  }
0x15e: {  	_ =	swait.ge [sflag:s22], $0x1900  }
0x15f: {  	[sflag:s22] =	ssyncset.done $0x0  }
0x160: {  	[sflag:s22] =	ssyncadd.s32 $0xFFFFE700  }
0x161: {  	_ =	swait.ge [sflag:s22], $0x500  }
0x162: {  	[sflag:s22] =	ssyncset.done $0x0  }
0x163: {  	s0 =	simm.s32 @!p1 $0x4;
	[sflag:s22] =	ssyncadd.s32 $0xFFFFFB00  }
0x164: {  	_ =	swait.ge @!p1 [sflag:s0], $0x1900  }
0x165: {  	[sflag:s0] =	ssyncset.done @!p1 $0x0  }
0x166: {  	s10 =	simm.s32 $0x9AB0;
	[sflag:s0] =	ssyncadd.s32 @!p1 $0xFFFFE700  }
0x167: {  	v2 =	vld [tilespmem:s10+$0x0]  }
0x168: {  	s19 =	simm.s32 $0x7AB0;
	v3 =	vld.msk [tilespmem:s17+$0x0 ss:$0x0], $0xffff  }
0x169: {  	v4 =	vld [tilespmem:s19+$0x0];
	_ =	sdelay $0x3  }
0x16a: {  	v5 =	vld.msk [tilespmem:s17+$0xFFFFFFF9 ss:$0x0], $0xffff  }
0x16b: {  	v6 =	vld.msk [tilespmem:s17+$0xFFFFFFFA ss:$0x0], $0xffff;
	v2 =	vadd.f32 v4, v2;
	v3 =	vmul.f32 v3, v1  }
0x16c: {  	v7 =	vld.msk [tilespmem:s17+$0xFFFFFFFC ss:$0x0], $0xffff  }
0x16d: {  	v8 =	vld.msk [tilespmem:s17+$0xFFFFFFFE ss:$0x0], $0xffff;
	v2 =	vadd.f32 v3, v2  }
0x16e: {  	v11 =	vld [tilespmem:s19+$0xFFFFFF90]  }
0x16f: {  	v12 =	vld [tilespmem:s19+$0xFFFFFFA0];
	v9 =	vmul.f32 $2.000000030e-01, v2  }
0x170: {  	v13 =	vld [tilespmem:s10+$0xFFFFFE70];
	vm0 =	vgt.f32 v2, $0.0e+00  }
0x171: {  	v14 =	vld [tilespmem:s10+$0xFFFFFEC0];
	v2 =	vsel vm0, v2, v9  }
0x172: {  	v4 =	vld.msk [tilespmem:s17+$0xFFFFFFFB ss:$0x0], $0xffff;
	v2 =	vmul.f32 $1.442695020e+00, v2  }
0x173: {  	v9 =	vld [tilespmem:s10+$0xFFFFFE20]  }
0x174: {  	(erf) = vpow2.f32 v2;
	v2 =	vld [tilespmem:s19+$0xFFFFFFB0]  }
0x175: {  	v15 =	vld [tilespmem:s19+$0xFFFFFFC0]  }
0x176: {  	v16 =	vld [tilespmem:s10+$0xFFFFFF10]  }
0x177: {  	v17 =	vld [tilespmem:s19+$0xFFFFFFD0]  }
0x178: {  	v6 =	vmul.f32 v6, v1;
	v3 =	vld.msk [tilespmem:s17+$0xFFFFFFFD ss:$0x0], $0xffff;
	v9 =	vadd.f32 v12, v9  }
0x179: {  	v4 =	vmul.f32 v4, v1;
	v2 =	vadd.f32 v2, v13;
	v13 =	vld [tilespmem:s10+$0xFFFFFDD0]  }
0x17a: {  	v12 =	vld [tilespmem:s10+$0xFFFFFF60];
	v6 =	vadd.f32 v6, v9  }
0x17b: {  	v7 =	vmul.f32 v7, v1;
	v9 =	vld [tilespmem:s19+$0xFFFFFFE0];
	v2 =	vadd.f32 v4, v2;
	v4 =	vadd.f32 v15, v14;
	_ =	sdelay $0x1  }
0x17c: {  	v3 =	vmul.f32 v3, v1;
	v4 =	vadd.f32 v7, v4;
	v7 =	vadd.f32 v17, v16  }
0x17d: {  	v10 =	vld.msk [tilespmem:s17+$0xFFFFFFFF ss:$0x0], $0xffff;
	v5 =	vmul.f32 v5, v1;
	v18 =	vmul.f32 $2.000000030e-01, v6;
	v11 =	vadd.f32 v11, v13  }
0x17e: {  	s21 =	sadd.s32 $0x8, s17;
	s18 =	simm.s32 $0xCCB0;
	v19 =	vld [tilespmem:s19+$0xFFFFFFF0];
	v8 =	vmul.f32 v8, v1;
	vm6 =	vgt.f32 v6, $0.0e+00;
	v15 =	vpop (erf);
	v3 =	vadd.f32 v3, v7  }
0x17f: {  	v21 =	vld.msk [tilespmem:s21+$0xFFFFFFF9 ss:$0x0], $0xffff;
	v6 =	vsel vm6, v6, v18;
	[tilespmem:s18+$0x0] =	vst v15;
	v7 =	vadd.f32 v9, v12;
	v5 =	vadd.f32 v5, v11  }
0x180: {  	v6 =	vmul.f32 $1.442695020e+00, v6;
	v16 =	vld [tilespmem:s10+$0xFFFFFFC0]  }
0x181: {  	v24 =	vld.msk [tilespmem:s21+$0xFFFFFFFA ss:$0x0], $0xffff;
	v20 =	vmul.f32 $2.000000030e-01, v2;
	v7 =	vadd.f32 v8, v7;
	v8 =	vmul.f32 $2.000000030e-01, v5  }
0x182: {  	v27 =	vld.msk [tilespmem:s21+$0xFFFFFFFB ss:$0x0], $0xffff;
	vm7 =	vgt.f32 v2, $0.0e+00;
	(erf) = vpow2.f32 v6;
	vm1 =	vgt.f32 v5, $0.0e+00  }
0x183: {  	v14 =	vld [tilespmem:s10+$0xFFFFFFB0];
	v13 =	vmul.f32 $2.000000030e-01, v4;
	v9 =	vbroadcast v15, $0x0;
	v5 =	vsel vm1, v5, v8  }
0x184: {  	v29 =	vld.msk [tilespmem:s21+$0xFFFFFFFC ss:$0x0], $0xffff;
	v2 =	vsel vm7, v2, v20;
	v12 =	vmul.f32 $2.000000030e-01, v3;
	v5 =	vmul.f32 $1.442695020e+00, v5  }
0x185: {  	v31 =	vld.msk [tilespmem:s21+$0xFFFFFFFD ss:$0x0], $0xffff;
	v2 =	vmul.f32 $1.442695020e+00, v2;
	vm9 =	vgt.f32 v3, $0.0e+00;
	v9 =	vmul.f32 v9, v16  }
0x186: {  	v48 =	vld.msk [tilespmem:s21+$0xFFFFFFFE ss:$0x0], $0xffff;
	vm8 =	vgt.f32 v4, $0.0e+00;
	v3 =	vsel vm9, v3, v12;
	(erf) = vpow2.f32 v5  }
0x187: {  	v49 =	vld.msk [tilespmem:s21+$0xFFFFFFFF ss:$0x0], $0xffff;
	v4 =	vsel vm8, v4, v13;
	[tilespmem:s18+$0xFFFFFFC0] =	vst v9;
	(erf) = vpow2.f32 v2;
	v2 =	vmul.f32 $1.442695020e+00, v3  }
0x188: {  	s24 =	simm.s32 $0x7B30;
	v10 =	vmul.f32 v10, v1;
	v11 =	vadd.f32 v19, v14;
	v4 =	vmul.f32 $1.442695020e+00, v4;
	v9 =	vld [tilespmem:s10+$0xFFFFFFD0]  }
0x189: {  	v55 =	vld [tilespmem:s24+$0xFFFFFFB0]  }
0x18a: {  	v56 =	vld [tilespmem:s24+$0xFFFFFFC0];
	v10 =	vadd.f32 v10, v11;
	v11 =	vmul.f32 $2.000000030e-01, v7;
	(erf) = vpow2.f32 v4  }
0x18b: {  	v57 =	vld [tilespmem:s24+$0xFFFFFFE0];
	v6 =	vbroadcast v15, $0x1;
	vm10 =	vgt.f32 v7, $0.0e+00;
	(erf) = vpow2.f32 v2;
	v2 =	vpop (erf)  }
0x18c: {  	v60 =	vld [tilespmem:s24+$0xFFFFFFF0];
	v8 =	vmul.f32 $2.000000030e-01, v10;
	v5 =	vsel vm10, v7, v11;
	[tilespmem:s18+$0xFFFFFE20] =	vst v2  }
0x18d: {  	s13 =	sadd.s32 $0x8, s21;
	vm11 =	vgt.f32 v10, $0.0e+00;
	v4 =	vmul.f32 $1.442695020e+00, v5;
	v5 =	vmul.f32 v6, v9;
	v9 =	vld [tilespmem:s10+$0xFFFFFDE0]  }
0x18e: {  	v35 =	vmul.f32 v49, v1;
	v49 =	vld.msk [tilespmem:s13+$0xFFFFFFFE ss:$0x0], $0xffff;
	s19 =	simm.s32 $0x9D30;
	v3 =	vsel vm11, v10, v8  }
0x18f: {  	v54 =	vld [tilespmem:s19+$0xFFFFFE70];
	v3 =	vmul.f32 $1.442695020e+00, v3;
	[tilespmem:s18+$0xFFFFFFD0] =	vst v5  }
0x190: {  	(erf) = vpow2.f32 v4;
	v16 =	vbroadcast v2, $0x0;
	v4 =	vld [tilespmem:s10+$0xFFFFFFE0]  }
0x191: {  	v24 =	vmul.f32 v24, v1;
	v58 =	vld [tilespmem:s19+$0xFFFFFFB0]  }
0x192: {  	v21 =	vmul.f32 v21, v1;
	v19 =	vld.msk [tilespmem:s21+$0x0 ss:$0x0], $0xffff;
	v6 =	vpop (erf);
	v9 =	vmul.f32 v16, v9  }
0x193: {  	(erf) = vpow2.f32 v3;
	v5 =	vbroadcast v15, $0x2;
	[tilespmem:s18+$0xFFFFFDD0] =	vst v6;
	v16 =	vld [tilespmem:s19+$0x0]  }
0x194: {  	v29 =	vmul.f32 v29, v1;
	v31 =	vmul.f32 v31, v1;
	v3 =	vpop (erf);
	[tilespmem:s18+$0xFFFFFDE0] =	vst v9;
	v9 =	vld [tilespmem:s24+$0x0]  }
0x195: {  	v34 =	vmul.f32 v48, v1;
	v10 =	vld [tilespmem:s10+$0xFFFFFD90];
	[tilespmem:s18+$0xFFFFFE70] =	vst v3;
	v7 =	vmul.f32 v5, v4;
	v4 =	vpop (erf)  }
0x196: {  	v49 =	vmul.f32 v49, v1;
	v26 =	vbroadcast v2, $0x1;
	v11 =	vld [tilespmem:s10+$0xFFFFFE30];
	[tilespmem:s18+$0xFFFFFEC0] =	vst v4  }
0x197: {  	v22 =	vbroadcast v6, $0x0;
	v23 =	vbroadcast v6, $0x1;
	v12 =	vld [tilespmem:s10+$0xFFFFFE80]  }
0x198: {  	v25 =	vbroadcast v3, $0x0;
	v5 =	vpop (erf);
	v28 =	vbroadcast v4, $0x0;
	[tilespmem:s18+$0xFFFFFFE0] =	vst v7;
	v20 =	vld [tilespmem:s10+$0xFFFFFDF0]  }
0x199: {  	v46 =	vbroadcast v4, $0x1;
	[tilespmem:s18+$0xFFFFFF10] =	vst v5;
	v13 =	vld [tilespmem:s10+$0xFFFFFFF0];
	v9 =	vadd.f32 v9, v16;
	v16 =	vmul.f32 v19, v1  }
0x19a: {  	v30 =	vbroadcast v5, $0x0;
	v14 =	vld [tilespmem:s10+$0xFFFFFED0];
	v22 =	vmul.f32 v22, v10;
	v7 =	vpop (erf)  }
0x19b: {  	v25 =	vmul.f32 v25, v11;
	v11 =	vbroadcast v15, $0x3;
	v15 =	vld [tilespmem:s19+$0xFFFFFE20];
	[tilespmem:s18+$0xFFFFFF60] =	vst v7;
	v9 =	vadd.f32 v16, v9  }
0x19c: {  	v50 =	vbroadcast v5, $0x1;
	v8 =	vpop (erf);
	v47 =	vbroadcast v7, $0x0;
	[tilespmem:s18+$0xFFFFFD90] =	vst v22;
	v17 =	vld [tilespmem:s10+$0xFFFFFF20]  }
0x19d: {  	[tilespmem:s18+$0xFFFFFFB0] =	vst v8;
	v28 =	vmul.f32 v28, v12;
	v12 =	vld [tilespmem:s24+$0xFFFFFFA0];
	v10 =	vmul.f32 $2.000000030e-01, v9  }
0x19e: {  	v52 =	vbroadcast v7, $0x1;
	v36 =	vbroadcast v7, $0x2;
	[tilespmem:s18+$0xFFFFFE30] =	vst v25;
	v25 =	vld [tilespmem:s10+$0xFFFFFDA0];
	vm12 =	vgt.f32 v9, $0.0e+00  }
0x19f: {  	v19 =	vbroadcast v3, $0x1;
	v18 =	vld [tilespmem:s10+$0xFFFFFF70];
	v20 =	vmul.f32 v26, v20;
	v9 =	vsel vm12, v9, v10  }
0x1a0: {  	v26 =	vmul.f32 v27, v1;
	v27 =	vld [tilespmem:s19+$0xFFFFFF60];
	v10 =	vmul.f32 $1.442695020e+00, v9  }
0x1a1: {  	v53 =	vbroadcast v8, $0x1;
	v14 =	vmul.f32 v30, v14;
	v30 =	vld [tilespmem:s19+$0xFFFFFEC0]  }
0x1a2: {  	v51 =	vld [tilespmem:s24+$0xFFFFFF90];
	v16 =	vbroadcast v8, $0x0;
	[tilespmem:s18+$0xFFFFFE80] =	vst v28;
	v12 =	vadd.f32 v12, v15;
	(erf) = vpow2.f32 v10  }
0x1a3: {  	v33 =	vadd.f32 v60, v58;
	v37 =	vbroadcast v8, $0x2;
	v28 =	vld [tilespmem:s10+$0xFFFFFE90];
	v17 =	vmul.f32 v47, v17  }
0x1a4: {  	v16 =	vmul.f32 v16, v18;
	v18 =	vld [tilespmem:s19+$0xFFFFFF10];
	v12 =	vadd.f32 v24, v12;
	v24 =	vadd.f32 v55, v54  }
0x1a5: {  	v11 =	vmul.f32 v11, v13;
	[tilespmem:s18+$0xFFFFFED0] =	vst v14;
	v23 =	vmul.f32 v23, v25;
	v15 =	vld [tilespmem:s24+$0xFFFFFFD0];
	v27 =	vadd.f32 v57, v27  }
0x1a6: {  	v13 =	vbroadcast v2, $0x2;
	v30 =	vadd.f32 v56, v30;
	[tilespmem:s18+$0xFFFFFF20] =	vst v17;
	v24 =	vadd.f32 v26, v24;
	v26 =	vld [tilespmem:s19+$0xFFFFFDD0]  }
0x1a7: {  	v9 =	vbroadcast v6, $0x2;
	v17 =	vld [tilespmem:s10+$0xFFFFFEE0];
	[tilespmem:s18+$0xFFFFFDA0] =	vst v23;
	v27 =	vadd.f32 v34, v27;
	v34 =	vbroadcast v5, $0x2  }
0x1a8: {  	[tilespmem:s18+$0xFFFFFF70] =	vst v16;
	v10 =	vbroadcast v3, $0x2;
	v29 =	vadd.f32 v29, v30;
	v23 =	vmul.f32 v46, v28  }
0x1a9: {  	[tilespmem:s18+$0xFFFFFDF0] =	vst v20;
	v20 =	vld [tilespmem:s10+$0xFFFFFF80];
	v59 =	vmul.f32 $2.000000030e-01, v12;
	vm13 =	vgt.f32 v12, $0.0e+00;
	v22 =	vmul.f32 $2.000000030e-01, v27  }
0x1aa: {  	vm5 =	vgt.f32 v27, $0.0e+00;
	v15 =	vadd.f32 v15, v18;
	v61 =	vmul.f32 $2.000000030e-01, v29  }
0x1ab: {  	s5 =	simm.s32 $0x9FB0;
	s0 =	simm.s32 $0xCF30;
	v18 =	vmul.f32 $2.000000030e-01, v24;
	v30 =	vsel vm13, v12, v59;
	v26 =	vadd.f32 v51, v26;
	v12 =	vpop (erf)  }
0x1ac: {  	v48 =	vld [tilespmem:s5+$0x0];
	vm14 =	vgt.f32 v24, $0.0e+00;
	v17 =	vmul.f32 v50, v17;
	v15 =	vadd.f32 v31, v15;
	[tilespmem:s0+$0x0] =	vst v12  }
0x1ad: {  	v30 =	vmul.f32 $1.442695020e+00, v30;
	v18 =	vsel vm14, v24, v18;
	v21 =	vadd.f32 v21, v26;
	v24 =	vld [tilespmem:s19+$0xFFFFFFC0]  }
0x1ae: {  	v60 =	vld.msk [tilespmem:s13+$0x0 ss:$0x0], $0xffff;
	v22 =	vsel vm5, v27, v22;
	[tilespmem:s18+$0xFFFFFEE0] =	vst v17;
	v17 =	vmul.f32 v53, v20;
	v31 =	vmul.f32 $2.000000030e-01, v15  }
0x1af: {  	vm4 =	vgt.f32 v15, $0.0e+00;
	(erf) = vpow2.f32 v30;
	v51 =	vld.msk [tilespmem:s13+$0xFFFFFFFF ss:$0x0], $0xffff;
	v27 =	vmul.f32 $2.000000030e-01, v21  }
0x1b0: {  	v15 =	vsel vm4, v15, v31;
	v31 =	vld [tilespmem:s10+$0xFFFFFE40];
	v26 =	vbroadcast v12, $0x0;
	vm6 =	vgt.f32 v21, $0.0e+00  }
0x1b1: {  	v25 =	vld [tilespmem:s10+$0xFFFFFDB0];
	vm15 =	vgt.f32 v29, $0.0e+00;
	v14 =	vmul.f32 $1.442695020e+00, v22;
	[tilespmem:s18+$0xFFFFFF80] =	vst v17;
	v21 =	vsel vm6, v21, v27  }
0x1b2: {  	v29 =	vsel vm15, v29, v61;
	v41 =	vld [tilespmem:s10+$0xFFFFFF90];
	v21 =	vmul.f32 $1.442695020e+00, v21;
	v24 =	vmul.f32 v26, v24  }
0x1b3: {  	v58 =	vld.msk [tilespmem:s13+$0xFFFFFFFD ss:$0x0], $0xffff;
	v29 =	vmul.f32 $1.442695020e+00, v29;
	v18 =	vmul.f32 $1.442695020e+00, v18  }
0x1b4: {  	v16 =	vld [tilespmem:s10+$0xFFFFFF30];
	v15 =	vmul.f32 $1.442695020e+00, v15;
	(erf) = vpow2.f32 v21;
	[tilespmem:s0+$0xFFFFFFC0] =	vst v24  }
0x1b5: {  	[tilespmem:s18+$0xFFFFFE90] =	vst v23;
	v51 =	vmul.f32 v51, v1;
	v19 =	vmul.f32 v19, v31;
	v22 =	vld [tilespmem:s19+$0xFFFFFFD0]  }
0x1b6: {  	v33 =	vadd.f32 v35, v33;
	v32 =	vld [tilespmem:s10+$0xFFFFFEA0];
	v31 =	vmul.f32 v9, v25;
	(erf) = vpow2.f32 v18  }
0x1b7: {  	v35 =	vld [tilespmem:s10+$0xFFFFFEF0];
	v37 =	vmul.f32 v37, v41;
	(erf) = vpow2.f32 v29  }
0x1b8: {  	s21 =	simm.s32 $0x7BB0;
	v61 =	vld.msk [tilespmem:s13+$0xFFFFFFFA ss:$0x0], $0xffff;
	v21 =	vbroadcast v12, $0x1;
	v38 =	vpop (erf);
	v26 =	vmul.f32 $2.000000030e-01, v33  }
0x1b9: {  	vm7 =	vgt.f32 v33, $0.0e+00;
	v59 =	vld [tilespmem:s21+$0xFFFFFFA0];
	v30 =	vbroadcast v38, $0x2;
	(erf) = vpow2.f32 v15  }
0x1ba: {  	[tilespmem:s18+$0xFFFFFE40] =	vst v19;
	v18 =	vld [tilespmem:s10+$0xFFFFFE00];
	v24 =	vsel vm7, v33, v26;
	v33 =	vbroadcast v4, $0x2;
	v19 =	vmul.f32 v21, v22  }
0x1bb: {  	v15 =	vld [tilespmem:s10+$0xFFFFFE50];
	v24 =	vmul.f32 $1.442695020e+00, v24;
	(erf) = vpow2.f32 v14  }
0x1bc: {  	v32 =	vmul.f32 v33, v32;
	v33 =	vmul.f32 v34, v35;
	v34 =	vld [tilespmem:s5+$0xFFFFFE70];
	[tilespmem:s0+$0xFFFFFFD0] =	vst v19  }
0x1bd: {  	v14 =	vmul.f32 v52, v16;
	v35 =	vmul.f32 v61, v1;
	v40 =	vpop (erf);
	v16 =	vld [tilespmem:s19+$0xFFFFFFE0]  }
0x1be: {  	v61 =	vld [tilespmem:s5+$0xFFFFFDD0];
	(erf) = vpow2.f32 v24;
	v24 =	vbroadcast v2, $0x3;
	[tilespmem:s0+$0xFFFFFDD0] =	vst v40  }
0x1bf: {  	[tilespmem:s0+$0xFFFFFE20] =	vst v38;
	v2 =	vbroadcast v8, $0x3;
	v8 =	vbroadcast v38, $0x0;
	v42 =	vpop (erf);
	v17 =	vld [tilespmem:s19+$0xFFFFFD90]  }
0x1c0: {  	[tilespmem:s18+$0xFFFFFF30] =	vst v14;
	v14 =	vld [tilespmem:s19+$0xFFFFFDE0];
	v19 =	vbroadcast v6, $0x3;
	v6 =	vbroadcast v12, $0x2;
	v43 =	vpop (erf)  }
0x1c1: {  	v18 =	vmul.f32 v13, v18;
	v39 =	vld [tilespmem:s10+$0xFFFFFF40];
	v21 =	vmul.f32 v10, v15;
	[tilespmem:s0+$0xFFFFFEC0] =	vst v43  }
0x1c2: {  	v13 =	vbroadcast v40, $0x0;
	[tilespmem:s0+$0xFFFFFE70] =	vst v42;
	v27 =	vld [tilespmem:s19+$0xFFFFFE80];
	v16 =	vmul.f32 v6, v16  }
0x1c3: {  	v6 =	vbroadcast v5, $0x3;
	v5 =	vbroadcast v7, $0x3;
	v7 =	vld [tilespmem:s19+$0xFFFFFE30]  }
0x1c4: {  	v20 =	vbroadcast v40, $0x1;
	v44 =	vpop (erf);
	v52 =	vmul.f32 v13, v17;
	v13 =	vld [tilespmem:s21+$0x0];
	[tilespmem:s0+$0xFFFFFFE0] =	vst v16  }
0x1c5: {  	v28 =	vbroadcast v40, $0x2;
	v8 =	vmul.f32 v8, v14;
	[tilespmem:s0+$0xFFFFFF10] =	vst v44;
	v9 =	vld [tilespmem:s19+$0xFFFFFFF0]  }
0x1c6: {  	v15 =	vbroadcast v42, $0x0;
	v23 =	vbroadcast v42, $0x1;
	v45 =	vpop (erf);
	v10 =	vld [tilespmem:s19+$0xFFFFFED0]  }
0x1c7: {  	v25 =	vbroadcast v43, $0x0;
	v36 =	vmul.f32 v36, v39;
	v39 =	vld [tilespmem:s5+$0xFFFFFEC0];
	[tilespmem:s0+$0xFFFFFDE0] =	vst v8;
	v46 =	vpop (erf)  }
0x1c8: {  	v47 =	vld [tilespmem:s19+$0xFFFFFDF0];
	[tilespmem:s0+$0xFFFFFFB0] =	vst v46;
	v53 =	vmul.f32 v15, v7;
	v7 =	vbroadcast v12, $0x3  }
0x1c9: {  	v29 =	vbroadcast v44, $0x0;
	[tilespmem:s0+$0xFFFFFF60] =	vst v45;
	v8 =	vld [tilespmem:s19+$0xFFFFFF70];
	v54 =	vmul.f32 v25, v27  }
0x1ca: {  	v14 =	vld [tilespmem:s19+$0xFFFFFF20];
	v56 =	vmul.f32 v7, v9;
	v7 =	vadd.f32 v13, v48;
	v13 =	vmul.f32 v60, v1  }
0x1cb: {  	v22 =	vbroadcast v43, $0x1;
	[tilespmem:s0+$0xFFFFFD90] =	vst v52;
	v57 =	vmul.f32 v29, v10;
	v10 =	vld.msk [tilespmem:s13+$0xFFFFFFFC ss:$0x0], $0xffff  }
0x1cc: {  	v26 =	vbroadcast v44, $0x1;
	v63 =	vbroadcast v46, $0x0;
	[tilespmem:s0+$0xFFFFFE80] =	vst v54;
	v54 =	vld [tilespmem:s19+$0xFFFFFDA0];
	v7 =	vadd.f32 v13, v7  }
0x1cd: {  	v62 =	vbroadcast v45, $0x0;
	v16 =	vbroadcast v38, $0x1;
	v12 =	vld.msk [tilespmem:s13+$0xFFFFFFF9 ss:$0x0], $0xffff  }
0x1ce: {  	v50 =	vmul.f32 v63, v8;
	v8 =	vld [tilespmem:s5+$0xFFFFFE20];
	v13 =	vmul.f32 $2.000000030e-01, v7  }
0x1cf: {  	[tilespmem:s18+$0xFFFFFFF0] =	vst v11;
	v11 =	vbroadcast v45, $0x3;
	v17 =	vbroadcast v46, $0x2;
	v63 =	vld [tilespmem:s21+$0xFFFFFFD0];
	vm8 =	vgt.f32 v7, $0.0e+00  }
0x1d0: {  	v27 =	vbroadcast v45, $0x1;
	v47 =	vmul.f32 v16, v47;
	[tilespmem:s0+$0xFFFFFE30] =	vst v53;
	v53 =	vld [tilespmem:s19+$0xFFFFFE90];
	v7 =	vsel vm8, v7, v13  }
0x1d1: {  	[tilespmem:s0+$0xFFFFFF70] =	vst v50;
	v9 =	vld.msk [tilespmem:s13+$0xFFFFFFFB ss:$0x0], $0xffff;
	v48 =	vmul.f32 v62, v14;
	v62 =	vmul.f32 $1.442695020e+00, v7  }
0x1d2: {  	v25 =	vbroadcast v46, $0x1;
	v29 =	vbroadcast v42, $0x2;
	[tilespmem:s0+$0xFFFFFDF0] =	vst v47;
	v47 =	vld [tilespmem:s19+$0xFFFFFF80]  }
0x1d3: {  	v41 =	vmul.f32 v12, v1;
	v12 =	vld [tilespmem:s21+$0xFFFFFFC0];
	(erf) = vpow2.f32 v62  }
0x1d4: {  	v16 =	vbroadcast v44, $0x2;
	v15 =	vbroadcast v45, $0x2;
	v55 =	vadd.f32 v59, v8;
	v59 =	vld [tilespmem:s5+$0xFFFFFF10]  }
0x1d5: {  	v14 =	vbroadcast v43, $0x2;
	v60 =	vmul.f32 v10, v1;
	v13 =	vld [tilespmem:s21+$0xFFFFFFB0]  }
0x1d6: {  	v10 =	vbroadcast v43, $0x3;
	v43 =	vld [tilespmem:s5+$0xFFFFFF60];
	v20 =	vmul.f32 v20, v54  }
0x1d7: {  	v8 =	vbroadcast v38, $0x3;
	v35 =	vadd.f32 v35, v55;
	v7 =	vbroadcast v40, $0x3;
	v40 =	vld [tilespmem:s21+$0xFFFFFF90]  }
0x1d8: {  	v55 =	vmul.f32 v58, v1;
	v22 =	vmul.f32 v22, v53;
	v12 =	vadd.f32 v12, v39;
	v39 =	vld [tilespmem:s21+$0xFFFFFFE0]  }
0x1d9: {  	v38 =	vmul.f32 v9, v1;
	v9 =	vbroadcast v42, $0x3;
	v42 =	vadd.f32 v63, v59  }
0x1da: {  	[tilespmem:s18+$0xFFFFFDB0] =	vst v31;
	v25 =	vmul.f32 v25, v47;
	v58 =	vmul.f32 $2.000000030e-01, v35;
	v34 =	vadd.f32 v13, v34  }
0x1db: {  	[tilespmem:s18+$0xFFFFFE00] =	vst v18;
	vm9 =	vgt.f32 v35, $0.0e+00;
	v45 =	vadd.f32 v60, v12;
	v42 =	vadd.f32 v55, v42  }
0x1dc: {  	s12 =	simm.s32 $0xD1B0;
	[tilespmem:s18+$0xFFFFFF40] =	vst v36;
	v60 =	vld [tilespmem:s21+$0xFFFFFFF0];
	v40 =	vadd.f32 v40, v61;
	v34 =	vadd.f32 v38, v34;
	v38 =	vsel vm9, v35, v58;
	v35 =	vpop (erf)  }
0x1dd: {  	v12 =	vbroadcast v46, $0x3;
	v13 =	vbroadcast v44, $0x3;
	v44 =	vld [tilespmem:s5+$0xFFFFFFB0];
	v39 =	vadd.f32 v39, v43;
	[tilespmem:s12+$0x0] =	vst v35  }
0x1de: {  	[tilespmem:s0+$0xFFFFFED0] =	vst v57;
	v63 =	vmul.f32 $2.000000030e-01, v45;
	v57 =	vmul.f32 $2.000000030e-01, v42;
	v40 =	vadd.f32 v41, v40;
	v58 =	vld [tilespmem:s5+$0xFFFFFFC0]  }
0x1df: {  	v52 =	vld [tilespmem:s10+$0xFFFFFDC0];
	[tilespmem:s0+$0xFFFFFF20] =	vst v48;
	vm12 =	vgt.f32 v42, $0.0e+00;
	v38 =	vmul.f32 $1.442695020e+00, v38;
	v39 =	vadd.f32 v49, v39  }
0x1e0: {  	[tilespmem:s0+$0xFFFFFDA0] =	vst v20;
	v20 =	vld [tilespmem:s10+$0xFFFFFF50];
	v62 =	vmul.f32 $2.000000030e-01, v34;
	vm10 =	vgt.f32 v34, $0.0e+00;
	v18 =	vmul.f32 $2.000000030e-01, v40  }
0x1e1: {  	[tilespmem:s18+$0xFFFFFF90] =	vst v37;
	v50 =	vld [tilespmem:s19+$0xFFFFFF30];
	vm15 =	vgt.f32 v40, $0.0e+00;
	(erf) = vpow2.f32 v38;
	v61 =	vbroadcast v35, $0x0  }
0x1e2: {  	[tilespmem:s0+$0xFFFFFE90] =	vst v22;
	v22 =	vld [tilespmem:s10+$0xFFFFFFA0];
	v44 =	vadd.f32 v60, v44;
	v60 =	vsel vm12, v42, v57;
	v40 =	vsel vm15, v40, v18  }
0x1e3: {  	[tilespmem:s0+$0xFFFFFFF0] =	vst v56;
	v46 =	vld [tilespmem:s19+$0xFFFFFEE0];
	v34 =	vsel vm10, v34, v62;
	v56 =	vmul.f32 $1.442695020e+00, v40;
	v42 =	vmul.f32 v61, v58  }
0x1e4: {  	vm11 =	vgt.f32 v45, $0.0e+00;
	v41 =	vmul.f32 $1.442695020e+00, v60;
	v60 =	vld [tilespmem:s19+$0xFFFFFDB0];
	v34 =	vmul.f32 $1.442695020e+00, v34  }
0x1e5: {  	v43 =	vld [tilespmem:s19+$0xFFFFFE40];
	v59 =	vmul.f32 $2.000000030e-01, v39;
	v44 =	vadd.f32 v51, v44;
	(erf) = vpow2.f32 v56;
	[tilespmem:s12+$0xFFFFFFC0] =	vst v42  }
0x1e6: {  	v45 =	vsel vm11, v45, v63;
	vm13 =	vgt.f32 v39, $0.0e+00;
	(erf) = vpow2.f32 v34;
	v42 =	vld [tilespmem:s5+$0xFFFFFFD0]  }
0x1e7: {  	[tilespmem:s0+$0xFFFFFF80] =	vst v25;
	v63 =	vld [tilespmem:s19+$0xFFFFFE00];
	v45 =	vmul.f32 $1.442695020e+00, v45;
	v31 =	vsel vm13, v39, v59;
	v62 =	vmul.f32 $2.000000030e-01, v44  }
0x1e8: {  	v47 =	vld [tilespmem:s19+$0xFFFFFF90];
	v26 =	vmul.f32 v26, v46;
	v31 =	vmul.f32 $1.442695020e+00, v31;
	vm14 =	vgt.f32 v44, $0.0e+00  }
0x1e9: {  	[tilespmem:s18+$0xFFFFFE50] =	vst v21;
	v55 =	vld [tilespmem:s10+$0xFFFFFE10];
	v59 =	vbroadcast v35, $0x1;
	v21 =	vsel vm14, v44, v62;
	v46 =	vmul.f32 v28, v60  }
0x1ea: {  	[tilespmem:s18+$0xFFFFFEA0] =	vst v32;
	v18 =	vld [tilespmem:s10+$0xFFFFFE60];
	v57 =	vmul.f32 $1.442695020e+00, v21;
	(erf) = vpow2.f32 v45;
	v28 =	vpop (erf)  }
0x1eb: {  	v21 =	vld [tilespmem:s10+$0xFFFFFEB0];
	(erf) = vpow2.f32 v41;
	[tilespmem:s12+$0xFFFFFE20] =	vst v28;
	v61 =	vmul.f32 v59, v42  }
0x1ec: {  	[tilespmem:s0+$0xFFFFFEE0] =	vst v26;
	v41 =	vmul.f32 v30, v63;
	v58 =	vmul.f32 v23, v43;
	v63 =	vld [tilespmem:s5+$0xFFFFFDE0]  }
0x1ed: {  	v3 =	vbroadcast v3, $0x3;
	v45 =	vld [tilespmem:s19+$0xFFFFFEF0];
	(erf) = vpow2.f32 v31;
	[tilespmem:s12+$0xFFFFFFD0] =	vst v61  }
0x1ee: {  	v4 =	vbroadcast v4, $0x3;
	(erf) = vpow2.f32 v57;
	[tilespmem:s0+$0xFFFFFE40] =	vst v58;
	v34 =	vpop (erf);
	v31 =	vld [tilespmem:s5+$0xFFFFFFE0]  }
0x1ef: {  	v37 =	vmul.f32 v19, v52;
	v26 =	vbroadcast v28, $0x0;
	v62 =	vld [tilespmem:s19+$0xFFFFFE50];
	[tilespmem:s12+$0xFFFFFDD0] =	vst v34;
	v30 =	vpop (erf)  }
0x1f0: {  	v27 =	vmul.f32 v27, v50;
	v39 =	vmul.f32 v24, v55;
	v48 =	vld [tilespmem:s5+$0xFFFFFD90];
	[tilespmem:s12+$0xFFFFFE70] =	vst v30  }
0x1f1: {  	[tilespmem:s18+$0xFFFFFEF0] =	vst v33;
	v24 =	vbroadcast v35, $0x2;
	v63 =	vmul.f32 v26, v63;
	v60 =	vld [tilespmem:s5+$0xFFFFFE30]  }
0x1f2: {  	[tilespmem:s0+$0xFFFFFF30] =	vst v27;
	v55 =	vbroadcast v35, $0x3;
	v23 =	vld [tilespmem:s10+$0xFFFFFF00];
	v49 =	vbroadcast v28, $0x1  }
0x1f3: {  	v43 =	vld [tilespmem:s19+$0xFFFFFF40];
	v27 =	vbroadcast v34, $0x0;
	[tilespmem:s12+$0xFFFFFDE0] =	vst v63;
	v24 =	vmul.f32 v24, v31;
	v31 =	vpop (erf)  }
0x1f4: {  	v19 =	vbroadcast v34, $0x1;
	v53 =	vbroadcast v30, $0x0;
	v42 =	vld [tilespmem:s19+$0xFFFFFEA0];
	[tilespmem:s12+$0xFFFFFEC0] =	vst v31  }
0x1f5: {  	v25 =	vbroadcast v30, $0x1;
	v44 =	vmul.f32 v29, v62;
	v29 =	vpop (erf);
	v62 =	vld [tilespmem:s5+$0xFFFFFE80];
	[tilespmem:s12+$0xFFFFFFE0] =	vst v24  }
0x1f6: {  	v27 =	vmul.f32 v27, v48;
	v54 =	vmul.f32 v53, v60;
	v32 =	vpop (erf);
	[tilespmem:s12+$0xFFFFFF10] =	vst v29;
	v36 =	vld [tilespmem:s5+$0xFFFFFFF0]  }
0x1f7: {  	v61 =	vbroadcast v31, $0x0;
	v38 =	vbroadcast v29, $0x0;
	v33 =	vpop (erf);
	v40 =	vld [tilespmem:s5+$0xFFFFFED0];
	[tilespmem:s12+$0xFFFFFF60] =	vst v32  }
0x1f8: {  	v24 =	vbroadcast v31, $0x1;
	v26 =	vbroadcast v29, $0x1;
	v52 =	vld [tilespmem:s5+$0xFFFFFF20];
	[tilespmem:s12+$0xFFFFFFB0] =	vst v33  }
0x1f9: {  	[tilespmem:s12+$0xFFFFFD90] =	vst v27;
	v50 =	vbroadcast v32, $0x0;
	v27 =	vbroadcast v32, $0x1;
	v53 =	vld [tilespmem:s5+$0xFFFFFF70]  }
0x1fa: {  	s14 =	simm.s32 $0xA230;
	s10 =	simm.s32 $0x10;
	v48 =	vld [tilespmem:s5+$0xFFFFFDF0];
	v51 =	vbroadcast v33, $0x0;
	v56 =	vmul.f32 v61, v62  }
.LBB2_7:
0x1fb: {  	v57 =	vld [tilespmem:s14+$0x0];
	[tilespmem:s12+$0xFFFFFE30] =	vst v54;
	v35 =	vbroadcast v33, $0x1;
	v54 =	vmul.f32 v55, v36;
	s13 =	sadd.s32 $0x8, s13  }
0x1fc: {  	s10 =	sadd.s32 $0x8, s10;
	v36 =	vbroadcast v34, $0x2;
	s21 =	sadd.s32 $0x80, s21;
	v55 =	vld.msk [tilespmem:s13+$0x0 ss:$0x0], $0xffff;
	[tilespmem:s12+$0xFFFFFE80] =	vst v56;
	v56 =	vmul.f32 v38, v40  }
0x1fd: {  	p1 =	slt.u32 s10, $0x48;
	v40 =	vbroadcast v28, $0x2;
	v58 =	vld [tilespmem:s21+$0x0];
	v50 =	vmul.f32 v50, v52;
	[tilespmem:s12+$0xFFFFFFF0] =	vst v54  }
0x1fe: {  	v38 =	vbroadcast v30, $0x2;
	v52 =	vld.msk [tilespmem:s13+$0xFFFFFFF9 ss:$0x0], $0xffff;
	[tilespmem:s12+$0xFFFFFED0] =	vst v56;
	v51 =	vmul.f32 v51, v53  }
0x1ff: {  	v53 =	vld.msk [tilespmem:s13+$0xFFFFFFFA ss:$0x0], $0xffff;
	v48 =	vmul.f32 v49, v48;
	v49 =	vbroadcast v31, $0x2;
	[tilespmem:s12+$0xFFFFFF20] =	vst v50  }
0x200: {  	v54 =	vbroadcast v29, $0x2;
	v56 =	vbroadcast v32, $0x2;
	v50 =	vld.msk [tilespmem:s13+$0xFFFFFFFB ss:$0x0], $0xffff;
	[tilespmem:s12+$0xFFFFFF70] =	vst v51  }
0x201: {  	v42 =	vmul.f32 v14, v42;
	v51 =	vld.msk [tilespmem:s13+$0xFFFFFFFC ss:$0x0], $0xffff;
	[tilespmem:s12+$0xFFFFFDF0] =	vst v48;
	v48 =	vbroadcast v33, $0x2;
	v14 =	vmov v49  }
0x202: {  	v45 =	vmul.f32 v16, v45;
	v55 =	vmul.f32 v55, v1;
	v49 =	vld.msk [tilespmem:s13+$0xFFFFFFFD ss:$0x0], $0xffff;
	v57 =	vadd.f32 v58, v57;
	[tilespmem:s0+$0xFFFFFDB0] =	vst v46  }
0x203: {  	v47 =	vmul.f32 v17, v47;
	v16 =	vmovc v54;
	v46 =	vld.msk [tilespmem:s13+$0xFFFFFFFE ss:$0x0], $0xffff;
	[tilespmem:s0+$0xFFFFFE00] =	vst v41;
	v41 =	vmul.f32 v15, v43;
	v15 =	vmov v56  }
0x204: {  	v52 =	vmul.f32 v52, v1;
	v43 =	vbroadcast v34, $0x3;
	v17 =	vmovc v48;
	v54 =	vld.msk [tilespmem:s13+$0xFFFFFFFF ss:$0x0], $0xffff;
	v55 =	vadd.f32 v55, v57;
	[tilespmem:s0+$0xFFFFFE50] =	vst v44  }
0x205: {  	v34 =	vbroadcast v28, $0x3;
	v48 =	vmul.f32 v53, v1;
	v44 =	vld [tilespmem:s21+$0xFFFFFF90];
	[tilespmem:s0+$0xFFFFFEA0] =	vst v42  }
0x206: {  	v42 =	vmul.f32 v50, v1;
	v28 =	vld [tilespmem:s14+$0xFFFFFE20];
	v50 =	vmul.f32 $2.000000030e-01, v55;
	[tilespmem:s0+$0xFFFFFEF0] =	vst v45  }
0x207: {  	v30 =	vbroadcast v30, $0x3;
	v51 =	vmul.f32 v51, v1;
	vm0 =	vgt.f32 v55, $0.0e+00;
	v45 =	vld [tilespmem:s21+$0xFFFFFFA0];
	[tilespmem:s0+$0xFFFFFF40] =	vst v41  }
0x208: {  	v31 =	vbroadcast v31, $0x3;
	v49 =	vmul.f32 v49, v1;
	v41 =	vld [tilespmem:s14+$0xFFFFFE70];
	v50 =	vsel vm0, v55, v50;
	[tilespmem:s0+$0xFFFFFF90] =	vst v47  }
0x209: {  	v46 =	vmul.f32 v46, v1;
	v47 =	vld [tilespmem:s21+$0xFFFFFFB0];
	v50 =	vmul.f32 $1.442695020e+00, v50;
	[tilespmem:s18+$0xFFFFFDC0] =	vst v37  }
0x20a: {  	v29 =	vbroadcast v29, $0x3;
	v53 =	vmul.f32 v54, v1;
	v37 =	vld [tilespmem:s14+$0xFFFFFEC0];
	[tilespmem:s18+$0xFFFFFE10] =	vst v39  }
0x20b: {  	v32 =	vbroadcast v32, $0x3;
	v39 =	vld [tilespmem:s21+$0xFFFFFFC0];
	(erf) = vpow2.f32 v50  }
0x20c: {  	v18 =	vmul.f32 v3, v18;
	v3 =	vmovc v9;
	v9 =	vmovc v30;
	v33 =	vbroadcast v33, $0x3;
	v28 =	vadd.f32 v45, v28;
	v45 =	vld [tilespmem:s14+$0xFFFFFF10]  }
0x20d: {  	v21 =	vmul.f32 v4, v21;
	v23 =	vmul.f32 v6, v23;
	v4 =	vmovc v10;
	v6 =	vmovc v13;
	v10 =	vmov v31;
	v30 =	vld [tilespmem:s21+$0xFFFFFFD0]  }
0x20e: {  	v28 =	vadd.f32 v48, v28;
	v31 =	vadd.f32 v47, v41;
	v41 =	vld [tilespmem:s14+$0xFFFFFF60];
	[tilespmem:s18+$0xFFFFFE60] =	vst v18;
	v18 =	vmul.f32 v5, v20  }
0x20f: {  	v13 =	vmovc v29;
	v5 =	vmovc v11;
	v11 =	vmov v32;
	v20 =	vld [tilespmem:s21+$0xFFFFFFE0];
	[tilespmem:s18+$0xFFFFFEB0] =	vst v21;
	v21 =	vmul.f32 v2, v22;
	v2 =	vmov v12  }
0x210: {  	v12 =	vmovc v33;
	v22 =	vmul.f32 $2.000000030e-01, v28;
	v29 =	vadd.f32 v42, v31;
	v31 =	vadd.f32 v39, v37;
	v32 =	vld [tilespmem:s14+$0xFFFFFFB0];
	[tilespmem:s18+$0xFFFFFF00] =	vst v23  }
0x211: {  	vm0 =	vgt.f32 v28, $0.0e+00;
	v23 =	vld [tilespmem:s21+$0xFFFFFFF0];
	[tilespmem:s18+$0xFFFFFF50] =	vst v18  }
0x212: {  	v18 =	vld [tilespmem:s14+$0xFFFFFDD0];
	v33 =	vmul.f32 $2.000000030e-01, v29;
	v31 =	vadd.f32 v51, v31;
	v30 =	vadd.f32 v30, v45;
	[tilespmem:s18+$0xFFFFFFA0] =	vst v21;
	s18 =	smov.u32 s0;
	s0 =	smov.u32 s12  }
0x213: {  	v21 =	vsel vm0, v28, v22;
	vm0 =	vgt.f32 v29, $0.0e+00;
	v22 =	vld [tilespmem:s5+$0xFFFFFDA0]  }
0x214: {  	s12 =	sadd.s32 $0x280, s12;
	v28 =	vmul.f32 $2.000000030e-01, v31;
	v30 =	vadd.f32 v49, v30;
	v20 =	vadd.f32 v20, v41;
	v48 =	vpop (erf);
	v37 =	vld [tilespmem:s5+$0xFFFFFE40]  }
0x215: {  	v21 =	vmul.f32 $1.442695020e+00, v21;
	v29 =	vsel vm0, v29, v33;
	vm0 =	vgt.f32 v31, $0.0e+00;
	[tilespmem:s12+$0x0] =	vst v48;
	v33 =	vld [tilespmem:s5+$0xFFFFFE90]  }
0x216: {  	v39 =	vmul.f32 $2.000000030e-01, v30;
	v20 =	vadd.f32 v46, v20;
	v23 =	vadd.f32 v23, v32;
	v32 =	vld [tilespmem:s14+$0xFFFFFFC0]  }
0x217: {  	v28 =	vsel vm0, v31, v28;
	vm0 =	vgt.f32 v30, $0.0e+00;
	v18 =	vadd.f32 v44, v18;
	v31 =	vld [tilespmem:s5+$0xFFFFFEE0]  }
0x218: {  	vm1 =	vgt.f32 v20, $0.0e+00;
	v41 =	vmul.f32 $2.000000030e-01, v20;
	v23 =	vadd.f32 v53, v23;
	v44 =	vld [tilespmem:s5+$0xFFFFFF30]  }
0x219: {  	v30 =	vsel vm0, v30, v39;
	v39 =	vbroadcast v48, $0x0;
	v18 =	vadd.f32 v52, v18;
	v45 =	vld [tilespmem:s5+$0xFFFFFF80]  }
0x21a: {  	v20 =	vsel vm1, v20, v41;
	vm0 =	vgt.f32 v23, $0.0e+00;
	v41 =	vmul.f32 $2.000000030e-01, v23;
	v46 =	vld [tilespmem:s5+$0xFFFFFE00]  }
0x21b: {  	vm1 =	vgt.f32 v18, $0.0e+00;
	v42 =	vmul.f32 $2.000000030e-01, v18;
	v32 =	vmul.f32 v39, v32;
	v39 =	vld [tilespmem:s19+$0xFFFFFDC0]  }
0x21c: {  	v29 =	vmul.f32 $1.442695020e+00, v29;
	v28 =	vmul.f32 $1.442695020e+00, v28;
	v23 =	vsel vm0, v23, v41;
	v47 =	vld [tilespmem:s19+$0xFFFFFE10]  }
0x21d: {  	v30 =	vmul.f32 $1.442695020e+00, v30;
	v41 =	vsel vm1, v18, v42;
	v42 =	vmul.f32 $1.442695020e+00, v20;
	[tilespmem:s12+$0xFFFFFFC0] =	vst v32;
	v18 =	vld [tilespmem:s19+$0xFFFFFE60]  }
0x21e: {  	v32 =	vmul.f32 $1.442695020e+00, v23;
	v20 =	vmul.f32 $1.442695020e+00, v41;
	v41 =	vld [tilespmem:s14+$0xFFFFFFD0]  }
0x21f: {  	v19 =	vmul.f32 v19, v22;
	(erf) = vpow2.f32 v21;
	v21 =	vld [tilespmem:s19+$0xFFFFFEB0]  }
0x220: {  	v22 =	vmul.f32 v25, v37;
	(erf) = vpow2.f32 v20;
	v23 =	vld [tilespmem:s19+$0xFFFFFF00]  }
0x221: {  	v25 =	vbroadcast v48, $0x1;
	(erf) = vpow2.f32 v29;
	[tilespmem:s0+$0xFFFFFDA0] =	vst v19;
	v20 =	vld [tilespmem:s19+$0xFFFFFF50]  }
0x222: {  	(erf) = vpow2.f32 v28;
	v19 =	vld [tilespmem:s5+$0xFFFFFDB0];
	[tilespmem:s0+$0xFFFFFE40] =	vst v22;
	v22 =	vmul.f32 v24, v33  }
0x223: {  	v24 =	vmul.f32 v25, v41;
	(erf) = vpow2.f32 v30;
	v25 =	vld [tilespmem:s5+$0xFFFFFE50]  }
0x224: {  	v26 =	vmul.f32 v26, v31;
	(erf) = vpow2.f32 v42;
	[tilespmem:s0+$0xFFFFFE90] =	vst v22;
	v22 =	vld [tilespmem:s19+$0xFFFFFFA0];
	s19 =	smov.u32 s5;
	s5 =	smov.u32 s14  }
0x225: {  	[tilespmem:s12+$0xFFFFFFD0] =	vst v24;
	(erf) = vpow2.f32 v32;
	v42 =	vld [tilespmem:s19+$0xFFFFFEA0];
	v24 =	vmul.f32 v27, v44  }
0x226: {  	v41 =	vmul.f32 v40, v46;
	v27 =	vld [tilespmem:s14+$0xFFFFFFE0];
	[tilespmem:s0+$0xFFFFFEE0] =	vst v26;
	v26 =	vmul.f32 v35, v45  }
0x227: {  	v37 =	vmul.f32 v7, v39;
	v7 =	vmov v43;
	v46 =	vmul.f32 v36, v19;
	v45 =	vld [tilespmem:s19+$0xFFFFFEF0];
	[tilespmem:s0+$0xFFFFFF30] =	vst v24  }
0x228: {  	v39 =	vmul.f32 v8, v47;
	v8 =	vmov v34;
	v28 =	vpop (erf);
	v44 =	vmul.f32 v38, v25;
	v43 =	vld [tilespmem:s19+$0xFFFFFF40];
	[tilespmem:s0+$0xFFFFFF80] =	vst v26  }
0x229: {  	v24 =	vbroadcast v48, $0x2;
	[tilespmem:s12+$0xFFFFFE20] =	vst v28;
	v26 =	vbroadcast v28, $0x0;
	v34 =	vpop (erf);
	v47 =	vld [tilespmem:s19+$0xFFFFFF90]  }
0x22a: {  	[tilespmem:s12+$0xFFFFFDD0] =	vst v34;
	v35 =	vbroadcast v34, $0x0;
	v19 =	vbroadcast v34, $0x1;
	v40 =	vld [tilespmem:s14+$0xFFFFFDE0];
	v30 =	vpop (erf)  }
0x22b: {  	v52 =	vld [tilespmem:s14+$0xFFFFFD90];
	[tilespmem:s12+$0xFFFFFE70] =	vst v30;
	v53 =	vbroadcast v30, $0x0;
	v24 =	vmul.f32 v24, v27;
	v31 =	vpop (erf)  }
0x22c: {  	v49 =	vbroadcast v28, $0x1;
	v27 =	vld [tilespmem:s14+$0xFFFFFE30];
	[tilespmem:s12+$0xFFFFFEC0] =	vst v31;
	v56 =	vbroadcast v31, $0x0;
	v29 =	vpop (erf)  }
0x22d: {  	v25 =	vbroadcast v30, $0x1;
	v57 =	vld [tilespmem:s14+$0xFFFFFE80];
	v38 =	vbroadcast v29, $0x0;
	[tilespmem:s12+$0xFFFFFFE0] =	vst v24;
	v32 =	vpop (erf)  }
.Ltmp2:
0x22e: {  	v24 =	vbroadcast v31, $0x1;
	[tilespmem:s12+$0xFFFFFF10] =	vst v29;
	v50 =	vbroadcast v32, $0x0;
	v36 =	vld [tilespmem:s14+$0xFFFFFFF0];
	v33 =	vpop (erf);
	(pc) =	sbr.rel @p1 .LBB2_7-.Ltmp2, $4  }
0x22f: {  	v54 =	vmul.f32 v26, v40;
	v40 =	vld [tilespmem:s14+$0xFFFFFED0];
	[tilespmem:s12+$0xFFFFFF60] =	vst v32;
	v51 =	vbroadcast v33, $0x0  }
0x230: {  	v26 =	vbroadcast v29, $0x1;
	v35 =	vmul.f32 v35, v52;
	v52 =	vld [tilespmem:s14+$0xFFFFFF20];
	[tilespmem:s12+$0xFFFFFFB0] =	vst v33  }
0x231: {  	v55 =	vbroadcast v48, $0x3;
	[tilespmem:s12+$0xFFFFFDE0] =	vst v54;
	v54 =	vmul.f32 v53, v27;
	v53 =	vld [tilespmem:s14+$0xFFFFFF70]  }
0x232: {  	v27 =	vbroadcast v32, $0x1;
	s14 =	sadd.s32 $0x280, s14;
	[tilespmem:s12+$0xFFFFFD90] =	vst v35;
	v48 =	vld [tilespmem:s5+$0xFFFFFDF0];
	v56 =	vmul.f32 v56, v57  }
0x233: {  	[tilespmem:s12+$0xFFFFFE30] =	vst v54  }
0x234: {  	[tilespmem:s0+$0xFFFFFDB0] =	vst v46  }
0x235: {  	[tilespmem:s0+$0xFFFFFE00] =	vst v41  }
0x236: {  	[tilespmem:s0+$0xFFFFFE50] =	vst v44  }
0x237: {  	[tilespmem:s18+$0xFFFFFDC0] =	vst v37  }
0x238: {  	v35 =	vmul.f32 v55, v36;
	[tilespmem:s18+$0xFFFFFE10] =	vst v39  }
0x239: {  	v14 =	vmul.f32 v14, v42;
	[tilespmem:s12+$0xFFFFFE80] =	vst v56  }
0x23a: {  	v16 =	vmul.f32 v16, v45;
	[tilespmem:s12+$0xFFFFFFF0] =	vst v35  }
0x23b: {  	v15 =	vmul.f32 v15, v43;
	[tilespmem:s0+$0xFFFFFEA0] =	vst v14  }
0x23c: {  	v59 =	vmul.f32 v17, v47;
	[tilespmem:s0+$0xFFFFFEF0] =	vst v16  }
0x23d: {  	v3 =	vmul.f32 v3, v18;
	[tilespmem:s0+$0xFFFFFF40] =	vst v15  }
0x23e: {  	v4 =	vmul.f32 v4, v21;
	[tilespmem:s0+$0xFFFFFF90] =	vst v59  }
0x23f: {  	v6 =	vmul.f32 v6, v23;
	[tilespmem:s18+$0xFFFFFE60] =	vst v3  }
0x240: {  	v5 =	vmul.f32 v5, v20;
	[tilespmem:s18+$0xFFFFFEB0] =	vst v4  }
0x241: {  	v60 =	vld [tilespmem:s5+$0xFFFFFDA0];
	v2 =	vmul.f32 v2, v22;
	[tilespmem:s18+$0xFFFFFF00] =	vst v6  }
0x242: {  	v55 =	vmul.f32 v38, v40;
	v61 =	vld [tilespmem:s5+$0xFFFFFE40];
	[tilespmem:s18+$0xFFFFFF50] =	vst v5  }
0x243: {  	v44 =	vld [tilespmem:s19+$0xFFFFFDC0];
	v56 =	vmul.f32 v50, v52;
	[tilespmem:s18+$0xFFFFFFA0] =	vst v2  }
0x244: {  	v62 =	vld [tilespmem:s5+$0xFFFFFE90];
	[tilespmem:s12+$0xFFFFFED0] =	vst v55;
	v57 =	vmul.f32 v51, v53  }
0x245: {  	v46 =	vld [tilespmem:s19+$0xFFFFFE10];
	v58 =	vmul.f32 v49, v48;
	[tilespmem:s12+$0xFFFFFF20] =	vst v56  }
0x246: {  	v3 =	vld [tilespmem:s5+$0xFFFFFEE0];
	[tilespmem:s12+$0xFFFFFF70] =	vst v57;
	v15 =	vmul.f32 v19, v60  }
0x247: {  	v49 =	vld [tilespmem:s19+$0xFFFFFF50];
	[tilespmem:s12+$0xFFFFFDF0] =	vst v58;
	v14 =	vmul.f32 v25, v61  }
0x248: {  	v21 =	vld [tilespmem:s5+$0xFFFFFF80];
	v7 =	vmul.f32 v7, v44;
	[tilespmem:s12+$0xFFFFFDA0] =	vst v15  }
0x249: {  	v63 =	vld [tilespmem:s5+$0xFFFFFF30];
	v24 =	vmul.f32 v24, v62;
	[tilespmem:s12+$0xFFFFFE40] =	vst v14  }
0x24a: {  	v8 =	vmul.f32 v8, v46;
	v35 =	vld [tilespmem:s5+$0xFFFFFE00];
	[tilespmem:s0+$0xFFFFFDC0] =	vst v7  }
0x24b: {  	v25 =	vbroadcast v33, $0x1;
	v3 =	vmul.f32 v26, v3;
	v14 =	vld [tilespmem:s5+$0xFFFFFE50];
	[tilespmem:s12+$0xFFFFFE90] =	vst v24  }
0x24c: {  	[tilespmem:s0+$0xFFFFFE10] =	vst v8;
	v6 =	vmul.f32 v11, v49;
	v37 =	vld [tilespmem:s5+$0xFFFFFEA0]  }
0x24d: {  	v38 =	vbroadcast v28, $0x2;
	v23 =	vld [tilespmem:s5+$0xFFFFFDB0];
	[tilespmem:s12+$0xFFFFFEE0] =	vst v3;
	v3 =	vmul.f32 v25, v21  }
0x24e: {  	v40 =	vbroadcast v30, $0x2;
	v48 =	vld [tilespmem:s19+$0xFFFFFEB0];
	v4 =	vmul.f32 v27, v63;
	[tilespmem:s0+$0xFFFFFF50] =	vst v6  }
0x24f: {  	v39 =	vld [tilespmem:s5+$0xFFFFFEF0];
	v2 =	vmul.f32 v38, v35;
	[tilespmem:s12+$0xFFFFFF80] =	vst v3;
	v3 =	vbroadcast v31, $0x2  }
0x250: {  	v36 =	vbroadcast v34, $0x2;
	[tilespmem:s12+$0xFFFFFF30] =	vst v4;
	v42 =	vld [tilespmem:s5+$0xFFFFFF90];
	v4 =	vmul.f32 v40, v14  }
0x251: {  	v41 =	vld [tilespmem:s5+$0xFFFFFF40];
	[tilespmem:s12+$0xFFFFFE00] =	vst v2;
	v3 =	vmul.f32 v3, v37  }
0x252: {  	v43 =	vbroadcast v29, $0x2;
	v47 =	vld [tilespmem:s19+$0xFFFFFE60];
	v5 =	vmul.f32 v36, v23;
	[tilespmem:s12+$0xFFFFFE50] =	vst v4  }
0x253: {  	v2 =	vbroadcast v33, $0x2;
	v4 =	vmul.f32 v10, v48;
	[tilespmem:s12+$0xFFFFFEA0] =	vst v3;
	v3 =	vld [tilespmem:s19+$0xFFFFFF00]  }
0x254: {  	v45 =	vbroadcast v32, $0x2;
	v50 =	vld [tilespmem:s19+$0xFFFFFFA0];
	[tilespmem:s12+$0xFFFFFDB0] =	vst v5;
	v16 =	vmul.f32 v43, v39  }
0x255: {  	v52 =	vld [tilespmem:s5+$0xFFFFFE10];
	[tilespmem:s0+$0xFFFFFEB0] =	vst v4;
	v2 =	vmul.f32 v2, v42  }
0x256: {  	v51 =	vld [tilespmem:s5+$0xFFFFFDC0];
	v5 =	vmul.f32 v45, v41;
	[tilespmem:s12+$0xFFFFFEF0] =	vst v16  }
0x257: {  	v54 =	vld [tilespmem:s5+$0xFFFFFEB0];
	[tilespmem:s12+$0xFFFFFF90] =	vst v2;
	v2 =	vmul.f32 v9, v47  }
0x258: {  	v55 =	vbroadcast v28, $0x3;
	[tilespmem:s12+$0xFFFFFF40] =	vst v5;
	v3 =	vmul.f32 v13, v3;
	v59 =	vld [tilespmem:s5+$0xFFFFFFA0]  }
0x259: {  	v53 =	vbroadcast v34, $0x3;
	v5 =	vmul.f32 v12, v50;
	[tilespmem:s0+$0xFFFFFE60] =	vst v2;
	v2 =	vld [tilespmem:s5+$0xFFFFFE60]  }
0x25a: {  	v58 =	vbroadcast v31, $0x3;
	v8 =	vmul.f32 v55, v52;
	[tilespmem:s0+$0xFFFFFF00] =	vst v3;
	v3 =	vld [tilespmem:s5+$0xFFFFFF00]  }
0x25b: {  	v62 =	vbroadcast v33, $0x3;
	v57 =	vld [tilespmem:s5+$0xFFFFFF50];
	v7 =	vmul.f32 v53, v51;
	[tilespmem:s0+$0xFFFFFFA0] =	vst v5  }
0x25c: {  	v56 =	vbroadcast v30, $0x3;
	[tilespmem:s12+$0xFFFFFE10] =	vst v8;
	v4 =	vmul.f32 v58, v54  }
0x25d: {  	s15 =	sadd.s32 $0x1, s15;
	v60 =	vbroadcast v29, $0x3;
	[tilespmem:s12+$0xFFFFFDC0] =	vst v7;
	v63 =	vmul.f32 v62, v59  }
0x25e: {  	p1 =	sne.s32 s15, $0x3E;
	v61 =	vbroadcast v32, $0x3;
	[tilespmem:s12+$0xFFFFFEB0] =	vst v4;
	v2 =	vmul.f32 v56, v2  }
.Ltmp3:
0x25f: {  	v3 =	vmul.f32 v60, v3;
	[tilespmem:s12+$0xFFFFFFA0] =	vst v63;
	(pc) =	sbr.rel @p1 .LBB2_4-.Ltmp3, $4  }
0x260: {  	[tilespmem:s12+$0xFFFFFE60] =	vst v2;
	v2 =	vmul.f32 v61, v57  }
0x261: {  	[tilespmem:s12+$0xFFFFFF00] =	vst v3  }
0x262: {  	s16 =	sadd.s32 $0xA0, s16;
	s17 =	sadd.s32 $0xA0, s17;
	[tilespmem:s12+$0xFFFFFF50] =	vst v2  }
0x263: {  	[spmem:s4] =	stream.indirect.scatter.add.f32 [tilespmem:s23], [sflag:$0x4], $0x50, s8, s25, $0xb8;
	[tilespmem:$0x1E7A0] =	vst v63  }
0x264: {  	s19 =	simm.s32 $0x7F40;
	s0 =	simm.s32 $0x26C0  }
0x265: {  	[tilespmem:s19], [sflag:$0x1] =	stream.indirect.gather [hbm4b:s1+s25], $0x50, s0, s25, $0xb8;
	[tilespmem:$0x1E7A0] =	vst v63  }
0x266: {  	s21 =	simm.s32 $0x7540;
	s16 =	simm.s32 $0x4DD0  }
0x267: {  	[tilespmem:s21], [sflag:$0x1] =	stream.indirect.gather [hbm4b:s2+s25], $0x10, s16, s25, $0xb8;
	[tilespmem:$0x1E7A0] =	vst v63  }
0x268: {  	_ =	swait.ge [sflag:s7], $0x1900  }
0x269: {  	[sflag:s7] =	ssyncset.done $0x0  }
0x26a: {  	[sflag:s7] =	ssyncadd.s32 $0xFFFFE700  }
0x26b: {  	_ =	swait.ge [sflag:s31], $0x1900  }
0x26c: {  	[sflag:s31] =	ssyncset.done $0x0  }
0x26d: {  	[sflag:s31] =	ssyncadd.s32 $0xFFFFE700  }
0x26e: {  	_ =	swait.ge [sflag:s31], $0x500  }
0x26f: {  	[sflag:s31] =	ssyncset.done $0x0  }
0x270: {  	s10 =	simm.s32 $0x8080;
	[sflag:s31] =	ssyncadd.s32 $0xFFFFFB00  }
0x271: {  	s17 =	simm.s32 $0x74E7;
	v2 =	vld [tilespmem:s10+$0x130]  }
0x272: {  	s5 =	simm.s32 $0x7580;
	v3 =	vld.msk [tilespmem:s17+$0x0 ss:$0x0], $0xffff  }
0x273: {  	v4 =	vld [tilespmem:s5+$0x30];
	_ =	sdelay $0x2  }
0x274: {  	v5 =	vld.msk [tilespmem:s17+$0xFFFFFFF9 ss:$0x0], $0xffff  }
0x275: {  	v6 =	vld.msk [tilespmem:s17+$0xFFFFFFFA ss:$0x0], $0xffff  }
0x276: {  	v7 =	vld.msk [tilespmem:s17+$0xFFFFFFFC ss:$0x0], $0xffff;
	v2 =	vadd.f32 v4, v2;
	v3 =	vmul.f32 v3, v1  }
0x277: {  	v8 =	vld.msk [tilespmem:s17+$0xFFFFFFFE ss:$0x0], $0xffff  }
0x278: {  	v10 =	vld.msk [tilespmem:s17+$0xFFFFFFFF ss:$0x0], $0xffff;
	v2 =	vadd.f32 v3, v2  }
0x279: {  	v11 =	vld [tilespmem:s5+$0xFFFFFFC0]  }
0x27a: {  	v12 =	vld [tilespmem:s5+$0xFFFFFFD0];
	v9 =	vmul.f32 $2.000000030e-01, v2  }
0x27b: {  	v13 =	vld [tilespmem:s10+$0xFFFFFFA0];
	vm0 =	vgt.f32 v2, $0.0e+00  }
0x27c: {  	v14 =	vld [tilespmem:s10+$0xFFFFFFF0];
	v2 =	vsel vm0, v2, v9  }
0x27d: {  	v4 =	vld.msk [tilespmem:s17+$0xFFFFFFFB ss:$0x0], $0xffff;
	v2 =	vmul.f32 $1.442695020e+00, v2  }
0x27e: {  	v9 =	vld [tilespmem:s10+$0xFFFFFF50]  }
0x27f: {  	(erf) = vpow2.f32 v2;
	v2 =	vld [tilespmem:s5+$0xFFFFFFE0]  }
0x280: {  	v15 =	vld [tilespmem:s5+$0xFFFFFFF0]  }
0x281: {  	v16 =	vld [tilespmem:s10+$0x40]  }
0x282: {  	v17 =	vld [tilespmem:s5+$0x0]  }
0x283: {  	v6 =	vmul.f32 v6, v1;
	v3 =	vld.msk [tilespmem:s17+$0xFFFFFFFD ss:$0x0], $0xffff;
	v9 =	vadd.f32 v12, v9  }
0x284: {  	v4 =	vmul.f32 v4, v1;
	v2 =	vadd.f32 v2, v13;
	v13 =	vld [tilespmem:s10+$0xFFFFFF00]  }
0x285: {  	v12 =	vld [tilespmem:s10+$0x90];
	v6 =	vadd.f32 v6, v9  }
0x286: {  	v7 =	vmul.f32 v7, v1;
	v9 =	vld [tilespmem:s5+$0x10];
	v2 =	vadd.f32 v4, v2;
	v4 =	vadd.f32 v15, v14  }
0x287: {  	v5 =	vmul.f32 v5, v1  }
0x288: {  	v3 =	vmul.f32 v3, v1;
	v4 =	vadd.f32 v7, v4;
	v7 =	vadd.f32 v17, v16  }
0x289: {  	s8 =	simm.s32 $0xB280;
	v8 =	vmul.f32 v8, v1;
	v18 =	vmul.f32 $2.000000030e-01, v6;
	v15 =	vpop (erf);
	v11 =	vadd.f32 v11, v13  }
0x28a: {  	v10 =	vmul.f32 v10, v1;
	vm6 =	vgt.f32 v6, $0.0e+00;
	[tilespmem:s8+$0x130] =	vst v15;
	v3 =	vadd.f32 v3, v7  }
0x28b: {  	v6 =	vsel vm6, v6, v18;
	v16 =	vld [tilespmem:s10+$0xF0];
	v7 =	vadd.f32 v9, v12;
	v5 =	vadd.f32 v5, v11  }
0x28c: {  	v19 =	vld [tilespmem:s5+$0x20];
	v20 =	vmul.f32 $2.000000030e-01, v2;
	v6 =	vmul.f32 $1.442695020e+00, v6  }
0x28d: {  	v14 =	vld [tilespmem:s10+$0xE0];
	vm7 =	vgt.f32 v2, $0.0e+00;
	v7 =	vadd.f32 v8, v7;
	v8 =	vmul.f32 $2.000000030e-01, v5  }
0x28e: {  	s18 =	simm.s32 $0x74EF;
	v9 =	vbroadcast v15, $0x0;
	(erf) = vpow2.f32 v6;
	vm1 =	vgt.f32 v5, $0.0e+00  }
0x28f: {  	v21 =	vld.msk [tilespmem:s18+$0xFFFFFFF9 ss:$0x0], $0xffff;
	v13 =	vmul.f32 $2.000000030e-01, v4;
	v12 =	vmul.f32 $2.000000030e-01, v3;
	v5 =	vsel vm1, v5, v8  }
0x290: {  	v24 =	vld.msk [tilespmem:s18+$0xFFFFFFFA ss:$0x0], $0xffff;
	v2 =	vsel vm7, v2, v20;
	v9 =	vmul.f32 v9, v16;
	v5 =	vmul.f32 $1.442695020e+00, v5  }
0x291: {  	v27 =	vld.msk [tilespmem:s18+$0xFFFFFFFB ss:$0x0], $0xffff;
	vm8 =	vgt.f32 v4, $0.0e+00;
	v2 =	vmul.f32 $1.442695020e+00, v2;
	vm9 =	vgt.f32 v3, $0.0e+00  }
0x292: {  	v29 =	vld.msk [tilespmem:s18+$0xFFFFFFFC ss:$0x0], $0xffff;
	v11 =	vadd.f32 v19, v14;
	v3 =	vsel vm9, v3, v12;
	[tilespmem:s8+$0xF0] =	vst v9;
	(erf) = vpow2.f32 v5  }
0x293: {  	v4 =	vsel vm8, v4, v13;
	v9 =	vld [tilespmem:s10+$0x100];
	(erf) = vpow2.f32 v2;
	v2 =	vmul.f32 $1.442695020e+00, v3  }
0x294: {  	v31 =	vld.msk [tilespmem:s18+$0xFFFFFFFD ss:$0x0], $0xffff;
	v4 =	vmul.f32 $1.442695020e+00, v4  }
0x295: {  	v34 =	vld.msk [tilespmem:s18+$0xFFFFFFFE ss:$0x0], $0xffff;
	v10 =	vadd.f32 v10, v11;
	v11 =	vmul.f32 $2.000000030e-01, v7  }
0x296: {  	s15 =	simm.s32 $0x8300;
	v35 =	vld.msk [tilespmem:s18+$0xFFFFFFFF ss:$0x0], $0xffff;
	v6 =	vbroadcast v15, $0x1;
	vm10 =	vgt.f32 v7, $0.0e+00;
	(erf) = vpow2.f32 v4  }
0x297: {  	s24 =	simm.s32 $0x7600;
	v40 =	vld [tilespmem:s15+$0xFFFFFFA0];
	v8 =	vmul.f32 $2.000000030e-01, v10;
	v5 =	vsel vm10, v7, v11;
	(erf) = vpow2.f32 v2;
	v2 =	vpop (erf)  }
0x298: {  	v41 =	vld [tilespmem:s24+$0xFFFFFFE0];
	vm11 =	vgt.f32 v10, $0.0e+00;
	v4 =	vmul.f32 $1.442695020e+00, v5;
	v5 =	vmul.f32 v6, v9;
	[tilespmem:s8+$0xFFFFFF50] =	vst v2  }
0x299: {  	v3 =	vsel vm11, v10, v8;
	v9 =	vld [tilespmem:s10+$0xFFFFFF10]  }
0x29a: {  	v57 =	vld [tilespmem:s24+$0xFFFFFFF0];
	v3 =	vmul.f32 $1.442695020e+00, v3;
	[tilespmem:s8+$0x100] =	vst v5  }
0x29b: {  	(erf) = vpow2.f32 v4;
	v4 =	vld [tilespmem:s10+$0x110]  }
0x29c: {  	v58 =	vld [tilespmem:s24+$0x10];
	v16 =	vbroadcast v2, $0x0;
	v6 =	vpop (erf)  }
0x29d: {  	v24 =	vmul.f32 v24, v1;
	v19 =	vld.msk [tilespmem:s18+$0x0 ss:$0x0], $0xffff;
	(erf) = vpow2.f32 v3;
	[tilespmem:s8+$0xFFFFFF00] =	vst v6  }
0x29e: {  	v5 =	vbroadcast v15, $0x2;
	v3 =	vpop (erf);
	v10 =	vld [tilespmem:s10+$0xFFFFFEC0];
	v9 =	vmul.f32 v16, v9  }
0x29f: {  	v21 =	vmul.f32 v21, v1;
	v29 =	vmul.f32 v29, v1;
	[tilespmem:s8+$0xFFFFFFA0] =	vst v3;
	v16 =	vld [tilespmem:s15+$0x130]  }
0x2a0: {  	v31 =	vmul.f32 v31, v1;
	v7 =	vmul.f32 v5, v4;
	v4 =	vpop (erf);
	[tilespmem:s8+$0xFFFFFF10] =	vst v9;
	v9 =	vld [tilespmem:s24+$0x30]  }
0x2a1: {  	v34 =	vmul.f32 v34, v1;
	v35 =	vmul.f32 v35, v1;
	v11 =	vld [tilespmem:s10+$0xFFFFFF60];
	[tilespmem:s8+$0xFFFFFFF0] =	vst v4  }
0x2a2: {  	v26 =	vbroadcast v2, $0x1;
	v22 =	vbroadcast v6, $0x0;
	v12 =	vld [tilespmem:s10+$0xFFFFFFB0]  }
0x2a3: {  	v23 =	vbroadcast v6, $0x1;
	v25 =	vbroadcast v3, $0x0;
	v5 =	vpop (erf);
	[tilespmem:s8+$0x110] =	vst v7;
	v20 =	vld [tilespmem:s10+$0xFFFFFF20]  }
0x2a4: {  	v28 =	vbroadcast v4, $0x0;
	v32 =	vbroadcast v4, $0x1;
	[tilespmem:s8+$0x40] =	vst v5;
	v13 =	vld [tilespmem:s10+$0x120]  }
0x2a5: {  	v30 =	vbroadcast v5, $0x0;
	v14 =	vld [tilespmem:s10+$0x0];
	v7 =	vpop (erf);
	v9 =	vadd.f32 v9, v16;
	v16 =	vmul.f32 v19, v1  }
0x2a6: {  	v25 =	vmul.f32 v25, v11;
	v11 =	vbroadcast v15, $0x3;
	v15 =	vld [tilespmem:s15+$0xFFFFFF50];
	v8 =	vpop (erf);
	[tilespmem:s8+$0x90] =	vst v7  }
0x2a7: {  	v36 =	vbroadcast v5, $0x1;
	v22 =	vmul.f32 v22, v10;
	v17 =	vld [tilespmem:s10+$0x50];
	[tilespmem:s8+$0xE0] =	vst v8;
	v9 =	vadd.f32 v16, v9  }
0x2a8: {  	v33 =	vbroadcast v7, $0x0;
	v38 =	vbroadcast v7, $0x1;
	v18 =	vld [tilespmem:s10+$0xA0]  }
0x2a9: {  	v28 =	vmul.f32 v28, v12;
	v12 =	vld [tilespmem:s24+$0xFFFFFFD0];
	v10 =	vmul.f32 $2.000000030e-01, v9  }
0x2aa: {  	[tilespmem:s8+$0xFFFFFEC0] =	vst v22;
	v20 =	vmul.f32 v26, v20;
	v26 =	vmul.f32 v27, v1;
	v27 =	vld [tilespmem:s15+$0x90];
	vm12 =	vgt.f32 v9, $0.0e+00  }
0x2ab: {  	v19 =	vbroadcast v3, $0x1;
	v39 =	vbroadcast v8, $0x1;
	[tilespmem:s8+$0xFFFFFF60] =	vst v25;
	v25 =	vld [tilespmem:s10+$0xFFFFFED0];
	v9 =	vsel vm12, v9, v10  }
0x2ac: {  	v14 =	vmul.f32 v30, v14;
	v30 =	vld [tilespmem:s15+$0xFFFFFFF0];
	v10 =	vmul.f32 $1.442695020e+00, v9  }
0x2ad: {  	v37 =	vld [tilespmem:s24+$0xFFFFFFC0];
	v62 =	vbroadcast v8, $0x2;
	v16 =	vbroadcast v8, $0x0;
	[tilespmem:s8+$0xFFFFFFB0] =	vst v28  }
0x2ae: {  	v11 =	vmul.f32 v11, v13;
	v28 =	vld [tilespmem:s10+$0xFFFFFFC0];
	v12 =	vadd.f32 v12, v15;
	(erf) = vpow2.f32 v10  }
0x2af: {  	v17 =	vmul.f32 v33, v17;
	v16 =	vmul.f32 v16, v18;
	v18 =	vld [tilespmem:s15+$0x40];
	v27 =	vadd.f32 v58, v27  }
0x2b0: {  	[tilespmem:s8+$0x0] =	vst v14;
	v23 =	vmul.f32 v23, v25;
	v15 =	vld [tilespmem:s24+$0x0];
	v12 =	vadd.f32 v24, v12;
	v24 =	vadd.f32 v41, v40  }
0x2b1: {  	v13 =	vbroadcast v2, $0x2;
	v9 =	vbroadcast v6, $0x2;
	v30 =	vadd.f32 v57, v30;
	[tilespmem:s8+$0x50] =	vst v17;
	v17 =	vld [tilespmem:s10+$0x10]  }
0x2b2: {  	[tilespmem:s8+$0xFFFFFED0] =	vst v23;
	v27 =	vadd.f32 v34, v27;
	v34 =	vbroadcast v5, $0x2;
	v24 =	vadd.f32 v26, v24;
	v26 =	vld [tilespmem:s15+$0xFFFFFF00]  }
0x2b3: {  	[tilespmem:s8+$0xA0] =	vst v16;
	v10 =	vbroadcast v3, $0x2;
	v29 =	vadd.f32 v29, v30;
	v23 =	vmul.f32 v32, v28  }
0x2b4: {  	[tilespmem:s8+$0xFFFFFF20] =	vst v20;
	v20 =	vld [tilespmem:s10+$0xB0];
	v60 =	vmul.f32 $2.000000030e-01, v12;
	vm13 =	vgt.f32 v12, $0.0e+00;
	v22 =	vmul.f32 $2.000000030e-01, v27  }
0x2b5: {  	vm5 =	vgt.f32 v27, $0.0e+00;
	v15 =	vadd.f32 v15, v18;
	v61 =	vmul.f32 $2.000000030e-01, v29  }
0x2b6: {  	v59 =	vld [tilespmem:s15+$0xE0];
	v18 =	vmul.f32 $2.000000030e-01, v24;
	v30 =	vsel vm13, v12, v60;
	vm14 =	vgt.f32 v24, $0.0e+00  }
0x2b7: {  	s13 =	simm.s32 $0x74F7;
	s0 =	simm.s32 $0xB500;
	v42 =	vld [tilespmem:s24+$0x20];
	v17 =	vmul.f32 v36, v17;
	v15 =	vadd.f32 v31, v15;
	v26 =	vadd.f32 v37, v26;
	v12 =	vpop (erf)  }
0x2b8: {  	v51 =	vld.msk [tilespmem:s13+$0x0 ss:$0x0], $0xffff;
	vm15 =	vgt.f32 v29, $0.0e+00;
	v22 =	vsel vm5, v27, v22;
	v18 =	vsel vm14, v24, v18;
	[tilespmem:s0+$0x130] =	vst v12  }
0x2b9: {  	[tilespmem:s8+$0x10] =	vst v17;
	v17 =	vmul.f32 v39, v20;
	v31 =	vmul.f32 $2.000000030e-01, v15;
	v21 =	vadd.f32 v21, v26;
	v24 =	vld [tilespmem:s15+$0xF0]  }
0x2ba: {  	v25 =	vld [tilespmem:s10+$0xFFFFFEE0];
	v36 =	vbroadcast v7, $0x2;
	v30 =	vmul.f32 $1.442695020e+00, v30;
	vm4 =	vgt.f32 v15, $0.0e+00  }
0x2bb: {  	v29 =	vsel vm15, v29, v61;
	[tilespmem:s8+$0xB0] =	vst v17;
	v15 =	vsel vm4, v15, v31;
	v31 =	vld [tilespmem:s10+$0xFFFFFF70];
	v27 =	vmul.f32 $2.000000030e-01, v21  }
0x2bc: {  	v14 =	vmul.f32 $1.442695020e+00, v22;
	v61 =	vld [tilespmem:s10+$0xC0];
	v26 =	vbroadcast v12, $0x0;
	vm6 =	vgt.f32 v21, $0.0e+00  }
0x2bd: {  	v55 =	vld.msk [tilespmem:s13+$0xFFFFFFFA ss:$0x0], $0xffff;
	s5 =	simm.s32 $0x8580;
	v29 =	vmul.f32 $1.442695020e+00, v29;
	(erf) = vpow2.f32 v30;
	v21 =	vsel vm6, v21, v27  }
0x2be: {  	s16 =	simm.s32 $0x7680;
	v48 =	vld [tilespmem:s5+$0x130];
	v33 =	vadd.f32 v42, v59;
	v21 =	vmul.f32 $1.442695020e+00, v21;
	v24 =	vmul.f32 v26, v24  }
0x2bf: {  	v59 =	vld [tilespmem:s16+$0xFFFFFFD0];
	v18 =	vmul.f32 $1.442695020e+00, v18;
	v15 =	vmul.f32 $1.442695020e+00, v15  }
0x2c0: {  	v33 =	vadd.f32 v35, v33;
	v16 =	vld [tilespmem:s10+$0x60];
	v19 =	vmul.f32 v19, v31;
	(erf) = vpow2.f32 v21;
	[tilespmem:s0+$0xF0] =	vst v24  }
0x2c1: {  	[tilespmem:s8+$0xFFFFFFC0] =	vst v23;
	v31 =	vmul.f32 v9, v25;
	v37 =	vmul.f32 v62, v61;
	v22 =	vld [tilespmem:s15+$0x100]  }
0x2c2: {  	v32 =	vld [tilespmem:s10+$0xFFFFFFD0];
	v26 =	vmul.f32 $2.000000030e-01, v33;
	(erf) = vpow2.f32 v18  }
0x2c3: {  	vm7 =	vgt.f32 v33, $0.0e+00;
	v35 =	vld [tilespmem:s10+$0x20];
	v21 =	vbroadcast v12, $0x1;
	(erf) = vpow2.f32 v29  }
0x2c4: {  	v58 =	vld.msk [tilespmem:s13+$0xFFFFFFFD ss:$0x0], $0xffff;
	v24 =	vsel vm7, v33, v26;
	(erf) = vpow2.f32 v15;
	v33 =	vbroadcast v4, $0x2  }
0x2c5: {  	[tilespmem:s8+$0xFFFFFF70] =	vst v19;
	v18 =	vld [tilespmem:s10+$0xFFFFFF30];
	v24 =	vmul.f32 $1.442695020e+00, v24;
	(erf) = vpow2.f32 v14  }
0x2c6: {  	v15 =	vld [tilespmem:s10+$0xFFFFFF80];
	v14 =	vmul.f32 v38, v16;
	v38 =	vpop (erf);
	v19 =	vmul.f32 v21, v22  }
0x2c7: {  	v40 =	vld [tilespmem:s16+$0xFFFFFFC0];
	[tilespmem:s0+$0xFFFFFF50] =	vst v38;
	v30 =	vbroadcast v38, $0x2;
	v32 =	vmul.f32 v33, v32  }
0x2c8: {  	v39 =	vld [tilespmem:s5+$0xFFFFFFF0];
	v33 =	vmul.f32 v34, v35;
	v35 =	vmul.f32 v55, v1;
	[tilespmem:s0+$0x100] =	vst v19  }
0x2c9: {  	(erf) = vpow2.f32 v24;
	[tilespmem:s8+$0x60] =	vst v14;
	v24 =	vbroadcast v2, $0x3;
	v60 =	vpop (erf);
	v16 =	vld [tilespmem:s15+$0x110]  }
0x2ca: {  	v14 =	vld [tilespmem:s15+$0xFFFFFF10];
	v2 =	vbroadcast v8, $0x3;
	v8 =	vbroadcast v38, $0x0;
	[tilespmem:s0+$0xFFFFFF00] =	vst v60  }
0x2cb: {  	v18 =	vmul.f32 v13, v18;
	v21 =	vmul.f32 v10, v15;
	v17 =	vld [tilespmem:s15+$0xFFFFFEC0]  }
0x2cc: {  	v61 =	vld [tilespmem:s5+$0xFFFFFF00];
	v19 =	vbroadcast v6, $0x3;
	v6 =	vbroadcast v12, $0x2  }
0x2cd: {  	v34 =	vld [tilespmem:s5+$0xFFFFFFA0];
	v42 =	vpop (erf);
	v13 =	vbroadcast v60, $0x0;
	v20 =	vbroadcast v60, $0x1  }
0x2ce: {  	v63 =	vld [tilespmem:s10+$0x70];
	v28 =	vbroadcast v60, $0x2;
	[tilespmem:s0+$0xFFFFFFA0] =	vst v42;
	v16 =	vmul.f32 v6, v16  }
0x2cf: {  	v6 =	vbroadcast v5, $0x3;
	v5 =	vbroadcast v7, $0x3;
	v7 =	vld [tilespmem:s15+$0xFFFFFF60]  }
0x2d0: {  	v43 =	vpop (erf);
	v8 =	vmul.f32 v8, v14;
	v52 =	vmul.f32 v13, v17;
	v13 =	vld [tilespmem:s16+$0x30];
	[tilespmem:s0+$0x110] =	vst v16  }
0x2d1: {  	v15 =	vbroadcast v42, $0x0;
	v23 =	vbroadcast v42, $0x1;
	[tilespmem:s0+$0xFFFFFFF0] =	vst v43;
	v44 =	vpop (erf);
	v9 =	vld [tilespmem:s15+$0x120]  }
0x2d2: {  	v25 =	vbroadcast v43, $0x0;
	v22 =	vbroadcast v43, $0x1;
	v27 =	vld [tilespmem:s15+$0xFFFFFFB0];
	v45 =	vpop (erf);
	[tilespmem:s0+$0x40] =	vst v44  }
0x2d3: {  	v36 =	vmul.f32 v36, v63;
	v29 =	vbroadcast v44, $0x0;
	v10 =	vld [tilespmem:s15+$0x0];
	v46 =	vpop (erf)  }
0x2d4: {  	v63 =	vld [tilespmem:s16+$0x0];
	[tilespmem:s0+$0xE0] =	vst v46;
	v53 =	vmul.f32 v15, v7;
	v7 =	vbroadcast v12, $0x3  }
0x2d5: {  	[tilespmem:s0+$0xFFFFFF10] =	vst v8;
	v26 =	vbroadcast v44, $0x1;
	v49 =	vbroadcast v45, $0x0;
	v8 =	vld [tilespmem:s15+$0xA0]  }
0x2d6: {  	[tilespmem:s0+$0x90] =	vst v45;
	v47 =	vld [tilespmem:s15+$0xFFFFFF20];
	v56 =	vmul.f32 v7, v9;
	v7 =	vadd.f32 v13, v48;
	v13 =	vmul.f32 v51, v1  }
0x2d7: {  	[tilespmem:s8+$0x120] =	vst v11;
	v11 =	vbroadcast v45, $0x3;
	v14 =	vld [tilespmem:s15+$0x50];
	v54 =	vmul.f32 v25, v27  }
0x2d8: {  	v50 =	vbroadcast v46, $0x0;
	[tilespmem:s0+$0xFFFFFEC0] =	vst v52;
	v57 =	vmul.f32 v29, v10;
	v10 =	vld.msk [tilespmem:s13+$0xFFFFFFFC ss:$0x0], $0xffff;
	v7 =	vadd.f32 v13, v7  }
0x2d9: {  	v17 =	vbroadcast v46, $0x2;
	v16 =	vbroadcast v38, $0x1;
	[tilespmem:s0+$0xFFFFFFB0] =	vst v54;
	v54 =	vld [tilespmem:s15+$0xFFFFFED0]  }
0x2da: {  	v50 =	vmul.f32 v50, v8;
	v8 =	vld [tilespmem:s5+$0xFFFFFF50];
	v13 =	vmul.f32 $2.000000030e-01, v7  }
0x2db: {  	v27 =	vbroadcast v45, $0x1;
	v25 =	vbroadcast v46, $0x1;
	v12 =	vld.msk [tilespmem:s13+$0xFFFFFFF9 ss:$0x0], $0xffff;
	vm8 =	vgt.f32 v7, $0.0e+00  }
0x2dc: {  	v29 =	vbroadcast v42, $0x2;
	v47 =	vmul.f32 v16, v47;
	[tilespmem:s0+$0xFFFFFF60] =	vst v53;
	v53 =	vld [tilespmem:s15+$0xFFFFFFC0];
	v7 =	vsel vm8, v7, v13  }
0x2dd: {  	v16 =	vbroadcast v44, $0x2;
	v9 =	vld.msk [tilespmem:s13+$0xFFFFFFFB ss:$0x0], $0xffff;
	v62 =	vmul.f32 $1.442695020e+00, v7  }
0x2de: {  	v15 =	vbroadcast v45, $0x2;
	v48 =	vmul.f32 v49, v14;
	v49 =	vld.msk [tilespmem:s13+$0xFFFFFFFE ss:$0x0], $0xffff  }
0x2df: {  	v51 =	vld.msk [tilespmem:s13+$0xFFFFFFFF ss:$0x0], $0xffff;
	v14 =	vbroadcast v43, $0x2;
	v55 =	vadd.f32 v59, v8;
	(erf) = vpow2.f32 v62  }
0x2e0: {  	v20 =	vmul.f32 v20, v54;
	v41 =	vmul.f32 v12, v1;
	v12 =	vld [tilespmem:s16+$0xFFFFFFF0]  }
0x2e1: {  	v8 =	vbroadcast v38, $0x3;
	v35 =	vadd.f32 v35, v55;
	v55 =	vmul.f32 v58, v1;
	v13 =	vld [tilespmem:s16+$0xFFFFFFE0]  }
0x2e2: {  	v40 =	vadd.f32 v40, v61;
	v59 =	vld [tilespmem:s5+$0x40];
	v22 =	vmul.f32 v22, v53;
	v38 =	vmul.f32 v9, v1  }
0x2e3: {  	[tilespmem:s0+$0xA0] =	vst v50;
	v9 =	vbroadcast v42, $0x3;
	v49 =	vmul.f32 v49, v1  }
0x2e4: {  	[tilespmem:s0+$0xFFFFFF20] =	vst v47;
	v47 =	vld [tilespmem:s15+$0xB0];
	v40 =	vadd.f32 v41, v40;
	v51 =	vmul.f32 v51, v1;
	v58 =	vmul.f32 $2.000000030e-01, v35  }
0x2e5: {  	[tilespmem:s8+$0xFFFFFEE0] =	vst v31;
	vm9 =	vgt.f32 v35, $0.0e+00;
	v7 =	vbroadcast v60, $0x3;
	v60 =	vmul.f32 v10, v1  }
0x2e6: {  	[tilespmem:s8+$0xFFFFFF30] =	vst v18;
	v10 =	vbroadcast v43, $0x3;
	v43 =	vld [tilespmem:s5+$0x90];
	v12 =	vadd.f32 v12, v39;
	v34 =	vadd.f32 v13, v34  }
0x2e7: {  	[tilespmem:s8+$0x70] =	vst v36;
	vm15 =	vgt.f32 v40, $0.0e+00;
	v18 =	vmul.f32 $2.000000030e-01, v40;
	v39 =	vld [tilespmem:s16+$0x10];
	v42 =	vadd.f32 v63, v59  }
0x2e8: {  	s12 =	simm.s32 $0xB780;
	[tilespmem:s0+$0x0] =	vst v57;
	v45 =	vadd.f32 v60, v12;
	v60 =	vld [tilespmem:s16+$0x20];
	v34 =	vadd.f32 v38, v34;
	v38 =	vsel vm9, v35, v58;
	v35 =	vpop (erf)  }
0x2e9: {  	v25 =	vmul.f32 v25, v47;
	v40 =	vsel vm15, v40, v18;
	v13 =	vbroadcast v44, $0x3;
	v44 =	vld [tilespmem:s5+$0xE0];
	[tilespmem:s12+$0x130] =	vst v35  }
0x2ea: {  	[tilespmem:s0+$0x120] =	vst v56;
	v12 =	vbroadcast v46, $0x3;
	v42 =	vadd.f32 v55, v42;
	v56 =	vmul.f32 $1.442695020e+00, v40;
	v58 =	vld [tilespmem:s5+$0xF0]  }
0x2eb: {  	v52 =	vld [tilespmem:s10+$0xFFFFFEF0];
	[tilespmem:s0+$0x50] =	vst v48;
	v63 =	vmul.f32 $2.000000030e-01, v45;
	vm11 =	vgt.f32 v45, $0.0e+00;
	v38 =	vmul.f32 $1.442695020e+00, v38  }
0x2ec: {  	[tilespmem:s0+$0xFFFFFED0] =	vst v20;
	v20 =	vld [tilespmem:s10+$0x80];
	v57 =	vmul.f32 $2.000000030e-01, v42;
	v39 =	vadd.f32 v39, v43;
	v62 =	vmul.f32 $2.000000030e-01, v34  }
0x2ed: {  	v50 =	vld [tilespmem:s15+$0x60];
	vm12 =	vgt.f32 v42, $0.0e+00;
	(erf) = vpow2.f32 v38;
	v61 =	vbroadcast v35, $0x0  }
0x2ee: {  	[tilespmem:s8+$0xC0] =	vst v37;
	v46 =	vld [tilespmem:s15+$0x10];
	v39 =	vadd.f32 v49, v39;
	vm10 =	vgt.f32 v34, $0.0e+00;
	v44 =	vadd.f32 v60, v44  }
0x2ef: {  	[tilespmem:s0+$0xFFFFFFC0] =	vst v22;
	v22 =	vld [tilespmem:s10+$0xD0];
	v60 =	vsel vm12, v42, v57;
	v34 =	vsel vm10, v34, v62;
	v42 =	vmul.f32 v61, v58  }
0x2f0: {  	v45 =	vsel vm11, v45, v63;
	v63 =	vld [tilespmem:s15+$0xFFFFFF30];
	v59 =	vmul.f32 $2.000000030e-01, v39;
	v34 =	vmul.f32 $1.442695020e+00, v34  }
0x2f1: {  	v41 =	vmul.f32 $1.442695020e+00, v60;
	(erf) = vpow2.f32 v56;
	v60 =	vld [tilespmem:s15+$0xFFFFFEE0];
	[tilespmem:s12+$0xF0] =	vst v42  }
0x2f2: {  	v45 =	vmul.f32 $1.442695020e+00, v45;
	vm13 =	vgt.f32 v39, $0.0e+00;
	(erf) = vpow2.f32 v34;
	v42 =	vld [tilespmem:s5+$0x100]  }
0x2f3: {  	[tilespmem:s8+$0xFFFFFF80] =	vst v21;
	v43 =	vld [tilespmem:s15+$0xFFFFFF70];
	v26 =	vmul.f32 v26, v46;
	v44 =	vadd.f32 v51, v44;
	v31 =	vsel vm13, v39, v59  }
0x2f4: {  	[tilespmem:s0+$0xB0] =	vst v25;
	v18 =	vld [tilespmem:s10+$0xFFFFFF90];
	v31 =	vmul.f32 $1.442695020e+00, v31;
	v59 =	vbroadcast v35, $0x1  }
0x2f5: {  	v47 =	vld [tilespmem:s15+$0xC0];
	v62 =	vmul.f32 $2.000000030e-01, v44;
	(erf) = vpow2.f32 v45  }
0x2f6: {  	v55 =	vld [tilespmem:s10+$0xFFFFFF40];
	[tilespmem:s0+$0x10] =	vst v26;
	vm14 =	vgt.f32 v44, $0.0e+00;
	(erf) = vpow2.f32 v41;
	v46 =	vmul.f32 v28, v60;
	v28 =	vpop (erf)  }
0x2f7: {  	v45 =	vld [tilespmem:s15+$0x20];
	v21 =	vsel vm14, v44, v62;
	v41 =	vmul.f32 v30, v63;
	[tilespmem:s12+$0xFFFFFF50] =	vst v28;
	v61 =	vmul.f32 v59, v42  }
0x2f8: {  	[tilespmem:s8+$0xFFFFFFD0] =	vst v32;
	v57 =	vmul.f32 $1.442695020e+00, v21;
	v58 =	vmul.f32 v23, v43;
	v63 =	vld [tilespmem:s5+$0xFFFFFF10]  }
0x2f9: {  	v3 =	vbroadcast v3, $0x3;
	v21 =	vld [tilespmem:s10+$0xFFFFFFE0];
	(erf) = vpow2.f32 v31;
	[tilespmem:s12+$0x100] =	vst v61  }
0x2fa: {  	v4 =	vbroadcast v4, $0x3;
	(erf) = vpow2.f32 v57;
	v34 =	vpop (erf);
	[tilespmem:s0+$0xFFFFFF70] =	vst v58;
	v31 =	vld [tilespmem:s5+$0x110]  }
0x2fb: {  	v37 =	vmul.f32 v19, v52;
	v26 =	vbroadcast v28, $0x0;
	[tilespmem:s12+$0xFFFFFF00] =	vst v34;
	v62 =	vld [tilespmem:s15+$0xFFFFFF80];
	v30 =	vpop (erf)  }
0x2fc: {  	v27 =	vmul.f32 v27, v50;
	v39 =	vmul.f32 v24, v55;
	v48 =	vld [tilespmem:s5+$0xFFFFFEC0];
	[tilespmem:s12+$0xFFFFFFA0] =	vst v30  }
0x2fd: {  	[tilespmem:s8+$0x20] =	vst v33;
	v24 =	vbroadcast v35, $0x2;
	v60 =	vld [tilespmem:s5+$0xFFFFFF60];
	v63 =	vmul.f32 v26, v63  }
0x2fe: {  	[tilespmem:s0+$0x60] =	vst v27;
	v55 =	vbroadcast v35, $0x3;
	v23 =	vld [tilespmem:s10+$0x30];
	v49 =	vbroadcast v28, $0x1  }
0x2ff: {  	v43 =	vld [tilespmem:s15+$0x70];
	v27 =	vbroadcast v34, $0x0;
	[tilespmem:s12+$0xFFFFFF10] =	vst v63;
	v24 =	vmul.f32 v24, v31;
	v31 =	vpop (erf)  }
0x300: {  	v19 =	vbroadcast v34, $0x1;
	v53 =	vbroadcast v30, $0x0;
	v42 =	vld [tilespmem:s15+$0xFFFFFFD0];
	[tilespmem:s12+$0xFFFFFFF0] =	vst v31  }
0x301: {  	v25 =	vbroadcast v30, $0x1;
	v44 =	vmul.f32 v29, v62;
	v29 =	vpop (erf);
	v62 =	vld [tilespmem:s5+$0xFFFFFFB0];
	[tilespmem:s12+$0x110] =	vst v24  }
0x302: {  	v27 =	vmul.f32 v27, v48;
	v54 =	vmul.f32 v53, v60;
	v32 =	vpop (erf);
	[tilespmem:s12+$0x40] =	vst v29;
	v36 =	vld [tilespmem:s5+$0x120]  }
0x303: {  	v61 =	vbroadcast v31, $0x0;
	v38 =	vbroadcast v29, $0x0;
	v33 =	vpop (erf);
	v40 =	vld [tilespmem:s5+$0x0];
	[tilespmem:s12+$0x90] =	vst v32  }
0x304: {  	v24 =	vbroadcast v31, $0x1;
	v26 =	vbroadcast v29, $0x1;
	v52 =	vld [tilespmem:s5+$0x50];
	[tilespmem:s12+$0xE0] =	vst v33  }
0x305: {  	[tilespmem:s12+$0xFFFFFEC0] =	vst v27;
	v50 =	vbroadcast v32, $0x0;
	v27 =	vbroadcast v32, $0x1;
	v53 =	vld [tilespmem:s5+$0xA0]  }
0x306: {  	s14 =	simm.s32 $0x8800;
	s10 =	simm.s32 $0x10;
	v48 =	vld [tilespmem:s5+$0xFFFFFF20];
	v51 =	vbroadcast v33, $0x0;
	v56 =	vmul.f32 v61, v62  }
.LBB2_10:
0x307: {  	v57 =	vld [tilespmem:s14+$0x130];
	[tilespmem:s12+$0xFFFFFF60] =	vst v54;
	v35 =	vbroadcast v33, $0x1;
	v54 =	vmul.f32 v55, v36;
	s13 =	sadd.s32 $0x8, s13  }
0x308: {  	s10 =	sadd.s32 $0x8, s10;
	v36 =	vbroadcast v34, $0x2;
	s16 =	sadd.s32 $0x80, s16;
	v55 =	vld.msk [tilespmem:s13+$0x0 ss:$0x0], $0xffff;
	[tilespmem:s12+$0xFFFFFFB0] =	vst v56;
	v56 =	vmul.f32 v38, v40  }
0x309: {  	p1 =	slt.u32 s10, $0x48;
	v40 =	vbroadcast v28, $0x2;
	v58 =	vld [tilespmem:s16+$0x30];
	v50 =	vmul.f32 v50, v52;
	[tilespmem:s12+$0x120] =	vst v54  }
0x30a: {  	v38 =	vbroadcast v30, $0x2;
	v52 =	vld.msk [tilespmem:s13+$0xFFFFFFF9 ss:$0x0], $0xffff;
	[tilespmem:s12+$0x0] =	vst v56;
	v51 =	vmul.f32 v51, v53  }
0x30b: {  	v53 =	vld.msk [tilespmem:s13+$0xFFFFFFFA ss:$0x0], $0xffff;
	v48 =	vmul.f32 v49, v48;
	v49 =	vbroadcast v31, $0x2;
	[tilespmem:s12+$0x50] =	vst v50  }
0x30c: {  	v54 =	vbroadcast v29, $0x2;
	v56 =	vbroadcast v32, $0x2;
	v50 =	vld.msk [tilespmem:s13+$0xFFFFFFFB ss:$0x0], $0xffff;
	[tilespmem:s12+$0xA0] =	vst v51  }
0x30d: {  	v42 =	vmul.f32 v14, v42;
	v51 =	vld.msk [tilespmem:s13+$0xFFFFFFFC ss:$0x0], $0xffff;
	[tilespmem:s12+$0xFFFFFF20] =	vst v48;
	v48 =	vbroadcast v33, $0x2;
	v14 =	vmov v49  }
0x30e: {  	v45 =	vmul.f32 v16, v45;
	v55 =	vmul.f32 v55, v1;
	v49 =	vld.msk [tilespmem:s13+$0xFFFFFFFD ss:$0x0], $0xffff;
	v57 =	vadd.f32 v58, v57;
	[tilespmem:s0+$0xFFFFFEE0] =	vst v46  }
0x30f: {  	v47 =	vmul.f32 v17, v47;
	v16 =	vmovc v54;
	v46 =	vld.msk [tilespmem:s13+$0xFFFFFFFE ss:$0x0], $0xffff;
	[tilespmem:s0+$0xFFFFFF30] =	vst v41;
	v41 =	vmul.f32 v15, v43;
	v15 =	vmov v56  }
0x310: {  	v52 =	vmul.f32 v52, v1;
	v43 =	vbroadcast v34, $0x3;
	v17 =	vmovc v48;
	v54 =	vld.msk [tilespmem:s13+$0xFFFFFFFF ss:$0x0], $0xffff;
	v55 =	vadd.f32 v55, v57;
	[tilespmem:s0+$0xFFFFFF80] =	vst v44  }
0x311: {  	v34 =	vbroadcast v28, $0x3;
	v48 =	vmul.f32 v53, v1;
	v44 =	vld [tilespmem:s16+$0xFFFFFFC0];
	[tilespmem:s0+$0xFFFFFFD0] =	vst v42  }
0x312: {  	v42 =	vmul.f32 v50, v1;
	v28 =	vld [tilespmem:s14+$0xFFFFFF50];
	v50 =	vmul.f32 $2.000000030e-01, v55;
	[tilespmem:s0+$0x20] =	vst v45  }
0x313: {  	v30 =	vbroadcast v30, $0x3;
	v51 =	vmul.f32 v51, v1;
	vm0 =	vgt.f32 v55, $0.0e+00;
	v45 =	vld [tilespmem:s16+$0xFFFFFFD0];
	[tilespmem:s0+$0x70] =	vst v41  }
0x314: {  	v31 =	vbroadcast v31, $0x3;
	v49 =	vmul.f32 v49, v1;
	v41 =	vld [tilespmem:s14+$0xFFFFFFA0];
	v50 =	vsel vm0, v55, v50;
	[tilespmem:s0+$0xC0] =	vst v47  }
0x315: {  	v46 =	vmul.f32 v46, v1;
	v47 =	vld [tilespmem:s16+$0xFFFFFFE0];
	v50 =	vmul.f32 $1.442695020e+00, v50;
	[tilespmem:s8+$0xFFFFFEF0] =	vst v37  }
0x316: {  	v29 =	vbroadcast v29, $0x3;
	v53 =	vmul.f32 v54, v1;
	v37 =	vld [tilespmem:s14+$0xFFFFFFF0];
	[tilespmem:s8+$0xFFFFFF40] =	vst v39  }
0x317: {  	v32 =	vbroadcast v32, $0x3;
	v39 =	vld [tilespmem:s16+$0xFFFFFFF0];
	(erf) = vpow2.f32 v50  }
0x318: {  	v18 =	vmul.f32 v3, v18;
	v3 =	vmovc v9;
	v9 =	vmovc v30;
	v33 =	vbroadcast v33, $0x3;
	v28 =	vadd.f32 v45, v28;
	v45 =	vld [tilespmem:s14+$0x40]  }
0x319: {  	v21 =	vmul.f32 v4, v21;
	v23 =	vmul.f32 v6, v23;
	v4 =	vmovc v10;
	v6 =	vmovc v13;
	v10 =	vmov v31;
	v30 =	vld [tilespmem:s16+$0x0]  }
0x31a: {  	v28 =	vadd.f32 v48, v28;
	v31 =	vadd.f32 v47, v41;
	v41 =	vld [tilespmem:s14+$0x90];
	[tilespmem:s8+$0xFFFFFF90] =	vst v18;
	v18 =	vmul.f32 v5, v20  }
0x31b: {  	v13 =	vmovc v29;
	v5 =	vmovc v11;
	v11 =	vmov v32;
	v20 =	vld [tilespmem:s16+$0x10];
	[tilespmem:s8+$0xFFFFFFE0] =	vst v21;
	v21 =	vmul.f32 v2, v22;
	v2 =	vmov v12  }
0x31c: {  	v12 =	vmovc v33;
	v22 =	vmul.f32 $2.000000030e-01, v28;
	v29 =	vadd.f32 v42, v31;
	v31 =	vadd.f32 v39, v37;
	v32 =	vld [tilespmem:s14+$0xE0];
	[tilespmem:s8+$0x30] =	vst v23  }
0x31d: {  	vm0 =	vgt.f32 v28, $0.0e+00;
	v23 =	vld [tilespmem:s16+$0x20];
	[tilespmem:s8+$0x80] =	vst v18  }
0x31e: {  	v18 =	vld [tilespmem:s14+$0xFFFFFF00];
	v33 =	vmul.f32 $2.000000030e-01, v29;
	v31 =	vadd.f32 v51, v31;
	v30 =	vadd.f32 v30, v45;
	[tilespmem:s8+$0xD0] =	vst v21;
	s8 =	smov.u32 s0;
	s0 =	smov.u32 s12  }
0x31f: {  	v21 =	vsel vm0, v28, v22;
	vm0 =	vgt.f32 v29, $0.0e+00;
	v22 =	vld [tilespmem:s5+$0xFFFFFED0]  }
0x320: {  	s12 =	sadd.s32 $0x280, s12;
	v28 =	vmul.f32 $2.000000030e-01, v31;
	v30 =	vadd.f32 v49, v30;
	v20 =	vadd.f32 v20, v41;
	v48 =	vpop (erf);
	v37 =	vld [tilespmem:s5+$0xFFFFFF70]  }
0x321: {  	v21 =	vmul.f32 $1.442695020e+00, v21;
	v29 =	vsel vm0, v29, v33;
	vm0 =	vgt.f32 v31, $0.0e+00;
	[tilespmem:s12+$0x130] =	vst v48;
	v33 =	vld [tilespmem:s5+$0xFFFFFFC0]  }
0x322: {  	v39 =	vmul.f32 $2.000000030e-01, v30;
	v20 =	vadd.f32 v46, v20;
	v23 =	vadd.f32 v23, v32;
	v32 =	vld [tilespmem:s14+$0xF0]  }
0x323: {  	v28 =	vsel vm0, v31, v28;
	vm0 =	vgt.f32 v30, $0.0e+00;
	v18 =	vadd.f32 v44, v18;
	v31 =	vld [tilespmem:s5+$0x10]  }
0x324: {  	vm1 =	vgt.f32 v20, $0.0e+00;
	v41 =	vmul.f32 $2.000000030e-01, v20;
	v23 =	vadd.f32 v53, v23;
	v44 =	vld [tilespmem:s5+$0x60]  }
0x325: {  	v30 =	vsel vm0, v30, v39;
	v39 =	vbroadcast v48, $0x0;
	v18 =	vadd.f32 v52, v18;
	v45 =	vld [tilespmem:s5+$0xB0]  }
0x326: {  	v20 =	vsel vm1, v20, v41;
	vm0 =	vgt.f32 v23, $0.0e+00;
	v41 =	vmul.f32 $2.000000030e-01, v23;
	v46 =	vld [tilespmem:s5+$0xFFFFFF30]  }
0x327: {  	vm1 =	vgt.f32 v18, $0.0e+00;
	v42 =	vmul.f32 $2.000000030e-01, v18;
	v32 =	vmul.f32 v39, v32;
	v39 =	vld [tilespmem:s15+$0xFFFFFEF0]  }
0x328: {  	v29 =	vmul.f32 $1.442695020e+00, v29;
	v28 =	vmul.f32 $1.442695020e+00, v28;
	v23 =	vsel vm0, v23, v41;
	v47 =	vld [tilespmem:s15+$0xFFFFFF40]  }
0x329: {  	v30 =	vmul.f32 $1.442695020e+00, v30;
	v41 =	vsel vm1, v18, v42;
	v42 =	vmul.f32 $1.442695020e+00, v20;
	[tilespmem:s12+$0xF0] =	vst v32;
	v18 =	vld [tilespmem:s15+$0xFFFFFF90]  }
0x32a: {  	v32 =	vmul.f32 $1.442695020e+00, v23;
	v20 =	vmul.f32 $1.442695020e+00, v41;
	v41 =	vld [tilespmem:s14+$0x100]  }
0x32b: {  	v19 =	vmul.f32 v19, v22;
	(erf) = vpow2.f32 v21;
	v21 =	vld [tilespmem:s15+$0xFFFFFFE0]  }
0x32c: {  	v22 =	vmul.f32 v25, v37;
	(erf) = vpow2.f32 v20;
	v23 =	vld [tilespmem:s15+$0x30]  }
0x32d: {  	v25 =	vbroadcast v48, $0x1;
	(erf) = vpow2.f32 v29;
	[tilespmem:s0+$0xFFFFFED0] =	vst v19;
	v20 =	vld [tilespmem:s15+$0x80]  }
0x32e: {  	(erf) = vpow2.f32 v28;
	v19 =	vld [tilespmem:s5+$0xFFFFFEE0];
	[tilespmem:s0+$0xFFFFFF70] =	vst v22;
	v22 =	vmul.f32 v24, v33  }
0x32f: {  	v24 =	vmul.f32 v25, v41;
	(erf) = vpow2.f32 v30;
	v25 =	vld [tilespmem:s5+$0xFFFFFF80]  }
0x330: {  	v26 =	vmul.f32 v26, v31;
	(erf) = vpow2.f32 v42;
	[tilespmem:s0+$0xFFFFFFC0] =	vst v22;
	v22 =	vld [tilespmem:s15+$0xD0];
	s15 =	smov.u32 s5;
	s5 =	smov.u32 s14  }
0x331: {  	[tilespmem:s12+$0x100] =	vst v24;
	(erf) = vpow2.f32 v32;
	v42 =	vld [tilespmem:s15+$0xFFFFFFD0];
	v24 =	vmul.f32 v27, v44  }
0x332: {  	v41 =	vmul.f32 v40, v46;
	v27 =	vld [tilespmem:s14+$0x110];
	[tilespmem:s0+$0x10] =	vst v26;
	v26 =	vmul.f32 v35, v45  }
0x333: {  	v37 =	vmul.f32 v7, v39;
	v7 =	vmov v43;
	v46 =	vmul.f32 v36, v19;
	v45 =	vld [tilespmem:s15+$0x20];
	[tilespmem:s0+$0x60] =	vst v24  }
0x334: {  	v39 =	vmul.f32 v8, v47;
	v8 =	vmov v34;
	v28 =	vpop (erf);
	v44 =	vmul.f32 v38, v25;
	v43 =	vld [tilespmem:s15+$0x70];
	[tilespmem:s0+$0xB0] =	vst v26  }
0x335: {  	v24 =	vbroadcast v48, $0x2;
	[tilespmem:s12+$0xFFFFFF50] =	vst v28;
	v26 =	vbroadcast v28, $0x0;
	v34 =	vpop (erf);
	v47 =	vld [tilespmem:s15+$0xC0]  }
0x336: {  	[tilespmem:s12+$0xFFFFFF00] =	vst v34;
	v35 =	vbroadcast v34, $0x0;
	v19 =	vbroadcast v34, $0x1;
	v40 =	vld [tilespmem:s14+$0xFFFFFF10];
	v30 =	vpop (erf)  }
0x337: {  	v52 =	vld [tilespmem:s14+$0xFFFFFEC0];
	[tilespmem:s12+$0xFFFFFFA0] =	vst v30;
	v53 =	vbroadcast v30, $0x0;
	v24 =	vmul.f32 v24, v27;
	v31 =	vpop (erf)  }
0x338: {  	v49 =	vbroadcast v28, $0x1;
	v27 =	vld [tilespmem:s14+$0xFFFFFF60];
	[tilespmem:s12+$0xFFFFFFF0] =	vst v31;
	v56 =	vbroadcast v31, $0x0;
	v29 =	vpop (erf)  }
0x339: {  	v25 =	vbroadcast v30, $0x1;
	v57 =	vld [tilespmem:s14+$0xFFFFFFB0];
	v38 =	vbroadcast v29, $0x0;
	[tilespmem:s12+$0x110] =	vst v24;
	v32 =	vpop (erf)  }
.Ltmp4:
0x33a: {  	v24 =	vbroadcast v31, $0x1;
	[tilespmem:s12+$0x40] =	vst v29;
	v50 =	vbroadcast v32, $0x0;
	v36 =	vld [tilespmem:s14+$0x120];
	v33 =	vpop (erf);
	(pc) =	sbr.rel @p1 .LBB2_10-.Ltmp4, $4  }
0x33b: {  	v54 =	vmul.f32 v26, v40;
	v40 =	vld [tilespmem:s14+$0x0];
	[tilespmem:s12+$0x90] =	vst v32;
	v51 =	vbroadcast v33, $0x0  }
0x33c: {  	v26 =	vbroadcast v29, $0x1;
	v35 =	vmul.f32 v35, v52;
	v52 =	vld [tilespmem:s14+$0x50];
	[tilespmem:s12+$0xE0] =	vst v33  }
0x33d: {  	v55 =	vbroadcast v48, $0x3;
	[tilespmem:s12+$0xFFFFFF10] =	vst v54;
	v54 =	vmul.f32 v53, v27;
	v53 =	vld [tilespmem:s14+$0xA0]  }
0x33e: {  	v27 =	vbroadcast v32, $0x1;
	s14 =	sadd.s32 $0x280, s14;
	[tilespmem:s12+$0xFFFFFEC0] =	vst v35;
	v48 =	vld [tilespmem:s5+$0xFFFFFF20];
	v56 =	vmul.f32 v56, v57  }
0x33f: {  	[tilespmem:s12+$0xFFFFFF60] =	vst v54  }
0x340: {  	[tilespmem:s0+$0xFFFFFEE0] =	vst v46  }
0x341: {  	[tilespmem:s0+$0xFFFFFF30] =	vst v41  }
0x342: {  	[tilespmem:s0+$0xFFFFFF80] =	vst v44  }
0x343: {  	[tilespmem:s8+$0xFFFFFEF0] =	vst v37  }
0x344: {  	v35 =	vmul.f32 v55, v36;
	[tilespmem:s8+$0xFFFFFF40] =	vst v39  }
0x345: {  	v14 =	vmul.f32 v14, v42;
	[tilespmem:s12+$0xFFFFFFB0] =	vst v56  }
0x346: {  	v16 =	vmul.f32 v16, v45;
	[tilespmem:s12+$0x120] =	vst v35  }
0x347: {  	v15 =	vmul.f32 v15, v43;
	[tilespmem:s0+$0xFFFFFFD0] =	vst v14  }
0x348: {  	v59 =	vmul.f32 v17, v47;
	[tilespmem:s0+$0x20] =	vst v16  }
0x349: {  	v3 =	vmul.f32 v3, v18;
	[tilespmem:s0+$0x70] =	vst v15  }
0x34a: {  	v4 =	vmul.f32 v4, v21;
	[tilespmem:s0+$0xC0] =	vst v59  }
0x34b: {  	v6 =	vmul.f32 v6, v23;
	[tilespmem:s8+$0xFFFFFF90] =	vst v3  }
0x34c: {  	v5 =	vmul.f32 v5, v20;
	[tilespmem:s8+$0xFFFFFFE0] =	vst v4  }
0x34d: {  	v60 =	vld [tilespmem:s5+$0xFFFFFED0];
	v2 =	vmul.f32 v2, v22;
	[tilespmem:s8+$0x30] =	vst v6  }
0x34e: {  	v55 =	vmul.f32 v38, v40;
	v61 =	vld [tilespmem:s5+$0xFFFFFF70];
	[tilespmem:s8+$0x80] =	vst v5  }
0x34f: {  	v44 =	vld [tilespmem:s15+$0xFFFFFEF0];
	v56 =	vmul.f32 v50, v52;
	[tilespmem:s8+$0xD0] =	vst v2  }
0x350: {  	v62 =	vld [tilespmem:s5+$0xFFFFFFC0];
	[tilespmem:s12+$0x0] =	vst v55;
	v57 =	vmul.f32 v51, v53  }
0x351: {  	v46 =	vld [tilespmem:s15+$0xFFFFFF40];
	v58 =	vmul.f32 v49, v48;
	[tilespmem:s12+$0x50] =	vst v56  }
0x352: {  	v3 =	vld [tilespmem:s5+$0x10];
	[tilespmem:s12+$0xA0] =	vst v57;
	v15 =	vmul.f32 v19, v60  }
0x353: {  	v49 =	vld [tilespmem:s15+$0x80];
	[tilespmem:s12+$0xFFFFFF20] =	vst v58;
	v14 =	vmul.f32 v25, v61  }
0x354: {  	v21 =	vld [tilespmem:s5+$0xB0];
	v7 =	vmul.f32 v7, v44;
	[tilespmem:s12+$0xFFFFFED0] =	vst v15  }
0x355: {  	v63 =	vld [tilespmem:s5+$0x60];
	v24 =	vmul.f32 v24, v62;
	[tilespmem:s12+$0xFFFFFF70] =	vst v14  }
0x356: {  	v8 =	vmul.f32 v8, v46;
	v35 =	vld [tilespmem:s5+$0xFFFFFF30];
	[tilespmem:s0+$0xFFFFFEF0] =	vst v7  }
0x357: {  	v25 =	vbroadcast v33, $0x1;
	v3 =	vmul.f32 v26, v3;
	v14 =	vld [tilespmem:s5+$0xFFFFFF80];
	[tilespmem:s12+$0xFFFFFFC0] =	vst v24  }
0x358: {  	[tilespmem:s0+$0xFFFFFF40] =	vst v8;
	v6 =	vmul.f32 v11, v49;
	v37 =	vld [tilespmem:s5+$0xFFFFFFD0]  }
0x359: {  	v38 =	vbroadcast v28, $0x2;
	v23 =	vld [tilespmem:s5+$0xFFFFFEE0];
	[tilespmem:s12+$0x10] =	vst v3;
	v3 =	vmul.f32 v25, v21  }
0x35a: {  	v40 =	vbroadcast v30, $0x2;
	v48 =	vld [tilespmem:s15+$0xFFFFFFE0];
	v4 =	vmul.f32 v27, v63;
	[tilespmem:s0+$0x80] =	vst v6  }
0x35b: {  	v39 =	vld [tilespmem:s5+$0x20];
	v2 =	vmul.f32 v38, v35;
	[tilespmem:s12+$0xB0] =	vst v3;
	v3 =	vbroadcast v31, $0x2  }
0x35c: {  	v36 =	vbroadcast v34, $0x2;
	[tilespmem:s12+$0x60] =	vst v4;
	v42 =	vld [tilespmem:s5+$0xC0];
	v4 =	vmul.f32 v40, v14  }
0x35d: {  	v41 =	vld [tilespmem:s5+$0x70];
	[tilespmem:s12+$0xFFFFFF30] =	vst v2;
	v3 =	vmul.f32 v3, v37  }
0x35e: {  	v43 =	vbroadcast v29, $0x2;
	v47 =	vld [tilespmem:s15+$0xFFFFFF90];
	v5 =	vmul.f32 v36, v23;
	[tilespmem:s12+$0xFFFFFF80] =	vst v4  }
0x35f: {  	v2 =	vbroadcast v33, $0x2;
	v4 =	vmul.f32 v10, v48;
	[tilespmem:s12+$0xFFFFFFD0] =	vst v3;
	v3 =	vld [tilespmem:s15+$0x30]  }
0x360: {  	v45 =	vbroadcast v32, $0x2;
	v50 =	vld [tilespmem:s15+$0xD0];
	[tilespmem:s12+$0xFFFFFEE0] =	vst v5;
	v16 =	vmul.f32 v43, v39  }
0x361: {  	v52 =	vld [tilespmem:s5+$0xFFFFFF40];
	[tilespmem:s0+$0xFFFFFFE0] =	vst v4;
	v2 =	vmul.f32 v2, v42  }
0x362: {  	v51 =	vld [tilespmem:s5+$0xFFFFFEF0];
	v5 =	vmul.f32 v45, v41;
	[tilespmem:s12+$0x20] =	vst v16  }
0x363: {  	v54 =	vld [tilespmem:s5+$0xFFFFFFE0];
	[tilespmem:s12+$0xC0] =	vst v2;
	v2 =	vmul.f32 v9, v47  }
0x364: {  	v55 =	vbroadcast v28, $0x3;
	[tilespmem:s12+$0x70] =	vst v5;
	v3 =	vmul.f32 v13, v3;
	v59 =	vld [tilespmem:s5+$0xD0]  }
0x365: {  	v53 =	vbroadcast v34, $0x3;
	v5 =	vmul.f32 v12, v50;
	[tilespmem:s0+$0xFFFFFF90] =	vst v2;
	v2 =	vld [tilespmem:s5+$0xFFFFFF90]  }
0x366: {  	v58 =	vbroadcast v31, $0x3;
	v8 =	vmul.f32 v55, v52;
	[tilespmem:s0+$0x30] =	vst v3;
	v3 =	vld [tilespmem:s5+$0x30]  }
0x367: {  	v62 =	vbroadcast v33, $0x3;
	v57 =	vld [tilespmem:s5+$0x80];
	v7 =	vmul.f32 v53, v51;
	[tilespmem:s0+$0xD0] =	vst v5  }
0x368: {  	v56 =	vbroadcast v30, $0x3;
	[tilespmem:s12+$0xFFFFFF40] =	vst v8;
	v4 =	vmul.f32 v58, v54  }
0x369: {  	v60 =	vbroadcast v29, $0x3;
	[tilespmem:s12+$0xFFFFFEF0] =	vst v7;
	v63 =	vmul.f32 v62, v59  }
0x36a: {  	v61 =	vbroadcast v32, $0x3;
	[tilespmem:s12+$0xFFFFFFE0] =	vst v4;
	v2 =	vmul.f32 v56, v2  }
0x36b: {  	v3 =	vmul.f32 v60, v3;
	[tilespmem:s12+$0xD0] =	vst v63  }
0x36c: {  	[tilespmem:s12+$0xFFFFFF90] =	vst v2;
	v2 =	vmul.f32 v61, v57  }
0x36d: {  	[tilespmem:s12+$0x30] =	vst v3  }
0x36e: {  	s10 =	simm.s32 $0x4DD0;
	[tilespmem:s12+$0x80] =	vst v2;
	s12 =	simm.s32 $0x4  }
0x36f: {  	[spmem:s4] =	stream.indirect.scatter.add.f32 [tilespmem:s3], [sflag:$0x3], $0x50, s10, s25, $0xb8;
	[tilespmem:$0x1E7A0] =	vst v63  }
0x370: {  	_ =	swait.ge [sflag:s12], $0x1900  }
0x371: {  	[sflag:s12] =	ssyncset.done $0x0  }
0x372: {  	[sflag:s12] =	ssyncadd.s32 $0xFFFFE700  }
0x373: {  	_ =	swait.ge [sflag:s7], $0x1900  }
0x374: {  	[sflag:s7] =	ssyncset.done $0x0  }
0x375: {  	s13 =	stileid.u32;
	s17 =	sshrl.u32 s26, $0x3;
	[sflag:s7] =	ssyncadd.s32 $0xFFFFE700  }
0x376: {  	s16 =	simm.s32 $0x10;
	s0 =	sshll.u32 s13, $0x6;
	[bflag:$0x0] =	sbarrier.arrive $0xFFFF  }
0x377: {  	s18 =	simm.s32 $0xA;
	s15 =	sor.u32 $0x1C05, s0;
	s14 =	rddreg [dreg:$0xe]  }
0x378: {  	[hbm:s14@s16], [sflag:s15] =	dma.strided [spmem:s17@s18], $0x1860, s31, $0xa   }
0x379: {  	s8 =	simm.s32 @!p0 $0xA;
	s5 =	simm.s32 @!p0 $0x10;
	_ =	swait.ge [sflag:s20], $0x1860  }
0x37a: {  	s0 =	simm.s32 @!p0 $0x1;
	[sflag:s20] =	ssyncset.done $0x0;
	s9 =	rddreg [dreg:$0xd]  }
0x37b: {  	s10 =	rddreg [dreg:$0xf];
	[sflag:s20] =	ssyncadd.s32 $0xFFFFE7A0;
	s16 =	sshrl.u32 @!p0 s9, $0x3  }
0x37c: {  	[hbm:s10@s5], [sflag:s15] =	dma.strided @!p0 [spmem:s16@s8], $0xA0, s0, $0xa   }
0x37d: {  	s0 =	simm.s32 @!p0 $0x5  }
0x37e: {  	_ =	swait.ge @!p0 [sflag:s0], $0xA0  }
0x37f: {  	[sflag:s0] =	ssyncset.done @!p0 $0x0  }
0x380: {  	s24 =	simm.s32 $0xE350;
	[sflag:s0] =	ssyncadd.s32 @!p0 $0xFFFFFF60  }
0x381: {  	[spmem:s26] =	stream.linear.scatter [tilespmem:s24], [sflag:$0x5], $0x4100, $0x38;
	[tilespmem:$0x1E7A0] =	vst v63  }
0x382: {  	_ =	swait.ge [sflag:s20], $0x4100  }
0x383: {  	[sflag:s20] =	ssyncset.done $0x0  }
0x384: {  	[sflag:s20] =	ssyncadd.s32 $0xFFFFBF00  }
0x385: {  	[spmem:s28] =	stream.linear.scatter [tilespmem:s24], [sflag:$0x5], $0x4100, $0x38;
	[tilespmem:$0x1E7A0] =	vst v63  }
0x386: {  	_ =	swait.ge [sflag:s20], $0x4100  }
0x387: {  	[sflag:s20] =	ssyncset.done $0x0  }
0x388: {  	s26 =	rddreg [dreg:$0xc];
	[sflag:s20] =	ssyncadd.s32 $0xFFFFBF00  }
0x389: {  	[spmem:s26] =	stream.linear.scatter [tilespmem:s24], [sflag:$0x5], $0x4100, $0x38;
	[tilespmem:$0x1E7A0] =	vst v63  }
0x38a: {  	_ =	swait.ge [sflag:s20], $0x4100  }
0x38b: {  	[sflag:s20] =	ssyncset.done $0x0  }
0x38c: {  	s5 =	simm.s32 @!p0 $0xE350;
	[sflag:s20] =	ssyncadd.s32 $0xFFFFBF00  }
0x38d: {  	[spmem:s9] =	stream.linear.scatter @!p0 [tilespmem:s5], [sflag:$0x5], $0x500, $0x38;
	[tilespmem:$0x1E7A0] =	vst v63  }
0x38e: {  	_ =	swait.ge @!p0 [sflag:s0], $0x500  }
0x38f: {  	[sflag:s0] =	ssyncset.done @!p0 $0x0  }
0x390: {  	[sflag:s0] =	ssyncadd.s32 @!p0 $0xFFFFFB00  }
0x391: {  	s18 =	simm.s32 $0x0;
	[bflag:$0x0] =	sbarrier.arrive $0xFFFF  }
0x392: {  	[tilespmem:s19], [sflag:$0x1] =	stream.indirect.gather [hbm4b:s6+s25], $0x50, s18, s25, $0xb8;
	[tilespmem:$0x1E7A0] =	vst v63  }
0x393: {  	s8 =	simm.s32 $0x4E77;
	s28 =	simm.s32 $0x2710;
	s19 =	simm.s32 $0x4E24  }
0x394: {  	[tilespmem:s21], [sflag:$0x1] =	stream.indirect.gather [hbm4b:s2+s25], $0x10, s28, s25, $0xb8;
	[tilespmem:$0x1E7A0] =	vst v63  }
.LBB2_12:
0x395: {  	s26 =	smul.u32 $0xA0, s18;
	_ =	sdelay $0x1  }
0x396: {  	s0 =	sadd.s32 $0x50, s26  }
0x397: {  	[tilespmem:s29], [sflag:$0x2] =	stream.indirect.gather [hbm4b:s6+s25], $0x50, s0, s25, $0xb8;
	[tilespmem:$0x1E7A0] =	vst v63  }
0x398: {  	s21 =	sadd.s32 $0x2760, s26  }
0x399: {  	[tilespmem:s30], [sflag:$0x2] =	stream.indirect.gather [hbm4b:s2+s25], $0x10, s21, s25, $0xb8;
	[tilespmem:$0x1E7A0] =	vst v63  }
0x39a: {  	_ =	swait.ge [sflag:s31], $0x1900  }
0x39b: {  	[sflag:s31] =	ssyncset.done $0x0  }
0x39c: {  	[sflag:s31] =	ssyncadd.s32 $0xFFFFE700  }
0x39d: {  	_ =	swait.ge [sflag:s31], $0x500  }
0x39e: {  	p1 =	seq.s32 s18, $0x0;
	[sflag:s31] =	ssyncset.done $0x0  }
0x39f: {  	s0 =	simm.s32 @!p1 $0x3;
	[sflag:s31] =	ssyncadd.s32 $0xFFFFFB00  }
0x3a0: {  	_ =	swait.ge @!p1 [sflag:s0], $0x1900  }
0x3a1: {  	[sflag:s0] =	ssyncset.done @!p1 $0x0  }
0x3a2: {  	s14 =	simm.s32 $0x8080;
	[sflag:s0] =	ssyncadd.s32 @!p1 $0xFFFFE700  }
0x3a3: {  	v2 =	vld [tilespmem:s14+$0x130]  }
0x3a4: {  	s24 =	simm.s32 $0x7580;
	v3 =	vld.msk [tilespmem:s19+$0x3 ss:$0x0], $0xffff  }
0x3a5: {  	v4 =	vld [tilespmem:s24+$0x30];
	_ =	sdelay $0x2  }
0x3a6: {  	v5 =	vld.msk [tilespmem:s19+$0xFFFFFFFC ss:$0x0], $0xffff  }
0x3a7: {  	v6 =	vld.msk [tilespmem:s19+$0xFFFFFFFD ss:$0x0], $0xffff  }
0x3a8: {  	v7 =	vld.msk [tilespmem:s19+$0xFFFFFFFF ss:$0x0], $0xffff;
	v2 =	vadd.f32 v4, v2;
	v3 =	vmul.f32 v3, v1  }
0x3a9: {  	v8 =	vld.msk [tilespmem:s19+$0x1 ss:$0x0], $0xffff  }
0x3aa: {  	v10 =	vld.msk [tilespmem:s19+$0x2 ss:$0x0], $0xffff;
	v2 =	vadd.f32 v3, v2  }
0x3ab: {  	v11 =	vld [tilespmem:s24+$0xFFFFFFC0]  }
0x3ac: {  	v12 =	vld [tilespmem:s24+$0xFFFFFFD0];
	v9 =	vmul.f32 $2.000000030e-01, v2  }
0x3ad: {  	v13 =	vld [tilespmem:s14+$0xFFFFFFA0];
	vm0 =	vgt.f32 v2, $0.0e+00  }
0x3ae: {  	v14 =	vld [tilespmem:s14+$0xFFFFFFF0];
	v2 =	vsel vm0, v2, v9  }
0x3af: {  	v4 =	vld.msk [tilespmem:s19+$0xFFFFFFFE ss:$0x0], $0xffff;
	v2 =	vmul.f32 $1.442695020e+00, v2  }
0x3b0: {  	v9 =	vld [tilespmem:s14+$0xFFFFFF50]  }
0x3b1: {  	(erf) = vpow2.f32 v2;
	v2 =	vld [tilespmem:s24+$0xFFFFFFE0]  }
0x3b2: {  	v15 =	vld [tilespmem:s24+$0xFFFFFFF0]  }
0x3b3: {  	v16 =	vld [tilespmem:s14+$0x40]  }
0x3b4: {  	v17 =	vld [tilespmem:s24+$0x0]  }
0x3b5: {  	v6 =	vmul.f32 v6, v1;
	v3 =	vld.msk [tilespmem:s19+$0x0 ss:$0x0], $0xffff;
	v9 =	vadd.f32 v12, v9  }
0x3b6: {  	v4 =	vmul.f32 v4, v1;
	v2 =	vadd.f32 v2, v13;
	v13 =	vld [tilespmem:s14+$0xFFFFFF00]  }
0x3b7: {  	v12 =	vld [tilespmem:s14+$0x90];
	v6 =	vadd.f32 v6, v9  }
0x3b8: {  	v7 =	vmul.f32 v7, v1;
	v9 =	vld [tilespmem:s24+$0x10];
	v2 =	vadd.f32 v4, v2;
	v4 =	vadd.f32 v15, v14  }
0x3b9: {  	v5 =	vmul.f32 v5, v1  }
0x3ba: {  	v3 =	vmul.f32 v3, v1;
	v4 =	vadd.f32 v7, v4;
	v7 =	vadd.f32 v17, v16  }
0x3bb: {  	s28 =	simm.s32 $0xB280;
	v8 =	vmul.f32 v8, v1;
	v18 =	vmul.f32 $2.000000030e-01, v6;
	v15 =	vpop (erf);
	v11 =	vadd.f32 v11, v13  }
0x3bc: {  	v10 =	vmul.f32 v10, v1;
	vm6 =	vgt.f32 v6, $0.0e+00;
	[tilespmem:s28+$0x130] =	vst v15;
	v3 =	vadd.f32 v3, v7  }
0x3bd: {  	v6 =	vsel vm6, v6, v18;
	v16 =	vld [tilespmem:s14+$0xF0];
	v7 =	vadd.f32 v9, v12;
	v5 =	vadd.f32 v5, v11  }
0x3be: {  	v19 =	vld [tilespmem:s24+$0x20];
	v20 =	vmul.f32 $2.000000030e-01, v2;
	v6 =	vmul.f32 $1.442695020e+00, v6  }
0x3bf: {  	v14 =	vld [tilespmem:s14+$0xE0];
	vm7 =	vgt.f32 v2, $0.0e+00;
	v7 =	vadd.f32 v8, v7;
	v8 =	vmul.f32 $2.000000030e-01, v5  }
0x3c0: {  	s9 =	sadd.s32 $0x8, s19;
	v9 =	vbroadcast v15, $0x4;
	(erf) = vpow2.f32 v6;
	vm1 =	vgt.f32 v5, $0.0e+00  }
0x3c1: {  	v21 =	vld.msk [tilespmem:s9+$0xFFFFFFFC ss:$0x0], $0xffff;
	v13 =	vmul.f32 $2.000000030e-01, v4;
	v12 =	vmul.f32 $2.000000030e-01, v3;
	v5 =	vsel vm1, v5, v8  }
0x3c2: {  	v24 =	vld.msk [tilespmem:s9+$0xFFFFFFFD ss:$0x0], $0xffff;
	v2 =	vsel vm7, v2, v20;
	v9 =	vmul.f32 v9, v16;
	v5 =	vmul.f32 $1.442695020e+00, v5  }
0x3c3: {  	v27 =	vld.msk [tilespmem:s9+$0xFFFFFFFE ss:$0x0], $0xffff;
	vm8 =	vgt.f32 v4, $0.0e+00;
	v2 =	vmul.f32 $1.442695020e+00, v2;
	vm9 =	vgt.f32 v3, $0.0e+00  }
0x3c4: {  	v29 =	vld.msk [tilespmem:s9+$0xFFFFFFFF ss:$0x0], $0xffff;
	v11 =	vadd.f32 v19, v14;
	v3 =	vsel vm9, v3, v12;
	[tilespmem:s28+$0xF0] =	vst v9;
	(erf) = vpow2.f32 v5  }
0x3c5: {  	v4 =	vsel vm8, v4, v13;
	v9 =	vld [tilespmem:s14+$0x100];
	(erf) = vpow2.f32 v2;
	v2 =	vmul.f32 $1.442695020e+00, v3  }
0x3c6: {  	v31 =	vld.msk [tilespmem:s9+$0x0 ss:$0x0], $0xffff;
	v4 =	vmul.f32 $1.442695020e+00, v4  }
0x3c7: {  	v34 =	vld.msk [tilespmem:s9+$0x1 ss:$0x0], $0xffff;
	v10 =	vadd.f32 v10, v11;
	v11 =	vmul.f32 $2.000000030e-01, v7  }
0x3c8: {  	s0 =	simm.s32 $0x8300;
	v35 =	vld.msk [tilespmem:s9+$0x2 ss:$0x0], $0xffff;
	v6 =	vbroadcast v15, $0x5;
	vm10 =	vgt.f32 v7, $0.0e+00;
	(erf) = vpow2.f32 v4  }
0x3c9: {  	s5 =	simm.s32 $0x7600;
	v40 =	vld [tilespmem:s0+$0xFFFFFFA0];
	v8 =	vmul.f32 $2.000000030e-01, v10;
	v5 =	vsel vm10, v7, v11;
	(erf) = vpow2.f32 v2;
	v2 =	vpop (erf)  }
0x3ca: {  	v41 =	vld [tilespmem:s5+$0xFFFFFFE0];
	vm11 =	vgt.f32 v10, $0.0e+00;
	v4 =	vmul.f32 $1.442695020e+00, v5;
	v5 =	vmul.f32 v6, v9;
	[tilespmem:s28+$0xFFFFFF50] =	vst v2  }
0x3cb: {  	v3 =	vsel vm11, v10, v8;
	v9 =	vld [tilespmem:s14+$0xFFFFFF10]  }
0x3cc: {  	v57 =	vld [tilespmem:s5+$0xFFFFFFF0];
	v3 =	vmul.f32 $1.442695020e+00, v3;
	[tilespmem:s28+$0x100] =	vst v5  }
0x3cd: {  	(erf) = vpow2.f32 v4;
	v4 =	vld [tilespmem:s14+$0x110]  }
0x3ce: {  	v58 =	vld [tilespmem:s5+$0x10];
	v16 =	vbroadcast v2, $0x4;
	v6 =	vpop (erf)  }
0x3cf: {  	v24 =	vmul.f32 v24, v1;
	v19 =	vld.msk [tilespmem:s9+$0x3 ss:$0x0], $0xffff;
	(erf) = vpow2.f32 v3;
	[tilespmem:s28+$0xFFFFFF00] =	vst v6  }
0x3d0: {  	v5 =	vbroadcast v15, $0x6;
	v3 =	vpop (erf);
	v10 =	vld [tilespmem:s14+$0xFFFFFEC0];
	v9 =	vmul.f32 v16, v9  }
0x3d1: {  	v21 =	vmul.f32 v21, v1;
	v29 =	vmul.f32 v29, v1;
	[tilespmem:s28+$0xFFFFFFA0] =	vst v3;
	v16 =	vld [tilespmem:s0+$0x130]  }
0x3d2: {  	v31 =	vmul.f32 v31, v1;
	v7 =	vmul.f32 v5, v4;
	v4 =	vpop (erf);
	[tilespmem:s28+$0xFFFFFF10] =	vst v9;
	v9 =	vld [tilespmem:s5+$0x30]  }
0x3d3: {  	v34 =	vmul.f32 v34, v1;
	v35 =	vmul.f32 v35, v1;
	v11 =	vld [tilespmem:s14+$0xFFFFFF60];
	[tilespmem:s28+$0xFFFFFFF0] =	vst v4  }
0x3d4: {  	v26 =	vbroadcast v2, $0x5;
	v22 =	vbroadcast v6, $0x4;
	v12 =	vld [tilespmem:s14+$0xFFFFFFB0]  }
0x3d5: {  	v23 =	vbroadcast v6, $0x5;
	v25 =	vbroadcast v3, $0x4;
	v5 =	vpop (erf);
	[tilespmem:s28+$0x110] =	vst v7;
	v20 =	vld [tilespmem:s14+$0xFFFFFF20]  }
0x3d6: {  	v28 =	vbroadcast v4, $0x4;
	v32 =	vbroadcast v4, $0x5;
	[tilespmem:s28+$0x40] =	vst v5;
	v13 =	vld [tilespmem:s14+$0x120]  }
0x3d7: {  	v30 =	vbroadcast v5, $0x4;
	v14 =	vld [tilespmem:s14+$0x0];
	v7 =	vpop (erf);
	v9 =	vadd.f32 v9, v16;
	v16 =	vmul.f32 v19, v1  }
0x3d8: {  	v25 =	vmul.f32 v25, v11;
	v11 =	vbroadcast v15, $0x7;
	v15 =	vld [tilespmem:s0+$0xFFFFFF50];
	v8 =	vpop (erf);
	[tilespmem:s28+$0x90] =	vst v7  }
0x3d9: {  	v36 =	vbroadcast v5, $0x5;
	v22 =	vmul.f32 v22, v10;
	v17 =	vld [tilespmem:s14+$0x50];
	[tilespmem:s28+$0xE0] =	vst v8;
	v9 =	vadd.f32 v16, v9  }
0x3da: {  	v33 =	vbroadcast v7, $0x4;
	v38 =	vbroadcast v7, $0x5;
	v18 =	vld [tilespmem:s14+$0xA0]  }
0x3db: {  	v28 =	vmul.f32 v28, v12;
	v12 =	vld [tilespmem:s5+$0xFFFFFFD0];
	v10 =	vmul.f32 $2.000000030e-01, v9  }
0x3dc: {  	[tilespmem:s28+$0xFFFFFEC0] =	vst v22;
	v20 =	vmul.f32 v26, v20;
	v26 =	vmul.f32 v27, v1;
	v27 =	vld [tilespmem:s0+$0x90];
	vm12 =	vgt.f32 v9, $0.0e+00  }
0x3dd: {  	v19 =	vbroadcast v3, $0x5;
	v39 =	vbroadcast v8, $0x5;
	[tilespmem:s28+$0xFFFFFF60] =	vst v25;
	v25 =	vld [tilespmem:s14+$0xFFFFFED0];
	v9 =	vsel vm12, v9, v10  }
0x3de: {  	v14 =	vmul.f32 v30, v14;
	v30 =	vld [tilespmem:s0+$0xFFFFFFF0];
	v10 =	vmul.f32 $1.442695020e+00, v9  }
0x3df: {  	v37 =	vld [tilespmem:s5+$0xFFFFFFC0];
	v62 =	vbroadcast v8, $0x6;
	v16 =	vbroadcast v8, $0x4;
	[tilespmem:s28+$0xFFFFFFB0] =	vst v28  }
0x3e0: {  	v11 =	vmul.f32 v11, v13;
	v28 =	vld [tilespmem:s14+$0xFFFFFFC0];
	v12 =	vadd.f32 v12, v15;
	(erf) = vpow2.f32 v10  }
0x3e1: {  	v17 =	vmul.f32 v33, v17;
	v16 =	vmul.f32 v16, v18;
	v18 =	vld [tilespmem:s0+$0x40];
	v27 =	vadd.f32 v58, v27  }
0x3e2: {  	[tilespmem:s28+$0x0] =	vst v14;
	v23 =	vmul.f32 v23, v25;
	v15 =	vld [tilespmem:s5+$0x0];
	v12 =	vadd.f32 v24, v12;
	v24 =	vadd.f32 v41, v40  }
0x3e3: {  	v13 =	vbroadcast v2, $0x6;
	v9 =	vbroadcast v6, $0x6;
	v30 =	vadd.f32 v57, v30;
	[tilespmem:s28+$0x50] =	vst v17;
	v17 =	vld [tilespmem:s14+$0x10]  }
0x3e4: {  	[tilespmem:s28+$0xFFFFFED0] =	vst v23;
	v27 =	vadd.f32 v34, v27;
	v34 =	vbroadcast v5, $0x6;
	v24 =	vadd.f32 v26, v24;
	v26 =	vld [tilespmem:s0+$0xFFFFFF00]  }
0x3e5: {  	[tilespmem:s28+$0xA0] =	vst v16;
	v10 =	vbroadcast v3, $0x6;
	v29 =	vadd.f32 v29, v30;
	v23 =	vmul.f32 v32, v28  }
0x3e6: {  	[tilespmem:s28+$0xFFFFFF20] =	vst v20;
	v20 =	vld [tilespmem:s14+$0xB0];
	v60 =	vmul.f32 $2.000000030e-01, v12;
	vm13 =	vgt.f32 v12, $0.0e+00;
	v22 =	vmul.f32 $2.000000030e-01, v27  }
0x3e7: {  	vm5 =	vgt.f32 v27, $0.0e+00;
	v15 =	vadd.f32 v15, v18;
	v61 =	vmul.f32 $2.000000030e-01, v29  }
0x3e8: {  	v59 =	vld [tilespmem:s0+$0xE0];
	v18 =	vmul.f32 $2.000000030e-01, v24;
	v30 =	vsel vm13, v12, v60;
	vm14 =	vgt.f32 v24, $0.0e+00  }
0x3e9: {  	s12 =	simm.s32 $0x8580;
	v42 =	vld [tilespmem:s5+$0x20];
	s5 =	simm.s32 $0xB500;
	v17 =	vmul.f32 v36, v17;
	v15 =	vadd.f32 v31, v15;
	v26 =	vadd.f32 v37, v26;
	v12 =	vpop (erf)  }
0x3ea: {  	v48 =	vld [tilespmem:s12+$0x130];
	vm15 =	vgt.f32 v29, $0.0e+00;
	v22 =	vsel vm5, v27, v22;
	v18 =	vsel vm14, v24, v18;
	[tilespmem:s5+$0x130] =	vst v12  }
0x3eb: {  	[tilespmem:s28+$0x10] =	vst v17;
	v17 =	vmul.f32 v39, v20;
	v31 =	vmul.f32 $2.000000030e-01, v15;
	v21 =	vadd.f32 v21, v26;
	v24 =	vld [tilespmem:s0+$0xF0]  }
0x3ec: {  	v25 =	vld [tilespmem:s14+$0xFFFFFEE0];
	v36 =	vbroadcast v7, $0x6;
	v30 =	vmul.f32 $1.442695020e+00, v30;
	vm4 =	vgt.f32 v15, $0.0e+00  }
0x3ed: {  	v29 =	vsel vm15, v29, v61;
	[tilespmem:s28+$0xB0] =	vst v17;
	v15 =	vsel vm4, v15, v31;
	v31 =	vld [tilespmem:s14+$0xFFFFFF70];
	v27 =	vmul.f32 $2.000000030e-01, v21  }
0x3ee: {  	s24 =	sadd.s32 $0x8, s9;
	v14 =	vmul.f32 $1.442695020e+00, v22;
	v61 =	vld [tilespmem:s14+$0xC0];
	v26 =	vbroadcast v12, $0x4;
	vm6 =	vgt.f32 v21, $0.0e+00  }
0x3ef: {  	v51 =	vld.msk [tilespmem:s24+$0x3 ss:$0x0], $0xffff;
	v29 =	vmul.f32 $1.442695020e+00, v29;
	(erf) = vpow2.f32 v30;
	v21 =	vsel vm6, v21, v27  }
0x3f0: {  	s10 =	simm.s32 $0x7680;
	v55 =	vld.msk [tilespmem:s24+$0xFFFFFFFD ss:$0x0], $0xffff;
	v33 =	vadd.f32 v42, v59;
	v21 =	vmul.f32 $1.442695020e+00, v21;
	v24 =	vmul.f32 v26, v24  }
0x3f1: {  	v59 =	vld [tilespmem:s10+$0xFFFFFFD0];
	v18 =	vmul.f32 $1.442695020e+00, v18;
	v15 =	vmul.f32 $1.442695020e+00, v15  }
0x3f2: {  	v33 =	vadd.f32 v35, v33;
	v16 =	vld [tilespmem:s14+$0x60];
	v19 =	vmul.f32 v19, v31;
	(erf) = vpow2.f32 v21;
	[tilespmem:s5+$0xF0] =	vst v24  }
0x3f3: {  	[tilespmem:s28+$0xFFFFFFC0] =	vst v23;
	v31 =	vmul.f32 v9, v25;
	v37 =	vmul.f32 v62, v61;
	v22 =	vld [tilespmem:s0+$0x100]  }
0x3f4: {  	v32 =	vld [tilespmem:s14+$0xFFFFFFD0];
	v26 =	vmul.f32 $2.000000030e-01, v33;
	(erf) = vpow2.f32 v18  }
0x3f5: {  	vm7 =	vgt.f32 v33, $0.0e+00;
	v35 =	vld [tilespmem:s14+$0x20];
	v21 =	vbroadcast v12, $0x5;
	(erf) = vpow2.f32 v29  }
0x3f6: {  	v58 =	vld.msk [tilespmem:s24+$0x0 ss:$0x0], $0xffff;
	v24 =	vsel vm7, v33, v26;
	(erf) = vpow2.f32 v15;
	v33 =	vbroadcast v4, $0x6  }
0x3f7: {  	[tilespmem:s28+$0xFFFFFF70] =	vst v19;
	v18 =	vld [tilespmem:s14+$0xFFFFFF30];
	v24 =	vmul.f32 $1.442695020e+00, v24;
	(erf) = vpow2.f32 v14  }
0x3f8: {  	v15 =	vld [tilespmem:s14+$0xFFFFFF80];
	v14 =	vmul.f32 v38, v16;
	v38 =	vpop (erf);
	v19 =	vmul.f32 v21, v22  }
0x3f9: {  	v40 =	vld [tilespmem:s10+$0xFFFFFFC0];
	[tilespmem:s5+$0xFFFFFF50] =	vst v38;
	v30 =	vbroadcast v38, $0x6;
	v32 =	vmul.f32 v33, v32  }
0x3fa: {  	v39 =	vld [tilespmem:s12+$0xFFFFFFF0];
	v33 =	vmul.f32 v34, v35;
	v35 =	vmul.f32 v55, v1;
	[tilespmem:s5+$0x100] =	vst v19  }
0x3fb: {  	(erf) = vpow2.f32 v24;
	[tilespmem:s28+$0x60] =	vst v14;
	v24 =	vbroadcast v2, $0x7;
	v60 =	vpop (erf);
	v16 =	vld [tilespmem:s0+$0x110]  }
0x3fc: {  	v14 =	vld [tilespmem:s0+$0xFFFFFF10];
	v2 =	vbroadcast v8, $0x7;
	v8 =	vbroadcast v38, $0x4;
	[tilespmem:s5+$0xFFFFFF00] =	vst v60  }
0x3fd: {  	v18 =	vmul.f32 v13, v18;
	v21 =	vmul.f32 v10, v15;
	v17 =	vld [tilespmem:s0+$0xFFFFFEC0]  }
0x3fe: {  	v61 =	vld [tilespmem:s12+$0xFFFFFF00];
	v19 =	vbroadcast v6, $0x7;
	v6 =	vbroadcast v12, $0x6  }
0x3ff: {  	v34 =	vld [tilespmem:s12+$0xFFFFFFA0];
	v42 =	vpop (erf);
	v13 =	vbroadcast v60, $0x4;
	v20 =	vbroadcast v60, $0x5  }
0x400: {  	v63 =	vld [tilespmem:s14+$0x70];
	v28 =	vbroadcast v60, $0x6;
	[tilespmem:s5+$0xFFFFFFA0] =	vst v42;
	v16 =	vmul.f32 v6, v16  }
0x401: {  	v6 =	vbroadcast v5, $0x7;
	v5 =	vbroadcast v7, $0x7;
	v7 =	vld [tilespmem:s0+$0xFFFFFF60]  }
0x402: {  	v43 =	vpop (erf);
	v8 =	vmul.f32 v8, v14;
	v52 =	vmul.f32 v13, v17;
	v13 =	vld [tilespmem:s10+$0x30];
	[tilespmem:s5+$0x110] =	vst v16  }
0x403: {  	v15 =	vbroadcast v42, $0x4;
	v23 =	vbroadcast v42, $0x5;
	[tilespmem:s5+$0xFFFFFFF0] =	vst v43;
	v44 =	vpop (erf);
	v9 =	vld [tilespmem:s0+$0x120]  }
0x404: {  	v25 =	vbroadcast v43, $0x4;
	v22 =	vbroadcast v43, $0x5;
	v27 =	vld [tilespmem:s0+$0xFFFFFFB0];
	v45 =	vpop (erf);
	[tilespmem:s5+$0x40] =	vst v44  }
0x405: {  	v36 =	vmul.f32 v36, v63;
	v29 =	vbroadcast v44, $0x4;
	v10 =	vld [tilespmem:s0+$0x0];
	v46 =	vpop (erf)  }
0x406: {  	v63 =	vld [tilespmem:s10+$0x0];
	[tilespmem:s5+$0xE0] =	vst v46;
	v53 =	vmul.f32 v15, v7;
	v7 =	vbroadcast v12, $0x7  }
0x407: {  	[tilespmem:s5+$0xFFFFFF10] =	vst v8;
	v26 =	vbroadcast v44, $0x5;
	v49 =	vbroadcast v45, $0x4;
	v8 =	vld [tilespmem:s0+$0xA0]  }
0x408: {  	[tilespmem:s5+$0x90] =	vst v45;
	v47 =	vld [tilespmem:s0+$0xFFFFFF20];
	v56 =	vmul.f32 v7, v9;
	v7 =	vadd.f32 v13, v48;
	v13 =	vmul.f32 v51, v1  }
0x409: {  	[tilespmem:s28+$0x120] =	vst v11;
	v11 =	vbroadcast v45, $0x7;
	v14 =	vld [tilespmem:s0+$0x50];
	v54 =	vmul.f32 v25, v27  }
0x40a: {  	v50 =	vbroadcast v46, $0x4;
	[tilespmem:s5+$0xFFFFFEC0] =	vst v52;
	v57 =	vmul.f32 v29, v10;
	v10 =	vld.msk [tilespmem:s24+$0xFFFFFFFF ss:$0x0], $0xffff;
	v7 =	vadd.f32 v13, v7  }
0x40b: {  	v17 =	vbroadcast v46, $0x6;
	v16 =	vbroadcast v38, $0x5;
	[tilespmem:s5+$0xFFFFFFB0] =	vst v54;
	v54 =	vld [tilespmem:s0+$0xFFFFFED0]  }
0x40c: {  	v50 =	vmul.f32 v50, v8;
	v8 =	vld [tilespmem:s12+$0xFFFFFF50];
	v13 =	vmul.f32 $2.000000030e-01, v7  }
0x40d: {  	v27 =	vbroadcast v45, $0x5;
	v25 =	vbroadcast v46, $0x5;
	v12 =	vld.msk [tilespmem:s24+$0xFFFFFFFC ss:$0x0], $0xffff;
	vm8 =	vgt.f32 v7, $0.0e+00  }
0x40e: {  	v29 =	vbroadcast v42, $0x6;
	v47 =	vmul.f32 v16, v47;
	[tilespmem:s5+$0xFFFFFF60] =	vst v53;
	v53 =	vld [tilespmem:s0+$0xFFFFFFC0];
	v7 =	vsel vm8, v7, v13  }
0x40f: {  	v16 =	vbroadcast v44, $0x6;
	v9 =	vld.msk [tilespmem:s24+$0xFFFFFFFE ss:$0x0], $0xffff;
	v62 =	vmul.f32 $1.442695020e+00, v7  }
0x410: {  	v15 =	vbroadcast v45, $0x6;
	v48 =	vmul.f32 v49, v14;
	v49 =	vld.msk [tilespmem:s24+$0x1 ss:$0x0], $0xffff  }
0x411: {  	v51 =	vld.msk [tilespmem:s24+$0x2 ss:$0x0], $0xffff;
	v14 =	vbroadcast v43, $0x6;
	v55 =	vadd.f32 v59, v8;
	(erf) = vpow2.f32 v62  }
0x412: {  	v20 =	vmul.f32 v20, v54;
	v41 =	vmul.f32 v12, v1;
	v12 =	vld [tilespmem:s10+$0xFFFFFFF0]  }
0x413: {  	v8 =	vbroadcast v38, $0x7;
	v35 =	vadd.f32 v35, v55;
	v55 =	vmul.f32 v58, v1;
	v13 =	vld [tilespmem:s10+$0xFFFFFFE0]  }
0x414: {  	v40 =	vadd.f32 v40, v61;
	v59 =	vld [tilespmem:s12+$0x40];
	v22 =	vmul.f32 v22, v53;
	v38 =	vmul.f32 v9, v1  }
0x415: {  	[tilespmem:s5+$0xA0] =	vst v50;
	v9 =	vbroadcast v42, $0x7;
	v49 =	vmul.f32 v49, v1  }
0x416: {  	[tilespmem:s5+$0xFFFFFF20] =	vst v47;
	v47 =	vld [tilespmem:s0+$0xB0];
	v40 =	vadd.f32 v41, v40;
	v51 =	vmul.f32 v51, v1;
	v58 =	vmul.f32 $2.000000030e-01, v35  }
0x417: {  	[tilespmem:s28+$0xFFFFFEE0] =	vst v31;
	vm9 =	vgt.f32 v35, $0.0e+00;
	v7 =	vbroadcast v60, $0x7;
	v60 =	vmul.f32 v10, v1  }
0x418: {  	[tilespmem:s28+$0xFFFFFF30] =	vst v18;
	v10 =	vbroadcast v43, $0x7;
	v43 =	vld [tilespmem:s12+$0x90];
	v12 =	vadd.f32 v12, v39;
	v34 =	vadd.f32 v13, v34  }
0x419: {  	[tilespmem:s28+$0x70] =	vst v36;
	vm15 =	vgt.f32 v40, $0.0e+00;
	v18 =	vmul.f32 $2.000000030e-01, v40;
	v39 =	vld [tilespmem:s10+$0x10];
	v42 =	vadd.f32 v63, v59  }
0x41a: {  	s13 =	simm.s32 $0xB780;
	[tilespmem:s5+$0x0] =	vst v57;
	v45 =	vadd.f32 v60, v12;
	v60 =	vld [tilespmem:s10+$0x20];
	v34 =	vadd.f32 v38, v34;
	v38 =	vsel vm9, v35, v58;
	v35 =	vpop (erf)  }
0x41b: {  	v25 =	vmul.f32 v25, v47;
	v40 =	vsel vm15, v40, v18;
	v13 =	vbroadcast v44, $0x7;
	v44 =	vld [tilespmem:s12+$0xE0];
	[tilespmem:s13+$0x130] =	vst v35  }
0x41c: {  	[tilespmem:s5+$0x120] =	vst v56;
	v12 =	vbroadcast v46, $0x7;
	v42 =	vadd.f32 v55, v42;
	v56 =	vmul.f32 $1.442695020e+00, v40;
	v58 =	vld [tilespmem:s12+$0xF0]  }
0x41d: {  	v52 =	vld [tilespmem:s14+$0xFFFFFEF0];
	[tilespmem:s5+$0x50] =	vst v48;
	v63 =	vmul.f32 $2.000000030e-01, v45;
	vm11 =	vgt.f32 v45, $0.0e+00;
	v38 =	vmul.f32 $1.442695020e+00, v38  }
0x41e: {  	[tilespmem:s5+$0xFFFFFED0] =	vst v20;
	v20 =	vld [tilespmem:s14+$0x80];
	v57 =	vmul.f32 $2.000000030e-01, v42;
	v39 =	vadd.f32 v39, v43;
	v62 =	vmul.f32 $2.000000030e-01, v34  }
0x41f: {  	v50 =	vld [tilespmem:s0+$0x60];
	vm12 =	vgt.f32 v42, $0.0e+00;
	(erf) = vpow2.f32 v38;
	v61 =	vbroadcast v35, $0x4  }
0x420: {  	[tilespmem:s28+$0xC0] =	vst v37;
	v46 =	vld [tilespmem:s0+$0x10];
	v39 =	vadd.f32 v49, v39;
	vm10 =	vgt.f32 v34, $0.0e+00;
	v44 =	vadd.f32 v60, v44  }
0x421: {  	[tilespmem:s5+$0xFFFFFFC0] =	vst v22;
	v22 =	vld [tilespmem:s14+$0xD0];
	v60 =	vsel vm12, v42, v57;
	v34 =	vsel vm10, v34, v62;
	v42 =	vmul.f32 v61, v58  }
0x422: {  	v45 =	vsel vm11, v45, v63;
	v63 =	vld [tilespmem:s0+$0xFFFFFF30];
	v59 =	vmul.f32 $2.000000030e-01, v39;
	v34 =	vmul.f32 $1.442695020e+00, v34  }
0x423: {  	v41 =	vmul.f32 $1.442695020e+00, v60;
	(erf) = vpow2.f32 v56;
	v60 =	vld [tilespmem:s0+$0xFFFFFEE0];
	[tilespmem:s13+$0xF0] =	vst v42  }
0x424: {  	v45 =	vmul.f32 $1.442695020e+00, v45;
	vm13 =	vgt.f32 v39, $0.0e+00;
	(erf) = vpow2.f32 v34;
	v42 =	vld [tilespmem:s12+$0x100]  }
0x425: {  	[tilespmem:s28+$0xFFFFFF80] =	vst v21;
	v43 =	vld [tilespmem:s0+$0xFFFFFF70];
	v26 =	vmul.f32 v26, v46;
	v44 =	vadd.f32 v51, v44;
	v31 =	vsel vm13, v39, v59  }
0x426: {  	[tilespmem:s5+$0xB0] =	vst v25;
	v18 =	vld [tilespmem:s14+$0xFFFFFF90];
	v31 =	vmul.f32 $1.442695020e+00, v31;
	v59 =	vbroadcast v35, $0x5  }
0x427: {  	v47 =	vld [tilespmem:s0+$0xC0];
	v62 =	vmul.f32 $2.000000030e-01, v44;
	(erf) = vpow2.f32 v45  }
0x428: {  	v55 =	vld [tilespmem:s14+$0xFFFFFF40];
	[tilespmem:s5+$0x10] =	vst v26;
	vm14 =	vgt.f32 v44, $0.0e+00;
	(erf) = vpow2.f32 v41;
	v46 =	vmul.f32 v28, v60;
	v28 =	vpop (erf)  }
0x429: {  	v45 =	vld [tilespmem:s0+$0x20];
	v21 =	vsel vm14, v44, v62;
	v41 =	vmul.f32 v30, v63;
	[tilespmem:s13+$0xFFFFFF50] =	vst v28;
	v61 =	vmul.f32 v59, v42  }
0x42a: {  	[tilespmem:s28+$0xFFFFFFD0] =	vst v32;
	v57 =	vmul.f32 $1.442695020e+00, v21;
	v58 =	vmul.f32 v23, v43;
	v63 =	vld [tilespmem:s12+$0xFFFFFF10]  }
0x42b: {  	v3 =	vbroadcast v3, $0x7;
	v21 =	vld [tilespmem:s14+$0xFFFFFFE0];
	(erf) = vpow2.f32 v31;
	[tilespmem:s13+$0x100] =	vst v61  }
0x42c: {  	v4 =	vbroadcast v4, $0x7;
	(erf) = vpow2.f32 v57;
	v34 =	vpop (erf);
	[tilespmem:s5+$0xFFFFFF70] =	vst v58;
	v31 =	vld [tilespmem:s12+$0x110]  }
0x42d: {  	v37 =	vmul.f32 v19, v52;
	v26 =	vbroadcast v28, $0x4;
	[tilespmem:s13+$0xFFFFFF00] =	vst v34;
	v62 =	vld [tilespmem:s0+$0xFFFFFF80];
	v30 =	vpop (erf)  }
0x42e: {  	v27 =	vmul.f32 v27, v50;
	v39 =	vmul.f32 v24, v55;
	v48 =	vld [tilespmem:s12+$0xFFFFFEC0];
	[tilespmem:s13+$0xFFFFFFA0] =	vst v30  }
0x42f: {  	[tilespmem:s28+$0x20] =	vst v33;
	v24 =	vbroadcast v35, $0x6;
	v60 =	vld [tilespmem:s12+$0xFFFFFF60];
	v63 =	vmul.f32 v26, v63  }
0x430: {  	[tilespmem:s5+$0x60] =	vst v27;
	v55 =	vbroadcast v35, $0x7;
	v23 =	vld [tilespmem:s14+$0x30];
	v49 =	vbroadcast v28, $0x5  }
0x431: {  	v43 =	vld [tilespmem:s0+$0x70];
	v27 =	vbroadcast v34, $0x4;
	[tilespmem:s13+$0xFFFFFF10] =	vst v63;
	v24 =	vmul.f32 v24, v31;
	v31 =	vpop (erf)  }
0x432: {  	v19 =	vbroadcast v34, $0x5;
	v53 =	vbroadcast v30, $0x4;
	v42 =	vld [tilespmem:s0+$0xFFFFFFD0];
	[tilespmem:s13+$0xFFFFFFF0] =	vst v31  }
0x433: {  	v25 =	vbroadcast v30, $0x5;
	v44 =	vmul.f32 v29, v62;
	v29 =	vpop (erf);
	v62 =	vld [tilespmem:s12+$0xFFFFFFB0];
	[tilespmem:s13+$0x110] =	vst v24  }
0x434: {  	v27 =	vmul.f32 v27, v48;
	v54 =	vmul.f32 v53, v60;
	v32 =	vpop (erf);
	[tilespmem:s13+$0x40] =	vst v29;
	v36 =	vld [tilespmem:s12+$0x120]  }
0x435: {  	v61 =	vbroadcast v31, $0x4;
	v38 =	vbroadcast v29, $0x4;
	v33 =	vpop (erf);
	v40 =	vld [tilespmem:s12+$0x0];
	[tilespmem:s13+$0x90] =	vst v32  }
0x436: {  	v24 =	vbroadcast v31, $0x5;
	v26 =	vbroadcast v29, $0x5;
	v52 =	vld [tilespmem:s12+$0x50];
	[tilespmem:s13+$0xE0] =	vst v33  }
0x437: {  	[tilespmem:s13+$0xFFFFFEC0] =	vst v27;
	v50 =	vbroadcast v32, $0x4;
	v27 =	vbroadcast v32, $0x5;
	v53 =	vld [tilespmem:s12+$0xA0]  }
0x438: {  	s9 =	simm.s32 $0x8800;
	s14 =	simm.s32 $0x10;
	v48 =	vld [tilespmem:s12+$0xFFFFFF20];
	v51 =	vbroadcast v33, $0x4;
	v56 =	vmul.f32 v61, v62  }
.LBB2_13:
0x439: {  	v57 =	vld [tilespmem:s9+$0x130];
	[tilespmem:s13+$0xFFFFFF60] =	vst v54;
	v35 =	vbroadcast v33, $0x5;
	v54 =	vmul.f32 v55, v36;
	s24 =	sadd.s32 $0x8, s24  }
0x43a: {  	s14 =	sadd.s32 $0x8, s14;
	v36 =	vbroadcast v34, $0x6;
	s10 =	sadd.s32 $0x80, s10;
	v55 =	vld.msk [tilespmem:s24+$0x3 ss:$0x0], $0xffff;
	[tilespmem:s13+$0xFFFFFFB0] =	vst v56;
	v56 =	vmul.f32 v38, v40  }
0x43b: {  	p2 =	slt.u32 s14, $0x48;
	v40 =	vbroadcast v28, $0x6;
	v58 =	vld [tilespmem:s10+$0x30];
	v50 =	vmul.f32 v50, v52;
	[tilespmem:s13+$0x120] =	vst v54  }
0x43c: {  	v38 =	vbroadcast v30, $0x6;
	v52 =	vld.msk [tilespmem:s24+$0xFFFFFFFC ss:$0x0], $0xffff;
	[tilespmem:s13+$0x0] =	vst v56;
	v51 =	vmul.f32 v51, v53  }
0x43d: {  	v53 =	vld.msk [tilespmem:s24+$0xFFFFFFFD ss:$0x0], $0xffff;
	v48 =	vmul.f32 v49, v48;
	v49 =	vbroadcast v31, $0x6;
	[tilespmem:s13+$0x50] =	vst v50  }
0x43e: {  	v54 =	vbroadcast v29, $0x6;
	v56 =	vbroadcast v32, $0x6;
	v50 =	vld.msk [tilespmem:s24+$0xFFFFFFFE ss:$0x0], $0xffff;
	[tilespmem:s13+$0xA0] =	vst v51  }
0x43f: {  	v42 =	vmul.f32 v14, v42;
	v51 =	vld.msk [tilespmem:s24+$0xFFFFFFFF ss:$0x0], $0xffff;
	[tilespmem:s13+$0xFFFFFF20] =	vst v48;
	v48 =	vbroadcast v33, $0x6;
	v14 =	vmov v49  }
0x440: {  	v45 =	vmul.f32 v16, v45;
	v55 =	vmul.f32 v55, v1;
	v49 =	vld.msk [tilespmem:s24+$0x0 ss:$0x0], $0xffff;
	v57 =	vadd.f32 v58, v57;
	[tilespmem:s5+$0xFFFFFEE0] =	vst v46  }
0x441: {  	v47 =	vmul.f32 v17, v47;
	v16 =	vmovc v54;
	v46 =	vld.msk [tilespmem:s24+$0x1 ss:$0x0], $0xffff;
	[tilespmem:s5+$0xFFFFFF30] =	vst v41;
	v41 =	vmul.f32 v15, v43;
	v15 =	vmov v56  }
0x442: {  	v52 =	vmul.f32 v52, v1;
	v43 =	vbroadcast v34, $0x7;
	v17 =	vmovc v48;
	v54 =	vld.msk [tilespmem:s24+$0x2 ss:$0x0], $0xffff;
	v55 =	vadd.f32 v55, v57;
	[tilespmem:s5+$0xFFFFFF80] =	vst v44  }
0x443: {  	v34 =	vbroadcast v28, $0x7;
	v48 =	vmul.f32 v53, v1;
	v44 =	vld [tilespmem:s10+$0xFFFFFFC0];
	[tilespmem:s5+$0xFFFFFFD0] =	vst v42  }
0x444: {  	v42 =	vmul.f32 v50, v1;
	v28 =	vld [tilespmem:s9+$0xFFFFFF50];
	v50 =	vmul.f32 $2.000000030e-01, v55;
	[tilespmem:s5+$0x20] =	vst v45  }
0x445: {  	v30 =	vbroadcast v30, $0x7;
	v51 =	vmul.f32 v51, v1;
	vm0 =	vgt.f32 v55, $0.0e+00;
	v45 =	vld [tilespmem:s10+$0xFFFFFFD0];
	[tilespmem:s5+$0x70] =	vst v41  }
0x446: {  	v31 =	vbroadcast v31, $0x7;
	v49 =	vmul.f32 v49, v1;
	v41 =	vld [tilespmem:s9+$0xFFFFFFA0];
	v50 =	vsel vm0, v55, v50;
	[tilespmem:s5+$0xC0] =	vst v47  }
0x447: {  	v46 =	vmul.f32 v46, v1;
	v47 =	vld [tilespmem:s10+$0xFFFFFFE0];
	v50 =	vmul.f32 $1.442695020e+00, v50;
	[tilespmem:s28+$0xFFFFFEF0] =	vst v37  }
0x448: {  	v29 =	vbroadcast v29, $0x7;
	v53 =	vmul.f32 v54, v1;
	v37 =	vld [tilespmem:s9+$0xFFFFFFF0];
	[tilespmem:s28+$0xFFFFFF40] =	vst v39  }
0x449: {  	v32 =	vbroadcast v32, $0x7;
	v39 =	vld [tilespmem:s10+$0xFFFFFFF0];
	(erf) = vpow2.f32 v50  }
0x44a: {  	v18 =	vmul.f32 v3, v18;
	v3 =	vmovc v9;
	v9 =	vmovc v30;
	v33 =	vbroadcast v33, $0x7;
	v28 =	vadd.f32 v45, v28;
	v45 =	vld [tilespmem:s9+$0x40]  }
0x44b: {  	v21 =	vmul.f32 v4, v21;
	v23 =	vmul.f32 v6, v23;
	v4 =	vmovc v10;
	v6 =	vmovc v13;
	v10 =	vmov v31;
	v30 =	vld [tilespmem:s10+$0x0]  }
0x44c: {  	v28 =	vadd.f32 v48, v28;
	v31 =	vadd.f32 v47, v41;
	v41 =	vld [tilespmem:s9+$0x90];
	[tilespmem:s28+$0xFFFFFF90] =	vst v18;
	v18 =	vmul.f32 v5, v20  }
0x44d: {  	v13 =	vmovc v29;
	v5 =	vmovc v11;
	v11 =	vmov v32;
	v20 =	vld [tilespmem:s10+$0x10];
	[tilespmem:s28+$0xFFFFFFE0] =	vst v21;
	v21 =	vmul.f32 v2, v22;
	v2 =	vmov v12  }
0x44e: {  	v12 =	vmovc v33;
	v22 =	vmul.f32 $2.000000030e-01, v28;
	v29 =	vadd.f32 v42, v31;
	v31 =	vadd.f32 v39, v37;
	v32 =	vld [tilespmem:s9+$0xE0];
	[tilespmem:s28+$0x30] =	vst v23  }
0x44f: {  	vm0 =	vgt.f32 v28, $0.0e+00;
	v23 =	vld [tilespmem:s10+$0x20];
	[tilespmem:s28+$0x80] =	vst v18  }
0x450: {  	v18 =	vld [tilespmem:s9+$0xFFFFFF00];
	v33 =	vmul.f32 $2.000000030e-01, v29;
	v31 =	vadd.f32 v51, v31;
	v30 =	vadd.f32 v30, v45;
	[tilespmem:s28+$0xD0] =	vst v21;
	s28 =	smov.u32 s5;
	s5 =	smov.u32 s13  }
0x451: {  	v21 =	vsel vm0, v28, v22;
	vm0 =	vgt.f32 v29, $0.0e+00;
	v22 =	vld [tilespmem:s12+$0xFFFFFED0]  }
0x452: {  	s13 =	sadd.s32 $0x280, s13;
	v28 =	vmul.f32 $2.000000030e-01, v31;
	v30 =	vadd.f32 v49, v30;
	v20 =	vadd.f32 v20, v41;
	v48 =	vpop (erf);
	v37 =	vld [tilespmem:s12+$0xFFFFFF70]  }
0x453: {  	v21 =	vmul.f32 $1.442695020e+00, v21;
	v29 =	vsel vm0, v29, v33;
	vm0 =	vgt.f32 v31, $0.0e+00;
	[tilespmem:s13+$0x130] =	vst v48;
	v33 =	vld [tilespmem:s12+$0xFFFFFFC0]  }
0x454: {  	v39 =	vmul.f32 $2.000000030e-01, v30;
	v20 =	vadd.f32 v46, v20;
	v23 =	vadd.f32 v23, v32;
	v32 =	vld [tilespmem:s9+$0xF0]  }
0x455: {  	v28 =	vsel vm0, v31, v28;
	vm0 =	vgt.f32 v30, $0.0e+00;
	v18 =	vadd.f32 v44, v18;
	v31 =	vld [tilespmem:s12+$0x10]  }
0x456: {  	vm1 =	vgt.f32 v20, $0.0e+00;
	v41 =	vmul.f32 $2.000000030e-01, v20;
	v23 =	vadd.f32 v53, v23;
	v44 =	vld [tilespmem:s12+$0x60]  }
0x457: {  	v30 =	vsel vm0, v30, v39;
	v39 =	vbroadcast v48, $0x4;
	v18 =	vadd.f32 v52, v18;
	v45 =	vld [tilespmem:s12+$0xB0]  }
0x458: {  	v20 =	vsel vm1, v20, v41;
	vm0 =	vgt.f32 v23, $0.0e+00;
	v41 =	vmul.f32 $2.000000030e-01, v23;
	v46 =	vld [tilespmem:s12+$0xFFFFFF30]  }
0x459: {  	vm1 =	vgt.f32 v18, $0.0e+00;
	v42 =	vmul.f32 $2.000000030e-01, v18;
	v32 =	vmul.f32 v39, v32;
	v39 =	vld [tilespmem:s0+$0xFFFFFEF0]  }
0x45a: {  	v29 =	vmul.f32 $1.442695020e+00, v29;
	v28 =	vmul.f32 $1.442695020e+00, v28;
	v23 =	vsel vm0, v23, v41;
	v47 =	vld [tilespmem:s0+$0xFFFFFF40]  }
0x45b: {  	v30 =	vmul.f32 $1.442695020e+00, v30;
	v41 =	vsel vm1, v18, v42;
	v42 =	vmul.f32 $1.442695020e+00, v20;
	[tilespmem:s13+$0xF0] =	vst v32;
	v18 =	vld [tilespmem:s0+$0xFFFFFF90]  }
0x45c: {  	v32 =	vmul.f32 $1.442695020e+00, v23;
	v20 =	vmul.f32 $1.442695020e+00, v41;
	v41 =	vld [tilespmem:s9+$0x100]  }
0x45d: {  	v19 =	vmul.f32 v19, v22;
	(erf) = vpow2.f32 v21;
	v21 =	vld [tilespmem:s0+$0xFFFFFFE0]  }
0x45e: {  	v22 =	vmul.f32 v25, v37;
	(erf) = vpow2.f32 v20;
	v23 =	vld [tilespmem:s0+$0x30]  }
0x45f: {  	v25 =	vbroadcast v48, $0x5;
	(erf) = vpow2.f32 v29;
	[tilespmem:s5+$0xFFFFFED0] =	vst v19;
	v20 =	vld [tilespmem:s0+$0x80]  }
0x460: {  	(erf) = vpow2.f32 v28;
	v19 =	vld [tilespmem:s12+$0xFFFFFEE0];
	[tilespmem:s5+$0xFFFFFF70] =	vst v22;
	v22 =	vmul.f32 v24, v33  }
0x461: {  	v24 =	vmul.f32 v25, v41;
	(erf) = vpow2.f32 v30;
	v25 =	vld [tilespmem:s12+$0xFFFFFF80]  }
0x462: {  	v26 =	vmul.f32 v26, v31;
	(erf) = vpow2.f32 v42;
	[tilespmem:s5+$0xFFFFFFC0] =	vst v22;
	v22 =	vld [tilespmem:s0+$0xD0];
	s0 =	smov.u32 s12;
	s12 =	smov.u32 s9  }
0x463: {  	[tilespmem:s13+$0x100] =	vst v24;
	(erf) = vpow2.f32 v32;
	v42 =	vld [tilespmem:s0+$0xFFFFFFD0];
	v24 =	vmul.f32 v27, v44  }
0x464: {  	v41 =	vmul.f32 v40, v46;
	v27 =	vld [tilespmem:s9+$0x110];
	[tilespmem:s5+$0x10] =	vst v26;
	v26 =	vmul.f32 v35, v45  }
0x465: {  	v37 =	vmul.f32 v7, v39;
	v7 =	vmov v43;
	v46 =	vmul.f32 v36, v19;
	v45 =	vld [tilespmem:s0+$0x20];
	[tilespmem:s5+$0x60] =	vst v24  }
0x466: {  	v39 =	vmul.f32 v8, v47;
	v8 =	vmov v34;
	v28 =	vpop (erf);
	v44 =	vmul.f32 v38, v25;
	v43 =	vld [tilespmem:s0+$0x70];
	[tilespmem:s5+$0xB0] =	vst v26  }
0x467: {  	v24 =	vbroadcast v48, $0x6;
	[tilespmem:s13+$0xFFFFFF50] =	vst v28;
	v26 =	vbroadcast v28, $0x4;
	v34 =	vpop (erf);
	v47 =	vld [tilespmem:s0+$0xC0]  }
0x468: {  	[tilespmem:s13+$0xFFFFFF00] =	vst v34;
	v35 =	vbroadcast v34, $0x4;
	v19 =	vbroadcast v34, $0x5;
	v40 =	vld [tilespmem:s9+$0xFFFFFF10];
	v30 =	vpop (erf)  }
0x469: {  	v52 =	vld [tilespmem:s9+$0xFFFFFEC0];
	[tilespmem:s13+$0xFFFFFFA0] =	vst v30;
	v53 =	vbroadcast v30, $0x4;
	v24 =	vmul.f32 v24, v27;
	v31 =	vpop (erf)  }
0x46a: {  	v49 =	vbroadcast v28, $0x5;
	v27 =	vld [tilespmem:s9+$0xFFFFFF60];
	[tilespmem:s13+$0xFFFFFFF0] =	vst v31;
	v56 =	vbroadcast v31, $0x4;
	v29 =	vpop (erf)  }
0x46b: {  	v25 =	vbroadcast v30, $0x5;
	v57 =	vld [tilespmem:s9+$0xFFFFFFB0];
	v38 =	vbroadcast v29, $0x4;
	[tilespmem:s13+$0x110] =	vst v24;
	v32 =	vpop (erf)  }
.Ltmp5:
0x46c: {  	v24 =	vbroadcast v31, $0x5;
	[tilespmem:s13+$0x40] =	vst v29;
	v50 =	vbroadcast v32, $0x4;
	v36 =	vld [tilespmem:s9+$0x120];
	v33 =	vpop (erf);
	(pc) =	sbr.rel @p2 .LBB2_13-.Ltmp5, $4  }
0x46d: {  	v54 =	vmul.f32 v26, v40;
	v40 =	vld [tilespmem:s9+$0x0];
	[tilespmem:s13+$0x90] =	vst v32;
	v51 =	vbroadcast v33, $0x4  }
0x46e: {  	v26 =	vbroadcast v29, $0x5;
	v35 =	vmul.f32 v35, v52;
	v52 =	vld [tilespmem:s9+$0x50];
	[tilespmem:s13+$0xE0] =	vst v33  }
0x46f: {  	v55 =	vbroadcast v48, $0x7;
	[tilespmem:s13+$0xFFFFFF10] =	vst v54;
	v54 =	vmul.f32 v53, v27;
	v53 =	vld [tilespmem:s9+$0xA0]  }
0x470: {  	v27 =	vbroadcast v32, $0x5;
	s9 =	sadd.s32 $0x280, s9;
	[tilespmem:s13+$0xFFFFFEC0] =	vst v35;
	v48 =	vld [tilespmem:s12+$0xFFFFFF20];
	v56 =	vmul.f32 v56, v57  }
0x471: {  	[tilespmem:s13+$0xFFFFFF60] =	vst v54  }
0x472: {  	[tilespmem:s5+$0xFFFFFEE0] =	vst v46  }
0x473: {  	[tilespmem:s5+$0xFFFFFF30] =	vst v41  }
0x474: {  	[tilespmem:s5+$0xFFFFFF80] =	vst v44  }
0x475: {  	[tilespmem:s28+$0xFFFFFEF0] =	vst v37  }
0x476: {  	v35 =	vmul.f32 v55, v36;
	[tilespmem:s28+$0xFFFFFF40] =	vst v39  }
0x477: {  	v14 =	vmul.f32 v14, v42;
	[tilespmem:s13+$0xFFFFFFB0] =	vst v56  }
0x478: {  	v16 =	vmul.f32 v16, v45;
	[tilespmem:s13+$0x120] =	vst v35  }
0x479: {  	v15 =	vmul.f32 v15, v43;
	[tilespmem:s5+$0xFFFFFFD0] =	vst v14  }
0x47a: {  	v3 =	vmul.f32 v3, v18;
	[tilespmem:s5+$0x20] =	vst v16  }
0x47b: {  	v4 =	vmul.f32 v4, v21;
	[tilespmem:s5+$0x70] =	vst v15  }
0x47c: {  	v6 =	vmul.f32 v6, v23;
	[tilespmem:s28+$0xFFFFFF90] =	vst v3  }
0x47d: {  	v61 =	vmul.f32 v38, v40;
	[tilespmem:s28+$0xFFFFFFE0] =	vst v4  }
0x47e: {  	v14 =	vmul.f32 v17, v47;
	v15 =	vld [tilespmem:s12+$0xFFFFFED0];
	[tilespmem:s28+$0x30] =	vst v6  }
0x47f: {  	v62 =	vmul.f32 v50, v52;
	v16 =	vld [tilespmem:s12+$0xFFFFFFC0];
	[tilespmem:s13+$0x0] =	vst v61  }
0x480: {  	v63 =	vmul.f32 v51, v53;
	[tilespmem:s5+$0xC0] =	vst v14;
	v14 =	vld [tilespmem:s12+$0xFFFFFF70]  }
0x481: {  	v40 =	vmul.f32 v49, v48;
	[tilespmem:s13+$0x50] =	vst v62;
	v3 =	vld [tilespmem:s12+$0x10]  }
0x482: {  	v5 =	vmul.f32 v5, v20;
	[tilespmem:s13+$0xA0] =	vst v63;
	v4 =	vld [tilespmem:s12+$0x60]  }
0x483: {  	[tilespmem:s13+$0xFFFFFF20] =	vst v40;
	v6 =	vld [tilespmem:s12+$0xB0];
	v15 =	vmul.f32 v19, v15  }
0x484: {  	v2 =	vmul.f32 v2, v22;
	[tilespmem:s28+$0x80] =	vst v5;
	v17 =	vld [tilespmem:s12+$0xFFFFFF30]  }
0x485: {  	v19 =	vld [tilespmem:s0+$0xFFFFFEF0];
	v14 =	vmul.f32 v25, v14;
	[tilespmem:s13+$0xFFFFFED0] =	vst v15  }
0x486: {  	[tilespmem:s28+$0xD0] =	vst v2;
	v15 =	vmul.f32 v24, v16;
	v5 =	vld [tilespmem:s12+$0xFFFFFEE0]  }
0x487: {  	v16 =	vbroadcast v33, $0x5;
	v3 =	vmul.f32 v26, v3;
	[tilespmem:s13+$0xFFFFFF70] =	vst v14  }
0x488: {  	v4 =	vmul.f32 v27, v4;
	[tilespmem:s13+$0xFFFFFFC0] =	vst v15;
	v15 =	vbroadcast v34, $0x6;
	v14 =	vld [tilespmem:s12+$0xFFFFFF80]  }
0x489: {  	[tilespmem:s13+$0x10] =	vst v3;
	v3 =	vmul.f32 v16, v6;
	v6 =	vbroadcast v28, $0x6;
	v18 =	vld [tilespmem:s12+$0xFFFFFFD0]  }
0x48a: {  	v16 =	vld [tilespmem:s12+$0x20];
	[tilespmem:s13+$0x60] =	vst v4;
	v4 =	vbroadcast v30, $0x6;
	v7 =	vmul.f32 v7, v19  }
0x48b: {  	[tilespmem:s13+$0xB0] =	vst v3;
	v2 =	vmul.f32 v6, v17;
	v5 =	vmul.f32 v15, v5;
	v15 =	vld [tilespmem:s12+$0x70]  }
0x48c: {  	v3 =	vbroadcast v31, $0x6;
	v6 =	vld [tilespmem:s12+$0xC0];
	[tilespmem:s5+$0xFFFFFEF0] =	vst v7  }
0x48d: {  	v17 =	vbroadcast v29, $0x6;
	[tilespmem:s13+$0xFFFFFF30] =	vst v2;
	v4 =	vmul.f32 v4, v14;
	v14 =	vld [tilespmem:s0+$0xFFFFFF40]  }
0x48e: {  	[tilespmem:s13+$0xFFFFFEE0] =	vst v5;
	v5 =	vbroadcast v32, $0x6;
	v3 =	vmul.f32 v3, v18;
	v18 =	vld [tilespmem:s0+$0xFFFFFF90]  }
0x48f: {  	v2 =	vbroadcast v33, $0x6;
	v16 =	vmul.f32 v17, v16;
	[tilespmem:s13+$0xFFFFFF80] =	vst v4;
	v4 =	vld [tilespmem:s0+$0xFFFFFFE0]  }
0x490: {  	[tilespmem:s13+$0xFFFFFFD0] =	vst v3;
	v3 =	vld [tilespmem:s0+$0x30];
	v5 =	vmul.f32 v5, v15  }
0x491: {  	v2 =	vmul.f32 v2, v6;
	[tilespmem:s13+$0x20] =	vst v16;
	v6 =	vld [tilespmem:s0+$0x80]  }
0x492: {  	[tilespmem:s13+$0x70] =	vst v5;
	v5 =	vld [tilespmem:s0+$0xD0];
	v8 =	vmul.f32 v8, v14  }
0x493: {  	v7 =	vld [tilespmem:s12+$0xFFFFFEF0];
	[tilespmem:s13+$0xC0] =	vst v2;
	v2 =	vmul.f32 v9, v18  }
0x494: {  	[tilespmem:s5+$0xFFFFFF40] =	vst v8;
	v4 =	vmul.f32 v10, v4;
	v8 =	vld [tilespmem:s12+$0xFFFFFF40]  }
0x495: {  	v3 =	vmul.f32 v13, v3;
	[tilespmem:s5+$0xFFFFFF90] =	vst v2;
	v2 =	vld [tilespmem:s12+$0xFFFFFF90]  }
0x496: {  	v9 =	vbroadcast v34, $0x7;
	v6 =	vmul.f32 v11, v6;
	[tilespmem:s5+$0xFFFFFFE0] =	vst v4;
	v4 =	vld [tilespmem:s12+$0xFFFFFFE0]  }
0x497: {  	v10 =	vbroadcast v28, $0x7;
	[tilespmem:s5+$0x30] =	vst v3;
	v3 =	vld [tilespmem:s12+$0x30];
	v5 =	vmul.f32 v12, v5  }
0x498: {  	v11 =	vbroadcast v30, $0x7;
	v7 =	vmul.f32 v9, v7;
	[tilespmem:s5+$0x80] =	vst v6;
	v6 =	vld [tilespmem:s12+$0x80]  }
0x499: {  	v9 =	vbroadcast v31, $0x7;
	[tilespmem:s5+$0xD0] =	vst v5;
	v5 =	vld [tilespmem:s12+$0xD0];
	v8 =	vmul.f32 v10, v8  }
0x49a: {  	[tilespmem:s13+$0xFFFFFEF0] =	vst v7;
	v10 =	vbroadcast v29, $0x7;
	v2 =	vmul.f32 v11, v2  }
0x49b: {  	v7 =	vbroadcast v32, $0x7;
	[tilespmem:s13+$0xFFFFFF40] =	vst v8;
	v4 =	vmul.f32 v9, v4  }
0x49c: {  	v8 =	vbroadcast v33, $0x7;
	v3 =	vmul.f32 v10, v3;
	[tilespmem:s13+$0xFFFFFF90] =	vst v2  }
0x49d: {  	s12 =	smul.u32 $0x280, s18;
	v2 =	vmul.f32 v7, v6;
	[tilespmem:s13+$0xFFFFFFE0] =	vst v4  }
0x49e: {  	[tilespmem:s13+$0x30] =	vst v3;
	v4 =	vmul.f32 v8, v5  }
0x49f: {  	s0 =	sshra.s32 s12, $0x2;
	[tilespmem:s13+$0x80] =	vst v2  }
0x4a0: {  	p2 =	seq.s32 s18, $0x3D;
	s0 =	sadd.s32 $0x2710, s0;
	[tilespmem:s13+$0xD0] =	vst v4  }
0x4a1: {  	[spmem:s4] =	stream.indirect.scatter.add.f32 [tilespmem:s3], [sflag:$0x3], $0x50, s0, s25, $0xb8;
	[tilespmem:$0x1E7A0] =	vst v63  }
0x4a2: {  	s9 =	simm.s32 @!p2 $0x7F40;
	s5 =	simm.s32 @!p2 $0x50;
	s0 =	sadd.s32 @!p2 $0xA0, s26  }
0x4a3: {  	[tilespmem:s9], [sflag:$0x1] =	stream.indirect.gather @!p2 [hbm4b:s6+s5], $0x50, s0, s5, $0xb8;
	[tilespmem:$0x1E7A0] =	vst v63  }
0x4a4: {  	s0 =	sadd.s32 @!p2 $0x27B0, s26;
	s9 =	simm.s32 @!p2 $0x7540  }
0x4a5: {  	[tilespmem:s9], [sflag:$0x1] =	stream.indirect.gather @!p2 [hbm4b:s2+s5], $0x10, s0, s5, $0xb8;
	[tilespmem:$0x1E7A0] =	vst v63  }
0x4a6: {  	_ =	swait.ge [sflag:s22], $0x1900  }
0x4a7: {  	[sflag:s22] =	ssyncset.done $0x0  }
0x4a8: {  	[sflag:s22] =	ssyncadd.s32 $0xFFFFE700  }
0x4a9: {  	_ =	swait.ge [sflag:s22], $0x500  }
0x4aa: {  	[sflag:s22] =	ssyncset.done $0x0  }
0x4ab: {  	s0 =	simm.s32 @!p1 $0x4;
	[sflag:s22] =	ssyncadd.s32 $0xFFFFFB00  }
0x4ac: {  	_ =	swait.ge @!p1 [sflag:s0], $0x1900  }
0x4ad: {  	[sflag:s0] =	ssyncset.done @!p1 $0x0  }
0x4ae: {  	s14 =	simm.s32 $0x9AB0;
	[sflag:s0] =	ssyncadd.s32 @!p1 $0xFFFFE700  }
0x4af: {  	v2 =	vld [tilespmem:s14+$0x0]  }
0x4b0: {  	s13 =	simm.s32 $0x7AB0;
	v3 =	vld.msk [tilespmem:s8+$0x0 ss:$0x0], $0xffff  }
0x4b1: {  	v4 =	vld [tilespmem:s13+$0x0];
	_ =	sdelay $0x3  }
0x4b2: {  	v5 =	vld.msk [tilespmem:s8+$0xFFFFFFF9 ss:$0x0], $0xffff  }
0x4b3: {  	v6 =	vld.msk [tilespmem:s8+$0xFFFFFFFA ss:$0x0], $0xffff;
	v2 =	vadd.f32 v4, v2;
	v3 =	vmul.f32 v3, v1  }
0x4b4: {  	v7 =	vld.msk [tilespmem:s8+$0xFFFFFFFC ss:$0x0], $0xffff  }
0x4b5: {  	v8 =	vld.msk [tilespmem:s8+$0xFFFFFFFE ss:$0x0], $0xffff;
	v2 =	vadd.f32 v3, v2  }
0x4b6: {  	v11 =	vld [tilespmem:s13+$0xFFFFFF90]  }
0x4b7: {  	v12 =	vld [tilespmem:s13+$0xFFFFFFA0];
	v9 =	vmul.f32 $2.000000030e-01, v2  }
0x4b8: {  	v13 =	vld [tilespmem:s14+$0xFFFFFE70];
	vm0 =	vgt.f32 v2, $0.0e+00  }
0x4b9: {  	v14 =	vld [tilespmem:s14+$0xFFFFFEC0];
	v2 =	vsel vm0, v2, v9  }
0x4ba: {  	v4 =	vld.msk [tilespmem:s8+$0xFFFFFFFB ss:$0x0], $0xffff;
	v2 =	vmul.f32 $1.442695020e+00, v2  }
0x4bb: {  	v9 =	vld [tilespmem:s14+$0xFFFFFE20]  }
0x4bc: {  	(erf) = vpow2.f32 v2;
	v2 =	vld [tilespmem:s13+$0xFFFFFFB0]  }
0x4bd: {  	v15 =	vld [tilespmem:s13+$0xFFFFFFC0]  }
0x4be: {  	v16 =	vld [tilespmem:s14+$0xFFFFFF10]  }
0x4bf: {  	v17 =	vld [tilespmem:s13+$0xFFFFFFD0]  }
0x4c0: {  	v6 =	vmul.f32 v6, v1;
	v3 =	vld.msk [tilespmem:s8+$0xFFFFFFFD ss:$0x0], $0xffff;
	v9 =	vadd.f32 v12, v9  }
0x4c1: {  	v4 =	vmul.f32 v4, v1;
	v2 =	vadd.f32 v2, v13;
	v13 =	vld [tilespmem:s14+$0xFFFFFDD0]  }
0x4c2: {  	v12 =	vld [tilespmem:s14+$0xFFFFFF60];
	v6 =	vadd.f32 v6, v9  }
0x4c3: {  	v7 =	vmul.f32 v7, v1;
	v9 =	vld [tilespmem:s13+$0xFFFFFFE0];
	v2 =	vadd.f32 v4, v2;
	v4 =	vadd.f32 v15, v14;
	_ =	sdelay $0x1  }
0x4c4: {  	v3 =	vmul.f32 v3, v1;
	v4 =	vadd.f32 v7, v4;
	v7 =	vadd.f32 v17, v16  }
0x4c5: {  	v10 =	vld.msk [tilespmem:s8+$0xFFFFFFFF ss:$0x0], $0xffff;
	v5 =	vmul.f32 v5, v1;
	v18 =	vmul.f32 $2.000000030e-01, v6;
	v11 =	vadd.f32 v11, v13  }
0x4c6: {  	s24 =	sadd.s32 $0x8, s8;
	s26 =	simm.s32 $0xCCB0;
	v19 =	vld [tilespmem:s13+$0xFFFFFFF0];
	v8 =	vmul.f32 v8, v1;
	vm6 =	vgt.f32 v6, $0.0e+00;
	v15 =	vpop (erf);
	v3 =	vadd.f32 v3, v7  }
0x4c7: {  	v21 =	vld.msk [tilespmem:s24+$0xFFFFFFF9 ss:$0x0], $0xffff;
	v6 =	vsel vm6, v6, v18;
	[tilespmem:s26+$0x0] =	vst v15;
	v7 =	vadd.f32 v9, v12;
	v5 =	vadd.f32 v5, v11  }
0x4c8: {  	v6 =	vmul.f32 $1.442695020e+00, v6;
	v16 =	vld [tilespmem:s14+$0xFFFFFFC0]  }
0x4c9: {  	v24 =	vld.msk [tilespmem:s24+$0xFFFFFFFA ss:$0x0], $0xffff;
	v20 =	vmul.f32 $2.000000030e-01, v2;
	v7 =	vadd.f32 v8, v7;
	v8 =	vmul.f32 $2.000000030e-01, v5  }
0x4ca: {  	v27 =	vld.msk [tilespmem:s24+$0xFFFFFFFB ss:$0x0], $0xffff;
	vm7 =	vgt.f32 v2, $0.0e+00;
	(erf) = vpow2.f32 v6;
	vm1 =	vgt.f32 v5, $0.0e+00  }
0x4cb: {  	v14 =	vld [tilespmem:s14+$0xFFFFFFB0];
	v13 =	vmul.f32 $2.000000030e-01, v4;
	v9 =	vbroadcast v15, $0x4;
	v5 =	vsel vm1, v5, v8  }
0x4cc: {  	v29 =	vld.msk [tilespmem:s24+$0xFFFFFFFC ss:$0x0], $0xffff;
	v2 =	vsel vm7, v2, v20;
	v12 =	vmul.f32 $2.000000030e-01, v3;
	v5 =	vmul.f32 $1.442695020e+00, v5  }
0x4cd: {  	v31 =	vld.msk [tilespmem:s24+$0xFFFFFFFD ss:$0x0], $0xffff;
	v2 =	vmul.f32 $1.442695020e+00, v2;
	vm9 =	vgt.f32 v3, $0.0e+00;
	v9 =	vmul.f32 v9, v16  }
0x4ce: {  	v48 =	vld.msk [tilespmem:s24+$0xFFFFFFFE ss:$0x0], $0xffff;
	vm8 =	vgt.f32 v4, $0.0e+00;
	v3 =	vsel vm9, v3, v12;
	(erf) = vpow2.f32 v5  }
0x4cf: {  	v49 =	vld.msk [tilespmem:s24+$0xFFFFFFFF ss:$0x0], $0xffff;
	v4 =	vsel vm8, v4, v13;
	[tilespmem:s26+$0xFFFFFFC0] =	vst v9;
	(erf) = vpow2.f32 v2;
	v2 =	vmul.f32 $1.442695020e+00, v3  }
0x4d0: {  	s0 =	simm.s32 $0x9D30;
	v10 =	vmul.f32 v10, v1;
	v11 =	vadd.f32 v19, v14;
	v4 =	vmul.f32 $1.442695020e+00, v4;
	v9 =	vld [tilespmem:s14+$0xFFFFFFD0]  }
0x4d1: {  	s28 =	simm.s32 $0x7B30;
	v54 =	vld [tilespmem:s0+$0xFFFFFE70]  }
0x4d2: {  	v55 =	vld [tilespmem:s28+$0xFFFFFFB0];
	v10 =	vadd.f32 v10, v11;
	v11 =	vmul.f32 $2.000000030e-01, v7;
	(erf) = vpow2.f32 v4  }
0x4d3: {  	v56 =	vld [tilespmem:s28+$0xFFFFFFC0];
	v6 =	vbroadcast v15, $0x5;
	vm10 =	vgt.f32 v7, $0.0e+00;
	(erf) = vpow2.f32 v2;
	v2 =	vpop (erf)  }
0x4d4: {  	v57 =	vld [tilespmem:s28+$0xFFFFFFE0];
	v8 =	vmul.f32 $2.000000030e-01, v10;
	v5 =	vsel vm10, v7, v11;
	[tilespmem:s26+$0xFFFFFE20] =	vst v2  }
0x4d5: {  	vm11 =	vgt.f32 v10, $0.0e+00;
	v4 =	vmul.f32 $1.442695020e+00, v5;
	v5 =	vmul.f32 v6, v9;
	v9 =	vld [tilespmem:s14+$0xFFFFFDE0]  }
0x4d6: {  	v58 =	vld [tilespmem:s0+$0xFFFFFFB0];
	v3 =	vsel vm11, v10, v8  }
0x4d7: {  	v19 =	vld.msk [tilespmem:s24+$0x0 ss:$0x0], $0xffff;
	v3 =	vmul.f32 $1.442695020e+00, v3;
	[tilespmem:s26+$0xFFFFFFD0] =	vst v5  }
0x4d8: {  	s24 =	sadd.s32 $0x8, s24;
	(erf) = vpow2.f32 v4;
	v16 =	vbroadcast v2, $0x4;
	v4 =	vld [tilespmem:s14+$0xFFFFFFE0]  }
0x4d9: {  	v24 =	vmul.f32 v24, v1;
	v35 =	vmul.f32 v49, v1;
	v49 =	vld.msk [tilespmem:s24+$0xFFFFFFFE ss:$0x0], $0xffff  }
0x4da: {  	v60 =	vld [tilespmem:s28+$0xFFFFFFF0];
	v21 =	vmul.f32 v21, v1;
	v6 =	vpop (erf);
	v9 =	vmul.f32 v16, v9  }
0x4db: {  	(erf) = vpow2.f32 v3;
	v5 =	vbroadcast v15, $0x6;
	[tilespmem:s26+$0xFFFFFDD0] =	vst v6;
	v16 =	vld [tilespmem:s0+$0x0]  }
0x4dc: {  	v29 =	vmul.f32 v29, v1;
	v31 =	vmul.f32 v31, v1;
	v3 =	vpop (erf);
	[tilespmem:s26+$0xFFFFFDE0] =	vst v9;
	v9 =	vld [tilespmem:s28+$0x0]  }
0x4dd: {  	v34 =	vmul.f32 v48, v1;
	v10 =	vld [tilespmem:s14+$0xFFFFFD90];
	[tilespmem:s26+$0xFFFFFE70] =	vst v3;
	v7 =	vmul.f32 v5, v4;
	v4 =	vpop (erf)  }
0x4de: {  	v49 =	vmul.f32 v49, v1;
	v26 =	vbroadcast v2, $0x5;
	v11 =	vld [tilespmem:s14+$0xFFFFFE30];
	[tilespmem:s26+$0xFFFFFEC0] =	vst v4  }
0x4df: {  	v22 =	vbroadcast v6, $0x4;
	v23 =	vbroadcast v6, $0x5;
	v12 =	vld [tilespmem:s14+$0xFFFFFE80]  }
0x4e0: {  	v25 =	vbroadcast v3, $0x4;
	v5 =	vpop (erf);
	v28 =	vbroadcast v4, $0x4;
	[tilespmem:s26+$0xFFFFFFE0] =	vst v7;
	v20 =	vld [tilespmem:s14+$0xFFFFFDF0]  }
0x4e1: {  	v46 =	vbroadcast v4, $0x5;
	[tilespmem:s26+$0xFFFFFF10] =	vst v5;
	v13 =	vld [tilespmem:s14+$0xFFFFFFF0];
	v9 =	vadd.f32 v9, v16;
	v16 =	vmul.f32 v19, v1  }
0x4e2: {  	v30 =	vbroadcast v5, $0x4;
	v14 =	vld [tilespmem:s14+$0xFFFFFED0];
	v22 =	vmul.f32 v22, v10;
	v7 =	vpop (erf)  }
0x4e3: {  	v25 =	vmul.f32 v25, v11;
	v11 =	vbroadcast v15, $0x7;
	v15 =	vld [tilespmem:s0+$0xFFFFFE20];
	[tilespmem:s26+$0xFFFFFF60] =	vst v7;
	v9 =	vadd.f32 v16, v9  }
0x4e4: {  	v50 =	vbroadcast v5, $0x5;
	v8 =	vpop (erf);
	v47 =	vbroadcast v7, $0x4;
	[tilespmem:s26+$0xFFFFFD90] =	vst v22;
	v17 =	vld [tilespmem:s14+$0xFFFFFF20]  }
0x4e5: {  	[tilespmem:s26+$0xFFFFFFB0] =	vst v8;
	v28 =	vmul.f32 v28, v12;
	v12 =	vld [tilespmem:s28+$0xFFFFFFA0];
	v10 =	vmul.f32 $2.000000030e-01, v9  }
0x4e6: {  	v52 =	vbroadcast v7, $0x5;
	v36 =	vbroadcast v7, $0x6;
	[tilespmem:s26+$0xFFFFFE30] =	vst v25;
	v25 =	vld [tilespmem:s14+$0xFFFFFDA0];
	vm12 =	vgt.f32 v9, $0.0e+00  }
0x4e7: {  	v19 =	vbroadcast v3, $0x5;
	v18 =	vld [tilespmem:s14+$0xFFFFFF70];
	v20 =	vmul.f32 v26, v20;
	v9 =	vsel vm12, v9, v10  }
0x4e8: {  	v26 =	vmul.f32 v27, v1;
	v27 =	vld [tilespmem:s0+$0xFFFFFF60];
	v10 =	vmul.f32 $1.442695020e+00, v9  }
0x4e9: {  	v53 =	vbroadcast v8, $0x5;
	v14 =	vmul.f32 v30, v14;
	v30 =	vld [tilespmem:s0+$0xFFFFFEC0]  }
0x4ea: {  	v51 =	vld [tilespmem:s28+$0xFFFFFF90];
	v16 =	vbroadcast v8, $0x4;
	[tilespmem:s26+$0xFFFFFE80] =	vst v28;
	v12 =	vadd.f32 v12, v15;
	(erf) = vpow2.f32 v10  }
0x4eb: {  	v33 =	vadd.f32 v60, v58;
	v37 =	vbroadcast v8, $0x6;
	v28 =	vld [tilespmem:s14+$0xFFFFFE90];
	v17 =	vmul.f32 v47, v17  }
0x4ec: {  	v16 =	vmul.f32 v16, v18;
	v18 =	vld [tilespmem:s0+$0xFFFFFF10];
	v12 =	vadd.f32 v24, v12;
	v24 =	vadd.f32 v55, v54  }
0x4ed: {  	v11 =	vmul.f32 v11, v13;
	[tilespmem:s26+$0xFFFFFED0] =	vst v14;
	v23 =	vmul.f32 v23, v25;
	v15 =	vld [tilespmem:s28+$0xFFFFFFD0];
	v27 =	vadd.f32 v57, v27  }
0x4ee: {  	v13 =	vbroadcast v2, $0x6;
	v30 =	vadd.f32 v56, v30;
	[tilespmem:s26+$0xFFFFFF20] =	vst v17;
	v24 =	vadd.f32 v26, v24;
	v26 =	vld [tilespmem:s0+$0xFFFFFDD0]  }
0x4ef: {  	v9 =	vbroadcast v6, $0x6;
	v17 =	vld [tilespmem:s14+$0xFFFFFEE0];
	[tilespmem:s26+$0xFFFFFDA0] =	vst v23;
	v27 =	vadd.f32 v34, v27;
	v34 =	vbroadcast v5, $0x6  }
0x4f0: {  	[tilespmem:s26+$0xFFFFFF70] =	vst v16;
	v10 =	vbroadcast v3, $0x6;
	v29 =	vadd.f32 v29, v30;
	v23 =	vmul.f32 v46, v28  }
0x4f1: {  	[tilespmem:s26+$0xFFFFFDF0] =	vst v20;
	v20 =	vld [tilespmem:s14+$0xFFFFFF80];
	v59 =	vmul.f32 $2.000000030e-01, v12;
	vm13 =	vgt.f32 v12, $0.0e+00;
	v22 =	vmul.f32 $2.000000030e-01, v27  }
0x4f2: {  	vm5 =	vgt.f32 v27, $0.0e+00;
	v15 =	vadd.f32 v15, v18;
	v61 =	vmul.f32 $2.000000030e-01, v29  }
0x4f3: {  	s12 =	simm.s32 $0x9FB0;
	s5 =	simm.s32 $0xCF30;
	v18 =	vmul.f32 $2.000000030e-01, v24;
	v30 =	vsel vm13, v12, v59;
	v26 =	vadd.f32 v51, v26;
	v12 =	vpop (erf)  }
0x4f4: {  	v48 =	vld [tilespmem:s12+$0x0];
	vm14 =	vgt.f32 v24, $0.0e+00;
	v17 =	vmul.f32 v50, v17;
	v15 =	vadd.f32 v31, v15;
	[tilespmem:s5+$0x0] =	vst v12  }
0x4f5: {  	v30 =	vmul.f32 $1.442695020e+00, v30;
	v18 =	vsel vm14, v24, v18;
	v21 =	vadd.f32 v21, v26;
	v24 =	vld [tilespmem:s0+$0xFFFFFFC0]  }
0x4f6: {  	v60 =	vld.msk [tilespmem:s24+$0x0 ss:$0x0], $0xffff;
	v22 =	vsel vm5, v27, v22;
	[tilespmem:s26+$0xFFFFFEE0] =	vst v17;
	v17 =	vmul.f32 v53, v20;
	v31 =	vmul.f32 $2.000000030e-01, v15  }
0x4f7: {  	vm4 =	vgt.f32 v15, $0.0e+00;
	(erf) = vpow2.f32 v30;
	v51 =	vld.msk [tilespmem:s24+$0xFFFFFFFF ss:$0x0], $0xffff;
	v27 =	vmul.f32 $2.000000030e-01, v21  }
0x4f8: {  	v15 =	vsel vm4, v15, v31;
	v31 =	vld [tilespmem:s14+$0xFFFFFE40];
	v26 =	vbroadcast v12, $0x4;
	vm6 =	vgt.f32 v21, $0.0e+00  }
0x4f9: {  	v25 =	vld [tilespmem:s14+$0xFFFFFDB0];
	vm15 =	vgt.f32 v29, $0.0e+00;
	v14 =	vmul.f32 $1.442695020e+00, v22;
	[tilespmem:s26+$0xFFFFFF80] =	vst v17;
	v21 =	vsel vm6, v21, v27  }
0x4fa: {  	v29 =	vsel vm15, v29, v61;
	v41 =	vld [tilespmem:s14+$0xFFFFFF90];
	v21 =	vmul.f32 $1.442695020e+00, v21;
	v24 =	vmul.f32 v26, v24  }
0x4fb: {  	v58 =	vld.msk [tilespmem:s24+$0xFFFFFFFD ss:$0x0], $0xffff;
	v29 =	vmul.f32 $1.442695020e+00, v29;
	v18 =	vmul.f32 $1.442695020e+00, v18  }
0x4fc: {  	v16 =	vld [tilespmem:s14+$0xFFFFFF30];
	v15 =	vmul.f32 $1.442695020e+00, v15;
	(erf) = vpow2.f32 v21;
	[tilespmem:s5+$0xFFFFFFC0] =	vst v24  }
0x4fd: {  	[tilespmem:s26+$0xFFFFFE90] =	vst v23;
	v51 =	vmul.f32 v51, v1;
	v19 =	vmul.f32 v19, v31;
	v22 =	vld [tilespmem:s0+$0xFFFFFFD0]  }
0x4fe: {  	v33 =	vadd.f32 v35, v33;
	v32 =	vld [tilespmem:s14+$0xFFFFFEA0];
	v31 =	vmul.f32 v9, v25;
	(erf) = vpow2.f32 v18  }
0x4ff: {  	v35 =	vld [tilespmem:s14+$0xFFFFFEF0];
	v37 =	vmul.f32 v37, v41;
	(erf) = vpow2.f32 v29  }
0x500: {  	s10 =	simm.s32 $0x7BB0;
	v61 =	vld.msk [tilespmem:s24+$0xFFFFFFFA ss:$0x0], $0xffff;
	v21 =	vbroadcast v12, $0x5;
	v38 =	vpop (erf);
	v26 =	vmul.f32 $2.000000030e-01, v33  }
0x501: {  	vm7 =	vgt.f32 v33, $0.0e+00;
	v59 =	vld [tilespmem:s10+$0xFFFFFFA0];
	v30 =	vbroadcast v38, $0x6;
	(erf) = vpow2.f32 v15  }
0x502: {  	[tilespmem:s26+$0xFFFFFE40] =	vst v19;
	v18 =	vld [tilespmem:s14+$0xFFFFFE00];
	v24 =	vsel vm7, v33, v26;
	v33 =	vbroadcast v4, $0x6;
	v19 =	vmul.f32 v21, v22  }
0x503: {  	v15 =	vld [tilespmem:s14+$0xFFFFFE50];
	v24 =	vmul.f32 $1.442695020e+00, v24;
	(erf) = vpow2.f32 v14  }
0x504: {  	v32 =	vmul.f32 v33, v32;
	v33 =	vmul.f32 v34, v35;
	v34 =	vld [tilespmem:s12+$0xFFFFFE70];
	[tilespmem:s5+$0xFFFFFFD0] =	vst v19  }
0x505: {  	v14 =	vmul.f32 v52, v16;
	v35 =	vmul.f32 v61, v1;
	v40 =	vpop (erf);
	v16 =	vld [tilespmem:s0+$0xFFFFFFE0]  }
0x506: {  	v61 =	vld [tilespmem:s12+$0xFFFFFDD0];
	(erf) = vpow2.f32 v24;
	v24 =	vbroadcast v2, $0x7;
	[tilespmem:s5+$0xFFFFFDD0] =	vst v40  }
0x507: {  	[tilespmem:s5+$0xFFFFFE20] =	vst v38;
	v2 =	vbroadcast v8, $0x7;
	v8 =	vbroadcast v38, $0x4;
	v42 =	vpop (erf);
	v17 =	vld [tilespmem:s0+$0xFFFFFD90]  }
0x508: {  	[tilespmem:s26+$0xFFFFFF30] =	vst v14;
	v14 =	vld [tilespmem:s0+$0xFFFFFDE0];
	v19 =	vbroadcast v6, $0x7;
	v6 =	vbroadcast v12, $0x6;
	v43 =	vpop (erf)  }
0x509: {  	v18 =	vmul.f32 v13, v18;
	v39 =	vld [tilespmem:s14+$0xFFFFFF40];
	v21 =	vmul.f32 v10, v15;
	[tilespmem:s5+$0xFFFFFEC0] =	vst v43  }
0x50a: {  	v13 =	vbroadcast v40, $0x4;
	[tilespmem:s5+$0xFFFFFE70] =	vst v42;
	v27 =	vld [tilespmem:s0+$0xFFFFFE80];
	v16 =	vmul.f32 v6, v16  }
0x50b: {  	v6 =	vbroadcast v5, $0x7;
	v5 =	vbroadcast v7, $0x7;
	v7 =	vld [tilespmem:s0+$0xFFFFFE30]  }
0x50c: {  	v20 =	vbroadcast v40, $0x5;
	v44 =	vpop (erf);
	v52 =	vmul.f32 v13, v17;
	v13 =	vld [tilespmem:s10+$0x0];
	[tilespmem:s5+$0xFFFFFFE0] =	vst v16  }
0x50d: {  	v28 =	vbroadcast v40, $0x6;
	v8 =	vmul.f32 v8, v14;
	[tilespmem:s5+$0xFFFFFF10] =	vst v44;
	v9 =	vld [tilespmem:s0+$0xFFFFFFF0]  }
0x50e: {  	v15 =	vbroadcast v42, $0x4;
	v23 =	vbroadcast v42, $0x5;
	v45 =	vpop (erf);
	v10 =	vld [tilespmem:s0+$0xFFFFFED0]  }
0x50f: {  	v25 =	vbroadcast v43, $0x4;
	v36 =	vmul.f32 v36, v39;
	v39 =	vld [tilespmem:s12+$0xFFFFFEC0];
	[tilespmem:s5+$0xFFFFFDE0] =	vst v8;
	v46 =	vpop (erf)  }
0x510: {  	v47 =	vld [tilespmem:s0+$0xFFFFFDF0];
	[tilespmem:s5+$0xFFFFFFB0] =	vst v46;
	v53 =	vmul.f32 v15, v7;
	v7 =	vbroadcast v12, $0x7  }
0x511: {  	v29 =	vbroadcast v44, $0x4;
	[tilespmem:s5+$0xFFFFFF60] =	vst v45;
	v8 =	vld [tilespmem:s0+$0xFFFFFF70];
	v54 =	vmul.f32 v25, v27  }
0x512: {  	v14 =	vld [tilespmem:s0+$0xFFFFFF20];
	v56 =	vmul.f32 v7, v9;
	v7 =	vadd.f32 v13, v48;
	v13 =	vmul.f32 v60, v1  }
0x513: {  	v22 =	vbroadcast v43, $0x5;
	[tilespmem:s5+$0xFFFFFD90] =	vst v52;
	v57 =	vmul.f32 v29, v10;
	v10 =	vld.msk [tilespmem:s24+$0xFFFFFFFC ss:$0x0], $0xffff  }
0x514: {  	v26 =	vbroadcast v44, $0x5;
	v63 =	vbroadcast v46, $0x4;
	[tilespmem:s5+$0xFFFFFE80] =	vst v54;
	v54 =	vld [tilespmem:s0+$0xFFFFFDA0];
	v7 =	vadd.f32 v13, v7  }
0x515: {  	v62 =	vbroadcast v45, $0x4;
	v16 =	vbroadcast v38, $0x5;
	v12 =	vld.msk [tilespmem:s24+$0xFFFFFFF9 ss:$0x0], $0xffff  }
0x516: {  	v50 =	vmul.f32 v63, v8;
	v8 =	vld [tilespmem:s12+$0xFFFFFE20];
	v13 =	vmul.f32 $2.000000030e-01, v7  }
0x517: {  	[tilespmem:s26+$0xFFFFFFF0] =	vst v11;
	v11 =	vbroadcast v45, $0x7;
	v17 =	vbroadcast v46, $0x6;
	v63 =	vld [tilespmem:s10+$0xFFFFFFD0];
	vm8 =	vgt.f32 v7, $0.0e+00  }
0x518: {  	v27 =	vbroadcast v45, $0x5;
	v47 =	vmul.f32 v16, v47;
	[tilespmem:s5+$0xFFFFFE30] =	vst v53;
	v53 =	vld [tilespmem:s0+$0xFFFFFE90];
	v7 =	vsel vm8, v7, v13  }
0x519: {  	[tilespmem:s5+$0xFFFFFF70] =	vst v50;
	v9 =	vld.msk [tilespmem:s24+$0xFFFFFFFB ss:$0x0], $0xffff;
	v48 =	vmul.f32 v62, v14;
	v62 =	vmul.f32 $1.442695020e+00, v7  }
0x51a: {  	v25 =	vbroadcast v46, $0x5;
	v29 =	vbroadcast v42, $0x6;
	[tilespmem:s5+$0xFFFFFDF0] =	vst v47;
	v47 =	vld [tilespmem:s0+$0xFFFFFF80]  }
0x51b: {  	v41 =	vmul.f32 v12, v1;
	v12 =	vld [tilespmem:s10+$0xFFFFFFC0];
	(erf) = vpow2.f32 v62  }
0x51c: {  	v16 =	vbroadcast v44, $0x6;
	v15 =	vbroadcast v45, $0x6;
	v55 =	vadd.f32 v59, v8;
	v59 =	vld [tilespmem:s12+$0xFFFFFF10]  }
0x51d: {  	v14 =	vbroadcast v43, $0x6;
	v60 =	vmul.f32 v10, v1;
	v13 =	vld [tilespmem:s10+$0xFFFFFFB0]  }
0x51e: {  	v10 =	vbroadcast v43, $0x7;
	v43 =	vld [tilespmem:s12+$0xFFFFFF60];
	v20 =	vmul.f32 v20, v54  }
0x51f: {  	v8 =	vbroadcast v38, $0x7;
	v35 =	vadd.f32 v35, v55;
	v7 =	vbroadcast v40, $0x7;
	v40 =	vld [tilespmem:s10+$0xFFFFFF90]  }
0x520: {  	v55 =	vmul.f32 v58, v1;
	v22 =	vmul.f32 v22, v53;
	v12 =	vadd.f32 v12, v39;
	v39 =	vld [tilespmem:s10+$0xFFFFFFE0]  }
0x521: {  	v38 =	vmul.f32 v9, v1;
	v9 =	vbroadcast v42, $0x7;
	v42 =	vadd.f32 v63, v59  }
0x522: {  	[tilespmem:s26+$0xFFFFFDB0] =	vst v31;
	v25 =	vmul.f32 v25, v47;
	v58 =	vmul.f32 $2.000000030e-01, v35;
	v34 =	vadd.f32 v13, v34  }
0x523: {  	[tilespmem:s26+$0xFFFFFE00] =	vst v18;
	vm9 =	vgt.f32 v35, $0.0e+00;
	v45 =	vadd.f32 v60, v12;
	v42 =	vadd.f32 v55, v42  }
0x524: {  	s13 =	simm.s32 $0xD1B0;
	[tilespmem:s26+$0xFFFFFF40] =	vst v36;
	v60 =	vld [tilespmem:s10+$0xFFFFFFF0];
	v40 =	vadd.f32 v40, v61;
	v34 =	vadd.f32 v38, v34;
	v38 =	vsel vm9, v35, v58;
	v35 =	vpop (erf)  }
0x525: {  	v12 =	vbroadcast v46, $0x7;
	v13 =	vbroadcast v44, $0x7;
	v44 =	vld [tilespmem:s12+$0xFFFFFFB0];
	v39 =	vadd.f32 v39, v43;
	[tilespmem:s13+$0x0] =	vst v35  }
0x526: {  	[tilespmem:s5+$0xFFFFFED0] =	vst v57;
	v63 =	vmul.f32 $2.000000030e-01, v45;
	v57 =	vmul.f32 $2.000000030e-01, v42;
	v40 =	vadd.f32 v41, v40;
	v58 =	vld [tilespmem:s12+$0xFFFFFFC0]  }
0x527: {  	v52 =	vld [tilespmem:s14+$0xFFFFFDC0];
	[tilespmem:s5+$0xFFFFFF20] =	vst v48;
	vm12 =	vgt.f32 v42, $0.0e+00;
	v38 =	vmul.f32 $1.442695020e+00, v38;
	v39 =	vadd.f32 v49, v39  }
0x528: {  	[tilespmem:s5+$0xFFFFFDA0] =	vst v20;
	v20 =	vld [tilespmem:s14+$0xFFFFFF50];
	v62 =	vmul.f32 $2.000000030e-01, v34;
	vm10 =	vgt.f32 v34, $0.0e+00;
	v18 =	vmul.f32 $2.000000030e-01, v40  }
0x529: {  	[tilespmem:s26+$0xFFFFFF90] =	vst v37;
	v50 =	vld [tilespmem:s0+$0xFFFFFF30];
	vm15 =	vgt.f32 v40, $0.0e+00;
	(erf) = vpow2.f32 v38;
	v61 =	vbroadcast v35, $0x4  }
0x52a: {  	[tilespmem:s5+$0xFFFFFE90] =	vst v22;
	v22 =	vld [tilespmem:s14+$0xFFFFFFA0];
	v44 =	vadd.f32 v60, v44;
	v60 =	vsel vm12, v42, v57;
	v40 =	vsel vm15, v40, v18  }
0x52b: {  	[tilespmem:s5+$0xFFFFFFF0] =	vst v56;
	v46 =	vld [tilespmem:s0+$0xFFFFFEE0];
	v34 =	vsel vm10, v34, v62;
	v56 =	vmul.f32 $1.442695020e+00, v40;
	v42 =	vmul.f32 v61, v58  }
0x52c: {  	vm11 =	vgt.f32 v45, $0.0e+00;
	v41 =	vmul.f32 $1.442695020e+00, v60;
	v60 =	vld [tilespmem:s0+$0xFFFFFDB0];
	v34 =	vmul.f32 $1.442695020e+00, v34  }
0x52d: {  	v43 =	vld [tilespmem:s0+$0xFFFFFE40];
	v59 =	vmul.f32 $2.000000030e-01, v39;
	v44 =	vadd.f32 v51, v44;
	(erf) = vpow2.f32 v56;
	[tilespmem:s13+$0xFFFFFFC0] =	vst v42  }
0x52e: {  	v45 =	vsel vm11, v45, v63;
	vm13 =	vgt.f32 v39, $0.0e+00;
	(erf) = vpow2.f32 v34;
	v42 =	vld [tilespmem:s12+$0xFFFFFFD0]  }
0x52f: {  	[tilespmem:s5+$0xFFFFFF80] =	vst v25;
	v63 =	vld [tilespmem:s0+$0xFFFFFE00];
	v45 =	vmul.f32 $1.442695020e+00, v45;
	v31 =	vsel vm13, v39, v59;
	v62 =	vmul.f32 $2.000000030e-01, v44  }
0x530: {  	v47 =	vld [tilespmem:s0+$0xFFFFFF90];
	v26 =	vmul.f32 v26, v46;
	v31 =	vmul.f32 $1.442695020e+00, v31;
	vm14 =	vgt.f32 v44, $0.0e+00  }
0x531: {  	[tilespmem:s26+$0xFFFFFE50] =	vst v21;
	v55 =	vld [tilespmem:s14+$0xFFFFFE10];
	v59 =	vbroadcast v35, $0x5;
	v21 =	vsel vm14, v44, v62;
	v46 =	vmul.f32 v28, v60  }
0x532: {  	[tilespmem:s26+$0xFFFFFEA0] =	vst v32;
	v18 =	vld [tilespmem:s14+$0xFFFFFE60];
	v57 =	vmul.f32 $1.442695020e+00, v21;
	(erf) = vpow2.f32 v45;
	v28 =	vpop (erf)  }
0x533: {  	v21 =	vld [tilespmem:s14+$0xFFFFFEB0];
	(erf) = vpow2.f32 v41;
	[tilespmem:s13+$0xFFFFFE20] =	vst v28;
	v61 =	vmul.f32 v59, v42  }
0x534: {  	[tilespmem:s5+$0xFFFFFEE0] =	vst v26;
	v41 =	vmul.f32 v30, v63;
	v58 =	vmul.f32 v23, v43;
	v63 =	vld [tilespmem:s12+$0xFFFFFDE0]  }
0x535: {  	v3 =	vbroadcast v3, $0x7;
	v45 =	vld [tilespmem:s0+$0xFFFFFEF0];
	(erf) = vpow2.f32 v31;
	[tilespmem:s13+$0xFFFFFFD0] =	vst v61  }
0x536: {  	v4 =	vbroadcast v4, $0x7;
	(erf) = vpow2.f32 v57;
	[tilespmem:s5+$0xFFFFFE40] =	vst v58;
	v34 =	vpop (erf);
	v31 =	vld [tilespmem:s12+$0xFFFFFFE0]  }
0x537: {  	v37 =	vmul.f32 v19, v52;
	v26 =	vbroadcast v28, $0x4;
	v62 =	vld [tilespmem:s0+$0xFFFFFE50];
	[tilespmem:s13+$0xFFFFFDD0] =	vst v34;
	v30 =	vpop (erf)  }
0x538: {  	v27 =	vmul.f32 v27, v50;
	v39 =	vmul.f32 v24, v55;
	v48 =	vld [tilespmem:s12+$0xFFFFFD90];
	[tilespmem:s13+$0xFFFFFE70] =	vst v30  }
0x539: {  	[tilespmem:s26+$0xFFFFFEF0] =	vst v33;
	v24 =	vbroadcast v35, $0x6;
	v63 =	vmul.f32 v26, v63;
	v60 =	vld [tilespmem:s12+$0xFFFFFE30]  }
0x53a: {  	[tilespmem:s5+$0xFFFFFF30] =	vst v27;
	v55 =	vbroadcast v35, $0x7;
	v23 =	vld [tilespmem:s14+$0xFFFFFF00];
	v49 =	vbroadcast v28, $0x5  }
0x53b: {  	v43 =	vld [tilespmem:s0+$0xFFFFFF40];
	v27 =	vbroadcast v34, $0x4;
	[tilespmem:s13+$0xFFFFFDE0] =	vst v63;
	v24 =	vmul.f32 v24, v31;
	v31 =	vpop (erf)  }
0x53c: {  	v19 =	vbroadcast v34, $0x5;
	v53 =	vbroadcast v30, $0x4;
	v42 =	vld [tilespmem:s0+$0xFFFFFEA0];
	[tilespmem:s13+$0xFFFFFEC0] =	vst v31  }
0x53d: {  	v25 =	vbroadcast v30, $0x5;
	v44 =	vmul.f32 v29, v62;
	v29 =	vpop (erf);
	v62 =	vld [tilespmem:s12+$0xFFFFFE80];
	[tilespmem:s13+$0xFFFFFFE0] =	vst v24  }
0x53e: {  	v27 =	vmul.f32 v27, v48;
	v54 =	vmul.f32 v53, v60;
	v32 =	vpop (erf);
	[tilespmem:s13+$0xFFFFFF10] =	vst v29;
	v36 =	vld [tilespmem:s12+$0xFFFFFFF0]  }
0x53f: {  	v61 =	vbroadcast v31, $0x4;
	v38 =	vbroadcast v29, $0x4;
	v33 =	vpop (erf);
	v40 =	vld [tilespmem:s12+$0xFFFFFED0];
	[tilespmem:s13+$0xFFFFFF60] =	vst v32  }
0x540: {  	v24 =	vbroadcast v31, $0x5;
	v26 =	vbroadcast v29, $0x5;
	v52 =	vld [tilespmem:s12+$0xFFFFFF20];
	[tilespmem:s13+$0xFFFFFFB0] =	vst v33  }
0x541: {  	[tilespmem:s13+$0xFFFFFD90] =	vst v27;
	v50 =	vbroadcast v32, $0x4;
	v27 =	vbroadcast v32, $0x5;
	v53 =	vld [tilespmem:s12+$0xFFFFFF70]  }
0x542: {  	s9 =	simm.s32 $0xA230;
	s14 =	simm.s32 $0x10;
	v48 =	vld [tilespmem:s12+$0xFFFFFDF0];
	v51 =	vbroadcast v33, $0x4;
	v56 =	vmul.f32 v61, v62  }
.LBB2_15:
0x543: {  	v57 =	vld [tilespmem:s9+$0x0];
	[tilespmem:s13+$0xFFFFFE30] =	vst v54;
	v35 =	vbroadcast v33, $0x5;
	v54 =	vmul.f32 v55, v36;
	s24 =	sadd.s32 $0x8, s24  }
0x544: {  	s14 =	sadd.s32 $0x8, s14;
	v36 =	vbroadcast v34, $0x6;
	s10 =	sadd.s32 $0x80, s10;
	v55 =	vld.msk [tilespmem:s24+$0x0 ss:$0x0], $0xffff;
	[tilespmem:s13+$0xFFFFFE80] =	vst v56;
	v56 =	vmul.f32 v38, v40  }
0x545: {  	p1 =	slt.u32 s14, $0x48;
	v40 =	vbroadcast v28, $0x6;
	v58 =	vld [tilespmem:s10+$0x0];
	v50 =	vmul.f32 v50, v52;
	[tilespmem:s13+$0xFFFFFFF0] =	vst v54  }
0x546: {  	v38 =	vbroadcast v30, $0x6;
	v52 =	vld.msk [tilespmem:s24+$0xFFFFFFF9 ss:$0x0], $0xffff;
	[tilespmem:s13+$0xFFFFFED0] =	vst v56;
	v51 =	vmul.f32 v51, v53  }
0x547: {  	v53 =	vld.msk [tilespmem:s24+$0xFFFFFFFA ss:$0x0], $0xffff;
	v48 =	vmul.f32 v49, v48;
	v49 =	vbroadcast v31, $0x6;
	[tilespmem:s13+$0xFFFFFF20] =	vst v50  }
0x548: {  	v54 =	vbroadcast v29, $0x6;
	v56 =	vbroadcast v32, $0x6;
	v50 =	vld.msk [tilespmem:s24+$0xFFFFFFFB ss:$0x0], $0xffff;
	[tilespmem:s13+$0xFFFFFF70] =	vst v51  }
0x549: {  	v42 =	vmul.f32 v14, v42;
	v51 =	vld.msk [tilespmem:s24+$0xFFFFFFFC ss:$0x0], $0xffff;
	[tilespmem:s13+$0xFFFFFDF0] =	vst v48;
	v48 =	vbroadcast v33, $0x6;
	v14 =	vmov v49  }
0x54a: {  	v45 =	vmul.f32 v16, v45;
	v55 =	vmul.f32 v55, v1;
	v49 =	vld.msk [tilespmem:s24+$0xFFFFFFFD ss:$0x0], $0xffff;
	v57 =	vadd.f32 v58, v57;
	[tilespmem:s5+$0xFFFFFDB0] =	vst v46  }
0x54b: {  	v47 =	vmul.f32 v17, v47;
	v16 =	vmovc v54;
	v46 =	vld.msk [tilespmem:s24+$0xFFFFFFFE ss:$0x0], $0xffff;
	[tilespmem:s5+$0xFFFFFE00] =	vst v41;
	v41 =	vmul.f32 v15, v43;
	v15 =	vmov v56  }
0x54c: {  	v52 =	vmul.f32 v52, v1;
	v43 =	vbroadcast v34, $0x7;
	v17 =	vmovc v48;
	v54 =	vld.msk [tilespmem:s24+$0xFFFFFFFF ss:$0x0], $0xffff;
	v55 =	vadd.f32 v55, v57;
	[tilespmem:s5+$0xFFFFFE50] =	vst v44  }
0x54d: {  	v34 =	vbroadcast v28, $0x7;
	v48 =	vmul.f32 v53, v1;
	v44 =	vld [tilespmem:s10+$0xFFFFFF90];
	[tilespmem:s5+$0xFFFFFEA0] =	vst v42  }
0x54e: {  	v42 =	vmul.f32 v50, v1;
	v28 =	vld [tilespmem:s9+$0xFFFFFE20];
	v50 =	vmul.f32 $2.000000030e-01, v55;
	[tilespmem:s5+$0xFFFFFEF0] =	vst v45  }
0x54f: {  	v30 =	vbroadcast v30, $0x7;
	v51 =	vmul.f32 v51, v1;
	vm0 =	vgt.f32 v55, $0.0e+00;
	v45 =	vld [tilespmem:s10+$0xFFFFFFA0];
	[tilespmem:s5+$0xFFFFFF40] =	vst v41  }
0x550: {  	v31 =	vbroadcast v31, $0x7;
	v49 =	vmul.f32 v49, v1;
	v41 =	vld [tilespmem:s9+$0xFFFFFE70];
	v50 =	vsel vm0, v55, v50;
	[tilespmem:s5+$0xFFFFFF90] =	vst v47  }
0x551: {  	v46 =	vmul.f32 v46, v1;
	v47 =	vld [tilespmem:s10+$0xFFFFFFB0];
	v50 =	vmul.f32 $1.442695020e+00, v50;
	[tilespmem:s26+$0xFFFFFDC0] =	vst v37  }
0x552: {  	v29 =	vbroadcast v29, $0x7;
	v53 =	vmul.f32 v54, v1;
	v37 =	vld [tilespmem:s9+$0xFFFFFEC0];
	[tilespmem:s26+$0xFFFFFE10] =	vst v39  }
0x553: {  	v32 =	vbroadcast v32, $0x7;
	v39 =	vld [tilespmem:s10+$0xFFFFFFC0];
	(erf) = vpow2.f32 v50  }
0x554: {  	v18 =	vmul.f32 v3, v18;
	v3 =	vmovc v9;
	v9 =	vmovc v30;
	v33 =	vbroadcast v33, $0x7;
	v28 =	vadd.f32 v45, v28;
	v45 =	vld [tilespmem:s9+$0xFFFFFF10]  }
0x555: {  	v21 =	vmul.f32 v4, v21;
	v23 =	vmul.f32 v6, v23;
	v4 =	vmovc v10;
	v6 =	vmovc v13;
	v10 =	vmov v31;
	v30 =	vld [tilespmem:s10+$0xFFFFFFD0]  }
0x556: {  	v28 =	vadd.f32 v48, v28;
	v31 =	vadd.f32 v47, v41;
	v41 =	vld [tilespmem:s9+$0xFFFFFF60];
	[tilespmem:s26+$0xFFFFFE60] =	vst v18;
	v18 =	vmul.f32 v5, v20  }
0x557: {  	v13 =	vmovc v29;
	v5 =	vmovc v11;
	v11 =	vmov v32;
	v20 =	vld [tilespmem:s10+$0xFFFFFFE0];
	[tilespmem:s26+$0xFFFFFEB0] =	vst v21;
	v21 =	vmul.f32 v2, v22;
	v2 =	vmov v12  }
0x558: {  	v12 =	vmovc v33;
	v22 =	vmul.f32 $2.000000030e-01, v28;
	v29 =	vadd.f32 v42, v31;
	v31 =	vadd.f32 v39, v37;
	v32 =	vld [tilespmem:s9+$0xFFFFFFB0];
	[tilespmem:s26+$0xFFFFFF00] =	vst v23  }
0x559: {  	vm0 =	vgt.f32 v28, $0.0e+00;
	v23 =	vld [tilespmem:s10+$0xFFFFFFF0];
	[tilespmem:s26+$0xFFFFFF50] =	vst v18  }
0x55a: {  	v18 =	vld [tilespmem:s9+$0xFFFFFDD0];
	v33 =	vmul.f32 $2.000000030e-01, v29;
	v31 =	vadd.f32 v51, v31;
	v30 =	vadd.f32 v30, v45;
	[tilespmem:s26+$0xFFFFFFA0] =	vst v21;
	s26 =	smov.u32 s5;
	s5 =	smov.u32 s13  }
0x55b: {  	v21 =	vsel vm0, v28, v22;
	vm0 =	vgt.f32 v29, $0.0e+00;
	v22 =	vld [tilespmem:s12+$0xFFFFFDA0]  }
0x55c: {  	s13 =	sadd.s32 $0x280, s13;
	v28 =	vmul.f32 $2.000000030e-01, v31;
	v30 =	vadd.f32 v49, v30;
	v20 =	vadd.f32 v20, v41;
	v48 =	vpop (erf);
	v37 =	vld [tilespmem:s12+$0xFFFFFE40]  }
0x55d: {  	v21 =	vmul.f32 $1.442695020e+00, v21;
	v29 =	vsel vm0, v29, v33;
	vm0 =	vgt.f32 v31, $0.0e+00;
	[tilespmem:s13+$0x0] =	vst v48;
	v33 =	vld [tilespmem:s12+$0xFFFFFE90]  }
0x55e: {  	v39 =	vmul.f32 $2.000000030e-01, v30;
	v20 =	vadd.f32 v46, v20;
	v23 =	vadd.f32 v23, v32;
	v32 =	vld [tilespmem:s9+$0xFFFFFFC0]  }
0x55f: {  	v28 =	vsel vm0, v31, v28;
	vm0 =	vgt.f32 v30, $0.0e+00;
	v18 =	vadd.f32 v44, v18;
	v31 =	vld [tilespmem:s12+$0xFFFFFEE0]  }
0x560: {  	vm1 =	vgt.f32 v20, $0.0e+00;
	v41 =	vmul.f32 $2.000000030e-01, v20;
	v23 =	vadd.f32 v53, v23;
	v44 =	vld [tilespmem:s12+$0xFFFFFF30]  }
0x561: {  	v30 =	vsel vm0, v30, v39;
	v39 =	vbroadcast v48, $0x4;
	v18 =	vadd.f32 v52, v18;
	v45 =	vld [tilespmem:s12+$0xFFFFFF80]  }
0x562: {  	v20 =	vsel vm1, v20, v41;
	vm0 =	vgt.f32 v23, $0.0e+00;
	v41 =	vmul.f32 $2.000000030e-01, v23;
	v46 =	vld [tilespmem:s12+$0xFFFFFE00]  }
0x563: {  	vm1 =	vgt.f32 v18, $0.0e+00;
	v42 =	vmul.f32 $2.000000030e-01, v18;
	v32 =	vmul.f32 v39, v32;
	v39 =	vld [tilespmem:s0+$0xFFFFFDC0]  }
0x564: {  	v29 =	vmul.f32 $1.442695020e+00, v29;
	v28 =	vmul.f32 $1.442695020e+00, v28;
	v23 =	vsel vm0, v23, v41;
	v47 =	vld [tilespmem:s0+$0xFFFFFE10]  }
0x565: {  	v30 =	vmul.f32 $1.442695020e+00, v30;
	v41 =	vsel vm1, v18, v42;
	v42 =	vmul.f32 $1.442695020e+00, v20;
	[tilespmem:s13+$0xFFFFFFC0] =	vst v32;
	v18 =	vld [tilespmem:s0+$0xFFFFFE60]  }
0x566: {  	v32 =	vmul.f32 $1.442695020e+00, v23;
	v20 =	vmul.f32 $1.442695020e+00, v41;
	v41 =	vld [tilespmem:s9+$0xFFFFFFD0]  }
0x567: {  	v19 =	vmul.f32 v19, v22;
	(erf) = vpow2.f32 v21;
	v21 =	vld [tilespmem:s0+$0xFFFFFEB0]  }
0x568: {  	v22 =	vmul.f32 v25, v37;
	(erf) = vpow2.f32 v20;
	v23 =	vld [tilespmem:s0+$0xFFFFFF00]  }
0x569: {  	v25 =	vbroadcast v48, $0x5;
	(erf) = vpow2.f32 v29;
	[tilespmem:s5+$0xFFFFFDA0] =	vst v19;
	v20 =	vld [tilespmem:s0+$0xFFFFFF50]  }
0x56a: {  	(erf) = vpow2.f32 v28;
	v19 =	vld [tilespmem:s12+$0xFFFFFDB0];
	[tilespmem:s5+$0xFFFFFE40] =	vst v22;
	v22 =	vmul.f32 v24, v33  }
0x56b: {  	v24 =	vmul.f32 v25, v41;
	(erf) = vpow2.f32 v30;
	v25 =	vld [tilespmem:s12+$0xFFFFFE50]  }
0x56c: {  	v26 =	vmul.f32 v26, v31;
	(erf) = vpow2.f32 v42;
	[tilespmem:s5+$0xFFFFFE90] =	vst v22;
	v22 =	vld [tilespmem:s0+$0xFFFFFFA0];
	s0 =	smov.u32 s12;
	s12 =	smov.u32 s9  }
0x56d: {  	[tilespmem:s13+$0xFFFFFFD0] =	vst v24;
	(erf) = vpow2.f32 v32;
	v42 =	vld [tilespmem:s0+$0xFFFFFEA0];
	v24 =	vmul.f32 v27, v44  }
0x56e: {  	v41 =	vmul.f32 v40, v46;
	v27 =	vld [tilespmem:s9+$0xFFFFFFE0];
	[tilespmem:s5+$0xFFFFFEE0] =	vst v26;
	v26 =	vmul.f32 v35, v45  }
0x56f: {  	v37 =	vmul.f32 v7, v39;
	v7 =	vmov v43;
	v46 =	vmul.f32 v36, v19;
	v45 =	vld [tilespmem:s0+$0xFFFFFEF0];
	[tilespmem:s5+$0xFFFFFF30] =	vst v24  }
0x570: {  	v39 =	vmul.f32 v8, v47;
	v8 =	vmov v34;
	v28 =	vpop (erf);
	v44 =	vmul.f32 v38, v25;
	v43 =	vld [tilespmem:s0+$0xFFFFFF40];
	[tilespmem:s5+$0xFFFFFF80] =	vst v26  }
0x571: {  	v24 =	vbroadcast v48, $0x6;
	[tilespmem:s13+$0xFFFFFE20] =	vst v28;
	v26 =	vbroadcast v28, $0x4;
	v34 =	vpop (erf);
	v47 =	vld [tilespmem:s0+$0xFFFFFF90]  }
0x572: {  	[tilespmem:s13+$0xFFFFFDD0] =	vst v34;
	v35 =	vbroadcast v34, $0x4;
	v19 =	vbroadcast v34, $0x5;
	v40 =	vld [tilespmem:s9+$0xFFFFFDE0];
	v30 =	vpop (erf)  }
0x573: {  	v52 =	vld [tilespmem:s9+$0xFFFFFD90];
	[tilespmem:s13+$0xFFFFFE70] =	vst v30;
	v53 =	vbroadcast v30, $0x4;
	v24 =	vmul.f32 v24, v27;
	v31 =	vpop (erf)  }
0x574: {  	v49 =	vbroadcast v28, $0x5;
	v27 =	vld [tilespmem:s9+$0xFFFFFE30];
	[tilespmem:s13+$0xFFFFFEC0] =	vst v31;
	v56 =	vbroadcast v31, $0x4;
	v29 =	vpop (erf)  }
0x575: {  	v25 =	vbroadcast v30, $0x5;
	v57 =	vld [tilespmem:s9+$0xFFFFFE80];
	v38 =	vbroadcast v29, $0x4;
	[tilespmem:s13+$0xFFFFFFE0] =	vst v24;
	v32 =	vpop (erf)  }
.Ltmp6:
0x576: {  	v24 =	vbroadcast v31, $0x5;
	[tilespmem:s13+$0xFFFFFF10] =	vst v29;
	v50 =	vbroadcast v32, $0x4;
	v36 =	vld [tilespmem:s9+$0xFFFFFFF0];
	v33 =	vpop (erf);
	(pc) =	sbr.rel @p1 .LBB2_15-.Ltmp6, $4  }
0x577: {  	v54 =	vmul.f32 v26, v40;
	v40 =	vld [tilespmem:s9+$0xFFFFFED0];
	[tilespmem:s13+$0xFFFFFF60] =	vst v32;
	v51 =	vbroadcast v33, $0x4  }
0x578: {  	v26 =	vbroadcast v29, $0x5;
	v35 =	vmul.f32 v35, v52;
	v52 =	vld [tilespmem:s9+$0xFFFFFF20];
	[tilespmem:s13+$0xFFFFFFB0] =	vst v33  }
0x579: {  	v55 =	vbroadcast v48, $0x7;
	[tilespmem:s13+$0xFFFFFDE0] =	vst v54;
	v54 =	vmul.f32 v53, v27;
	v53 =	vld [tilespmem:s9+$0xFFFFFF70]  }
0x57a: {  	v27 =	vbroadcast v32, $0x5;
	s9 =	sadd.s32 $0x280, s9;
	[tilespmem:s13+$0xFFFFFD90] =	vst v35;
	v48 =	vld [tilespmem:s12+$0xFFFFFDF0];
	v56 =	vmul.f32 v56, v57  }
0x57b: {  	[tilespmem:s13+$0xFFFFFE30] =	vst v54  }
0x57c: {  	[tilespmem:s5+$0xFFFFFDB0] =	vst v46  }
0x57d: {  	[tilespmem:s5+$0xFFFFFE00] =	vst v41  }
0x57e: {  	[tilespmem:s5+$0xFFFFFE50] =	vst v44  }
0x57f: {  	[tilespmem:s26+$0xFFFFFDC0] =	vst v37  }
0x580: {  	v35 =	vmul.f32 v55, v36;
	[tilespmem:s26+$0xFFFFFE10] =	vst v39  }
0x581: {  	v14 =	vmul.f32 v14, v42;
	[tilespmem:s13+$0xFFFFFE80] =	vst v56  }
0x582: {  	v16 =	vmul.f32 v16, v45;
	[tilespmem:s13+$0xFFFFFFF0] =	vst v35  }
0x583: {  	v15 =	vmul.f32 v15, v43;
	[tilespmem:s5+$0xFFFFFEA0] =	vst v14  }
0x584: {  	v59 =	vmul.f32 v17, v47;
	[tilespmem:s5+$0xFFFFFEF0] =	vst v16  }
0x585: {  	v3 =	vmul.f32 v3, v18;
	[tilespmem:s5+$0xFFFFFF40] =	vst v15  }
0x586: {  	v4 =	vmul.f32 v4, v21;
	[tilespmem:s5+$0xFFFFFF90] =	vst v59  }
0x587: {  	v6 =	vmul.f32 v6, v23;
	[tilespmem:s26+$0xFFFFFE60] =	vst v3  }
0x588: {  	v5 =	vmul.f32 v5, v20;
	[tilespmem:s26+$0xFFFFFEB0] =	vst v4  }
0x589: {  	v60 =	vld [tilespmem:s12+$0xFFFFFDA0];
	v2 =	vmul.f32 v2, v22;
	[tilespmem:s26+$0xFFFFFF00] =	vst v6  }
0x58a: {  	v55 =	vmul.f32 v38, v40;
	v61 =	vld [tilespmem:s12+$0xFFFFFE40];
	[tilespmem:s26+$0xFFFFFF50] =	vst v5  }
0x58b: {  	v44 =	vld [tilespmem:s0+$0xFFFFFDC0];
	v56 =	vmul.f32 v50, v52;
	[tilespmem:s26+$0xFFFFFFA0] =	vst v2  }
0x58c: {  	v62 =	vld [tilespmem:s12+$0xFFFFFE90];
	[tilespmem:s13+$0xFFFFFED0] =	vst v55;
	v57 =	vmul.f32 v51, v53  }
0x58d: {  	v46 =	vld [tilespmem:s0+$0xFFFFFE10];
	v58 =	vmul.f32 v49, v48;
	[tilespmem:s13+$0xFFFFFF20] =	vst v56  }
0x58e: {  	v3 =	vld [tilespmem:s12+$0xFFFFFEE0];
	[tilespmem:s13+$0xFFFFFF70] =	vst v57;
	v15 =	vmul.f32 v19, v60  }
0x58f: {  	v49 =	vld [tilespmem:s0+$0xFFFFFF50];
	[tilespmem:s13+$0xFFFFFDF0] =	vst v58;
	v14 =	vmul.f32 v25, v61  }
0x590: {  	v21 =	vld [tilespmem:s12+$0xFFFFFF80];
	v7 =	vmul.f32 v7, v44;
	[tilespmem:s13+$0xFFFFFDA0] =	vst v15  }
0x591: {  	v63 =	vld [tilespmem:s12+$0xFFFFFF30];
	v24 =	vmul.f32 v24, v62;
	[tilespmem:s13+$0xFFFFFE40] =	vst v14  }
0x592: {  	v8 =	vmul.f32 v8, v46;
	v35 =	vld [tilespmem:s12+$0xFFFFFE00];
	[tilespmem:s5+$0xFFFFFDC0] =	vst v7  }
0x593: {  	v25 =	vbroadcast v33, $0x5;
	v3 =	vmul.f32 v26, v3;
	v14 =	vld [tilespmem:s12+$0xFFFFFE50];
	[tilespmem:s13+$0xFFFFFE90] =	vst v24  }
0x594: {  	[tilespmem:s5+$0xFFFFFE10] =	vst v8;
	v6 =	vmul.f32 v11, v49;
	v37 =	vld [tilespmem:s12+$0xFFFFFEA0]  }
0x595: {  	v38 =	vbroadcast v28, $0x6;
	v23 =	vld [tilespmem:s12+$0xFFFFFDB0];
	[tilespmem:s13+$0xFFFFFEE0] =	vst v3;
	v3 =	vmul.f32 v25, v21  }
0x596: {  	v40 =	vbroadcast v30, $0x6;
	v48 =	vld [tilespmem:s0+$0xFFFFFEB0];
	v4 =	vmul.f32 v27, v63;
	[tilespmem:s5+$0xFFFFFF50] =	vst v6  }
0x597: {  	v39 =	vld [tilespmem:s12+$0xFFFFFEF0];
	v2 =	vmul.f32 v38, v35;
	[tilespmem:s13+$0xFFFFFF80] =	vst v3;
	v3 =	vbroadcast v31, $0x6  }
0x598: {  	v36 =	vbroadcast v34, $0x6;
	[tilespmem:s13+$0xFFFFFF30] =	vst v4;
	v42 =	vld [tilespmem:s12+$0xFFFFFF90];
	v4 =	vmul.f32 v40, v14  }
0x599: {  	v41 =	vld [tilespmem:s12+$0xFFFFFF40];
	[tilespmem:s13+$0xFFFFFE00] =	vst v2;
	v3 =	vmul.f32 v3, v37  }
0x59a: {  	v43 =	vbroadcast v29, $0x6;
	v47 =	vld [tilespmem:s0+$0xFFFFFE60];
	v5 =	vmul.f32 v36, v23;
	[tilespmem:s13+$0xFFFFFE50] =	vst v4  }
0x59b: {  	v2 =	vbroadcast v33, $0x6;
	v4 =	vmul.f32 v10, v48;
	[tilespmem:s13+$0xFFFFFEA0] =	vst v3;
	v3 =	vld [tilespmem:s0+$0xFFFFFF00]  }
0x59c: {  	v45 =	vbroadcast v32, $0x6;
	v50 =	vld [tilespmem:s0+$0xFFFFFFA0];
	[tilespmem:s13+$0xFFFFFDB0] =	vst v5;
	v16 =	vmul.f32 v43, v39  }
0x59d: {  	v52 =	vld [tilespmem:s12+$0xFFFFFE10];
	[tilespmem:s5+$0xFFFFFEB0] =	vst v4;
	v2 =	vmul.f32 v2, v42  }
0x59e: {  	v51 =	vld [tilespmem:s12+$0xFFFFFDC0];
	v5 =	vmul.f32 v45, v41;
	[tilespmem:s13+$0xFFFFFEF0] =	vst v16  }
0x59f: {  	v54 =	vld [tilespmem:s12+$0xFFFFFEB0];
	[tilespmem:s13+$0xFFFFFF90] =	vst v2;
	v2 =	vmul.f32 v9, v47  }
0x5a0: {  	v55 =	vbroadcast v28, $0x7;
	[tilespmem:s13+$0xFFFFFF40] =	vst v5;
	v3 =	vmul.f32 v13, v3;
	v59 =	vld [tilespmem:s12+$0xFFFFFFA0]  }
0x5a1: {  	v53 =	vbroadcast v34, $0x7;
	v5 =	vmul.f32 v12, v50;
	[tilespmem:s5+$0xFFFFFE60] =	vst v2;
	v2 =	vld [tilespmem:s12+$0xFFFFFE60]  }
0x5a2: {  	v58 =	vbroadcast v31, $0x7;
	v8 =	vmul.f32 v55, v52;
	[tilespmem:s5+$0xFFFFFF00] =	vst v3;
	v3 =	vld [tilespmem:s12+$0xFFFFFF00]  }
0x5a3: {  	v62 =	vbroadcast v33, $0x7;
	v57 =	vld [tilespmem:s12+$0xFFFFFF50];
	v7 =	vmul.f32 v53, v51;
	[tilespmem:s5+$0xFFFFFFA0] =	vst v5  }
0x5a4: {  	v56 =	vbroadcast v30, $0x7;
	[tilespmem:s13+$0xFFFFFE10] =	vst v8;
	v4 =	vmul.f32 v58, v54  }
0x5a5: {  	s18 =	sadd.s32 $0x1, s18;
	v60 =	vbroadcast v29, $0x7;
	[tilespmem:s13+$0xFFFFFDC0] =	vst v7;
	v63 =	vmul.f32 v62, v59  }
0x5a6: {  	p1 =	sne.s32 s18, $0x3E;
	v61 =	vbroadcast v32, $0x7;
	[tilespmem:s13+$0xFFFFFEB0] =	vst v4;
	v2 =	vmul.f32 v56, v2  }
.Ltmp7:
0x5a7: {  	v3 =	vmul.f32 v60, v3;
	[tilespmem:s13+$0xFFFFFFA0] =	vst v63;
	(pc) =	sbr.rel @p1 .LBB2_12-.Ltmp7, $4  }
0x5a8: {  	[tilespmem:s13+$0xFFFFFE60] =	vst v2;
	v2 =	vmul.f32 v61, v57  }
0x5a9: {  	[tilespmem:s13+$0xFFFFFF00] =	vst v3  }
0x5aa: {  	s19 =	sadd.s32 $0xA0, s19;
	s8 =	sadd.s32 $0xA0, s8;
	[tilespmem:s13+$0xFFFFFF50] =	vst v2  }
0x5ab: {  	[spmem:s4] =	stream.indirect.scatter.add.f32 [tilespmem:s23], [sflag:$0x4], $0x50, s21, s25, $0xb8;
	[tilespmem:$0x1E7A0] =	vst v63  }
0x5ac: {  	s21 =	simm.s32 $0x7F40;
	s0 =	simm.s32 $0x26C0  }
0x5ad: {  	[tilespmem:s21], [sflag:$0x1] =	stream.indirect.gather [hbm4b:s6+s25], $0x50, s0, s25, $0xb8;
	[tilespmem:$0x1E7A0] =	vst v63  }
0x5ae: {  	s24 =	simm.s32 $0x7540;
	s19 =	simm.s32 $0x4DD0  }
0x5af: {  	[tilespmem:s24], [sflag:$0x1] =	stream.indirect.gather [hbm4b:s2+s25], $0x10, s19, s25, $0xb8;
	[tilespmem:$0x1E7A0] =	vst v63  }
0x5b0: {  	_ =	swait.ge [sflag:s7], $0x1900  }
0x5b1: {  	[sflag:s7] =	ssyncset.done $0x0  }
0x5b2: {  	[sflag:s7] =	ssyncadd.s32 $0xFFFFE700  }
0x5b3: {  	_ =	swait.ge [sflag:s31], $0x1900  }
0x5b4: {  	[sflag:s31] =	ssyncset.done $0x0  }
0x5b5: {  	[sflag:s31] =	ssyncadd.s32 $0xFFFFE700  }
0x5b6: {  	_ =	swait.ge [sflag:s31], $0x500  }
0x5b7: {  	[sflag:s31] =	ssyncset.done $0x0  }
0x5b8: {  	s19 =	simm.s32 $0x8080;
	[sflag:s31] =	ssyncadd.s32 $0xFFFFFB00  }
0x5b9: {  	s26 =	simm.s32 $0x74E7;
	v2 =	vld [tilespmem:s19+$0x130]  }
0x5ba: {  	s5 =	simm.s32 $0x7580;
	v3 =	vld.msk [tilespmem:s26+$0x0 ss:$0x0], $0xffff  }
0x5bb: {  	v4 =	vld [tilespmem:s5+$0x30];
	_ =	sdelay $0x2  }
0x5bc: {  	v5 =	vld.msk [tilespmem:s26+$0xFFFFFFF9 ss:$0x0], $0xffff  }
0x5bd: {  	v6 =	vld.msk [tilespmem:s26+$0xFFFFFFFA ss:$0x0], $0xffff  }
0x5be: {  	v7 =	vld.msk [tilespmem:s26+$0xFFFFFFFC ss:$0x0], $0xffff;
	v2 =	vadd.f32 v4, v2;
	v3 =	vmul.f32 v3, v1  }
0x5bf: {  	v8 =	vld.msk [tilespmem:s26+$0xFFFFFFFE ss:$0x0], $0xffff  }
0x5c0: {  	v10 =	vld.msk [tilespmem:s26+$0xFFFFFFFF ss:$0x0], $0xffff;
	v2 =	vadd.f32 v3, v2  }
0x5c1: {  	v11 =	vld [tilespmem:s5+$0xFFFFFFC0]  }
0x5c2: {  	v12 =	vld [tilespmem:s5+$0xFFFFFFD0];
	v9 =	vmul.f32 $2.000000030e-01, v2  }
0x5c3: {  	v13 =	vld [tilespmem:s19+$0xFFFFFFA0];
	vm0 =	vgt.f32 v2, $0.0e+00  }
0x5c4: {  	v14 =	vld [tilespmem:s19+$0xFFFFFFF0];
	v2 =	vsel vm0, v2, v9  }
0x5c5: {  	v4 =	vld.msk [tilespmem:s26+$0xFFFFFFFB ss:$0x0], $0xffff;
	v2 =	vmul.f32 $1.442695020e+00, v2  }
0x5c6: {  	v9 =	vld [tilespmem:s19+$0xFFFFFF50]  }
0x5c7: {  	(erf) = vpow2.f32 v2;
	v2 =	vld [tilespmem:s5+$0xFFFFFFE0]  }
0x5c8: {  	v15 =	vld [tilespmem:s5+$0xFFFFFFF0]  }
0x5c9: {  	v16 =	vld [tilespmem:s19+$0x40]  }
0x5ca: {  	v17 =	vld [tilespmem:s5+$0x0]  }
0x5cb: {  	v6 =	vmul.f32 v6, v1;
	v3 =	vld.msk [tilespmem:s26+$0xFFFFFFFD ss:$0x0], $0xffff;
	v9 =	vadd.f32 v12, v9  }
0x5cc: {  	v4 =	vmul.f32 v4, v1;
	v2 =	vadd.f32 v2, v13;
	v13 =	vld [tilespmem:s19+$0xFFFFFF00]  }
0x5cd: {  	v12 =	vld [tilespmem:s19+$0x90];
	v6 =	vadd.f32 v6, v9  }
0x5ce: {  	v7 =	vmul.f32 v7, v1;
	v9 =	vld [tilespmem:s5+$0x10];
	v2 =	vadd.f32 v4, v2;
	v4 =	vadd.f32 v15, v14  }
0x5cf: {  	v5 =	vmul.f32 v5, v1  }
0x5d0: {  	v3 =	vmul.f32 v3, v1;
	v4 =	vadd.f32 v7, v4;
	v7 =	vadd.f32 v17, v16  }
0x5d1: {  	s8 =	simm.s32 $0xB280;
	v8 =	vmul.f32 v8, v1;
	v18 =	vmul.f32 $2.000000030e-01, v6;
	v15 =	vpop (erf);
	v11 =	vadd.f32 v11, v13  }
0x5d2: {  	v10 =	vmul.f32 v10, v1;
	vm6 =	vgt.f32 v6, $0.0e+00;
	[tilespmem:s8+$0x130] =	vst v15;
	v3 =	vadd.f32 v3, v7  }
0x5d3: {  	v6 =	vsel vm6, v6, v18;
	v16 =	vld [tilespmem:s19+$0xF0];
	v7 =	vadd.f32 v9, v12;
	v5 =	vadd.f32 v5, v11  }
0x5d4: {  	v19 =	vld [tilespmem:s5+$0x20];
	v20 =	vmul.f32 $2.000000030e-01, v2;
	v6 =	vmul.f32 $1.442695020e+00, v6  }
0x5d5: {  	v14 =	vld [tilespmem:s19+$0xE0];
	vm7 =	vgt.f32 v2, $0.0e+00;
	v7 =	vadd.f32 v8, v7;
	v8 =	vmul.f32 $2.000000030e-01, v5  }
0x5d6: {  	s9 =	simm.s32 $0x74EF;
	v9 =	vbroadcast v15, $0x4;
	(erf) = vpow2.f32 v6;
	vm1 =	vgt.f32 v5, $0.0e+00  }
0x5d7: {  	v21 =	vld.msk [tilespmem:s9+$0xFFFFFFF9 ss:$0x0], $0xffff;
	v13 =	vmul.f32 $2.000000030e-01, v4;
	v12 =	vmul.f32 $2.000000030e-01, v3;
	v5 =	vsel vm1, v5, v8  }
0x5d8: {  	v24 =	vld.msk [tilespmem:s9+$0xFFFFFFFA ss:$0x0], $0xffff;
	v2 =	vsel vm7, v2, v20;
	v9 =	vmul.f32 v9, v16;
	v5 =	vmul.f32 $1.442695020e+00, v5  }
0x5d9: {  	v27 =	vld.msk [tilespmem:s9+$0xFFFFFFFB ss:$0x0], $0xffff;
	vm8 =	vgt.f32 v4, $0.0e+00;
	v2 =	vmul.f32 $1.442695020e+00, v2;
	vm9 =	vgt.f32 v3, $0.0e+00  }
0x5da: {  	v29 =	vld.msk [tilespmem:s9+$0xFFFFFFFC ss:$0x0], $0xffff;
	v11 =	vadd.f32 v19, v14;
	v3 =	vsel vm9, v3, v12;
	[tilespmem:s8+$0xF0] =	vst v9;
	(erf) = vpow2.f32 v5  }
0x5db: {  	v4 =	vsel vm8, v4, v13;
	v9 =	vld [tilespmem:s19+$0x100];
	(erf) = vpow2.f32 v2;
	v2 =	vmul.f32 $1.442695020e+00, v3  }
0x5dc: {  	v31 =	vld.msk [tilespmem:s9+$0xFFFFFFFD ss:$0x0], $0xffff;
	v4 =	vmul.f32 $1.442695020e+00, v4  }
0x5dd: {  	v34 =	vld.msk [tilespmem:s9+$0xFFFFFFFE ss:$0x0], $0xffff;
	v10 =	vadd.f32 v10, v11;
	v11 =	vmul.f32 $2.000000030e-01, v7  }
0x5de: {  	s0 =	simm.s32 $0x8300;
	v35 =	vld.msk [tilespmem:s9+$0xFFFFFFFF ss:$0x0], $0xffff;
	v6 =	vbroadcast v15, $0x5;
	vm10 =	vgt.f32 v7, $0.0e+00;
	(erf) = vpow2.f32 v4  }
0x5df: {  	s28 =	simm.s32 $0x7600;
	v40 =	vld [tilespmem:s0+$0xFFFFFFA0];
	v8 =	vmul.f32 $2.000000030e-01, v10;
	v5 =	vsel vm10, v7, v11;
	(erf) = vpow2.f32 v2;
	v2 =	vpop (erf)  }
0x5e0: {  	v41 =	vld [tilespmem:s28+$0xFFFFFFE0];
	vm11 =	vgt.f32 v10, $0.0e+00;
	v4 =	vmul.f32 $1.442695020e+00, v5;
	v5 =	vmul.f32 v6, v9;
	[tilespmem:s8+$0xFFFFFF50] =	vst v2  }
0x5e1: {  	v3 =	vsel vm11, v10, v8;
	v9 =	vld [tilespmem:s19+$0xFFFFFF10]  }
0x5e2: {  	v57 =	vld [tilespmem:s28+$0xFFFFFFF0];
	v3 =	vmul.f32 $1.442695020e+00, v3;
	[tilespmem:s8+$0x100] =	vst v5  }
0x5e3: {  	(erf) = vpow2.f32 v4;
	v4 =	vld [tilespmem:s19+$0x110]  }
0x5e4: {  	v58 =	vld [tilespmem:s28+$0x10];
	v16 =	vbroadcast v2, $0x4;
	v6 =	vpop (erf)  }
0x5e5: {  	v24 =	vmul.f32 v24, v1;
	v19 =	vld.msk [tilespmem:s9+$0x0 ss:$0x0], $0xffff;
	(erf) = vpow2.f32 v3;
	[tilespmem:s8+$0xFFFFFF00] =	vst v6  }
0x5e6: {  	v5 =	vbroadcast v15, $0x6;
	v3 =	vpop (erf);
	v10 =	vld [tilespmem:s19+$0xFFFFFEC0];
	v9 =	vmul.f32 v16, v9  }
0x5e7: {  	v21 =	vmul.f32 v21, v1;
	v29 =	vmul.f32 v29, v1;
	[tilespmem:s8+$0xFFFFFFA0] =	vst v3;
	v16 =	vld [tilespmem:s0+$0x130]  }
0x5e8: {  	v31 =	vmul.f32 v31, v1;
	v7 =	vmul.f32 v5, v4;
	v4 =	vpop (erf);
	[tilespmem:s8+$0xFFFFFF10] =	vst v9;
	v9 =	vld [tilespmem:s28+$0x30]  }
0x5e9: {  	v34 =	vmul.f32 v34, v1;
	v35 =	vmul.f32 v35, v1;
	v11 =	vld [tilespmem:s19+$0xFFFFFF60];
	[tilespmem:s8+$0xFFFFFFF0] =	vst v4  }
0x5ea: {  	v26 =	vbroadcast v2, $0x5;
	v22 =	vbroadcast v6, $0x4;
	v12 =	vld [tilespmem:s19+$0xFFFFFFB0]  }
0x5eb: {  	v23 =	vbroadcast v6, $0x5;
	v25 =	vbroadcast v3, $0x4;
	v5 =	vpop (erf);
	[tilespmem:s8+$0x110] =	vst v7;
	v20 =	vld [tilespmem:s19+$0xFFFFFF20]  }
0x5ec: {  	v28 =	vbroadcast v4, $0x4;
	v32 =	vbroadcast v4, $0x5;
	[tilespmem:s8+$0x40] =	vst v5;
	v13 =	vld [tilespmem:s19+$0x120]  }
0x5ed: {  	v30 =	vbroadcast v5, $0x4;
	v14 =	vld [tilespmem:s19+$0x0];
	v7 =	vpop (erf);
	v9 =	vadd.f32 v9, v16;
	v16 =	vmul.f32 v19, v1  }
0x5ee: {  	v25 =	vmul.f32 v25, v11;
	v11 =	vbroadcast v15, $0x7;
	v15 =	vld [tilespmem:s0+$0xFFFFFF50];
	v8 =	vpop (erf);
	[tilespmem:s8+$0x90] =	vst v7  }
0x5ef: {  	v36 =	vbroadcast v5, $0x5;
	v22 =	vmul.f32 v22, v10;
	v17 =	vld [tilespmem:s19+$0x50];
	[tilespmem:s8+$0xE0] =	vst v8;
	v9 =	vadd.f32 v16, v9  }
0x5f0: {  	v33 =	vbroadcast v7, $0x4;
	v38 =	vbroadcast v7, $0x5;
	v18 =	vld [tilespmem:s19+$0xA0]  }
0x5f1: {  	v28 =	vmul.f32 v28, v12;
	v12 =	vld [tilespmem:s28+$0xFFFFFFD0];
	v10 =	vmul.f32 $2.000000030e-01, v9  }
0x5f2: {  	[tilespmem:s8+$0xFFFFFEC0] =	vst v22;
	v20 =	vmul.f32 v26, v20;
	v26 =	vmul.f32 v27, v1;
	v27 =	vld [tilespmem:s0+$0x90];
	vm12 =	vgt.f32 v9, $0.0e+00  }
0x5f3: {  	v19 =	vbroadcast v3, $0x5;
	v39 =	vbroadcast v8, $0x5;
	[tilespmem:s8+$0xFFFFFF60] =	vst v25;
	v25 =	vld [tilespmem:s19+$0xFFFFFED0];
	v9 =	vsel vm12, v9, v10  }
0x5f4: {  	v14 =	vmul.f32 v30, v14;
	v30 =	vld [tilespmem:s0+$0xFFFFFFF0];
	v10 =	vmul.f32 $1.442695020e+00, v9  }
0x5f5: {  	v37 =	vld [tilespmem:s28+$0xFFFFFFC0];
	v62 =	vbroadcast v8, $0x6;
	v16 =	vbroadcast v8, $0x4;
	[tilespmem:s8+$0xFFFFFFB0] =	vst v28  }
0x5f6: {  	v11 =	vmul.f32 v11, v13;
	v28 =	vld [tilespmem:s19+$0xFFFFFFC0];
	v12 =	vadd.f32 v12, v15;
	(erf) = vpow2.f32 v10  }
0x5f7: {  	v17 =	vmul.f32 v33, v17;
	v16 =	vmul.f32 v16, v18;
	v18 =	vld [tilespmem:s0+$0x40];
	v27 =	vadd.f32 v58, v27  }
0x5f8: {  	[tilespmem:s8+$0x0] =	vst v14;
	v23 =	vmul.f32 v23, v25;
	v15 =	vld [tilespmem:s28+$0x0];
	v12 =	vadd.f32 v24, v12;
	v24 =	vadd.f32 v41, v40  }
0x5f9: {  	v13 =	vbroadcast v2, $0x6;
	v9 =	vbroadcast v6, $0x6;
	v30 =	vadd.f32 v57, v30;
	[tilespmem:s8+$0x50] =	vst v17;
	v17 =	vld [tilespmem:s19+$0x10]  }
0x5fa: {  	[tilespmem:s8+$0xFFFFFED0] =	vst v23;
	v27 =	vadd.f32 v34, v27;
	v34 =	vbroadcast v5, $0x6;
	v24 =	vadd.f32 v26, v24;
	v26 =	vld [tilespmem:s0+$0xFFFFFF00]  }
0x5fb: {  	[tilespmem:s8+$0xA0] =	vst v16;
	v10 =	vbroadcast v3, $0x6;
	v29 =	vadd.f32 v29, v30;
	v23 =	vmul.f32 v32, v28  }
0x5fc: {  	[tilespmem:s8+$0xFFFFFF20] =	vst v20;
	v20 =	vld [tilespmem:s19+$0xB0];
	v60 =	vmul.f32 $2.000000030e-01, v12;
	vm13 =	vgt.f32 v12, $0.0e+00;
	v22 =	vmul.f32 $2.000000030e-01, v27  }
0x5fd: {  	vm5 =	vgt.f32 v27, $0.0e+00;
	v15 =	vadd.f32 v15, v18;
	v61 =	vmul.f32 $2.000000030e-01, v29  }
0x5fe: {  	v59 =	vld [tilespmem:s0+$0xE0];
	v18 =	vmul.f32 $2.000000030e-01, v24;
	v30 =	vsel vm13, v12, v60;
	vm14 =	vgt.f32 v24, $0.0e+00  }
0x5ff: {  	s12 =	simm.s32 $0x8580;
	v42 =	vld [tilespmem:s28+$0x20];
	s5 =	simm.s32 $0xB500;
	v17 =	vmul.f32 v36, v17;
	v15 =	vadd.f32 v31, v15;
	v26 =	vadd.f32 v37, v26;
	v12 =	vpop (erf)  }
0x600: {  	v48 =	vld [tilespmem:s12+$0x130];
	vm15 =	vgt.f32 v29, $0.0e+00;
	v22 =	vsel vm5, v27, v22;
	v18 =	vsel vm14, v24, v18;
	[tilespmem:s5+$0x130] =	vst v12  }
0x601: {  	[tilespmem:s8+$0x10] =	vst v17;
	v17 =	vmul.f32 v39, v20;
	v31 =	vmul.f32 $2.000000030e-01, v15;
	v21 =	vadd.f32 v21, v26;
	v24 =	vld [tilespmem:s0+$0xF0]  }
0x602: {  	v25 =	vld [tilespmem:s19+$0xFFFFFEE0];
	v36 =	vbroadcast v7, $0x6;
	v30 =	vmul.f32 $1.442695020e+00, v30;
	vm4 =	vgt.f32 v15, $0.0e+00  }
0x603: {  	v29 =	vsel vm15, v29, v61;
	[tilespmem:s8+$0xB0] =	vst v17;
	v15 =	vsel vm4, v15, v31;
	v31 =	vld [tilespmem:s19+$0xFFFFFF70];
	v27 =	vmul.f32 $2.000000030e-01, v21  }
0x604: {  	s18 =	simm.s32 $0x74F7;
	v14 =	vmul.f32 $1.442695020e+00, v22;
	v61 =	vld [tilespmem:s19+$0xC0];
	v26 =	vbroadcast v12, $0x4;
	vm6 =	vgt.f32 v21, $0.0e+00  }
0x605: {  	v51 =	vld.msk [tilespmem:s18+$0x0 ss:$0x0], $0xffff;
	v29 =	vmul.f32 $1.442695020e+00, v29;
	(erf) = vpow2.f32 v30;
	v21 =	vsel vm6, v21, v27  }
0x606: {  	s10 =	simm.s32 $0x7680;
	v55 =	vld.msk [tilespmem:s18+$0xFFFFFFFA ss:$0x0], $0xffff;
	v33 =	vadd.f32 v42, v59;
	v21 =	vmul.f32 $1.442695020e+00, v21;
	v24 =	vmul.f32 v26, v24  }
0x607: {  	v59 =	vld [tilespmem:s10+$0xFFFFFFD0];
	v18 =	vmul.f32 $1.442695020e+00, v18;
	v15 =	vmul.f32 $1.442695020e+00, v15  }
0x608: {  	v33 =	vadd.f32 v35, v33;
	v16 =	vld [tilespmem:s19+$0x60];
	v19 =	vmul.f32 v19, v31;
	(erf) = vpow2.f32 v21;
	[tilespmem:s5+$0xF0] =	vst v24  }
0x609: {  	[tilespmem:s8+$0xFFFFFFC0] =	vst v23;
	v31 =	vmul.f32 v9, v25;
	v37 =	vmul.f32 v62, v61;
	v22 =	vld [tilespmem:s0+$0x100]  }
0x60a: {  	v32 =	vld [tilespmem:s19+$0xFFFFFFD0];
	v26 =	vmul.f32 $2.000000030e-01, v33;
	(erf) = vpow2.f32 v18  }
0x60b: {  	vm7 =	vgt.f32 v33, $0.0e+00;
	v35 =	vld [tilespmem:s19+$0x20];
	v21 =	vbroadcast v12, $0x5;
	(erf) = vpow2.f32 v29  }
0x60c: {  	v58 =	vld.msk [tilespmem:s18+$0xFFFFFFFD ss:$0x0], $0xffff;
	v24 =	vsel vm7, v33, v26;
	(erf) = vpow2.f32 v15;
	v33 =	vbroadcast v4, $0x6  }
0x60d: {  	[tilespmem:s8+$0xFFFFFF70] =	vst v19;
	v18 =	vld [tilespmem:s19+$0xFFFFFF30];
	v24 =	vmul.f32 $1.442695020e+00, v24;
	(erf) = vpow2.f32 v14  }
0x60e: {  	v15 =	vld [tilespmem:s19+$0xFFFFFF80];
	v14 =	vmul.f32 v38, v16;
	v38 =	vpop (erf);
	v19 =	vmul.f32 v21, v22  }
0x60f: {  	v40 =	vld [tilespmem:s10+$0xFFFFFFC0];
	[tilespmem:s5+$0xFFFFFF50] =	vst v38;
	v30 =	vbroadcast v38, $0x6;
	v32 =	vmul.f32 v33, v32  }
0x610: {  	v39 =	vld [tilespmem:s12+$0xFFFFFFF0];
	v33 =	vmul.f32 v34, v35;
	v35 =	vmul.f32 v55, v1;
	[tilespmem:s5+$0x100] =	vst v19  }
0x611: {  	(erf) = vpow2.f32 v24;
	[tilespmem:s8+$0x60] =	vst v14;
	v24 =	vbroadcast v2, $0x7;
	v60 =	vpop (erf);
	v16 =	vld [tilespmem:s0+$0x110]  }
0x612: {  	v14 =	vld [tilespmem:s0+$0xFFFFFF10];
	v2 =	vbroadcast v8, $0x7;
	v8 =	vbroadcast v38, $0x4;
	[tilespmem:s5+$0xFFFFFF00] =	vst v60  }
0x613: {  	v18 =	vmul.f32 v13, v18;
	v21 =	vmul.f32 v10, v15;
	v17 =	vld [tilespmem:s0+$0xFFFFFEC0]  }
0x614: {  	v61 =	vld [tilespmem:s12+$0xFFFFFF00];
	v19 =	vbroadcast v6, $0x7;
	v6 =	vbroadcast v12, $0x6  }
0x615: {  	v34 =	vld [tilespmem:s12+$0xFFFFFFA0];
	v42 =	vpop (erf);
	v13 =	vbroadcast v60, $0x4;
	v20 =	vbroadcast v60, $0x5  }
0x616: {  	v63 =	vld [tilespmem:s19+$0x70];
	v28 =	vbroadcast v60, $0x6;
	[tilespmem:s5+$0xFFFFFFA0] =	vst v42;
	v16 =	vmul.f32 v6, v16  }
0x617: {  	v6 =	vbroadcast v5, $0x7;
	v5 =	vbroadcast v7, $0x7;
	v7 =	vld [tilespmem:s0+$0xFFFFFF60]  }
0x618: {  	v43 =	vpop (erf);
	v8 =	vmul.f32 v8, v14;
	v52 =	vmul.f32 v13, v17;
	v13 =	vld [tilespmem:s10+$0x30];
	[tilespmem:s5+$0x110] =	vst v16  }
0x619: {  	v15 =	vbroadcast v42, $0x4;
	v23 =	vbroadcast v42, $0x5;
	[tilespmem:s5+$0xFFFFFFF0] =	vst v43;
	v44 =	vpop (erf);
	v9 =	vld [tilespmem:s0+$0x120]  }
0x61a: {  	v25 =	vbroadcast v43, $0x4;
	v22 =	vbroadcast v43, $0x5;
	v27 =	vld [tilespmem:s0+$0xFFFFFFB0];
	v45 =	vpop (erf);
	[tilespmem:s5+$0x40] =	vst v44  }
0x61b: {  	v36 =	vmul.f32 v36, v63;
	v29 =	vbroadcast v44, $0x4;
	v10 =	vld [tilespmem:s0+$0x0];
	v46 =	vpop (erf)  }
0x61c: {  	v63 =	vld [tilespmem:s10+$0x0];
	[tilespmem:s5+$0xE0] =	vst v46;
	v53 =	vmul.f32 v15, v7;
	v7 =	vbroadcast v12, $0x7  }
0x61d: {  	[tilespmem:s5+$0xFFFFFF10] =	vst v8;
	v26 =	vbroadcast v44, $0x5;
	v49 =	vbroadcast v45, $0x4;
	v8 =	vld [tilespmem:s0+$0xA0]  }
0x61e: {  	[tilespmem:s5+$0x90] =	vst v45;
	v47 =	vld [tilespmem:s0+$0xFFFFFF20];
	v56 =	vmul.f32 v7, v9;
	v7 =	vadd.f32 v13, v48;
	v13 =	vmul.f32 v51, v1  }
0x61f: {  	[tilespmem:s8+$0x120] =	vst v11;
	v11 =	vbroadcast v45, $0x7;
	v14 =	vld [tilespmem:s0+$0x50];
	v54 =	vmul.f32 v25, v27  }
0x620: {  	v50 =	vbroadcast v46, $0x4;
	[tilespmem:s5+$0xFFFFFEC0] =	vst v52;
	v57 =	vmul.f32 v29, v10;
	v10 =	vld.msk [tilespmem:s18+$0xFFFFFFFC ss:$0x0], $0xffff;
	v7 =	vadd.f32 v13, v7  }
0x621: {  	v17 =	vbroadcast v46, $0x6;
	v16 =	vbroadcast v38, $0x5;
	[tilespmem:s5+$0xFFFFFFB0] =	vst v54;
	v54 =	vld [tilespmem:s0+$0xFFFFFED0]  }
0x622: {  	v50 =	vmul.f32 v50, v8;
	v8 =	vld [tilespmem:s12+$0xFFFFFF50];
	v13 =	vmul.f32 $2.000000030e-01, v7  }
0x623: {  	v27 =	vbroadcast v45, $0x5;
	v25 =	vbroadcast v46, $0x5;
	v12 =	vld.msk [tilespmem:s18+$0xFFFFFFF9 ss:$0x0], $0xffff;
	vm8 =	vgt.f32 v7, $0.0e+00  }
0x624: {  	v29 =	vbroadcast v42, $0x6;
	v47 =	vmul.f32 v16, v47;
	[tilespmem:s5+$0xFFFFFF60] =	vst v53;
	v53 =	vld [tilespmem:s0+$0xFFFFFFC0];
	v7 =	vsel vm8, v7, v13  }
0x625: {  	v16 =	vbroadcast v44, $0x6;
	v9 =	vld.msk [tilespmem:s18+$0xFFFFFFFB ss:$0x0], $0xffff;
	v62 =	vmul.f32 $1.442695020e+00, v7  }
0x626: {  	v15 =	vbroadcast v45, $0x6;
	v48 =	vmul.f32 v49, v14;
	v49 =	vld.msk [tilespmem:s18+$0xFFFFFFFE ss:$0x0], $0xffff  }
0x627: {  	v51 =	vld.msk [tilespmem:s18+$0xFFFFFFFF ss:$0x0], $0xffff;
	v14 =	vbroadcast v43, $0x6;
	v55 =	vadd.f32 v59, v8;
	(erf) = vpow2.f32 v62  }
0x628: {  	v20 =	vmul.f32 v20, v54;
	v41 =	vmul.f32 v12, v1;
	v12 =	vld [tilespmem:s10+$0xFFFFFFF0]  }
0x629: {  	v8 =	vbroadcast v38, $0x7;
	v35 =	vadd.f32 v35, v55;
	v55 =	vmul.f32 v58, v1;
	v13 =	vld [tilespmem:s10+$0xFFFFFFE0]  }
0x62a: {  	v40 =	vadd.f32 v40, v61;
	v59 =	vld [tilespmem:s12+$0x40];
	v22 =	vmul.f32 v22, v53;
	v38 =	vmul.f32 v9, v1  }
0x62b: {  	[tilespmem:s5+$0xA0] =	vst v50;
	v9 =	vbroadcast v42, $0x7;
	v49 =	vmul.f32 v49, v1  }
0x62c: {  	[tilespmem:s5+$0xFFFFFF20] =	vst v47;
	v47 =	vld [tilespmem:s0+$0xB0];
	v40 =	vadd.f32 v41, v40;
	v51 =	vmul.f32 v51, v1;
	v58 =	vmul.f32 $2.000000030e-01, v35  }
0x62d: {  	[tilespmem:s8+$0xFFFFFEE0] =	vst v31;
	vm9 =	vgt.f32 v35, $0.0e+00;
	v7 =	vbroadcast v60, $0x7;
	v60 =	vmul.f32 v10, v1  }
0x62e: {  	[tilespmem:s8+$0xFFFFFF30] =	vst v18;
	v10 =	vbroadcast v43, $0x7;
	v43 =	vld [tilespmem:s12+$0x90];
	v12 =	vadd.f32 v12, v39;
	v34 =	vadd.f32 v13, v34  }
0x62f: {  	[tilespmem:s8+$0x70] =	vst v36;
	vm15 =	vgt.f32 v40, $0.0e+00;
	v18 =	vmul.f32 $2.000000030e-01, v40;
	v39 =	vld [tilespmem:s10+$0x10];
	v42 =	vadd.f32 v63, v59  }
0x630: {  	s13 =	simm.s32 $0xB780;
	[tilespmem:s5+$0x0] =	vst v57;
	v45 =	vadd.f32 v60, v12;
	v60 =	vld [tilespmem:s10+$0x20];
	v34 =	vadd.f32 v38, v34;
	v38 =	vsel vm9, v35, v58;
	v35 =	vpop (erf)  }
0x631: {  	v25 =	vmul.f32 v25, v47;
	v40 =	vsel vm15, v40, v18;
	v13 =	vbroadcast v44, $0x7;
	v44 =	vld [tilespmem:s12+$0xE0];
	[tilespmem:s13+$0x130] =	vst v35  }
0x632: {  	[tilespmem:s5+$0x120] =	vst v56;
	v12 =	vbroadcast v46, $0x7;
	v42 =	vadd.f32 v55, v42;
	v56 =	vmul.f32 $1.442695020e+00, v40;
	v58 =	vld [tilespmem:s12+$0xF0]  }
0x633: {  	v52 =	vld [tilespmem:s19+$0xFFFFFEF0];
	[tilespmem:s5+$0x50] =	vst v48;
	v63 =	vmul.f32 $2.000000030e-01, v45;
	vm11 =	vgt.f32 v45, $0.0e+00;
	v38 =	vmul.f32 $1.442695020e+00, v38  }
0x634: {  	[tilespmem:s5+$0xFFFFFED0] =	vst v20;
	v20 =	vld [tilespmem:s19+$0x80];
	v57 =	vmul.f32 $2.000000030e-01, v42;
	v39 =	vadd.f32 v39, v43;
	v62 =	vmul.f32 $2.000000030e-01, v34  }
0x635: {  	v50 =	vld [tilespmem:s0+$0x60];
	vm12 =	vgt.f32 v42, $0.0e+00;
	(erf) = vpow2.f32 v38;
	v61 =	vbroadcast v35, $0x4  }
0x636: {  	[tilespmem:s8+$0xC0] =	vst v37;
	v46 =	vld [tilespmem:s0+$0x10];
	v39 =	vadd.f32 v49, v39;
	vm10 =	vgt.f32 v34, $0.0e+00;
	v44 =	vadd.f32 v60, v44  }
0x637: {  	[tilespmem:s5+$0xFFFFFFC0] =	vst v22;
	v22 =	vld [tilespmem:s19+$0xD0];
	v60 =	vsel vm12, v42, v57;
	v34 =	vsel vm10, v34, v62;
	v42 =	vmul.f32 v61, v58  }
0x638: {  	v45 =	vsel vm11, v45, v63;
	v63 =	vld [tilespmem:s0+$0xFFFFFF30];
	v59 =	vmul.f32 $2.000000030e-01, v39;
	v34 =	vmul.f32 $1.442695020e+00, v34  }
0x639: {  	v41 =	vmul.f32 $1.442695020e+00, v60;
	(erf) = vpow2.f32 v56;
	v60 =	vld [tilespmem:s0+$0xFFFFFEE0];
	[tilespmem:s13+$0xF0] =	vst v42  }
0x63a: {  	v45 =	vmul.f32 $1.442695020e+00, v45;
	vm13 =	vgt.f32 v39, $0.0e+00;
	(erf) = vpow2.f32 v34;
	v42 =	vld [tilespmem:s12+$0x100]  }
0x63b: {  	[tilespmem:s8+$0xFFFFFF80] =	vst v21;
	v43 =	vld [tilespmem:s0+$0xFFFFFF70];
	v26 =	vmul.f32 v26, v46;
	v44 =	vadd.f32 v51, v44;
	v31 =	vsel vm13, v39, v59  }
0x63c: {  	[tilespmem:s5+$0xB0] =	vst v25;
	v18 =	vld [tilespmem:s19+$0xFFFFFF90];
	v31 =	vmul.f32 $1.442695020e+00, v31;
	v59 =	vbroadcast v35, $0x5  }
0x63d: {  	v47 =	vld [tilespmem:s0+$0xC0];
	v62 =	vmul.f32 $2.000000030e-01, v44;
	(erf) = vpow2.f32 v45  }
0x63e: {  	v55 =	vld [tilespmem:s19+$0xFFFFFF40];
	[tilespmem:s5+$0x10] =	vst v26;
	vm14 =	vgt.f32 v44, $0.0e+00;
	(erf) = vpow2.f32 v41;
	v46 =	vmul.f32 v28, v60;
	v28 =	vpop (erf)  }
0x63f: {  	v45 =	vld [tilespmem:s0+$0x20];
	v21 =	vsel vm14, v44, v62;
	v41 =	vmul.f32 v30, v63;
	[tilespmem:s13+$0xFFFFFF50] =	vst v28;
	v61 =	vmul.f32 v59, v42  }
0x640: {  	[tilespmem:s8+$0xFFFFFFD0] =	vst v32;
	v57 =	vmul.f32 $1.442695020e+00, v21;
	v58 =	vmul.f32 v23, v43;
	v63 =	vld [tilespmem:s12+$0xFFFFFF10]  }
0x641: {  	v3 =	vbroadcast v3, $0x7;
	v21 =	vld [tilespmem:s19+$0xFFFFFFE0];
	(erf) = vpow2.f32 v31;
	[tilespmem:s13+$0x100] =	vst v61  }
0x642: {  	v4 =	vbroadcast v4, $0x7;
	(erf) = vpow2.f32 v57;
	v34 =	vpop (erf);
	[tilespmem:s5+$0xFFFFFF70] =	vst v58;
	v31 =	vld [tilespmem:s12+$0x110]  }
0x643: {  	v37 =	vmul.f32 v19, v52;
	v26 =	vbroadcast v28, $0x4;
	[tilespmem:s13+$0xFFFFFF00] =	vst v34;
	v62 =	vld [tilespmem:s0+$0xFFFFFF80];
	v30 =	vpop (erf)  }
0x644: {  	v27 =	vmul.f32 v27, v50;
	v39 =	vmul.f32 v24, v55;
	v48 =	vld [tilespmem:s12+$0xFFFFFEC0];
	[tilespmem:s13+$0xFFFFFFA0] =	vst v30  }
0x645: {  	[tilespmem:s8+$0x20] =	vst v33;
	v24 =	vbroadcast v35, $0x6;
	v60 =	vld [tilespmem:s12+$0xFFFFFF60];
	v63 =	vmul.f32 v26, v63  }
0x646: {  	[tilespmem:s5+$0x60] =	vst v27;
	v55 =	vbroadcast v35, $0x7;
	v23 =	vld [tilespmem:s19+$0x30];
	v49 =	vbroadcast v28, $0x5  }
0x647: {  	v43 =	vld [tilespmem:s0+$0x70];
	v27 =	vbroadcast v34, $0x4;
	[tilespmem:s13+$0xFFFFFF10] =	vst v63;
	v24 =	vmul.f32 v24, v31;
	v31 =	vpop (erf)  }
0x648: {  	v19 =	vbroadcast v34, $0x5;
	v53 =	vbroadcast v30, $0x4;
	v42 =	vld [tilespmem:s0+$0xFFFFFFD0];
	[tilespmem:s13+$0xFFFFFFF0] =	vst v31  }
0x649: {  	v25 =	vbroadcast v30, $0x5;
	v44 =	vmul.f32 v29, v62;
	v29 =	vpop (erf);
	v62 =	vld [tilespmem:s12+$0xFFFFFFB0];
	[tilespmem:s13+$0x110] =	vst v24  }
0x64a: {  	v27 =	vmul.f32 v27, v48;
	v54 =	vmul.f32 v53, v60;
	v32 =	vpop (erf);
	[tilespmem:s13+$0x40] =	vst v29;
	v36 =	vld [tilespmem:s12+$0x120]  }
0x64b: {  	v61 =	vbroadcast v31, $0x4;
	v38 =	vbroadcast v29, $0x4;
	v33 =	vpop (erf);
	v40 =	vld [tilespmem:s12+$0x0];
	[tilespmem:s13+$0x90] =	vst v32  }
0x64c: {  	v24 =	vbroadcast v31, $0x5;
	v26 =	vbroadcast v29, $0x5;
	v52 =	vld [tilespmem:s12+$0x50];
	[tilespmem:s13+$0xE0] =	vst v33  }
0x64d: {  	[tilespmem:s13+$0xFFFFFEC0] =	vst v27;
	v50 =	vbroadcast v32, $0x4;
	v27 =	vbroadcast v32, $0x5;
	v53 =	vld [tilespmem:s12+$0xA0]  }
0x64e: {  	s14 =	simm.s32 $0x10;
	s9 =	simm.s32 $0x8800;
	v48 =	vld [tilespmem:s12+$0xFFFFFF20];
	v51 =	vbroadcast v33, $0x4;
	v56 =	vmul.f32 v61, v62  }
.LBB2_18:
0x64f: {  	v57 =	vld [tilespmem:s9+$0x130];
	[tilespmem:s13+$0xFFFFFF60] =	vst v54;
	v35 =	vbroadcast v33, $0x5;
	v54 =	vmul.f32 v55, v36;
	s18 =	sadd.s32 $0x8, s18  }
0x650: {  	s14 =	sadd.s32 $0x8, s14;
	v36 =	vbroadcast v34, $0x6;
	s10 =	sadd.s32 $0x80, s10;
	v55 =	vld.msk [tilespmem:s18+$0x0 ss:$0x0], $0xffff;
	[tilespmem:s13+$0xFFFFFFB0] =	vst v56;
	v56 =	vmul.f32 v38, v40  }
0x651: {  	p1 =	slt.u32 s14, $0x48;
	v40 =	vbroadcast v28, $0x6;
	v58 =	vld [tilespmem:s10+$0x30];
	v50 =	vmul.f32 v50, v52;
	[tilespmem:s13+$0x120] =	vst v54  }
0x652: {  	v38 =	vbroadcast v30, $0x6;
	v52 =	vld.msk [tilespmem:s18+$0xFFFFFFF9 ss:$0x0], $0xffff;
	[tilespmem:s13+$0x0] =	vst v56;
	v51 =	vmul.f32 v51, v53  }
0x653: {  	v53 =	vld.msk [tilespmem:s18+$0xFFFFFFFA ss:$0x0], $0xffff;
	v48 =	vmul.f32 v49, v48;
	v49 =	vbroadcast v31, $0x6;
	[tilespmem:s13+$0x50] =	vst v50  }
0x654: {  	v54 =	vbroadcast v29, $0x6;
	v56 =	vbroadcast v32, $0x6;
	v50 =	vld.msk [tilespmem:s18+$0xFFFFFFFB ss:$0x0], $0xffff;
	[tilespmem:s13+$0xA0] =	vst v51  }
0x655: {  	v42 =	vmul.f32 v14, v42;
	v51 =	vld.msk [tilespmem:s18+$0xFFFFFFFC ss:$0x0], $0xffff;
	[tilespmem:s13+$0xFFFFFF20] =	vst v48;
	v48 =	vbroadcast v33, $0x6;
	v14 =	vmov v49  }
0x656: {  	v45 =	vmul.f32 v16, v45;
	v55 =	vmul.f32 v55, v1;
	v49 =	vld.msk [tilespmem:s18+$0xFFFFFFFD ss:$0x0], $0xffff;
	v57 =	vadd.f32 v58, v57;
	[tilespmem:s5+$0xFFFFFEE0] =	vst v46  }
0x657: {  	v47 =	vmul.f32 v17, v47;
	v16 =	vmovc v54;
	v46 =	vld.msk [tilespmem:s18+$0xFFFFFFFE ss:$0x0], $0xffff;
	[tilespmem:s5+$0xFFFFFF30] =	vst v41;
	v41 =	vmul.f32 v15, v43;
	v15 =	vmov v56  }
0x658: {  	v52 =	vmul.f32 v52, v1;
	v43 =	vbroadcast v34, $0x7;
	v17 =	vmovc v48;
	v54 =	vld.msk [tilespmem:s18+$0xFFFFFFFF ss:$0x0], $0xffff;
	v55 =	vadd.f32 v55, v57;
	[tilespmem:s5+$0xFFFFFF80] =	vst v44  }
0x659: {  	v34 =	vbroadcast v28, $0x7;
	v48 =	vmul.f32 v53, v1;
	v44 =	vld [tilespmem:s10+$0xFFFFFFC0];
	[tilespmem:s5+$0xFFFFFFD0] =	vst v42  }
0x65a: {  	v42 =	vmul.f32 v50, v1;
	v28 =	vld [tilespmem:s9+$0xFFFFFF50];
	v50 =	vmul.f32 $2.000000030e-01, v55;
	[tilespmem:s5+$0x20] =	vst v45  }
0x65b: {  	v30 =	vbroadcast v30, $0x7;
	v51 =	vmul.f32 v51, v1;
	vm0 =	vgt.f32 v55, $0.0e+00;
	v45 =	vld [tilespmem:s10+$0xFFFFFFD0];
	[tilespmem:s5+$0x70] =	vst v41  }
0x65c: {  	v31 =	vbroadcast v31, $0x7;
	v49 =	vmul.f32 v49, v1;
	v41 =	vld [tilespmem:s9+$0xFFFFFFA0];
	v50 =	vsel vm0, v55, v50;
	[tilespmem:s5+$0xC0] =	vst v47  }
0x65d: {  	v46 =	vmul.f32 v46, v1;
	v47 =	vld [tilespmem:s10+$0xFFFFFFE0];
	v50 =	vmul.f32 $1.442695020e+00, v50;
	[tilespmem:s8+$0xFFFFFEF0] =	vst v37  }
0x65e: {  	v29 =	vbroadcast v29, $0x7;
	v53 =	vmul.f32 v54, v1;
	v37 =	vld [tilespmem:s9+$0xFFFFFFF0];
	[tilespmem:s8+$0xFFFFFF40] =	vst v39  }
0x65f: {  	v32 =	vbroadcast v32, $0x7;
	v39 =	vld [tilespmem:s10+$0xFFFFFFF0];
	(erf) = vpow2.f32 v50  }
0x660: {  	v18 =	vmul.f32 v3, v18;
	v3 =	vmovc v9;
	v9 =	vmovc v30;
	v33 =	vbroadcast v33, $0x7;
	v28 =	vadd.f32 v45, v28;
	v45 =	vld [tilespmem:s9+$0x40]  }
0x661: {  	v21 =	vmul.f32 v4, v21;
	v23 =	vmul.f32 v6, v23;
	v4 =	vmovc v10;
	v6 =	vmovc v13;
	v10 =	vmov v31;
	v30 =	vld [tilespmem:s10+$0x0]  }
0x662: {  	v28 =	vadd.f32 v48, v28;
	v31 =	vadd.f32 v47, v41;
	v41 =	vld [tilespmem:s9+$0x90];
	[tilespmem:s8+$0xFFFFFF90] =	vst v18;
	v18 =	vmul.f32 v5, v20  }
0x663: {  	v13 =	vmovc v29;
	v5 =	vmovc v11;
	v11 =	vmov v32;
	v20 =	vld [tilespmem:s10+$0x10];
	[tilespmem:s8+$0xFFFFFFE0] =	vst v21;
	v21 =	vmul.f32 v2, v22;
	v2 =	vmov v12  }
0x664: {  	v12 =	vmovc v33;
	v22 =	vmul.f32 $2.000000030e-01, v28;
	v29 =	vadd.f32 v42, v31;
	v31 =	vadd.f32 v39, v37;
	v32 =	vld [tilespmem:s9+$0xE0];
	[tilespmem:s8+$0x30] =	vst v23  }
0x665: {  	vm0 =	vgt.f32 v28, $0.0e+00;
	v23 =	vld [tilespmem:s10+$0x20];
	[tilespmem:s8+$0x80] =	vst v18  }
0x666: {  	v18 =	vld [tilespmem:s9+$0xFFFFFF00];
	v33 =	vmul.f32 $2.000000030e-01, v29;
	v31 =	vadd.f32 v51, v31;
	v30 =	vadd.f32 v30, v45;
	[tilespmem:s8+$0xD0] =	vst v21;
	s8 =	smov.u32 s5;
	s5 =	smov.u32 s13  }
0x667: {  	v21 =	vsel vm0, v28, v22;
	vm0 =	vgt.f32 v29, $0.0e+00;
	v22 =	vld [tilespmem:s12+$0xFFFFFED0]  }
0x668: {  	s13 =	sadd.s32 $0x280, s13;
	v28 =	vmul.f32 $2.000000030e-01, v31;
	v30 =	vadd.f32 v49, v30;
	v20 =	vadd.f32 v20, v41;
	v48 =	vpop (erf);
	v37 =	vld [tilespmem:s12+$0xFFFFFF70]  }
0x669: {  	v21 =	vmul.f32 $1.442695020e+00, v21;
	v29 =	vsel vm0, v29, v33;
	vm0 =	vgt.f32 v31, $0.0e+00;
	[tilespmem:s13+$0x130] =	vst v48;
	v33 =	vld [tilespmem:s12+$0xFFFFFFC0]  }
0x66a: {  	v39 =	vmul.f32 $2.000000030e-01, v30;
	v20 =	vadd.f32 v46, v20;
	v23 =	vadd.f32 v23, v32;
	v32 =	vld [tilespmem:s9+$0xF0]  }
0x66b: {  	v28 =	vsel vm0, v31, v28;
	vm0 =	vgt.f32 v30, $0.0e+00;
	v18 =	vadd.f32 v44, v18;
	v31 =	vld [tilespmem:s12+$0x10]  }
0x66c: {  	vm1 =	vgt.f32 v20, $0.0e+00;
	v41 =	vmul.f32 $2.000000030e-01, v20;
	v23 =	vadd.f32 v53, v23;
	v44 =	vld [tilespmem:s12+$0x60]  }
0x66d: {  	v30 =	vsel vm0, v30, v39;
	v39 =	vbroadcast v48, $0x4;
	v18 =	vadd.f32 v52, v18;
	v45 =	vld [tilespmem:s12+$0xB0]  }
0x66e: {  	v20 =	vsel vm1, v20, v41;
	vm0 =	vgt.f32 v23, $0.0e+00;
	v41 =	vmul.f32 $2.000000030e-01, v23;
	v46 =	vld [tilespmem:s12+$0xFFFFFF30]  }
0x66f: {  	vm1 =	vgt.f32 v18, $0.0e+00;
	v42 =	vmul.f32 $2.000000030e-01, v18;
	v32 =	vmul.f32 v39, v32;
	v39 =	vld [tilespmem:s0+$0xFFFFFEF0]  }
0x670: {  	v29 =	vmul.f32 $1.442695020e+00, v29;
	v28 =	vmul.f32 $1.442695020e+00, v28;
	v23 =	vsel vm0, v23, v41;
	v47 =	vld [tilespmem:s0+$0xFFFFFF40]  }
0x671: {  	v30 =	vmul.f32 $1.442695020e+00, v30;
	v41 =	vsel vm1, v18, v42;
	v42 =	vmul.f32 $1.442695020e+00, v20;
	[tilespmem:s13+$0xF0] =	vst v32;
	v18 =	vld [tilespmem:s0+$0xFFFFFF90]  }
0x672: {  	v32 =	vmul.f32 $1.442695020e+00, v23;
	v20 =	vmul.f32 $1.442695020e+00, v41;
	v41 =	vld [tilespmem:s9+$0x100]  }
0x673: {  	v19 =	vmul.f32 v19, v22;
	(erf) = vpow2.f32 v21;
	v21 =	vld [tilespmem:s0+$0xFFFFFFE0]  }
0x674: {  	v22 =	vmul.f32 v25, v37;
	(erf) = vpow2.f32 v20;
	v23 =	vld [tilespmem:s0+$0x30]  }
0x675: {  	v25 =	vbroadcast v48, $0x5;
	(erf) = vpow2.f32 v29;
	[tilespmem:s5+$0xFFFFFED0] =	vst v19;
	v20 =	vld [tilespmem:s0+$0x80]  }
0x676: {  	(erf) = vpow2.f32 v28;
	v19 =	vld [tilespmem:s12+$0xFFFFFEE0];
	[tilespmem:s5+$0xFFFFFF70] =	vst v22;
	v22 =	vmul.f32 v24, v33  }
0x677: {  	v24 =	vmul.f32 v25, v41;
	(erf) = vpow2.f32 v30;
	v25 =	vld [tilespmem:s12+$0xFFFFFF80]  }
0x678: {  	v26 =	vmul.f32 v26, v31;
	(erf) = vpow2.f32 v42;
	[tilespmem:s5+$0xFFFFFFC0] =	vst v22;
	v22 =	vld [tilespmem:s0+$0xD0];
	s0 =	smov.u32 s12;
	s12 =	smov.u32 s9  }
0x679: {  	[tilespmem:s13+$0x100] =	vst v24;
	(erf) = vpow2.f32 v32;
	v42 =	vld [tilespmem:s0+$0xFFFFFFD0];
	v24 =	vmul.f32 v27, v44  }
0x67a: {  	v41 =	vmul.f32 v40, v46;
	v27 =	vld [tilespmem:s9+$0x110];
	[tilespmem:s5+$0x10] =	vst v26;
	v26 =	vmul.f32 v35, v45  }
0x67b: {  	v37 =	vmul.f32 v7, v39;
	v7 =	vmov v43;
	v46 =	vmul.f32 v36, v19;
	v45 =	vld [tilespmem:s0+$0x20];
	[tilespmem:s5+$0x60] =	vst v24  }
0x67c: {  	v39 =	vmul.f32 v8, v47;
	v8 =	vmov v34;
	v28 =	vpop (erf);
	v44 =	vmul.f32 v38, v25;
	v43 =	vld [tilespmem:s0+$0x70];
	[tilespmem:s5+$0xB0] =	vst v26  }
0x67d: {  	v24 =	vbroadcast v48, $0x6;
	[tilespmem:s13+$0xFFFFFF50] =	vst v28;
	v26 =	vbroadcast v28, $0x4;
	v34 =	vpop (erf);
	v47 =	vld [tilespmem:s0+$0xC0]  }
0x67e: {  	[tilespmem:s13+$0xFFFFFF00] =	vst v34;
	v35 =	vbroadcast v34, $0x4;
	v19 =	vbroadcast v34, $0x5;
	v40 =	vld [tilespmem:s9+$0xFFFFFF10];
	v30 =	vpop (erf)  }
0x67f: {  	v52 =	vld [tilespmem:s9+$0xFFFFFEC0];
	[tilespmem:s13+$0xFFFFFFA0] =	vst v30;
	v53 =	vbroadcast v30, $0x4;
	v24 =	vmul.f32 v24, v27;
	v31 =	vpop (erf)  }
0x680: {  	v49 =	vbroadcast v28, $0x5;
	v27 =	vld [tilespmem:s9+$0xFFFFFF60];
	[tilespmem:s13+$0xFFFFFFF0] =	vst v31;
	v56 =	vbroadcast v31, $0x4;
	v29 =	vpop (erf)  }
0x681: {  	v25 =	vbroadcast v30, $0x5;
	v57 =	vld [tilespmem:s9+$0xFFFFFFB0];
	v38 =	vbroadcast v29, $0x4;
	[tilespmem:s13+$0x110] =	vst v24;
	v32 =	vpop (erf)  }
.Ltmp8:
0x682: {  	v24 =	vbroadcast v31, $0x5;
	[tilespmem:s13+$0x40] =	vst v29;
	v50 =	vbroadcast v32, $0x4;
	v36 =	vld [tilespmem:s9+$0x120];
	v33 =	vpop (erf);
	(pc) =	sbr.rel @p1 .LBB2_18-.Ltmp8, $4  }
0x683: {  	v54 =	vmul.f32 v26, v40;
	v40 =	vld [tilespmem:s9+$0x0];
	[tilespmem:s13+$0x90] =	vst v32;
	v51 =	vbroadcast v33, $0x4  }
0x684: {  	v26 =	vbroadcast v29, $0x5;
	v35 =	vmul.f32 v35, v52;
	v52 =	vld [tilespmem:s9+$0x50];
	[tilespmem:s13+$0xE0] =	vst v33  }
0x685: {  	v55 =	vbroadcast v48, $0x7;
	[tilespmem:s13+$0xFFFFFF10] =	vst v54;
	v54 =	vmul.f32 v53, v27;
	v53 =	vld [tilespmem:s9+$0xA0]  }
0x686: {  	v27 =	vbroadcast v32, $0x5;
	s9 =	sadd.s32 $0x280, s9;
	[tilespmem:s13+$0xFFFFFEC0] =	vst v35;
	v48 =	vld [tilespmem:s12+$0xFFFFFF20];
	v56 =	vmul.f32 v56, v57  }
0x687: {  	[tilespmem:s13+$0xFFFFFF60] =	vst v54  }
0x688: {  	[tilespmem:s5+$0xFFFFFEE0] =	vst v46  }
0x689: {  	[tilespmem:s5+$0xFFFFFF30] =	vst v41  }
0x68a: {  	[tilespmem:s5+$0xFFFFFF80] =	vst v44  }
0x68b: {  	[tilespmem:s8+$0xFFFFFEF0] =	vst v37  }
0x68c: {  	v1 =	vmul.f32 v55, v36;
	[tilespmem:s8+$0xFFFFFF40] =	vst v39  }
0x68d: {  	v62 =	vmul.f32 v16, v45;
	[tilespmem:s13+$0xFFFFFFB0] =	vst v56  }
0x68e: {  	v15 =	vmul.f32 v15, v43;
	[tilespmem:s13+$0x120] =	vst v1  }
0x68f: {  	v4 =	vmul.f32 v4, v21;
	[tilespmem:s5+$0x20] =	vst v62  }
0x690: {  	[tilespmem:s5+$0x70] =	vst v15;
	v1 =	vmul.f32 v51, v53  }
0x691: {  	v6 =	vmul.f32 v6, v23;
	[tilespmem:s8+$0xFFFFFFE0] =	vst v4  }
0x692: {  	[tilespmem:s13+$0xA0] =	vst v1;
	v1 =	vmul.f32 v14, v42  }
0x693: {  	v35 =	vmul.f32 v38, v40;
	[tilespmem:s8+$0x30] =	vst v6  }
0x694: {  	[tilespmem:s5+$0xFFFFFFD0] =	vst v1;
	v1 =	vmul.f32 v17, v47  }
0x695: {  	v63 =	vld [tilespmem:s12+$0xFFFFFED0];
	v60 =	vmul.f32 v50, v52;
	[tilespmem:s13+$0x0] =	vst v35  }
0x696: {  	[tilespmem:s5+$0xC0] =	vst v1;
	v1 =	vmul.f32 v3, v18;
	v3 =	vld [tilespmem:s12+$0xFFFFFF70]  }
0x697: {  	v5 =	vmul.f32 v5, v20;
	[tilespmem:s13+$0x50] =	vst v60;
	v18 =	vld [tilespmem:s12+$0xFFFFFFC0]  }
0x698: {  	v2 =	vmul.f32 v2, v22;
	[tilespmem:s8+$0xFFFFFF90] =	vst v1;
	v1 =	vld [tilespmem:s12+$0x10]  }
0x699: {  	[tilespmem:s8+$0x80] =	vst v5;
	v61 =	vmul.f32 v49, v48;
	v21 =	vld [tilespmem:s12+$0x60]  }
0x69a: {  	[tilespmem:s8+$0xD0] =	vst v2;
	v14 =	vmul.f32 v19, v63;
	v23 =	vld [tilespmem:s12+$0xB0]  }
0x69b: {  	v51 =	vld [tilespmem:s0+$0x80];
	[tilespmem:s13+$0xFFFFFF20] =	vst v61;
	v3 =	vmul.f32 v25, v3  }
0x69c: {  	[tilespmem:s13+$0xFFFFFED0] =	vst v14;
	v38 =	vld [tilespmem:s12+$0xFFFFFF30];
	v36 =	vmul.f32 v24, v18  }
0x69d: {  	v37 =	vbroadcast v33, $0x5;
	v47 =	vld [tilespmem:s0+$0xFFFFFEF0];
	[tilespmem:s13+$0xFFFFFF70] =	vst v3;
	v1 =	vmul.f32 v26, v1  }
0x69e: {  	v4 =	vmul.f32 v27, v21;
	[tilespmem:s13+$0xFFFFFFC0] =	vst v36;
	v3 =	vld [tilespmem:s12+$0xFFFFFF80]  }
0x69f: {  	v41 =	vbroadcast v28, $0x6;
	v40 =	vld [tilespmem:s12+$0xFFFFFFD0];
	[tilespmem:s13+$0x10] =	vst v1;
	v1 =	vmul.f32 v37, v23  }
0x6a0: {  	v35 =	vld [tilespmem:s12+$0xFFFFFEE0];
	v6 =	vmul.f32 v11, v51;
	[tilespmem:s13+$0x60] =	vst v4  }
0x6a1: {  	v43 =	vbroadcast v30, $0x6;
	v2 =	vmul.f32 v41, v38;
	v44 =	vld [tilespmem:s12+$0x70];
	[tilespmem:s13+$0xB0] =	vst v1  }
0x6a2: {  	[tilespmem:s5+$0x80] =	vst v6;
	v7 =	vmul.f32 v7, v47;
	v1 =	vbroadcast v31, $0x6;
	v45 =	vld [tilespmem:s12+$0xC0]  }
0x6a3: {  	v39 =	vbroadcast v34, $0x6;
	[tilespmem:s13+$0xFFFFFF30] =	vst v2;
	v42 =	vld [tilespmem:s12+$0x20];
	v3 =	vmul.f32 v43, v3  }
0x6a4: {  	v50 =	vld [tilespmem:s0+$0xFFFFFF90];
	v48 =	vbroadcast v32, $0x6;
	[tilespmem:s5+$0xFFFFFEF0] =	vst v7;
	v1 =	vmul.f32 v1, v40  }
0x6a5: {  	v5 =	vmul.f32 v39, v35;
	v2 =	vbroadcast v33, $0x6;
	[tilespmem:s13+$0xFFFFFF80] =	vst v3;
	v3 =	vld [tilespmem:s0+$0xFFFFFFE0]  }
0x6a6: {  	v46 =	vbroadcast v29, $0x6;
	v4 =	vmul.f32 v48, v44;
	[tilespmem:s13+$0xFFFFFFD0] =	vst v1;
	v1 =	vld [tilespmem:s0+$0x30]  }
0x6a7: {  	v49 =	vld [tilespmem:s0+$0xFFFFFF40];
	[tilespmem:s13+$0xFFFFFEE0] =	vst v5;
	v2 =	vmul.f32 v2, v45  }
0x6a8: {  	v52 =	vld [tilespmem:s0+$0xD0];
	[tilespmem:s13+$0x70] =	vst v4;
	v15 =	vmul.f32 v46, v42  }
0x6a9: {  	v54 =	vld [tilespmem:s12+$0xFFFFFF40];
	[tilespmem:s13+$0xC0] =	vst v2;
	v2 =	vmul.f32 v9, v50  }
0x6aa: {  	v53 =	vld [tilespmem:s12+$0xFFFFFEF0];
	[tilespmem:s13+$0x20] =	vst v15;
	v3 =	vmul.f32 v10, v3  }
0x6ab: {  	v1 =	vmul.f32 v13, v1;
	[tilespmem:s5+$0xFFFFFF90] =	vst v2;
	v2 =	vld [tilespmem:s12+$0xFFFFFF90]  }
0x6ac: {  	v56 =	vbroadcast v28, $0x7;
	v5 =	vmul.f32 v8, v49;
	[tilespmem:s5+$0xFFFFFFE0] =	vst v3;
	v3 =	vld [tilespmem:s12+$0xFFFFFFE0]  }
0x6ad: {  	v55 =	vbroadcast v34, $0x7;
	v4 =	vmul.f32 v12, v52;
	[tilespmem:s5+$0x30] =	vst v1;
	v1 =	vld [tilespmem:s12+$0x30]  }
0x6ae: {  	v57 =	vbroadcast v30, $0x7;
	[tilespmem:s5+$0xFFFFFF40] =	vst v5;
	v5 =	vmul.f32 v56, v54;
	v58 =	vld [tilespmem:s12+$0x80]  }
0x6af: {  	v59 =	vbroadcast v31, $0x7;
	v7 =	vmul.f32 v55, v53;
	[tilespmem:s5+$0xD0] =	vst v4;
	v60 =	vld [tilespmem:s12+$0xD0]  }
0x6b0: {  	v61 =	vbroadcast v29, $0x7;
	[tilespmem:s13+$0xFFFFFF40] =	vst v5;
	v2 =	vmul.f32 v57, v2  }
0x6b1: {  	v62 =	vbroadcast v32, $0x7;
	[tilespmem:s13+$0xFFFFFEF0] =	vst v7;
	v3 =	vmul.f32 v59, v3  }
0x6b2: {  	v63 =	vbroadcast v33, $0x7;
	v1 =	vmul.f32 v61, v1;
	[tilespmem:s13+$0xFFFFFF90] =	vst v2  }
0x6b3: {  	v2 =	vmul.f32 v62, v58;
	[tilespmem:s13+$0xFFFFFFE0] =	vst v3  }
0x6b4: {  	v3 =	vmul.f32 v63, v60;
	[tilespmem:s13+$0x30] =	vst v1  }
0x6b5: {  	[tilespmem:s13+$0x80] =	vst v2  }
0x6b6: {  	s12 =	simm.s32 $0x4DD0;
	[tilespmem:s13+$0xD0] =	vst v3;
	s13 =	simm.s32 $0x4  }
0x6b7: {  	[spmem:s4] =	stream.indirect.scatter.add.f32 [tilespmem:s3], [sflag:$0x3], $0x50, s12, s25, $0xb8;
	[tilespmem:$0x1E7A0] =	vst v63  }
0x6b8: {  	_ =	swait.ge [sflag:s13], $0x1900  }
0x6b9: {  	[sflag:s13] =	ssyncset.done $0x0  }
0x6ba: {  	[sflag:s13] =	ssyncadd.s32 $0xFFFFE700  }
0x6bb: {  	_ =	swait.ge [sflag:s7], $0x1900  }
0x6bc: {  	[sflag:s7] =	ssyncset.done $0x0  }
0x6bd: {  	[sflag:s7] =	ssyncadd.s32 $0xFFFFE700  }
0x6be: {  	[bflag:$0x0] =	sbarrier.arrive $0xFFFF  }
0x6bf: {  	s18 =	simm.s32 $0x10;
	s19 =	simm.s32 $0xA;
	s14 =	rddreg [dreg:$0x10]  }
0x6c0: {  	[hbm:s14@s18], [sflag:s15] =	dma.strided [spmem:s17@s19], $0x1860, s31, $0xa   }
0x6c1: {  	_ =	swait.ge [sflag:s20], $0x1860  }
0x6c2: {  	s8 =	simm.s32 @!p0 $0xA;
	s0 =	simm.s32 @!p0 $0x1;
	[sflag:s20] =	ssyncset.done $0x0  }
0x6c3: {  	s5 =	simm.s32 @!p0 $0x10;
	s9 =	rddreg [dreg:$0x11];
	[sflag:s20] =	ssyncadd.s32 $0xFFFFE7A0  }
0x6c4: {  	[hbm:s9@s5], [sflag:s15] =	dma.strided @!p0 [spmem:s16@s8], $0xA0, s0, $0xa   }
0x6c5: {  	s0 =	simm.s32 @!p0 $0x5  }
0x6c6: {  	_ =	swait.ge @!p0 [sflag:s0], $0xA0  }
0x6c7: {  	s11 =	sadd.s32 $0x1, s11;
	s26 =	rddreg [dreg:$0x12]  }
0x6c8: {  	p1 =	sne.s32 s11, s26  }
.Ltmp9:
0x6c9: {  	_ = 	snop;
	(pc) =	sbr.rel @p1 .LBB2_1-.Ltmp9, $3  }
0x6ca: {  	_ =	sdelay $0x1  }
0x6cb: {  	[sflag:s0] =	ssyncset.done @!p0 $0x0;
	s28 =	rddreg [dreg:$0xb]  }
0x6cc: {  	[sflag:s0] =	ssyncadd.s32 @!p0 $0xFFFFFF60;
	s26 =	rddreg [dreg:$0x8]  }
0x6cd: {  	_ =	sfence.sel $0x180000  }
0x6ce: {  	[bflag:$0x0] =	sbarrier.arrive $0xFFFF  }
0x6cf: {  	_ =	strace $0x90000047  }
0x6d0: {  	s0 =	stileid.u32;
	[bflag:$0x2] =	sbarrier.arrive $0xFFFF  }
0x6d1: {  	p0 =	sne.s32 s0, $0x0;
	s0 =	rddreg [dreg:$0x5]  }
0x6d2: {  	s0 =	sadd.s32 @!p0 $0x100000, s0  }
0x6d3: {  	[sflag:s0] =	ssyncadd.tile.s32 @!p0 $0x1;
	_ =	shalt  }
.Lfunc_end2:
_tile_overlayer_lowered:
.L_overlay_start_2:
0x6d4: {  	(tag) =	ssettag $0x2  }
0x6d5: {  	s0 =	rddreg [dreg:$0x0];
	s2 =	stileid.u32  }
0x6d6: {  	s1 =	rddreg [dreg:$0x1];
	p0 =	sne.s32 s2, $0x0  }
0x6d7: {  	s3 =	rddreg [dreg:$0x2];
	[bflag:$0x3] =	sbarrier.arrive $0xFFFF;
	s2 =	simm.s32 @!p0 $0x1C05  }
0x6d8: {  	[timem:s3], [sflag:s2] =	dma.local @!p0 [hbm:s0], s1  }
0x6d9: {  	s0 =	simm.s32 @!p0 $0x5  }
0x6da: {  	_ =	swait.ge @!p0 [sflag:s0], s1  }
0x6db: {  	s1 =	ssub.s32 @!p0 $0x0, s1;
	[sflag:s0] =	ssyncset.done @!p0 $0x0  }
0x6dc: {  	[sflag:s0] =	ssyncadd.s32 @!p0 s1  }
0x6dd: {  	[bflag:$0x3] =	sbarrier.arrive $0xFFFF  }
0x6de: {  	_ =	shalt  }

</sc_bundles>
